<compile_context>
chip_gen: v7x
topology: tpu7x:2x2x1
jax: 0.10.2.dev20260603
libtpu: 0.0.44.dev20260713+nightly
codegen_flags: <defaults>
</compile_context>

<pallas_src>
import jax
import jax.numpy as jnp
from jax import lax
from jax.experimental import pallas as pl
from jax.experimental.pallas import tpu as pltpu
from jax.experimental.pallas import tpu_sc as plsc

_INFO = plsc.get_sparse_core_info()
_NC, _NS = _INFO.num_cores, _INFO.num_subcores
_NW = _NC * _NS

_B = 4
_CW = 2048
_E = 1024
_ROWS = _B * _CW
_TPW = _CW // _NW
_C = 16
_NB = 4
_NCHUNK = (_TPW // _C) * _B
_PC = 32
_LANE = 16
_COLS = _E // _LANE


def _emb_body(x_hbm, wte_hbm, wpe_hbm, out_hbm,
              pos_v, toks, idx_v, gsems, ssems, psem, sidx):
    wid = lax.axis_index("s") * _NC + lax.axis_index("c")
    t0 = wid * _TPW

    def out_off(i):
        return (i & 3) * _CW + t0 + (i >> 2) * _C

    def idx_off(i):
        return (i & 3) * _TPW + (i >> 2) * _C

    descs = [
        pltpu.async_copy(
            x_hbm.at[pl.ds(b * _CW + t0, _TPW)],
            idx_v.at[pl.ds(b * _TPW, _TPW)],
            sidx,
        )
        for b in range(_B)
    ]
    for d in descs:
        d.wait()

    def start_gather(i, s):
        pltpu.async_copy(
            wte_hbm.at[idx_v.at[pl.ds(idx_off(i), _C)]], toks[s], gsems[s])

    _AH = 2

    start_gather(0, 0)
    start_gather(1, 1)
    pltpu.sync_copy(wpe_hbm.at[pl.ds(t0, _PC)], pos_v)

    def group(g, carry):
        for s in range(_NB):
            i = _NB * g + s
            nxt = (s + _AH) % _NB
            @pl.when(i >= _AH)
            def _():
                for q in range(4):
                    pltpu.make_async_copy(
                        toks[nxt].at[pl.ds(q * (_C // 4), _C // 4)],
                        out_hbm.at[pl.ds(
                            out_off(i - _AH) + q * (_C // 4), _C // 4)],
                        ssems[nxt],
                    ).wait()

            @pl.when(i <= _NCHUNK - 1 - _AH)
            def _():
                start_gather(i + _AH, nxt)

            pltpu.make_async_copy(
                wte_hbm.at[idx_v.at[pl.ds(idx_off(i), _C)]], toks[s],
                gsems[s]).wait()

            @pl.when(i == _NCHUNK // 2 - 2)
            def _():
                pltpu.async_copy(
                    wpe_hbm.at[pl.ds(t0 + _PC, _C)],
                    pos_v.at[pl.ds(0, _C)], psem)

            @pl.when(i == _NCHUNK // 2)
            def _():
                pltpu.make_async_copy(
                    wpe_hbm.at[pl.ds(t0 + _PC, _C)],
                    pos_v.at[pl.ds(0, _C)], psem).wait()
                pltpu.async_copy(
                    wpe_hbm.at[pl.ds(t0 + _PC + _C, _C)],
                    pos_v.at[pl.ds(_C, _C)], psem)

            @pl.when(i == _NCHUNK * 3 // 4)
            def _():
                pltpu.make_async_copy(
                    wpe_hbm.at[pl.ds(t0 + _PC + _C, _C)],
                    pos_v.at[pl.ds(_C, _C)], psem).wait()

            tok = toks[s]
            pbase = (lax.shift_right_logical(i, 2) & (_PC // _C - 1)) * _C

            for q in range(4):
                @plsc.parallel_loop(0, (_C // 4) * _COLS, unroll=16)
                def add_k(k, tok=tok, pbase=pbase, q=q):
                    r = lax.shift_right_logical(k, 6) + q * (_C // 4)
                    j = (k & (_COLS - 1)) * _LANE
                    plsc.addupdate(tok.at[r, pl.ds(j, _LANE)],
                                   pos_v[pbase + r, pl.ds(j, _LANE)])

                pltpu.async_copy(
                    tok.at[pl.ds(q * (_C // 4), _C // 4)],
                    out_hbm.at[pl.ds(out_off(i) + q * (_C // 4), _C // 4)],
                    ssems[s])
        return carry

    lax.fori_loop(0, _NCHUNK // _NB, group, 0)
    for i in range(_NCHUNK - _AH, _NCHUNK):
        for q in range(4):
            pltpu.make_async_copy(
                toks[i % _NB].at[pl.ds(q * (_C // 4), _C // 4)],
                out_hbm.at[pl.ds(out_off(i) + q * (_C // 4), _C // 4)],
                ssems[i % _NB],
            ).wait()


def _emb_wrapped(x_hbm, wte_hbm, wpe_hbm, out_hbm, pos_v,
                 t0, t1, t2, t3, idx_v,
                 g0, g1, g2, g3,
                 s0, s1, s2, s3, psem, sidx):
    _emb_body(x_hbm, wte_hbm, wpe_hbm, out_hbm, pos_v,
              (t0, t1, t2, t3), idx_v,
              (g0, g1, g2, g3),
              (s0, s1, s2, s3), psem, sidx)


@jax.jit
def _emb(x_flat, wte, wpe):
    mesh = plsc.VectorSubcoreMesh(core_axis_name="c", subcore_axis_name="s")
    return pl.kernel(
        _emb_wrapped,
        out_type=jax.ShapeDtypeStruct((_ROWS, _E), jnp.float32),
        mesh=mesh,
        scratch_types=(
            [pltpu.VMEM((_PC, _E), jnp.float32)]
            + [pltpu.VMEM((_C, _E), jnp.float32) for _ in range(_NB)]
            + [pltpu.VMEM((_B * _TPW,), jnp.int32)]
            + [pltpu.SemaphoreType.DMA for _ in range(2 * _NB + 2)]
        ),
    )(x_flat, wte, wpe)


def kernel(x, wte, wpe, pos):
    del pos
    out = _emb(x.reshape(_ROWS).astype(jnp.int32), wte, wpe)
    return out.reshape(_B, _CW, _E)

# --- scband reference (transcript-rebuilt; emitter-appended) ---
"""Pipeline reference for scband-pre-block-86045374808444 (READ-ONLY COPY).

The authoritative reference and input builder live on the scoring server;
editing this copy changes nothing except your own understanding.
"""

import jax, jax.numpy as jnp
import numpy as np

VOCAB_SIZE = 100000
EMB_SIZE = 1024
CONTEXT_WINDOW = 2048
BATCH = 4


def setup_inputs(seed: int = 0) -> dict:
    key = jax.random.key(seed)
    k1, k2, k3 = jax.random.split(key, 3)
    x = jax.random.randint(k1, (BATCH, CONTEXT_WINDOW), 0, VOCAB_SIZE, dtype=jnp.int64 if jax.config.jax_enable_x64 else jnp.int32)
    wte = jax.random.normal(k2, (VOCAB_SIZE, EMB_SIZE), dtype=jnp.float32)
    wpe = jax.random.normal(k3, (CONTEXT_WINDOW, EMB_SIZE), dtype=jnp.float32)
    pos = jnp.arange(CONTEXT_WINDOW, dtype=jnp.int32).reshape(1, -1)
    return {"x": x, "wte": wte, "wpe": wpe, "pos": pos}


def reference(x, wte, wpe, pos):
    # tok_emb = self.wte(x)  -> gather rows of token embedding table
    tok_emb = jnp.take(wte, x, axis=0)          # [B, CW, E]
    # pos_emb = self.wpe(self.pos)
    pos_emb = jnp.take(wpe, pos, axis=0)        # [1, CW, E]
    # x = tok_emb + pos_emb (broadcast over batch)
    out = tok_emb + pos_emb
    return out

if __name__ == "__main__":
    import jax
    _d = setup_inputs()
    print(jax.jit(kernel)(*tuple(_d.values())))

</pallas_src>

<mosaic_0001>
#map = affine_map<(d0, d1) -> (0)>
#map1 = affine_map<(d0, d1) -> (0, 0)>
module attributes {stable_mosaic.version = 14 : i64} {
  func.func @_emb_wrapped(%arg0: i32, %arg1: i32, %arg2: memref<8192xi32, #tpu.memory_space<hbm>>, %arg3: memref<100000x1024xf32, #tpu.memory_space<hbm>>, %arg4: memref<2048x1024xf32, #tpu.memory_space<hbm>>, %arg5: memref<8192x1024xf32, #tpu.memory_space<hbm>>, %arg6: memref<32x1024xf32, #tpu.memory_space<vmem>>, %arg7: memref<16x1024xf32, #tpu.memory_space<vmem>>, %arg8: memref<16x1024xf32, #tpu.memory_space<vmem>>, %arg9: memref<16x1024xf32, #tpu.memory_space<vmem>>, %arg10: memref<16x1024xf32, #tpu.memory_space<vmem>>, %arg11: memref<256xi32, #tpu.memory_space<vmem>>, %arg12: memref<!tpu.dma_semaphore, #tpu.memory_space<semaphore_mem>>, %arg13: memref<!tpu.dma_semaphore, #tpu.memory_space<semaphore_mem>>, %arg14: memref<!tpu.dma_semaphore, #tpu.memory_space<semaphore_mem>>, %arg15: memref<!tpu.dma_semaphore, #tpu.memory_space<semaphore_mem>>, %arg16: memref<!tpu.dma_semaphore, #tpu.memory_space<semaphore_mem>>, %arg17: memref<!tpu.dma_semaphore, #tpu.memory_space<semaphore_mem>>, %arg18: memref<!tpu.dma_semaphore, #tpu.memory_space<semaphore_mem>>, %arg19: memref<!tpu.dma_semaphore, #tpu.memory_space<semaphore_mem>>, %arg20: memref<!tpu.dma_semaphore, #tpu.memory_space<semaphore_mem>>, %arg21: memref<!tpu.dma_semaphore, #tpu.memory_space<semaphore_mem>>) attributes {dimension_semantics = [#tpu.dimension_semantics<core_parallel>, #tpu.dimension_semantics<subcore_parallel>], iteration_bounds = array<i64: 2, 16>, scalar_prefetch = 0 : i64, scratch_operands = 16 : i64, tpu.core_type = #tpu.core_type<sc_vector_subcore>, window_params = [{transform_indices = #map}, {transform_indices = #map1}, {transform_indices = #map1}, {transform_indices = #map1}]} {
    %mul3A = arith.constant 2 : i32
    %mul3A_0 = arith.muli %arg1, %mul3A : i32
    %add3A = arith.addi %mul3A_0, %arg0 : i32
    %mul3A_1 = arith.constant 64 : i32
    %mul3A_2 = arith.muli %add3A, %mul3A_1 : i32
    %add3A_3 = arith.constant 0 : i32
    %add3A_4 = arith.addi %add3A_3, %mul3A_2 : i32
    %dma_start3A = arith.constant 0 : i32
    %dma_start3A_5 = tpu.memref_slice %arg11[%dma_start3A] : memref<256xi32, #tpu.memory_space<vmem>> -> memref<64xi32, #tpu.memory_space<vmem>>
    %dma_start3A_6 = tpu.memref_slice %arg2[%add3A_4] : memref<8192xi32, #tpu.memory_space<hbm>> -> memref<64xi32, #tpu.memory_space<hbm>>
    %dma_start3A_7 = arith.constant 0 : i32
    %dma_start3A_8 = tpu.memref_slice %arg11[%dma_start3A_7] : memref<256xi32, #tpu.memory_space<vmem>> -> memref<64xi32, #tpu.memory_space<vmem>>
    %dma_start3A_9 = tpu.memref_slice %arg2[%add3A_4] : memref<8192xi32, #tpu.memory_space<hbm>> -> memref<64xi32, #tpu.memory_space<hbm>>
    tpu.enqueue_dma source(%dma_start3A_9 : memref<64xi32, #tpu.memory_space<hbm>>) target(%dma_start3A_8 : memref<64xi32, #tpu.memory_space<vmem>>) target_semaphore(%arg21 : memref<!tpu.dma_semaphore, #tpu.memory_space<semaphore_mem>>)
    %add3A_10 = arith.constant 2048 : i32
    %add3A_11 = arith.addi %add3A_10, %mul3A_2 : i32
    %dma_start3A_12 = arith.constant 64 : i32
    %dma_start3A_13 = tpu.memref_slice %arg11[%dma_start3A_12] : memref<256xi32, #tpu.memory_space<vmem>> -> memref<64xi32, #tpu.memory_space<vmem>>
    %dma_start3A_14 = tpu.memref_slice %arg2[%add3A_11] : memref<8192xi32, #tpu.memory_space<hbm>> -> memref<64xi32, #tpu.memory_space<hbm>>
    %dma_start3A_15 = arith.constant 64 : i32
    %dma_start3A_16 = tpu.memref_slice %arg11[%dma_start3A_15] : memref<256xi32, #tpu.memory_space<vmem>> -> memref<64xi32, #tpu.memory_space<vmem>>
    %dma_start3A_17 = tpu.memref_slice %arg2[%add3A_11] : memref<8192xi32, #tpu.memory_space<hbm>> -> memref<64xi32, #tpu.memory_space<hbm>>
    tpu.enqueue_dma source(%dma_start3A_17 : memref<64xi32, #tpu.memory_space<hbm>>) target(%dma_start3A_16 : memref<64xi32, #tpu.memory_space<vmem>>) target_semaphore(%arg21 : memref<!tpu.dma_semaphore, #tpu.memory_space<semaphore_mem>>)
    %add3A_18 = arith.constant 4096 : i32
    %add3A_19 = arith.addi %add3A_18, %mul3A_2 : i32
    %dma_start3A_20 = arith.constant 128 : i32
    %dma_start3A_21 = tpu.memref_slice %arg11[%dma_start3A_20] : memref<256xi32, #tpu.memory_space<vmem>> -> memref<64xi32, #tpu.memory_space<vmem>>
    %dma_start3A_22 = tpu.memref_slice %arg2[%add3A_19] : memref<8192xi32, #tpu.memory_space<hbm>> -> memref<64xi32, #tpu.memory_space<hbm>>
    %dma_start3A_23 = arith.constant 128 : i32
    %dma_start3A_24 = tpu.memref_slice %arg11[%dma_start3A_23] : memref<256xi32, #tpu.memory_space<vmem>> -> memref<64xi32, #tpu.memory_space<vmem>>
    %dma_start3A_25 = tpu.memref_slice %arg2[%add3A_19] : memref<8192xi32, #tpu.memory_space<hbm>> -> memref<64xi32, #tpu.memory_space<hbm>>
    tpu.enqueue_dma source(%dma_start3A_25 : memref<64xi32, #tpu.memory_space<hbm>>) target(%dma_start3A_24 : memref<64xi32, #tpu.memory_space<vmem>>) target_semaphore(%arg21 : memref<!tpu.dma_semaphore, #tpu.memory_space<semaphore_mem>>)
    %add3A_26 = arith.constant 6144 : i32
    %add3A_27 = arith.addi %add3A_26, %mul3A_2 : i32
    %dma_start3A_28 = arith.constant 192 : i32
    %dma_start3A_29 = tpu.memref_slice %arg11[%dma_start3A_28] : memref<256xi32, #tpu.memory_space<vmem>> -> memref<64xi32, #tpu.memory_space<vmem>>
    %dma_start3A_30 = tpu.memref_slice %arg2[%add3A_27] : memref<8192xi32, #tpu.memory_space<hbm>> -> memref<64xi32, #tpu.memory_space<hbm>>
    %dma_start3A_31 = arith.constant 192 : i32
    %dma_start3A_32 = tpu.memref_slice %arg11[%dma_start3A_31] : memref<256xi32, #tpu.memory_space<vmem>> -> memref<64xi32, #tpu.memory_space<vmem>>
    %dma_start3A_33 = tpu.memref_slice %arg2[%add3A_27] : memref<8192xi32, #tpu.memory_space<hbm>> -> memref<64xi32, #tpu.memory_space<hbm>>
    tpu.enqueue_dma source(%dma_start3A_33 : memref<64xi32, #tpu.memory_space<hbm>>) target(%dma_start3A_32 : memref<64xi32, #tpu.memory_space<vmem>>) target_semaphore(%arg21 : memref<!tpu.dma_semaphore, #tpu.memory_space<semaphore_mem>>)
    %dma_wait3A = arith.constant 0 : i32
    %dma_wait3A_34 = tpu.memref_slice %arg11[%dma_wait3A] : memref<256xi32, #tpu.memory_space<vmem>> -> memref<64xi32, #tpu.memory_space<vmem>>
    %dma_wait3A_35 = tpu.memref_slice %arg2[%add3A_4] : memref<8192xi32, #tpu.memory_space<hbm>> -> memref<64xi32, #tpu.memory_space<hbm>>
    %dma_wait3A_36 = arith.constant 0 : i32
    %dma_wait3A_37 = tpu.memref_slice %arg11[%dma_wait3A_36] : memref<256xi32, #tpu.memory_space<vmem>> -> memref<64xi32, #tpu.memory_space<vmem>>
    %dma_wait3A_38 = tpu.memref_slice %arg2[%add3A_4] : memref<8192xi32, #tpu.memory_space<hbm>> -> memref<64xi32, #tpu.memory_space<hbm>>
    tpu.wait_dma2 semaphore(%arg21 : memref<!tpu.dma_semaphore, #tpu.memory_space<semaphore_mem>>) src(%dma_wait3A_38 : memref<64xi32, #tpu.memory_space<hbm>>) dst(%dma_wait3A_37 : memref<64xi32, #tpu.memory_space<vmem>>)
    %dma_wait3A_39 = arith.constant 64 : i32
    %dma_wait3A_40 = tpu.memref_slice %arg11[%dma_wait3A_39] : memref<256xi32, #tpu.memory_space<vmem>> -> memref<64xi32, #tpu.memory_space<vmem>>
    %dma_wait3A_41 = tpu.memref_slice %arg2[%add3A_11] : memref<8192xi32, #tpu.memory_space<hbm>> -> memref<64xi32, #tpu.memory_space<hbm>>
    %dma_wait3A_42 = arith.constant 64 : i32
    %dma_wait3A_43 = tpu.memref_slice %arg11[%dma_wait3A_42] : memref<256xi32, #tpu.memory_space<vmem>> -> memref<64xi32, #tpu.memory_space<vmem>>
    %dma_wait3A_44 = tpu.memref_slice %arg2[%add3A_11] : memref<8192xi32, #tpu.memory_space<hbm>> -> memref<64xi32, #tpu.memory_space<hbm>>
    tpu.wait_dma2 semaphore(%arg21 : memref<!tpu.dma_semaphore, #tpu.memory_space<semaphore_mem>>) src(%dma_wait3A_44 : memref<64xi32, #tpu.memory_space<hbm>>) dst(%dma_wait3A_43 : memref<64xi32, #tpu.memory_space<vmem>>)
    %dma_wait3A_45 = arith.constant 128 : i32
    %dma_wait3A_46 = tpu.memref_slice %arg11[%dma_wait3A_45] : memref<256xi32, #tpu.memory_space<vmem>> -> memref<64xi32, #tpu.memory_space<vmem>>
    %dma_wait3A_47 = tpu.memref_slice %arg2[%add3A_19] : memref<8192xi32, #tpu.memory_space<hbm>> -> memref<64xi32, #tpu.memory_space<hbm>>
    %dma_wait3A_48 = arith.constant 128 : i32
    %dma_wait3A_49 = tpu.memref_slice %arg11[%dma_wait3A_48] : memref<256xi32, #tpu.memory_space<vmem>> -> memref<64xi32, #tpu.memory_space<vmem>>
    %dma_wait3A_50 = tpu.memref_slice %arg2[%add3A_19] : memref<8192xi32, #tpu.memory_space<hbm>> -> memref<64xi32, #tpu.memory_space<hbm>>
    tpu.wait_dma2 semaphore(%arg21 : memref<!tpu.dma_semaphore, #tpu.memory_space<semaphore_mem>>) src(%dma_wait3A_50 : memref<64xi32, #tpu.memory_space<hbm>>) dst(%dma_wait3A_49 : memref<64xi32, #tpu.memory_space<vmem>>)
    %dma_wait3A_51 = arith.constant 192 : i32
    %dma_wait3A_52 = tpu.memref_slice %arg11[%dma_wait3A_51] : memref<256xi32, #tpu.memory_space<vmem>> -> memref<64xi32, #tpu.memory_space<vmem>>
    %dma_wait3A_53 = tpu.memref_slice %arg2[%add3A_27] : memref<8192xi32, #tpu.memory_space<hbm>> -> memref<64xi32, #tpu.memory_space<hbm>>
    %dma_wait3A_54 = arith.constant 192 : i32
    %dma_wait3A_55 = tpu.memref_slice %arg11[%dma_wait3A_54] : memref<256xi32, #tpu.memory_space<vmem>> -> memref<64xi32, #tpu.memory_space<vmem>>
    %dma_wait3A_56 = tpu.memref_slice %arg2[%add3A_27] : memref<8192xi32, #tpu.memory_space<hbm>> -> memref<64xi32, #tpu.memory_space<hbm>>
    tpu.wait_dma2 semaphore(%arg21 : memref<!tpu.dma_semaphore, #tpu.memory_space<semaphore_mem>>) src(%dma_wait3A_56 : memref<64xi32, #tpu.memory_space<hbm>>) dst(%dma_wait3A_55 : memref<64xi32, #tpu.memory_space<vmem>>)
    %dma_start3A_57 = arith.constant 0 : i32
    %dma_start3A_58 = tpu.memref_slice %arg11[%dma_start3A_57] : memref<256xi32, #tpu.memory_space<vmem>> -> memref<16xi32, #tpu.memory_space<vmem>>
    %dma_start3A_59 = arith.constant 0 : i32
    %dma_start3A_60 = arith.constant 0 : i32
    %dma_start3A_61 = tpu.memref_slice %arg3[%dma_start3A_59, %dma_start3A_60] : memref<100000x1024xf32, #tpu.memory_space<hbm>> -> memref<100000x1024xf32, #tpu.memory_space<hbm>>
    tpu.enqueue_indirect_dma source(%dma_start3A_61 : memref<100000x1024xf32, #tpu.memory_space<hbm>>) target(%arg7 : memref<16x1024xf32, #tpu.memory_space<vmem>>) offsets(%dma_start3A_58 : memref<16xi32, #tpu.memory_space<vmem>>) semaphore(%arg12 : memref<!tpu.dma_semaphore, #tpu.memory_space<semaphore_mem>>)
    %dma_start3A_62 = arith.constant 64 : i32
    %dma_start3A_63 = tpu.memref_slice %arg11[%dma_start3A_62] : memref<256xi32, #tpu.memory_space<vmem>> -> memref<16xi32, #tpu.memory_space<vmem>>
    %dma_start3A_64 = arith.constant 0 : i32
    %dma_start3A_65 = arith.constant 0 : i32
    %dma_start3A_66 = tpu.memref_slice %arg3[%dma_start3A_64, %dma_start3A_65] : memref<100000x1024xf32, #tpu.memory_space<hbm>> -> memref<100000x1024xf32, #tpu.memory_space<hbm>>
    tpu.enqueue_indirect_dma source(%dma_start3A_66 : memref<100000x1024xf32, #tpu.memory_space<hbm>>) target(%arg8 : memref<16x1024xf32, #tpu.memory_space<vmem>>) offsets(%dma_start3A_63 : memref<16xi32, #tpu.memory_space<vmem>>) semaphore(%arg13 : memref<!tpu.dma_semaphore, #tpu.memory_space<semaphore_mem>>)
    "tpu.region"() ({
      %run_scoped3A = tpu.sem_alloc : memref<!tpu.dma_semaphore, #tpu.memory_space<semaphore_mem>>
      %dma_start3A_200 = arith.constant 0 : i32
      %dma_start3A_201 = tpu.memref_slice %arg4[%mul3A_2, %dma_start3A_200] : memref<2048x1024xf32, #tpu.memory_space<hbm>> -> memref<32x1024xf32, #tpu.memory_space<hbm>>
      %dma_start3A_202 = arith.constant 0 : i32
      %dma_start3A_203 = tpu.memref_slice %arg4[%mul3A_2, %dma_start3A_202] : memref<2048x1024xf32, #tpu.memory_space<hbm>> -> memref<32x1024xf32, #tpu.memory_space<hbm>>
      tpu.enqueue_dma source(%dma_start3A_203 : memref<32x1024xf32, #tpu.memory_space<hbm>>) target(%arg6 : memref<32x1024xf32, #tpu.memory_space<vmem>>) target_semaphore(%run_scoped3A : memref<!tpu.dma_semaphore, #tpu.memory_space<semaphore_mem>>)
      %dma_wait3A_204 = arith.constant 0 : i32
      %dma_wait3A_205 = tpu.memref_slice %arg4[%mul3A_2, %dma_wait3A_204] : memref<2048x1024xf32, #tpu.memory_space<hbm>> -> memref<32x1024xf32, #tpu.memory_space<hbm>>
      %dma_wait3A_206 = arith.constant 0 : i32
      %dma_wait3A_207 = tpu.memref_slice %arg4[%mul3A_2, %dma_wait3A_206] : memref<2048x1024xf32, #tpu.memory_space<hbm>> -> memref<32x1024xf32, #tpu.memory_space<hbm>>
      tpu.wait_dma2 semaphore(%run_scoped3A : memref<!tpu.dma_semaphore, #tpu.memory_space<semaphore_mem>>) src(%dma_wait3A_207 : memref<32x1024xf32, #tpu.memory_space<hbm>>) dst(%arg6 : memref<32x1024xf32, #tpu.memory_space<vmem>>)
      tpu.yield
    }) : () -> ()
    %scan3A = arith.constant 0 : i32
    %scan3A_67 = arith.constant 0 : i32
    %scan3A_68 = arith.constant 4 : i32
    %scan3A_69 = arith.addi %scan3A_67, %scan3A_68 : i32
    %scan3A_70 = arith.constant 1 : i32
    scf.for %scan3A_200 = %scan3A_67 to %scan3A_69 step %scan3A_70  : i32 {
      %mul3A_201 = arith.constant 4 : i32
      %mul3A_202 = arith.muli %mul3A_201, %scan3A_200 : i32
      %add3A_203 = arith.constant 0 : i32
      %add3A_204 = arith.addi %mul3A_202, %add3A_203 : i32
      %ge3A = arith.constant 2 : i32
      %ge3A_205 = arith.cmpi sge, %add3A_204, %ge3A : i32
      %convert_element_type3A = arith.extui %ge3A_205 : i1 to i32
      %cond3A = arith.constant 0 : i32
      %cond3A_206 = arith.cmpi ne, %convert_element_type3A, %cond3A : i32
      scf.if %cond3A_206 {
        %sub3A = arith.constant 2 : i32
        %sub3A_784 = arith.subi %add3A_204, %sub3A : i32
        %and3A_785 = arith.constant 3 : i32
        %and3A_786 = arith.andi %sub3A_784, %and3A_785 : i32
        %mul3A_787 = arith.constant 2048 : i32
        %mul3A_788 = arith.muli %and3A_786, %mul3A_787 : i32
        %add3A_789 = arith.addi %mul3A_788, %mul3A_2 : i32
        %shift_right_arithmetic3A_790 = arith.constant 2 : i32
        %shift_right_arithmetic3A_791 = arith.shrsi %sub3A_784, %shift_right_arithmetic3A_790 : i32
        %mul3A_792 = arith.constant 16 : i32
        %mul3A_793 = arith.muli %shift_right_arithmetic3A_791, %mul3A_792 : i32
        %add3A_794 = arith.addi %add3A_789, %mul3A_793 : i32
        %add3A_795 = arith.constant 0 : i32
        %add3A_796 = arith.addi %add3A_794, %add3A_795 : i32
        %dma_wait3A_797 = arith.constant 0 : i32
        %dma_wait3A_798 = arith.constant 0 : i32
        %dma_wait3A_799 = tpu.memref_slice %arg9[%dma_wait3A_797, %dma_wait3A_798] : memref<16x1024xf32, #tpu.memory_space<vmem>> -> memref<4x1024xf32, #tpu.memory_space<vmem>>
        %dma_wait3A_800 = arith.constant 0 : i32
        %dma_wait3A_801 = tpu.memref_slice %arg5[%add3A_796, %dma_wait3A_800] : memref<8192x1024xf32, #tpu.memory_space<hbm>> -> memref<4x1024xf32, #tpu.memory_space<hbm>>
        %dma_wait3A_802 = arith.constant 0 : i32
        %dma_wait3A_803 = tpu.memref_slice %arg5[%add3A_796, %dma_wait3A_802] : memref<8192x1024xf32, #tpu.memory_space<hbm>> -> memref<4x1024xf32, #tpu.memory_space<hbm>>
        %dma_wait3A_804 = arith.constant 0 : i32
        %dma_wait3A_805 = arith.constant 0 : i32
        %dma_wait3A_806 = tpu.memref_slice %arg9[%dma_wait3A_804, %dma_wait3A_805] : memref<16x1024xf32, #tpu.memory_space<vmem>> -> memref<4x1024xf32, #tpu.memory_space<vmem>>
        tpu.wait_dma2 semaphore(%arg18 : memref<!tpu.dma_semaphore, #tpu.memory_space<semaphore_mem>>) src(%dma_wait3A_806 : memref<4x1024xf32, #tpu.memory_space<vmem>>) dst(%dma_wait3A_803 : memref<4x1024xf32, #tpu.memory_space<hbm>>)
        %sub3A_807 = arith.constant 2 : i32
        %sub3A_808 = arith.subi %add3A_204, %sub3A_807 : i32
        %and3A_809 = arith.constant 3 : i32
        %and3A_810 = arith.andi %sub3A_808, %and3A_809 : i32
        %mul3A_811 = arith.constant 2048 : i32
        %mul3A_812 = arith.muli %and3A_810, %mul3A_811 : i32
        %add3A_813 = arith.addi %mul3A_812, %mul3A_2 : i32
        %shift_right_arithmetic3A_814 = arith.constant 2 : i32
        %shift_right_arithmetic3A_815 = arith.shrsi %sub3A_808, %shift_right_arithmetic3A_814 : i32
        %mul3A_816 = arith.constant 16 : i32
        %mul3A_817 = arith.muli %shift_right_arithmetic3A_815, %mul3A_816 : i32
        %add3A_818 = arith.addi %add3A_813, %mul3A_817 : i32
        %add3A_819 = arith.constant 4 : i32
        %add3A_820 = arith.addi %add3A_818, %add3A_819 : i32
        %dma_wait3A_821 = arith.constant 4 : i32
        %dma_wait3A_822 = arith.constant 0 : i32
        %dma_wait3A_823 = tpu.memref_slice %arg9[%dma_wait3A_821, %dma_wait3A_822] : memref<16x1024xf32, #tpu.memory_space<vmem>> -> memref<4x1024xf32, #tpu.memory_space<vmem>>
        %dma_wait3A_824 = arith.constant 0 : i32
        %dma_wait3A_825 = tpu.memref_slice %arg5[%add3A_820, %dma_wait3A_824] : memref<8192x1024xf32, #tpu.memory_space<hbm>> -> memref<4x1024xf32, #tpu.memory_space<hbm>>
        %dma_wait3A_826 = arith.constant 0 : i32
        %dma_wait3A_827 = tpu.memref_slice %arg5[%add3A_820, %dma_wait3A_826] : memref<8192x1024xf32, #tpu.memory_space<hbm>> -> memref<4x1024xf32, #tpu.memory_space<hbm>>
        %dma_wait3A_828 = arith.constant 4 : i32
        %dma_wait3A_829 = arith.constant 0 : i32
        %dma_wait3A_830 = tpu.memref_slice %arg9[%dma_wait3A_828, %dma_wait3A_829] : memref<16x1024xf32, #tpu.memory_space<vmem>> -> memref<4x1024xf32, #tpu.memory_space<vmem>>
        tpu.wait_dma2 semaphore(%arg18 : memref<!tpu.dma_semaphore, #tpu.memory_space<semaphore_mem>>) src(%dma_wait3A_830 : memref<4x1024xf32, #tpu.memory_space<vmem>>) dst(%dma_wait3A_827 : memref<4x1024xf32, #tpu.memory_space<hbm>>)
        %sub3A_831 = arith.constant 2 : i32
        %sub3A_832 = arith.subi %add3A_204, %sub3A_831 : i32
        %and3A_833 = arith.constant 3 : i32
        %and3A_834 = arith.andi %sub3A_832, %and3A_833 : i32
        %mul3A_835 = arith.constant 2048 : i32
        %mul3A_836 = arith.muli %and3A_834, %mul3A_835 : i32
        %add3A_837 = arith.addi %mul3A_836, %mul3A_2 : i32
        %shift_right_arithmetic3A_838 = arith.constant 2 : i32
        %shift_right_arithmetic3A_839 = arith.shrsi %sub3A_832, %shift_right_arithmetic3A_838 : i32
        %mul3A_840 = arith.constant 16 : i32
        %mul3A_841 = arith.muli %shift_right_arithmetic3A_839, %mul3A_840 : i32
        %add3A_842 = arith.addi %add3A_837, %mul3A_841 : i32
        %add3A_843 = arith.constant 8 : i32
        %add3A_844 = arith.addi %add3A_842, %add3A_843 : i32
        %dma_wait3A_845 = arith.constant 8 : i32
        %dma_wait3A_846 = arith.constant 0 : i32
        %dma_wait3A_847 = tpu.memref_slice %arg9[%dma_wait3A_845, %dma_wait3A_846] : memref<16x1024xf32, #tpu.memory_space<vmem>> -> memref<4x1024xf32, #tpu.memory_space<vmem>>
        %dma_wait3A_848 = arith.constant 0 : i32
        %dma_wait3A_849 = tpu.memref_slice %arg5[%add3A_844, %dma_wait3A_848] : memref<8192x1024xf32, #tpu.memory_space<hbm>> -> memref<4x1024xf32, #tpu.memory_space<hbm>>
        %dma_wait3A_850 = arith.constant 0 : i32
        %dma_wait3A_851 = tpu.memref_slice %arg5[%add3A_844, %dma_wait3A_850] : memref<8192x1024xf32, #tpu.memory_space<hbm>> -> memref<4x1024xf32, #tpu.memory_space<hbm>>
        %dma_wait3A_852 = arith.constant 8 : i32
        %dma_wait3A_853 = arith.constant 0 : i32
        %dma_wait3A_854 = tpu.memref_slice %arg9[%dma_wait3A_852, %dma_wait3A_853] : memref<16x1024xf32, #tpu.memory_space<vmem>> -> memref<4x1024xf32, #tpu.memory_space<vmem>>
        tpu.wait_dma2 semaphore(%arg18 : memref<!tpu.dma_semaphore, #tpu.memory_space<semaphore_mem>>) src(%dma_wait3A_854 : memref<4x1024xf32, #tpu.memory_space<vmem>>) dst(%dma_wait3A_851 : memref<4x1024xf32, #tpu.memory_space<hbm>>)
        %sub3A_855 = arith.constant 2 : i32
        %sub3A_856 = arith.subi %add3A_204, %sub3A_855 : i32
        %and3A_857 = arith.constant 3 : i32
        %and3A_858 = arith.andi %sub3A_856, %and3A_857 : i32
        %mul3A_859 = arith.constant 2048 : i32
        %mul3A_860 = arith.muli %and3A_858, %mul3A_859 : i32
        %add3A_861 = arith.addi %mul3A_860, %mul3A_2 : i32
        %shift_right_arithmetic3A_862 = arith.constant 2 : i32
        %shift_right_arithmetic3A_863 = arith.shrsi %sub3A_856, %shift_right_arithmetic3A_862 : i32
        %mul3A_864 = arith.constant 16 : i32
        %mul3A_865 = arith.muli %shift_right_arithmetic3A_863, %mul3A_864 : i32
        %add3A_866 = arith.addi %add3A_861, %mul3A_865 : i32
        %add3A_867 = arith.constant 12 : i32
        %add3A_868 = arith.addi %add3A_866, %add3A_867 : i32
        %dma_wait3A_869 = arith.constant 12 : i32
        %dma_wait3A_870 = arith.constant 0 : i32
        %dma_wait3A_871 = tpu.memref_slice %arg9[%dma_wait3A_869, %dma_wait3A_870] : memref<16x1024xf32, #tpu.memory_space<vmem>> -> memref<4x1024xf32, #tpu.memory_space<vmem>>
        %dma_wait3A_872 = arith.constant 0 : i32
        %dma_wait3A_873 = tpu.memref_slice %arg5[%add3A_868, %dma_wait3A_872] : memref<8192x1024xf32, #tpu.memory_space<hbm>> -> memref<4x1024xf32, #tpu.memory_space<hbm>>
        %dma_wait3A_874 = arith.constant 0 : i32
        %dma_wait3A_875 = tpu.memref_slice %arg5[%add3A_868, %dma_wait3A_874] : memref<8192x1024xf32, #tpu.memory_space<hbm>> -> memref<4x1024xf32, #tpu.memory_space<hbm>>
        %dma_wait3A_876 = arith.constant 12 : i32
        %dma_wait3A_877 = arith.constant 0 : i32
        %dma_wait3A_878 = tpu.memref_slice %arg9[%dma_wait3A_876, %dma_wait3A_877] : memref<16x1024xf32, #tpu.memory_space<vmem>> -> memref<4x1024xf32, #tpu.memory_space<vmem>>
        tpu.wait_dma2 semaphore(%arg18 : memref<!tpu.dma_semaphore, #tpu.memory_space<semaphore_mem>>) src(%dma_wait3A_878 : memref<4x1024xf32, #tpu.memory_space<vmem>>) dst(%dma_wait3A_875 : memref<4x1024xf32, #tpu.memory_space<hbm>>)
      } else {
      }
      %le3A = arith.constant 13 : i32
      %le3A_207 = arith.cmpi sle, %add3A_204, %le3A : i32
      %convert_element_type3A_208 = arith.extui %le3A_207 : i1 to i32
      %cond3A_209 = arith.constant 0 : i32
      %cond3A_210 = arith.cmpi ne, %convert_element_type3A_208, %cond3A_209 : i32
      scf.if %cond3A_210 {
        %add3A_784 = arith.constant 2 : i32
        %add3A_785 = arith.addi %add3A_204, %add3A_784 : i32
        %and3A_786 = arith.constant 3 : i32
        %and3A_787 = arith.andi %add3A_785, %and3A_786 : i32
        %mul3A_788 = arith.constant 64 : i32
        %mul3A_789 = arith.muli %and3A_787, %mul3A_788 : i32
        %shift_right_arithmetic3A_790 = arith.constant 2 : i32
        %shift_right_arithmetic3A_791 = arith.shrsi %add3A_785, %shift_right_arithmetic3A_790 : i32
        %mul3A_792 = arith.constant 16 : i32
        %mul3A_793 = arith.muli %shift_right_arithmetic3A_791, %mul3A_792 : i32
        %add3A_794 = arith.addi %mul3A_789, %mul3A_793 : i32
        %dma_start3A_795 = tpu.memref_slice %arg11[%add3A_794] : memref<256xi32, #tpu.memory_space<vmem>> -> memref<16xi32, #tpu.memory_space<vmem>>
        %dma_start3A_796 = arith.constant 0 : i32
        %dma_start3A_797 = arith.constant 0 : i32
        %dma_start3A_798 = tpu.memref_slice %arg3[%dma_start3A_796, %dma_start3A_797] : memref<100000x1024xf32, #tpu.memory_space<hbm>> -> memref<100000x1024xf32, #tpu.memory_space<hbm>>
        tpu.enqueue_indirect_dma source(%dma_start3A_798 : memref<100000x1024xf32, #tpu.memory_space<hbm>>) target(%arg9 : memref<16x1024xf32, #tpu.memory_space<vmem>>) offsets(%dma_start3A_795 : memref<16xi32, #tpu.memory_space<vmem>>) semaphore(%arg14 : memref<!tpu.dma_semaphore, #tpu.memory_space<semaphore_mem>>)
      } else {
      }
      %and3A = arith.constant 3 : i32
      %and3A_211 = arith.andi %add3A_204, %and3A : i32
      %mul3A_212 = arith.constant 64 : i32
      %mul3A_213 = arith.muli %and3A_211, %mul3A_212 : i32
      %shift_right_arithmetic3A = arith.constant 2 : i32
      %shift_right_arithmetic3A_214 = arith.shrsi %add3A_204, %shift_right_arithmetic3A : i32
      %mul3A_215 = arith.constant 16 : i32
      %mul3A_216 = arith.muli %shift_right_arithmetic3A_214, %mul3A_215 : i32
      %add3A_217 = arith.addi %mul3A_213, %mul3A_216 : i32
      %dma_wait3A_218 = tpu.memref_slice %arg11[%add3A_217] : memref<256xi32, #tpu.memory_space<vmem>> -> memref<16xi32, #tpu.memory_space<vmem>>
      %dma_wait3A_219 = arith.constant 0 : i32
      %dma_wait3A_220 = arith.constant 0 : i32
      %dma_wait3A_221 = tpu.memref_slice %arg3[%dma_wait3A_219, %dma_wait3A_220] : memref<100000x1024xf32, #tpu.memory_space<hbm>> -> memref<100000x1024xf32, #tpu.memory_space<hbm>>
      tpu.wait_indirect_dma semaphore(%arg12 : memref<!tpu.dma_semaphore, #tpu.memory_space<semaphore_mem>>) src(%dma_wait3A_221 : memref<100000x1024xf32, #tpu.memory_space<hbm>>) dst(%arg7 : memref<16x1024xf32, #tpu.memory_space<vmem>>)
      %eq3A = arith.constant 6 : i32
      %eq3A_222 = arith.cmpi eq, %add3A_204, %eq3A : i32
      %convert_element_type3A_223 = arith.extui %eq3A_222 : i1 to i32
      %cond3A_224 = arith.constant 0 : i32
      %cond3A_225 = arith.cmpi ne, %convert_element_type3A_223, %cond3A_224 : i32
      scf.if %cond3A_225 {
        %add3A_784 = arith.constant 32 : i32
        %add3A_785 = arith.addi %mul3A_2, %add3A_784 : i32
        %dma_start3A_786 = arith.constant 0 : i32
        %dma_start3A_787 = arith.constant 0 : i32
        %dma_start3A_788 = tpu.memref_slice %arg6[%dma_start3A_786, %dma_start3A_787] : memref<32x1024xf32, #tpu.memory_space<vmem>> -> memref<16x1024xf32, #tpu.memory_space<vmem>>
        %dma_start3A_789 = arith.constant 0 : i32
        %dma_start3A_790 = tpu.memref_slice %arg4[%add3A_785, %dma_start3A_789] : memref<2048x1024xf32, #tpu.memory_space<hbm>> -> memref<16x1024xf32, #tpu.memory_space<hbm>>
        %dma_start3A_791 = arith.constant 0 : i32
        %dma_start3A_792 = arith.constant 0 : i32
        %dma_start3A_793 = tpu.memref_slice %arg6[%dma_start3A_791, %dma_start3A_792] : memref<32x1024xf32, #tpu.memory_space<vmem>> -> memref<16x1024xf32, #tpu.memory_space<vmem>>
        %dma_start3A_794 = arith.constant 0 : i32
        %dma_start3A_795 = tpu.memref_slice %arg4[%add3A_785, %dma_start3A_794] : memref<2048x1024xf32, #tpu.memory_space<hbm>> -> memref<16x1024xf32, #tpu.memory_space<hbm>>
        tpu.enqueue_dma source(%dma_start3A_795 : memref<16x1024xf32, #tpu.memory_space<hbm>>) target(%dma_start3A_793 : memref<16x1024xf32, #tpu.memory_space<vmem>>) target_semaphore(%arg20 : memref<!tpu.dma_semaphore, #tpu.memory_space<semaphore_mem>>)
      } else {
      }
      %eq3A_226 = arith.constant 8 : i32
      %eq3A_227 = arith.cmpi eq, %add3A_204, %eq3A_226 : i32
      %convert_element_type3A_228 = arith.extui %eq3A_227 : i1 to i32
      %cond3A_229 = arith.constant 0 : i32
      %cond3A_230 = arith.cmpi ne, %convert_element_type3A_228, %cond3A_229 : i32
      scf.if %cond3A_230 {
        %add3A_784 = arith.constant 32 : i32
        %add3A_785 = arith.addi %mul3A_2, %add3A_784 : i32
        %dma_wait3A_786 = arith.constant 0 : i32
        %dma_wait3A_787 = arith.constant 0 : i32
        %dma_wait3A_788 = tpu.memref_slice %arg6[%dma_wait3A_786, %dma_wait3A_787] : memref<32x1024xf32, #tpu.memory_space<vmem>> -> memref<16x1024xf32, #tpu.memory_space<vmem>>
        %dma_wait3A_789 = arith.constant 0 : i32
        %dma_wait3A_790 = tpu.memref_slice %arg4[%add3A_785, %dma_wait3A_789] : memref<2048x1024xf32, #tpu.memory_space<hbm>> -> memref<16x1024xf32, #tpu.memory_space<hbm>>
        %dma_wait3A_791 = arith.constant 0 : i32
        %dma_wait3A_792 = arith.constant 0 : i32
        %dma_wait3A_793 = tpu.memref_slice %arg6[%dma_wait3A_791, %dma_wait3A_792] : memref<32x1024xf32, #tpu.memory_space<vmem>> -> memref<16x1024xf32, #tpu.memory_space<vmem>>
        %dma_wait3A_794 = arith.constant 0 : i32
        %dma_wait3A_795 = tpu.memref_slice %arg4[%add3A_785, %dma_wait3A_794] : memref<2048x1024xf32, #tpu.memory_space<hbm>> -> memref<16x1024xf32, #tpu.memory_space<hbm>>
        tpu.wait_dma2 semaphore(%arg20 : memref<!tpu.dma_semaphore, #tpu.memory_space<semaphore_mem>>) src(%dma_wait3A_795 : memref<16x1024xf32, #tpu.memory_space<hbm>>) dst(%dma_wait3A_793 : memref<16x1024xf32, #tpu.memory_space<vmem>>)
        %add3A_796 = arith.constant 32 : i32
        %add3A_797 = arith.addi %mul3A_2, %add3A_796 : i32
        %add3A_798 = arith.constant 16 : i32
        %add3A_799 = arith.addi %add3A_797, %add3A_798 : i32
        %dma_start3A_800 = arith.constant 16 : i32
        %dma_start3A_801 = arith.constant 0 : i32
        %dma_start3A_802 = tpu.memref_slice %arg6[%dma_start3A_800, %dma_start3A_801] : memref<32x1024xf32, #tpu.memory_space<vmem>> -> memref<16x1024xf32, #tpu.memory_space<vmem>>
        %dma_start3A_803 = arith.constant 0 : i32
        %dma_start3A_804 = tpu.memref_slice %arg4[%add3A_799, %dma_start3A_803] : memref<2048x1024xf32, #tpu.memory_space<hbm>> -> memref<16x1024xf32, #tpu.memory_space<hbm>>
        %dma_start3A_805 = arith.constant 16 : i32
        %dma_start3A_806 = arith.constant 0 : i32
        %dma_start3A_807 = tpu.memref_slice %arg6[%dma_start3A_805, %dma_start3A_806] : memref<32x1024xf32, #tpu.memory_space<vmem>> -> memref<16x1024xf32, #tpu.memory_space<vmem>>
        %dma_start3A_808 = arith.constant 0 : i32
        %dma_start3A_809 = tpu.memref_slice %arg4[%add3A_799, %dma_start3A_808] : memref<2048x1024xf32, #tpu.memory_space<hbm>> -> memref<16x1024xf32, #tpu.memory_space<hbm>>
        tpu.enqueue_dma source(%dma_start3A_809 : memref<16x1024xf32, #tpu.memory_space<hbm>>) target(%dma_start3A_807 : memref<16x1024xf32, #tpu.memory_space<vmem>>) target_semaphore(%arg20 : memref<!tpu.dma_semaphore, #tpu.memory_space<semaphore_mem>>)
      } else {
      }
      %eq3A_231 = arith.constant 12 : i32
      %eq3A_232 = arith.cmpi eq, %add3A_204, %eq3A_231 : i32
      %convert_element_type3A_233 = arith.extui %eq3A_232 : i1 to i32
      %cond3A_234 = arith.constant 0 : i32
      %cond3A_235 = arith.cmpi ne, %convert_element_type3A_233, %cond3A_234 : i32
      scf.if %cond3A_235 {
        %add3A_784 = arith.constant 32 : i32
        %add3A_785 = arith.addi %mul3A_2, %add3A_784 : i32
        %add3A_786 = arith.constant 16 : i32
        %add3A_787 = arith.addi %add3A_785, %add3A_786 : i32
        %dma_wait3A_788 = arith.constant 16 : i32
        %dma_wait3A_789 = arith.constant 0 : i32
        %dma_wait3A_790 = tpu.memref_slice %arg6[%dma_wait3A_788, %dma_wait3A_789] : memref<32x1024xf32, #tpu.memory_space<vmem>> -> memref<16x1024xf32, #tpu.memory_space<vmem>>
        %dma_wait3A_791 = arith.constant 0 : i32
        %dma_wait3A_792 = tpu.memref_slice %arg4[%add3A_787, %dma_wait3A_791] : memref<2048x1024xf32, #tpu.memory_space<hbm>> -> memref<16x1024xf32, #tpu.memory_space<hbm>>
        %dma_wait3A_793 = arith.constant 16 : i32
        %dma_wait3A_794 = arith.constant 0 : i32
        %dma_wait3A_795 = tpu.memref_slice %arg6[%dma_wait3A_793, %dma_wait3A_794] : memref<32x1024xf32, #tpu.memory_space<vmem>> -> memref<16x1024xf32, #tpu.memory_space<vmem>>
        %dma_wait3A_796 = arith.constant 0 : i32
        %dma_wait3A_797 = tpu.memref_slice %arg4[%add3A_787, %dma_wait3A_796] : memref<2048x1024xf32, #tpu.memory_space<hbm>> -> memref<16x1024xf32, #tpu.memory_space<hbm>>
        tpu.wait_dma2 semaphore(%arg20 : memref<!tpu.dma_semaphore, #tpu.memory_space<semaphore_mem>>) src(%dma_wait3A_797 : memref<16x1024xf32, #tpu.memory_space<hbm>>) dst(%dma_wait3A_795 : memref<16x1024xf32, #tpu.memory_space<vmem>>)
      } else {
      }
      %shift_right_logical3A = arith.constant 2 : i32
      %shift_right_logical3A_236 = arith.shrui %add3A_204, %shift_right_logical3A : i32
      %and3A_237 = arith.constant 1 : i32
      %and3A_238 = arith.andi %shift_right_logical3A_236, %and3A_237 : i32
      %mul3A_239 = arith.constant 16 : i32
      %mul3A_240 = arith.muli %and3A_238, %mul3A_239 : i32
      %parallel_loop3A = arith.constant 0 : i32
      %parallel_loop3A_241 = arith.constant 256 : i32
      %parallel_loop3A_242 = arith.constant 1 : i32
      scf.for %parallel_loop3A_784 = %parallel_loop3A to %parallel_loop3A_241 step %parallel_loop3A_242  : i32 {
        %parallel_loop3A_785 = arith.constant 6 : i32
        %parallel_loop3A_786 = arith.shrui %parallel_loop3A_784, %parallel_loop3A_785 : i32
        %parallel_loop3A_787 = arith.constant 0 : i32
        %parallel_loop3A_788 = arith.addi %parallel_loop3A_786, %parallel_loop3A_787 : i32
        %parallel_loop3A_789 = arith.constant 63 : i32
        %parallel_loop3A_790 = arith.andi %parallel_loop3A_784, %parallel_loop3A_789 : i32
        %parallel_loop3A_791 = arith.constant 16 : i32
        %parallel_loop3A_792 = arith.muli %parallel_loop3A_790, %parallel_loop3A_791 : i32
        %parallel_loop3A_793 = arith.addi %mul3A_240, %parallel_loop3A_788 : i32
        %parallel_loop3A_794 = arith.index_cast %parallel_loop3A_793 : i32 to index
        %parallel_loop3A_795 = arith.index_cast %parallel_loop3A_792 : i32 to index
        %parallel_loop3A_796 = tpu.vector_load %arg6[%parallel_loop3A_794, %parallel_loop3A_795] {strides = array<i32>} : memref<32x1024xf32, #tpu.memory_space<vmem>>, vector<1x16xf32>,
        %parallel_loop3A_797 = vector.shape_cast %parallel_loop3A_796 : vector<1x16xf32> to vector<16xf32>
        %parallel_loop3A_798 = arith.index_cast %parallel_loop3A_788 : i32 to index
        %parallel_loop3A_799 = arith.index_cast %parallel_loop3A_792 : i32 to index
        %parallel_loop3A_800 = tpu.vector_load %arg7[%parallel_loop3A_798, %parallel_loop3A_799] {strides = array<i32>} : memref<16x1024xf32, #tpu.memory_space<vmem>>, vector<1x16xf32>,
        %parallel_loop3A_801 = vector.shape_cast %parallel_loop3A_800 : vector<1x16xf32> to vector<16xf32>
        %parallel_loop3A_802 = vector.shape_cast %parallel_loop3A_797 : vector<16xf32> to vector<1x16xf32>
        tpu.vector_store %arg7[%parallel_loop3A_798, %parallel_loop3A_799], %parallel_loop3A_802 {add = true, strides = array<i32>} : memref<16x1024xf32, #tpu.memory_space<vmem>>, vector<1x16xf32>,
      } {sc.loop_unroll_factor = 16 : i64, sc.parallel_access}
      %and3A_243 = arith.constant 3 : i32
      %and3A_244 = arith.andi %add3A_204, %and3A_243 : i32
      %mul3A_245 = arith.constant 2048 : i32
      %mul3A_246 = arith.muli %and3A_244, %mul3A_245 : i32
      %add3A_247 = arith.addi %mul3A_246, %mul3A_2 : i32
      %shift_right_arithmetic3A_248 = arith.constant 2 : i32
      %shift_right_arithmetic3A_249 = arith.shrsi %add3A_204, %shift_right_arithmetic3A_248 : i32
      %mul3A_250 = arith.constant 16 : i32
      %mul3A_251 = arith.muli %shift_right_arithmetic3A_249, %mul3A_250 : i32
      %add3A_252 = arith.addi %add3A_247, %mul3A_251 : i32
      %add3A_253 = arith.constant 0 : i32
      %add3A_254 = arith.addi %add3A_252, %add3A_253 : i32
      %dma_start3A_255 = arith.constant 0 : i32
      %dma_start3A_256 = arith.constant 0 : i32
      %dma_start3A_257 = tpu.memref_slice %arg7[%dma_start3A_255, %dma_start3A_256] : memref<16x1024xf32, #tpu.memory_space<vmem>> -> memref<4x1024xf32, #tpu.memory_space<vmem>>
      %dma_start3A_258 = arith.constant 0 : i32
      %dma_start3A_259 = tpu.memref_slice %arg5[%add3A_254, %dma_start3A_258] : memref<8192x1024xf32, #tpu.memory_space<hbm>> -> memref<4x1024xf32, #tpu.memory_space<hbm>>
      %dma_start3A_260 = arith.constant 0 : i32
      %dma_start3A_261 = tpu.memref_slice %arg5[%add3A_254, %dma_start3A_260] : memref<8192x1024xf32, #tpu.memory_space<hbm>> -> memref<4x1024xf32, #tpu.memory_space<hbm>>
      %dma_start3A_262 = arith.constant 0 : i32
      %dma_start3A_263 = arith.constant 0 : i32
      %dma_start3A_264 = tpu.memref_slice %arg7[%dma_start3A_262, %dma_start3A_263] : memref<16x1024xf32, #tpu.memory_space<vmem>> -> memref<4x1024xf32, #tpu.memory_space<vmem>>
      tpu.enqueue_dma source(%dma_start3A_264 : memref<4x1024xf32, #tpu.memory_space<vmem>>) target(%dma_start3A_261 : memref<4x1024xf32, #tpu.memory_space<hbm>>) target_semaphore(%arg16 : memref<!tpu.dma_semaphore, #tpu.memory_space<semaphore_mem>>)
      %parallel_loop3A_265 = arith.constant 0 : i32
      %parallel_loop3A_266 = arith.constant 256 : i32
      %parallel_loop3A_267 = arith.constant 1 : i32
      scf.for %parallel_loop3A_784 = %parallel_loop3A_265 to %parallel_loop3A_266 step %parallel_loop3A_267  : i32 {
        %parallel_loop3A_785 = arith.constant 6 : i32
        %parallel_loop3A_786 = arith.shrui %parallel_loop3A_784, %parallel_loop3A_785 : i32
        %parallel_loop3A_787 = arith.constant 4 : i32
        %parallel_loop3A_788 = arith.addi %parallel_loop3A_786, %parallel_loop3A_787 : i32
        %parallel_loop3A_789 = arith.constant 63 : i32
        %parallel_loop3A_790 = arith.andi %parallel_loop3A_784, %parallel_loop3A_789 : i32
        %parallel_loop3A_791 = arith.constant 16 : i32
        %parallel_loop3A_792 = arith.muli %parallel_loop3A_790, %parallel_loop3A_791 : i32
        %parallel_loop3A_793 = arith.addi %mul3A_240, %parallel_loop3A_788 : i32
        %parallel_loop3A_794 = arith.index_cast %parallel_loop3A_793 : i32 to index
        %parallel_loop3A_795 = arith.index_cast %parallel_loop3A_792 : i32 to index
        %parallel_loop3A_796 = tpu.vector_load %arg6[%parallel_loop3A_794, %parallel_loop3A_795] {strides = array<i32>} : memref<32x1024xf32, #tpu.memory_space<vmem>>, vector<1x16xf32>,
        %parallel_loop3A_797 = vector.shape_cast %parallel_loop3A_796 : vector<1x16xf32> to vector<16xf32>
        %parallel_loop3A_798 = arith.index_cast %parallel_loop3A_788 : i32 to index
        %parallel_loop3A_799 = arith.index_cast %parallel_loop3A_792 : i32 to index
        %parallel_loop3A_800 = tpu.vector_load %arg7[%parallel_loop3A_798, %parallel_loop3A_799] {strides = array<i32>} : memref<16x1024xf32, #tpu.memory_space<vmem>>, vector<1x16xf32>,
        %parallel_loop3A_801 = vector.shape_cast %parallel_loop3A_800 : vector<1x16xf32> to vector<16xf32>
        %parallel_loop3A_802 = vector.shape_cast %parallel_loop3A_797 : vector<16xf32> to vector<1x16xf32>
        tpu.vector_store %arg7[%parallel_loop3A_798, %parallel_loop3A_799], %parallel_loop3A_802 {add = true, strides = array<i32>} : memref<16x1024xf32, #tpu.memory_space<vmem>>, vector<1x16xf32>,
      } {sc.loop_unroll_factor = 16 : i64, sc.parallel_access}
      %and3A_268 = arith.constant 3 : i32
      %and3A_269 = arith.andi %add3A_204, %and3A_268 : i32
      %mul3A_270 = arith.constant 2048 : i32
      %mul3A_271 = arith.muli %and3A_269, %mul3A_270 : i32
      %add3A_272 = arith.addi %mul3A_271, %mul3A_2 : i32
      %shift_right_arithmetic3A_273 = arith.constant 2 : i32
      %shift_right_arithmetic3A_274 = arith.shrsi %add3A_204, %shift_right_arithmetic3A_273 : i32
      %mul3A_275 = arith.constant 16 : i32
      %mul3A_276 = arith.muli %shift_right_arithmetic3A_274, %mul3A_275 : i32
      %add3A_277 = arith.addi %add3A_272, %mul3A_276 : i32
      %add3A_278 = arith.constant 4 : i32
      %add3A_279 = arith.addi %add3A_277, %add3A_278 : i32
      %dma_start3A_280 = arith.constant 4 : i32
      %dma_start3A_281 = arith.constant 0 : i32
      %dma_start3A_282 = tpu.memref_slice %arg7[%dma_start3A_280, %dma_start3A_281] : memref<16x1024xf32, #tpu.memory_space<vmem>> -> memref<4x1024xf32, #tpu.memory_space<vmem>>
      %dma_start3A_283 = arith.constant 0 : i32
      %dma_start3A_284 = tpu.memref_slice %arg5[%add3A_279, %dma_start3A_283] : memref<8192x1024xf32, #tpu.memory_space<hbm>> -> memref<4x1024xf32, #tpu.memory_space<hbm>>
      %dma_start3A_285 = arith.constant 0 : i32
      %dma_start3A_286 = tpu.memref_slice %arg5[%add3A_279, %dma_start3A_285] : memref<8192x1024xf32, #tpu.memory_space<hbm>> -> memref<4x1024xf32, #tpu.memory_space<hbm>>
      %dma_start3A_287 = arith.constant 4 : i32
      %dma_start3A_288 = arith.constant 0 : i32
      %dma_start3A_289 = tpu.memref_slice %arg7[%dma_start3A_287, %dma_start3A_288] : memref<16x1024xf32, #tpu.memory_space<vmem>> -> memref<4x1024xf32, #tpu.memory_space<vmem>>
      tpu.enqueue_dma source(%dma_start3A_289 : memref<4x1024xf32, #tpu.memory_space<vmem>>) target(%dma_start3A_286 : memref<4x1024xf32, #tpu.memory_space<hbm>>) target_semaphore(%arg16 : memref<!tpu.dma_semaphore, #tpu.memory_space<semaphore_mem>>)
      %parallel_loop3A_290 = arith.constant 0 : i32
      %parallel_loop3A_291 = arith.constant 256 : i32
      %parallel_loop3A_292 = arith.constant 1 : i32
      scf.for %parallel_loop3A_784 = %parallel_loop3A_290 to %parallel_loop3A_291 step %parallel_loop3A_292  : i32 {
        %parallel_loop3A_785 = arith.constant 6 : i32
        %parallel_loop3A_786 = arith.shrui %parallel_loop3A_784, %parallel_loop3A_785 : i32
        %parallel_loop3A_787 = arith.constant 8 : i32
        %parallel_loop3A_788 = arith.addi %parallel_loop3A_786, %parallel_loop3A_787 : i32
        %parallel_loop3A_789 = arith.constant 63 : i32
        %parallel_loop3A_790 = arith.andi %parallel_loop3A_784, %parallel_loop3A_789 : i32
        %parallel_loop3A_791 = arith.constant 16 : i32
        %parallel_loop3A_792 = arith.muli %parallel_loop3A_790, %parallel_loop3A_791 : i32
        %parallel_loop3A_793 = arith.addi %mul3A_240, %parallel_loop3A_788 : i32
        %parallel_loop3A_794 = arith.index_cast %parallel_loop3A_793 : i32 to index
        %parallel_loop3A_795 = arith.index_cast %parallel_loop3A_792 : i32 to index
        %parallel_loop3A_796 = tpu.vector_load %arg6[%parallel_loop3A_794, %parallel_loop3A_795] {strides = array<i32>} : memref<32x1024xf32, #tpu.memory_space<vmem>>, vector<1x16xf32>,
        %parallel_loop3A_797 = vector.shape_cast %parallel_loop3A_796 : vector<1x16xf32> to vector<16xf32>
        %parallel_loop3A_798 = arith.index_cast %parallel_loop3A_788 : i32 to index
        %parallel_loop3A_799 = arith.index_cast %parallel_loop3A_792 : i32 to index
        %parallel_loop3A_800 = tpu.vector_load %arg7[%parallel_loop3A_798, %parallel_loop3A_799] {strides = array<i32>} : memref<16x1024xf32, #tpu.memory_space<vmem>>, vector<1x16xf32>,
        %parallel_loop3A_801 = vector.shape_cast %parallel_loop3A_800 : vector<1x16xf32> to vector<16xf32>
        %parallel_loop3A_802 = vector.shape_cast %parallel_loop3A_797 : vector<16xf32> to vector<1x16xf32>
        tpu.vector_store %arg7[%parallel_loop3A_798, %parallel_loop3A_799], %parallel_loop3A_802 {add = true, strides = array<i32>} : memref<16x1024xf32, #tpu.memory_space<vmem>>, vector<1x16xf32>,
      } {sc.loop_unroll_factor = 16 : i64, sc.parallel_access}
      %and3A_293 = arith.constant 3 : i32
      %and3A_294 = arith.andi %add3A_204, %and3A_293 : i32
      %mul3A_295 = arith.constant 2048 : i32
      %mul3A_296 = arith.muli %and3A_294, %mul3A_295 : i32
      %add3A_297 = arith.addi %mul3A_296, %mul3A_2 : i32
      %shift_right_arithmetic3A_298 = arith.constant 2 : i32
      %shift_right_arithmetic3A_299 = arith.shrsi %add3A_204, %shift_right_arithmetic3A_298 : i32
      %mul3A_300 = arith.constant 16 : i32
      %mul3A_301 = arith.muli %shift_right_arithmetic3A_299, %mul3A_300 : i32
      %add3A_302 = arith.addi %add3A_297, %mul3A_301 : i32
      %add3A_303 = arith.constant 8 : i32
      %add3A_304 = arith.addi %add3A_302, %add3A_303 : i32
      %dma_start3A_305 = arith.constant 8 : i32
      %dma_start3A_306 = arith.constant 0 : i32
      %dma_start3A_307 = tpu.memref_slice %arg7[%dma_start3A_305, %dma_start3A_306] : memref<16x1024xf32, #tpu.memory_space<vmem>> -> memref<4x1024xf32, #tpu.memory_space<vmem>>
      %dma_start3A_308 = arith.constant 0 : i32
      %dma_start3A_309 = tpu.memref_slice %arg5[%add3A_304, %dma_start3A_308] : memref<8192x1024xf32, #tpu.memory_space<hbm>> -> memref<4x1024xf32, #tpu.memory_space<hbm>>
      %dma_start3A_310 = arith.constant 0 : i32
      %dma_start3A_311 = tpu.memref_slice %arg5[%add3A_304, %dma_start3A_310] : memref<8192x1024xf32, #tpu.memory_space<hbm>> -> memref<4x1024xf32, #tpu.memory_space<hbm>>
      %dma_start3A_312 = arith.constant 8 : i32
      %dma_start3A_313 = arith.constant 0 : i32
      %dma_start3A_314 = tpu.memref_slice %arg7[%dma_start3A_312, %dma_start3A_313] : memref<16x1024xf32, #tpu.memory_space<vmem>> -> memref<4x1024xf32, #tpu.memory_space<vmem>>
      tpu.enqueue_dma source(%dma_start3A_314 : memref<4x1024xf32, #tpu.memory_space<vmem>>) target(%dma_start3A_311 : memref<4x1024xf32, #tpu.memory_space<hbm>>) target_semaphore(%arg16 : memref<!tpu.dma_semaphore, #tpu.memory_space<semaphore_mem>>)
      %parallel_loop3A_315 = arith.constant 0 : i32
      %parallel_loop3A_316 = arith.constant 256 : i32
      %parallel_loop3A_317 = arith.constant 1 : i32
      scf.for %parallel_loop3A_784 = %parallel_loop3A_315 to %parallel_loop3A_316 step %parallel_loop3A_317  : i32 {
        %parallel_loop3A_785 = arith.constant 6 : i32
        %parallel_loop3A_786 = arith.shrui %parallel_loop3A_784, %parallel_loop3A_785 : i32
        %parallel_loop3A_787 = arith.constant 12 : i32
        %parallel_loop3A_788 = arith.addi %parallel_loop3A_786, %parallel_loop3A_787 : i32
        %parallel_loop3A_789 = arith.constant 63 : i32
        %parallel_loop3A_790 = arith.andi %parallel_loop3A_784, %parallel_loop3A_789 : i32
        %parallel_loop3A_791 = arith.constant 16 : i32
        %parallel_loop3A_792 = arith.muli %parallel_loop3A_790, %parallel_loop3A_791 : i32
        %parallel_loop3A_793 = arith.addi %mul3A_240, %parallel_loop3A_788 : i32
        %parallel_loop3A_794 = arith.index_cast %parallel_loop3A_793 : i32 to index
        %parallel_loop3A_795 = arith.index_cast %parallel_loop3A_792 : i32 to index
        %parallel_loop3A_796 = tpu.vector_load %arg6[%parallel_loop3A_794, %parallel_loop3A_795] {strides = array<i32>} : memref<32x1024xf32, #tpu.memory_space<vmem>>, vector<1x16xf32>,
        %parallel_loop3A_797 = vector.shape_cast %parallel_loop3A_796 : vector<1x16xf32> to vector<16xf32>
        %parallel_loop3A_798 = arith.index_cast %parallel_loop3A_788 : i32 to index
        %parallel_loop3A_799 = arith.index_cast %parallel_loop3A_792 : i32 to index
        %parallel_loop3A_800 = tpu.vector_load %arg7[%parallel_loop3A_798, %parallel_loop3A_799] {strides = array<i32>} : memref<16x1024xf32, #tpu.memory_space<vmem>>, vector<1x16xf32>,
        %parallel_loop3A_801 = vector.shape_cast %parallel_loop3A_800 : vector<1x16xf32> to vector<16xf32>
        %parallel_loop3A_802 = vector.shape_cast %parallel_loop3A_797 : vector<16xf32> to vector<1x16xf32>
        tpu.vector_store %arg7[%parallel_loop3A_798, %parallel_loop3A_799], %parallel_loop3A_802 {add = true, strides = array<i32>} : memref<16x1024xf32, #tpu.memory_space<vmem>>, vector<1x16xf32>,
      } {sc.loop_unroll_factor = 16 : i64, sc.parallel_access}
      %and3A_318 = arith.constant 3 : i32
      %and3A_319 = arith.andi %add3A_204, %and3A_318 : i32
      %mul3A_320 = arith.constant 2048 : i32
      %mul3A_321 = arith.muli %and3A_319, %mul3A_320 : i32
      %add3A_322 = arith.addi %mul3A_321, %mul3A_2 : i32
      %shift_right_arithmetic3A_323 = arith.constant 2 : i32
      %shift_right_arithmetic3A_324 = arith.shrsi %add3A_204, %shift_right_arithmetic3A_323 : i32
      %mul3A_325 = arith.constant 16 : i32
      %mul3A_326 = arith.muli %shift_right_arithmetic3A_324, %mul3A_325 : i32
      %add3A_327 = arith.addi %add3A_322, %mul3A_326 : i32
      %add3A_328 = arith.constant 12 : i32
      %add3A_329 = arith.addi %add3A_327, %add3A_328 : i32
      %dma_start3A_330 = arith.constant 12 : i32
      %dma_start3A_331 = arith.constant 0 : i32
      %dma_start3A_332 = tpu.memref_slice %arg7[%dma_start3A_330, %dma_start3A_331] : memref<16x1024xf32, #tpu.memory_space<vmem>> -> memref<4x1024xf32, #tpu.memory_space<vmem>>
      %dma_start3A_333 = arith.constant 0 : i32
      %dma_start3A_334 = tpu.memref_slice %arg5[%add3A_329, %dma_start3A_333] : memref<8192x1024xf32, #tpu.memory_space<hbm>> -> memref<4x1024xf32, #tpu.memory_space<hbm>>
      %dma_start3A_335 = arith.constant 0 : i32
      %dma_start3A_336 = tpu.memref_slice %arg5[%add3A_329, %dma_start3A_335] : memref<8192x1024xf32, #tpu.memory_space<hbm>> -> memref<4x1024xf32, #tpu.memory_space<hbm>>
      %dma_start3A_337 = arith.constant 12 : i32
      %dma_start3A_338 = arith.constant 0 : i32
      %dma_start3A_339 = tpu.memref_slice %arg7[%dma_start3A_337, %dma_start3A_338] : memref<16x1024xf32, #tpu.memory_space<vmem>> -> memref<4x1024xf32, #tpu.memory_space<vmem>>
      tpu.enqueue_dma source(%dma_start3A_339 : memref<4x1024xf32, #tpu.memory_space<vmem>>) target(%dma_start3A_336 : memref<4x1024xf32, #tpu.memory_space<hbm>>) target_semaphore(%arg16 : memref<!tpu.dma_semaphore, #tpu.memory_space<semaphore_mem>>)
      %mul3A_340 = arith.constant 4 : i32
      %mul3A_341 = arith.muli %mul3A_340, %scan3A_200 : i32
      %add3A_342 = arith.constant 1 : i32
      %add3A_343 = arith.addi %mul3A_341, %add3A_342 : i32
      %ge3A_344 = arith.constant 2 : i32
      %ge3A_345 = arith.cmpi sge, %add3A_343, %ge3A_344 : i32
      %convert_element_type3A_346 = arith.extui %ge3A_345 : i1 to i32
      %cond3A_347 = arith.constant 0 : i32
      %cond3A_348 = arith.cmpi ne, %convert_element_type3A_346, %cond3A_347 : i32
      scf.if %cond3A_348 {
        %sub3A = arith.constant 2 : i32
        %sub3A_784 = arith.subi %add3A_343, %sub3A : i32
        %and3A_785 = arith.constant 3 : i32
        %and3A_786 = arith.andi %sub3A_784, %and3A_785 : i32
        %mul3A_787 = arith.constant 2048 : i32
        %mul3A_788 = arith.muli %and3A_786, %mul3A_787 : i32
        %add3A_789 = arith.addi %mul3A_788, %mul3A_2 : i32
        %shift_right_arithmetic3A_790 = arith.constant 2 : i32
        %shift_right_arithmetic3A_791 = arith.shrsi %sub3A_784, %shift_right_arithmetic3A_790 : i32
        %mul3A_792 = arith.constant 16 : i32
        %mul3A_793 = arith.muli %shift_right_arithmetic3A_791, %mul3A_792 : i32
        %add3A_794 = arith.addi %add3A_789, %mul3A_793 : i32
        %add3A_795 = arith.constant 0 : i32
        %add3A_796 = arith.addi %add3A_794, %add3A_795 : i32
        %dma_wait3A_797 = arith.constant 0 : i32
        %dma_wait3A_798 = arith.constant 0 : i32
        %dma_wait3A_799 = tpu.memref_slice %arg10[%dma_wait3A_797, %dma_wait3A_798] : memref<16x1024xf32, #tpu.memory_space<vmem>> -> memref<4x1024xf32, #tpu.memory_space<vmem>>
        %dma_wait3A_800 = arith.constant 0 : i32
        %dma_wait3A_801 = tpu.memref_slice %arg5[%add3A_796, %dma_wait3A_800] : memref<8192x1024xf32, #tpu.memory_space<hbm>> -> memref<4x1024xf32, #tpu.memory_space<hbm>>
        %dma_wait3A_802 = arith.constant 0 : i32
        %dma_wait3A_803 = tpu.memref_slice %arg5[%add3A_796, %dma_wait3A_802] : memref<8192x1024xf32, #tpu.memory_space<hbm>> -> memref<4x1024xf32, #tpu.memory_space<hbm>>
        %dma_wait3A_804 = arith.constant 0 : i32
        %dma_wait3A_805 = arith.constant 0 : i32
        %dma_wait3A_806 = tpu.memref_slice %arg10[%dma_wait3A_804, %dma_wait3A_805] : memref<16x1024xf32, #tpu.memory_space<vmem>> -> memref<4x1024xf32, #tpu.memory_space<vmem>>
        tpu.wait_dma2 semaphore(%arg19 : memref<!tpu.dma_semaphore, #tpu.memory_space<semaphore_mem>>) src(%dma_wait3A_806 : memref<4x1024xf32, #tpu.memory_space<vmem>>) dst(%dma_wait3A_803 : memref<4x1024xf32, #tpu.memory_space<hbm>>)
        %sub3A_807 = arith.constant 2 : i32
        %sub3A_808 = arith.subi %add3A_343, %sub3A_807 : i32
        %and3A_809 = arith.constant 3 : i32
        %and3A_810 = arith.andi %sub3A_808, %and3A_809 : i32
        %mul3A_811 = arith.constant 2048 : i32
        %mul3A_812 = arith.muli %and3A_810, %mul3A_811 : i32
        %add3A_813 = arith.addi %mul3A_812, %mul3A_2 : i32
        %shift_right_arithmetic3A_814 = arith.constant 2 : i32
        %shift_right_arithmetic3A_815 = arith.shrsi %sub3A_808, %shift_right_arithmetic3A_814 : i32
        %mul3A_816 = arith.constant 16 : i32
        %mul3A_817 = arith.muli %shift_right_arithmetic3A_815, %mul3A_816 : i32
        %add3A_818 = arith.addi %add3A_813, %mul3A_817 : i32
        %add3A_819 = arith.constant 4 : i32
        %add3A_820 = arith.addi %add3A_818, %add3A_819 : i32
        %dma_wait3A_821 = arith.constant 4 : i32
        %dma_wait3A_822 = arith.constant 0 : i32
        %dma_wait3A_823 = tpu.memref_slice %arg10[%dma_wait3A_821, %dma_wait3A_822] : memref<16x1024xf32, #tpu.memory_space<vmem>> -> memref<4x1024xf32, #tpu.memory_space<vmem>>
        %dma_wait3A_824 = arith.constant 0 : i32
        %dma_wait3A_825 = tpu.memref_slice %arg5[%add3A_820, %dma_wait3A_824] : memref<8192x1024xf32, #tpu.memory_space<hbm>> -> memref<4x1024xf32, #tpu.memory_space<hbm>>
        %dma_wait3A_826 = arith.constant 0 : i32
        %dma_wait3A_827 = tpu.memref_slice %arg5[%add3A_820, %dma_wait3A_826] : memref<8192x1024xf32, #tpu.memory_space<hbm>> -> memref<4x1024xf32, #tpu.memory_space<hbm>>
        %dma_wait3A_828 = arith.constant 4 : i32
        %dma_wait3A_829 = arith.constant 0 : i32
        %dma_wait3A_830 = tpu.memref_slice %arg10[%dma_wait3A_828, %dma_wait3A_829] : memref<16x1024xf32, #tpu.memory_space<vmem>> -> memref<4x1024xf32, #tpu.memory_space<vmem>>
        tpu.wait_dma2 semaphore(%arg19 : memref<!tpu.dma_semaphore, #tpu.memory_space<semaphore_mem>>) src(%dma_wait3A_830 : memref<4x1024xf32, #tpu.memory_space<vmem>>) dst(%dma_wait3A_827 : memref<4x1024xf32, #tpu.memory_space<hbm>>)
        %sub3A_831 = arith.constant 2 : i32
        %sub3A_832 = arith.subi %add3A_343, %sub3A_831 : i32
        %and3A_833 = arith.constant 3 : i32
        %and3A_834 = arith.andi %sub3A_832, %and3A_833 : i32
        %mul3A_835 = arith.constant 2048 : i32
        %mul3A_836 = arith.muli %and3A_834, %mul3A_835 : i32
        %add3A_837 = arith.addi %mul3A_836, %mul3A_2 : i32
        %shift_right_arithmetic3A_838 = arith.constant 2 : i32
        %shift_right_arithmetic3A_839 = arith.shrsi %sub3A_832, %shift_right_arithmetic3A_838 : i32
        %mul3A_840 = arith.constant 16 : i32
        %mul3A_841 = arith.muli %shift_right_arithmetic3A_839, %mul3A_840 : i32
        %add3A_842 = arith.addi %add3A_837, %mul3A_841 : i32
        %add3A_843 = arith.constant 8 : i32
        %add3A_844 = arith.addi %add3A_842, %add3A_843 : i32
        %dma_wait3A_845 = arith.constant 8 : i32
        %dma_wait3A_846 = arith.constant 0 : i32
        %dma_wait3A_847 = tpu.memref_slice %arg10[%dma_wait3A_845, %dma_wait3A_846] : memref<16x1024xf32, #tpu.memory_space<vmem>> -> memref<4x1024xf32, #tpu.memory_space<vmem>>
        %dma_wait3A_848 = arith.constant 0 : i32
        %dma_wait3A_849 = tpu.memref_slice %arg5[%add3A_844, %dma_wait3A_848] : memref<8192x1024xf32, #tpu.memory_space<hbm>> -> memref<4x1024xf32, #tpu.memory_space<hbm>>
        %dma_wait3A_850 = arith.constant 0 : i32
        %dma_wait3A_851 = tpu.memref_slice %arg5[%add3A_844, %dma_wait3A_850] : memref<8192x1024xf32, #tpu.memory_space<hbm>> -> memref<4x1024xf32, #tpu.memory_space<hbm>>
        %dma_wait3A_852 = arith.constant 8 : i32
        %dma_wait3A_853 = arith.constant 0 : i32
        %dma_wait3A_854 = tpu.memref_slice %arg10[%dma_wait3A_852, %dma_wait3A_853] : memref<16x1024xf32, #tpu.memory_space<vmem>> -> memref<4x1024xf32, #tpu.memory_space<vmem>>
        tpu.wait_dma2 semaphore(%arg19 : memref<!tpu.dma_semaphore, #tpu.memory_space<semaphore_mem>>) src(%dma_wait3A_854 : memref<4x1024xf32, #tpu.memory_space<vmem>>) dst(%dma_wait3A_851 : memref<4x1024xf32, #tpu.memory_space<hbm>>)
        %sub3A_855 = arith.constant 2 : i32
        %sub3A_856 = arith.subi %add3A_343, %sub3A_855 : i32
        %and3A_857 = arith.constant 3 : i32
        %and3A_858 = arith.andi %sub3A_856, %and3A_857 : i32
        %mul3A_859 = arith.constant 2048 : i32
        %mul3A_860 = arith.muli %and3A_858, %mul3A_859 : i32
        %add3A_861 = arith.addi %mul3A_860, %mul3A_2 : i32
        %shift_right_arithmetic3A_862 = arith.constant 2 : i32
        %shift_right_arithmetic3A_863 = arith.shrsi %sub3A_856, %shift_right_arithmetic3A_862 : i32
        %mul3A_864 = arith.constant 16 : i32
        %mul3A_865 = arith.muli %shift_right_arithmetic3A_863, %mul3A_864 : i32
        %add3A_866 = arith.addi %add3A_861, %mul3A_865 : i32
        %add3A_867 = arith.constant 12 : i32
        %add3A_868 = arith.addi %add3A_866, %add3A_867 : i32
        %dma_wait3A_869 = arith.constant 12 : i32
        %dma_wait3A_870 = arith.constant 0 : i32
        %dma_wait3A_871 = tpu.memref_slice %arg10[%dma_wait3A_869, %dma_wait3A_870] : memref<16x1024xf32, #tpu.memory_space<vmem>> -> memref<4x1024xf32, #tpu.memory_space<vmem>>
        %dma_wait3A_872 = arith.constant 0 : i32
        %dma_wait3A_873 = tpu.memref_slice %arg5[%add3A_868, %dma_wait3A_872] : memref<8192x1024xf32, #tpu.memory_space<hbm>> -> memref<4x1024xf32, #tpu.memory_space<hbm>>
        %dma_wait3A_874 = arith.constant 0 : i32
        %dma_wait3A_875 = tpu.memref_slice %arg5[%add3A_868, %dma_wait3A_874] : memref<8192x1024xf32, #tpu.memory_space<hbm>> -> memref<4x1024xf32, #tpu.memory_space<hbm>>
        %dma_wait3A_876 = arith.constant 12 : i32
        %dma_wait3A_877 = arith.constant 0 : i32
        %dma_wait3A_878 = tpu.memref_slice %arg10[%dma_wait3A_876, %dma_wait3A_877] : memref<16x1024xf32, #tpu.memory_space<vmem>> -> memref<4x1024xf32, #tpu.memory_space<vmem>>
        tpu.wait_dma2 semaphore(%arg19 : memref<!tpu.dma_semaphore, #tpu.memory_space<semaphore_mem>>) src(%dma_wait3A_878 : memref<4x1024xf32, #tpu.memory_space<vmem>>) dst(%dma_wait3A_875 : memref<4x1024xf32, #tpu.memory_space<hbm>>)
      } else {
      }
      %le3A_349 = arith.constant 13 : i32
      %le3A_350 = arith.cmpi sle, %add3A_343, %le3A_349 : i32
      %convert_element_type3A_351 = arith.extui %le3A_350 : i1 to i32
      %cond3A_352 = arith.constant 0 : i32
      %cond3A_353 = arith.cmpi ne, %convert_element_type3A_351, %cond3A_352 : i32
      scf.if %cond3A_353 {
        %add3A_784 = arith.constant 2 : i32
        %add3A_785 = arith.addi %add3A_343, %add3A_784 : i32
        %and3A_786 = arith.constant 3 : i32
        %and3A_787 = arith.andi %add3A_785, %and3A_786 : i32
        %mul3A_788 = arith.constant 64 : i32
        %mul3A_789 = arith.muli %and3A_787, %mul3A_788 : i32
        %shift_right_arithmetic3A_790 = arith.constant 2 : i32
        %shift_right_arithmetic3A_791 = arith.shrsi %add3A_785, %shift_right_arithmetic3A_790 : i32
        %mul3A_792 = arith.constant 16 : i32
        %mul3A_793 = arith.muli %shift_right_arithmetic3A_791, %mul3A_792 : i32
        %add3A_794 = arith.addi %mul3A_789, %mul3A_793 : i32
        %dma_start3A_795 = tpu.memref_slice %arg11[%add3A_794] : memref<256xi32, #tpu.memory_space<vmem>> -> memref<16xi32, #tpu.memory_space<vmem>>
        %dma_start3A_796 = arith.constant 0 : i32
        %dma_start3A_797 = arith.constant 0 : i32
        %dma_start3A_798 = tpu.memref_slice %arg3[%dma_start3A_796, %dma_start3A_797] : memref<100000x1024xf32, #tpu.memory_space<hbm>> -> memref<100000x1024xf32, #tpu.memory_space<hbm>>
        tpu.enqueue_indirect_dma source(%dma_start3A_798 : memref<100000x1024xf32, #tpu.memory_space<hbm>>) target(%arg10 : memref<16x1024xf32, #tpu.memory_space<vmem>>) offsets(%dma_start3A_795 : memref<16xi32, #tpu.memory_space<vmem>>) semaphore(%arg15 : memref<!tpu.dma_semaphore, #tpu.memory_space<semaphore_mem>>)
      } else {
      }
      %and3A_354 = arith.constant 3 : i32
      %and3A_355 = arith.andi %add3A_343, %and3A_354 : i32
      %mul3A_356 = arith.constant 64 : i32
      %mul3A_357 = arith.muli %and3A_355, %mul3A_356 : i32
      %shift_right_arithmetic3A_358 = arith.constant 2 : i32
      %shift_right_arithmetic3A_359 = arith.shrsi %add3A_343, %shift_right_arithmetic3A_358 : i32
      %mul3A_360 = arith.constant 16 : i32
      %mul3A_361 = arith.muli %shift_right_arithmetic3A_359, %mul3A_360 : i32
      %add3A_362 = arith.addi %mul3A_357, %mul3A_361 : i32
      %dma_wait3A_363 = tpu.memref_slice %arg11[%add3A_362] : memref<256xi32, #tpu.memory_space<vmem>> -> memref<16xi32, #tpu.memory_space<vmem>>
      %dma_wait3A_364 = arith.constant 0 : i32
      %dma_wait3A_365 = arith.constant 0 : i32
      %dma_wait3A_366 = tpu.memref_slice %arg3[%dma_wait3A_364, %dma_wait3A_365] : memref<100000x1024xf32, #tpu.memory_space<hbm>> -> memref<100000x1024xf32, #tpu.memory_space<hbm>>
      tpu.wait_indirect_dma semaphore(%arg13 : memref<!tpu.dma_semaphore, #tpu.memory_space<semaphore_mem>>) src(%dma_wait3A_366 : memref<100000x1024xf32, #tpu.memory_space<hbm>>) dst(%arg8 : memref<16x1024xf32, #tpu.memory_space<vmem>>)
      %eq3A_367 = arith.constant 6 : i32
      %eq3A_368 = arith.cmpi eq, %add3A_343, %eq3A_367 : i32
      %convert_element_type3A_369 = arith.extui %eq3A_368 : i1 to i32
      %cond3A_370 = arith.constant 0 : i32
      %cond3A_371 = arith.cmpi ne, %convert_element_type3A_369, %cond3A_370 : i32
      scf.if %cond3A_371 {
        %add3A_784 = arith.constant 32 : i32
        %add3A_785 = arith.addi %mul3A_2, %add3A_784 : i32
        %dma_start3A_786 = arith.constant 0 : i32
        %dma_start3A_787 = arith.constant 0 : i32
        %dma_start3A_788 = tpu.memref_slice %arg6[%dma_start3A_786, %dma_start3A_787] : memref<32x1024xf32, #tpu.memory_space<vmem>> -> memref<16x1024xf32, #tpu.memory_space<vmem>>
        %dma_start3A_789 = arith.constant 0 : i32
        %dma_start3A_790 = tpu.memref_slice %arg4[%add3A_785, %dma_start3A_789] : memref<2048x1024xf32, #tpu.memory_space<hbm>> -> memref<16x1024xf32, #tpu.memory_space<hbm>>
        %dma_start3A_791 = arith.constant 0 : i32
        %dma_start3A_792 = arith.constant 0 : i32
        %dma_start3A_793 = tpu.memref_slice %arg6[%dma_start3A_791, %dma_start3A_792] : memref<32x1024xf32, #tpu.memory_space<vmem>> -> memref<16x1024xf32, #tpu.memory_space<vmem>>
        %dma_start3A_794 = arith.constant 0 : i32
        %dma_start3A_795 = tpu.memref_slice %arg4[%add3A_785, %dma_start3A_794] : memref<2048x1024xf32, #tpu.memory_space<hbm>> -> memref<16x1024xf32, #tpu.memory_space<hbm>>
        tpu.enqueue_dma source(%dma_start3A_795 : memref<16x1024xf32, #tpu.memory_space<hbm>>) target(%dma_start3A_793 : memref<16x1024xf32, #tpu.memory_space<vmem>>) target_semaphore(%arg20 : memref<!tpu.dma_semaphore, #tpu.memory_space<semaphore_mem>>)
      } else {
      }
      %eq3A_372 = arith.constant 8 : i32
      %eq3A_373 = arith.cmpi eq, %add3A_343, %eq3A_372 : i32
      %convert_element_type3A_374 = arith.extui %eq3A_373 : i1 to i32
      %cond3A_375 = arith.constant 0 : i32
      %cond3A_376 = arith.cmpi ne, %convert_element_type3A_374, %cond3A_375 : i32
      scf.if %cond3A_376 {
        %add3A_784 = arith.constant 32 : i32
        %add3A_785 = arith.addi %mul3A_2, %add3A_784 : i32
        %dma_wait3A_786 = arith.constant 0 : i32
        %dma_wait3A_787 = arith.constant 0 : i32
        %dma_wait3A_788 = tpu.memref_slice %arg6[%dma_wait3A_786, %dma_wait3A_787] : memref<32x1024xf32, #tpu.memory_space<vmem>> -> memref<16x1024xf32, #tpu.memory_space<vmem>>
        %dma_wait3A_789 = arith.constant 0 : i32
        %dma_wait3A_790 = tpu.memref_slice %arg4[%add3A_785, %dma_wait3A_789] : memref<2048x1024xf32, #tpu.memory_space<hbm>> -> memref<16x1024xf32, #tpu.memory_space<hbm>>
        %dma_wait3A_791 = arith.constant 0 : i32
        %dma_wait3A_792 = arith.constant 0 : i32
        %dma_wait3A_793 = tpu.memref_slice %arg6[%dma_wait3A_791, %dma_wait3A_792] : memref<32x1024xf32, #tpu.memory_space<vmem>> -> memref<16x1024xf32, #tpu.memory_space<vmem>>
        %dma_wait3A_794 = arith.constant 0 : i32
        %dma_wait3A_795 = tpu.memref_slice %arg4[%add3A_785, %dma_wait3A_794] : memref<2048x1024xf32, #tpu.memory_space<hbm>> -> memref<16x1024xf32, #tpu.memory_space<hbm>>
        tpu.wait_dma2 semaphore(%arg20 : memref<!tpu.dma_semaphore, #tpu.memory_space<semaphore_mem>>) src(%dma_wait3A_795 : memref<16x1024xf32, #tpu.memory_space<hbm>>) dst(%dma_wait3A_793 : memref<16x1024xf32, #tpu.memory_space<vmem>>)
        %add3A_796 = arith.constant 32 : i32
        %add3A_797 = arith.addi %mul3A_2, %add3A_796 : i32
        %add3A_798 = arith.constant 16 : i32
        %add3A_799 = arith.addi %add3A_797, %add3A_798 : i32
        %dma_start3A_800 = arith.constant 16 : i32
        %dma_start3A_801 = arith.constant 0 : i32
        %dma_start3A_802 = tpu.memref_slice %arg6[%dma_start3A_800, %dma_start3A_801] : memref<32x1024xf32, #tpu.memory_space<vmem>> -> memref<16x1024xf32, #tpu.memory_space<vmem>>
        %dma_start3A_803 = arith.constant 0 : i32
        %dma_start3A_804 = tpu.memref_slice %arg4[%add3A_799, %dma_start3A_803] : memref<2048x1024xf32, #tpu.memory_space<hbm>> -> memref<16x1024xf32, #tpu.memory_space<hbm>>
        %dma_start3A_805 = arith.constant 16 : i32
        %dma_start3A_806 = arith.constant 0 : i32
        %dma_start3A_807 = tpu.memref_slice %arg6[%dma_start3A_805, %dma_start3A_806] : memref<32x1024xf32, #tpu.memory_space<vmem>> -> memref<16x1024xf32, #tpu.memory_space<vmem>>
        %dma_start3A_808 = arith.constant 0 : i32
        %dma_start3A_809 = tpu.memref_slice %arg4[%add3A_799, %dma_start3A_808] : memref<2048x1024xf32, #tpu.memory_space<hbm>> -> memref<16x1024xf32, #tpu.memory_space<hbm>>
        tpu.enqueue_dma source(%dma_start3A_809 : memref<16x1024xf32, #tpu.memory_space<hbm>>) target(%dma_start3A_807 : memref<16x1024xf32, #tpu.memory_space<vmem>>) target_semaphore(%arg20 : memref<!tpu.dma_semaphore, #tpu.memory_space<semaphore_mem>>)
      } else {
      }
      %eq3A_377 = arith.constant 12 : i32
      %eq3A_378 = arith.cmpi eq, %add3A_343, %eq3A_377 : i32
      %convert_element_type3A_379 = arith.extui %eq3A_378 : i1 to i32
      %cond3A_380 = arith.constant 0 : i32
      %cond3A_381 = arith.cmpi ne, %convert_element_type3A_379, %cond3A_380 : i32
      scf.if %cond3A_381 {
        %add3A_784 = arith.constant 32 : i32
        %add3A_785 = arith.addi %mul3A_2, %add3A_784 : i32
        %add3A_786 = arith.constant 16 : i32
        %add3A_787 = arith.addi %add3A_785, %add3A_786 : i32
        %dma_wait3A_788 = arith.constant 16 : i32
        %dma_wait3A_789 = arith.constant 0 : i32
        %dma_wait3A_790 = tpu.memref_slice %arg6[%dma_wait3A_788, %dma_wait3A_789] : memref<32x1024xf32, #tpu.memory_space<vmem>> -> memref<16x1024xf32, #tpu.memory_space<vmem>>
        %dma_wait3A_791 = arith.constant 0 : i32
        %dma_wait3A_792 = tpu.memref_slice %arg4[%add3A_787, %dma_wait3A_791] : memref<2048x1024xf32, #tpu.memory_space<hbm>> -> memref<16x1024xf32, #tpu.memory_space<hbm>>
        %dma_wait3A_793 = arith.constant 16 : i32
        %dma_wait3A_794 = arith.constant 0 : i32
        %dma_wait3A_795 = tpu.memref_slice %arg6[%dma_wait3A_793, %dma_wait3A_794] : memref<32x1024xf32, #tpu.memory_space<vmem>> -> memref<16x1024xf32, #tpu.memory_space<vmem>>
        %dma_wait3A_796 = arith.constant 0 : i32
        %dma_wait3A_797 = tpu.memref_slice %arg4[%add3A_787, %dma_wait3A_796] : memref<2048x1024xf32, #tpu.memory_space<hbm>> -> memref<16x1024xf32, #tpu.memory_space<hbm>>
        tpu.wait_dma2 semaphore(%arg20 : memref<!tpu.dma_semaphore, #tpu.memory_space<semaphore_mem>>) src(%dma_wait3A_797 : memref<16x1024xf32, #tpu.memory_space<hbm>>) dst(%dma_wait3A_795 : memref<16x1024xf32, #tpu.memory_space<vmem>>)
      } else {
      }
      %shift_right_logical3A_382 = arith.constant 2 : i32
      %shift_right_logical3A_383 = arith.shrui %add3A_343, %shift_right_logical3A_382 : i32
      %and3A_384 = arith.constant 1 : i32
      %and3A_385 = arith.andi %shift_right_logical3A_383, %and3A_384 : i32
      %mul3A_386 = arith.constant 16 : i32
      %mul3A_387 = arith.muli %and3A_385, %mul3A_386 : i32
      %parallel_loop3A_388 = arith.constant 0 : i32
      %parallel_loop3A_389 = arith.constant 256 : i32
      %parallel_loop3A_390 = arith.constant 1 : i32
      scf.for %parallel_loop3A_784 = %parallel_loop3A_388 to %parallel_loop3A_389 step %parallel_loop3A_390  : i32 {
        %parallel_loop3A_785 = arith.constant 6 : i32
        %parallel_loop3A_786 = arith.shrui %parallel_loop3A_784, %parallel_loop3A_785 : i32
        %parallel_loop3A_787 = arith.constant 0 : i32
        %parallel_loop3A_788 = arith.addi %parallel_loop3A_786, %parallel_loop3A_787 : i32
        %parallel_loop3A_789 = arith.constant 63 : i32
        %parallel_loop3A_790 = arith.andi %parallel_loop3A_784, %parallel_loop3A_789 : i32
        %parallel_loop3A_791 = arith.constant 16 : i32
        %parallel_loop3A_792 = arith.muli %parallel_loop3A_790, %parallel_loop3A_791 : i32
        %parallel_loop3A_793 = arith.addi %mul3A_387, %parallel_loop3A_788 : i32
        %parallel_loop3A_794 = arith.index_cast %parallel_loop3A_793 : i32 to index
        %parallel_loop3A_795 = arith.index_cast %parallel_loop3A_792 : i32 to index
        %parallel_loop3A_796 = tpu.vector_load %arg6[%parallel_loop3A_794, %parallel_loop3A_795] {strides = array<i32>} : memref<32x1024xf32, #tpu.memory_space<vmem>>, vector<1x16xf32>,
        %parallel_loop3A_797 = vector.shape_cast %parallel_loop3A_796 : vector<1x16xf32> to vector<16xf32>
        %parallel_loop3A_798 = arith.index_cast %parallel_loop3A_788 : i32 to index
        %parallel_loop3A_799 = arith.index_cast %parallel_loop3A_792 : i32 to index
        %parallel_loop3A_800 = tpu.vector_load %arg8[%parallel_loop3A_798, %parallel_loop3A_799] {strides = array<i32>} : memref<16x1024xf32, #tpu.memory_space<vmem>>, vector<1x16xf32>,
        %parallel_loop3A_801 = vector.shape_cast %parallel_loop3A_800 : vector<1x16xf32> to vector<16xf32>
        %parallel_loop3A_802 = vector.shape_cast %parallel_loop3A_797 : vector<16xf32> to vector<1x16xf32>
        tpu.vector_store %arg8[%parallel_loop3A_798, %parallel_loop3A_799], %parallel_loop3A_802 {add = true, strides = array<i32>} : memref<16x1024xf32, #tpu.memory_space<vmem>>, vector<1x16xf32>,
      } {sc.loop_unroll_factor = 16 : i64, sc.parallel_access}
      %and3A_391 = arith.constant 3 : i32
      %and3A_392 = arith.andi %add3A_343, %and3A_391 : i32
      %mul3A_393 = arith.constant 2048 : i32
      %mul3A_394 = arith.muli %and3A_392, %mul3A_393 : i32
      %add3A_395 = arith.addi %mul3A_394, %mul3A_2 : i32
      %shift_right_arithmetic3A_396 = arith.constant 2 : i32
      %shift_right_arithmetic3A_397 = arith.shrsi %add3A_343, %shift_right_arithmetic3A_396 : i32
      %mul3A_398 = arith.constant 16 : i32
      %mul3A_399 = arith.muli %shift_right_arithmetic3A_397, %mul3A_398 : i32
      %add3A_400 = arith.addi %add3A_395, %mul3A_399 : i32
      %add3A_401 = arith.constant 0 : i32
      %add3A_402 = arith.addi %add3A_400, %add3A_401 : i32
      %dma_start3A_403 = arith.constant 0 : i32
      %dma_start3A_404 = arith.constant 0 : i32
      %dma_start3A_405 = tpu.memref_slice %arg8[%dma_start3A_403, %dma_start3A_404] : memref<16x1024xf32, #tpu.memory_space<vmem>> -> memref<4x1024xf32, #tpu.memory_space<vmem>>
      %dma_start3A_406 = arith.constant 0 : i32
      %dma_start3A_407 = tpu.memref_slice %arg5[%add3A_402, %dma_start3A_406] : memref<8192x1024xf32, #tpu.memory_space<hbm>> -> memref<4x1024xf32, #tpu.memory_space<hbm>>
      %dma_start3A_408 = arith.constant 0 : i32
      %dma_start3A_409 = tpu.memref_slice %arg5[%add3A_402, %dma_start3A_408] : memref<8192x1024xf32, #tpu.memory_space<hbm>> -> memref<4x1024xf32, #tpu.memory_space<hbm>>
      %dma_start3A_410 = arith.constant 0 : i32
      %dma_start3A_411 = arith.constant 0 : i32
      %dma_start3A_412 = tpu.memref_slice %arg8[%dma_start3A_410, %dma_start3A_411] : memref<16x1024xf32, #tpu.memory_space<vmem>> -> memref<4x1024xf32, #tpu.memory_space<vmem>>
      tpu.enqueue_dma source(%dma_start3A_412 : memref<4x1024xf32, #tpu.memory_space<vmem>>) target(%dma_start3A_409 : memref<4x1024xf32, #tpu.memory_space<hbm>>) target_semaphore(%arg17 : memref<!tpu.dma_semaphore, #tpu.memory_space<semaphore_mem>>)
      %parallel_loop3A_413 = arith.constant 0 : i32
      %parallel_loop3A_414 = arith.constant 256 : i32
      %parallel_loop3A_415 = arith.constant 1 : i32
      scf.for %parallel_loop3A_784 = %parallel_loop3A_413 to %parallel_loop3A_414 step %parallel_loop3A_415  : i32 {
        %parallel_loop3A_785 = arith.constant 6 : i32
        %parallel_loop3A_786 = arith.shrui %parallel_loop3A_784, %parallel_loop3A_785 : i32
        %parallel_loop3A_787 = arith.constant 4 : i32
        %parallel_loop3A_788 = arith.addi %parallel_loop3A_786, %parallel_loop3A_787 : i32
        %parallel_loop3A_789 = arith.constant 63 : i32
        %parallel_loop3A_790 = arith.andi %parallel_loop3A_784, %parallel_loop3A_789 : i32
        %parallel_loop3A_791 = arith.constant 16 : i32
        %parallel_loop3A_792 = arith.muli %parallel_loop3A_790, %parallel_loop3A_791 : i32
        %parallel_loop3A_793 = arith.addi %mul3A_387, %parallel_loop3A_788 : i32
        %parallel_loop3A_794 = arith.index_cast %parallel_loop3A_793 : i32 to index
        %parallel_loop3A_795 = arith.index_cast %parallel_loop3A_792 : i32 to index
        %parallel_loop3A_796 = tpu.vector_load %arg6[%parallel_loop3A_794, %parallel_loop3A_795] {strides = array<i32>} : memref<32x1024xf32, #tpu.memory_space<vmem>>, vector<1x16xf32>,
        %parallel_loop3A_797 = vector.shape_cast %parallel_loop3A_796 : vector<1x16xf32> to vector<16xf32>
        %parallel_loop3A_798 = arith.index_cast %parallel_loop3A_788 : i32 to index
        %parallel_loop3A_799 = arith.index_cast %parallel_loop3A_792 : i32 to index
        %parallel_loop3A_800 = tpu.vector_load %arg8[%parallel_loop3A_798, %parallel_loop3A_799] {strides = array<i32>} : memref<16x1024xf32, #tpu.memory_space<vmem>>, vector<1x16xf32>,
        %parallel_loop3A_801 = vector.shape_cast %parallel_loop3A_800 : vector<1x16xf32> to vector<16xf32>
        %parallel_loop3A_802 = vector.shape_cast %parallel_loop3A_797 : vector<16xf32> to vector<1x16xf32>
        tpu.vector_store %arg8[%parallel_loop3A_798, %parallel_loop3A_799], %parallel_loop3A_802 {add = true, strides = array<i32>} : memref<16x1024xf32, #tpu.memory_space<vmem>>, vector<1x16xf32>,
      } {sc.loop_unroll_factor = 16 : i64, sc.parallel_access}
      %and3A_416 = arith.constant 3 : i32
      %and3A_417 = arith.andi %add3A_343, %and3A_416 : i32
      %mul3A_418 = arith.constant 2048 : i32
      %mul3A_419 = arith.muli %and3A_417, %mul3A_418 : i32
      %add3A_420 = arith.addi %mul3A_419, %mul3A_2 : i32
      %shift_right_arithmetic3A_421 = arith.constant 2 : i32
      %shift_right_arithmetic3A_422 = arith.shrsi %add3A_343, %shift_right_arithmetic3A_421 : i32
      %mul3A_423 = arith.constant 16 : i32
      %mul3A_424 = arith.muli %shift_right_arithmetic3A_422, %mul3A_423 : i32
      %add3A_425 = arith.addi %add3A_420, %mul3A_424 : i32
      %add3A_426 = arith.constant 4 : i32
      %add3A_427 = arith.addi %add3A_425, %add3A_426 : i32
      %dma_start3A_428 = arith.constant 4 : i32
      %dma_start3A_429 = arith.constant 0 : i32
      %dma_start3A_430 = tpu.memref_slice %arg8[%dma_start3A_428, %dma_start3A_429] : memref<16x1024xf32, #tpu.memory_space<vmem>> -> memref<4x1024xf32, #tpu.memory_space<vmem>>
      %dma_start3A_431 = arith.constant 0 : i32
      %dma_start3A_432 = tpu.memref_slice %arg5[%add3A_427, %dma_start3A_431] : memref<8192x1024xf32, #tpu.memory_space<hbm>> -> memref<4x1024xf32, #tpu.memory_space<hbm>>
      %dma_start3A_433 = arith.constant 0 : i32
      %dma_start3A_434 = tpu.memref_slice %arg5[%add3A_427, %dma_start3A_433] : memref<8192x1024xf32, #tpu.memory_space<hbm>> -> memref<4x1024xf32, #tpu.memory_space<hbm>>
      %dma_start3A_435 = arith.constant 4 : i32
      %dma_start3A_436 = arith.constant 0 : i32
      %dma_start3A_437 = tpu.memref_slice %arg8[%dma_start3A_435, %dma_start3A_436] : memref<16x1024xf32, #tpu.memory_space<vmem>> -> memref<4x1024xf32, #tpu.memory_space<vmem>>
      tpu.enqueue_dma source(%dma_start3A_437 : memref<4x1024xf32, #tpu.memory_space<vmem>>) target(%dma_start3A_434 : memref<4x1024xf32, #tpu.memory_space<hbm>>) target_semaphore(%arg17 : memref<!tpu.dma_semaphore, #tpu.memory_space<semaphore_mem>>)
      %parallel_loop3A_438 = arith.constant 0 : i32
      %parallel_loop3A_439 = arith.constant 256 : i32
      %parallel_loop3A_440 = arith.constant 1 : i32
      scf.for %parallel_loop3A_784 = %parallel_loop3A_438 to %parallel_loop3A_439 step %parallel_loop3A_440  : i32 {
        %parallel_loop3A_785 = arith.constant 6 : i32
        %parallel_loop3A_786 = arith.shrui %parallel_loop3A_784, %parallel_loop3A_785 : i32
        %parallel_loop3A_787 = arith.constant 8 : i32
        %parallel_loop3A_788 = arith.addi %parallel_loop3A_786, %parallel_loop3A_787 : i32
        %parallel_loop3A_789 = arith.constant 63 : i32
        %parallel_loop3A_790 = arith.andi %parallel_loop3A_784, %parallel_loop3A_789 : i32
        %parallel_loop3A_791 = arith.constant 16 : i32
        %parallel_loop3A_792 = arith.muli %parallel_loop3A_790, %parallel_loop3A_791 : i32
        %parallel_loop3A_793 = arith.addi %mul3A_387, %parallel_loop3A_788 : i32
        %parallel_loop3A_794 = arith.index_cast %parallel_loop3A_793 : i32 to index
        %parallel_loop3A_795 = arith.index_cast %parallel_loop3A_792 : i32 to index
        %parallel_loop3A_796 = tpu.vector_load %arg6[%parallel_loop3A_794, %parallel_loop3A_795] {strides = array<i32>} : memref<32x1024xf32, #tpu.memory_space<vmem>>, vector<1x16xf32>,
        %parallel_loop3A_797 = vector.shape_cast %parallel_loop3A_796 : vector<1x16xf32> to vector<16xf32>
        %parallel_loop3A_798 = arith.index_cast %parallel_loop3A_788 : i32 to index
        %parallel_loop3A_799 = arith.index_cast %parallel_loop3A_792 : i32 to index
        %parallel_loop3A_800 = tpu.vector_load %arg8[%parallel_loop3A_798, %parallel_loop3A_799] {strides = array<i32>} : memref<16x1024xf32, #tpu.memory_space<vmem>>, vector<1x16xf32>,
        %parallel_loop3A_801 = vector.shape_cast %parallel_loop3A_800 : vector<1x16xf32> to vector<16xf32>
        %parallel_loop3A_802 = vector.shape_cast %parallel_loop3A_797 : vector<16xf32> to vector<1x16xf32>
        tpu.vector_store %arg8[%parallel_loop3A_798, %parallel_loop3A_799], %parallel_loop3A_802 {add = true, strides = array<i32>} : memref<16x1024xf32, #tpu.memory_space<vmem>>, vector<1x16xf32>,
      } {sc.loop_unroll_factor = 16 : i64, sc.parallel_access}
      %and3A_441 = arith.constant 3 : i32
      %and3A_442 = arith.andi %add3A_343, %and3A_441 : i32
      %mul3A_443 = arith.constant 2048 : i32
      %mul3A_444 = arith.muli %and3A_442, %mul3A_443 : i32
      %add3A_445 = arith.addi %mul3A_444, %mul3A_2 : i32
      %shift_right_arithmetic3A_446 = arith.constant 2 : i32
      %shift_right_arithmetic3A_447 = arith.shrsi %add3A_343, %shift_right_arithmetic3A_446 : i32
      %mul3A_448 = arith.constant 16 : i32
      %mul3A_449 = arith.muli %shift_right_arithmetic3A_447, %mul3A_448 : i32
      %add3A_450 = arith.addi %add3A_445, %mul3A_449 : i32
      %add3A_451 = arith.constant 8 : i32
      %add3A_452 = arith.addi %add3A_450, %add3A_451 : i32
      %dma_start3A_453 = arith.constant 8 : i32
      %dma_start3A_454 = arith.constant 0 : i32
      %dma_start3A_455 = tpu.memref_slice %arg8[%dma_start3A_453, %dma_start3A_454] : memref<16x1024xf32, #tpu.memory_space<vmem>> -> memref<4x1024xf32, #tpu.memory_space<vmem>>
      %dma_start3A_456 = arith.constant 0 : i32
      %dma_start3A_457 = tpu.memref_slice %arg5[%add3A_452, %dma_start3A_456] : memref<8192x1024xf32, #tpu.memory_space<hbm>> -> memref<4x1024xf32, #tpu.memory_space<hbm>>
      %dma_start3A_458 = arith.constant 0 : i32
      %dma_start3A_459 = tpu.memref_slice %arg5[%add3A_452, %dma_start3A_458] : memref<8192x1024xf32, #tpu.memory_space<hbm>> -> memref<4x1024xf32, #tpu.memory_space<hbm>>
      %dma_start3A_460 = arith.constant 8 : i32
      %dma_start3A_461 = arith.constant 0 : i32
      %dma_start3A_462 = tpu.memref_slice %arg8[%dma_start3A_460, %dma_start3A_461] : memref<16x1024xf32, #tpu.memory_space<vmem>> -> memref<4x1024xf32, #tpu.memory_space<vmem>>
      tpu.enqueue_dma source(%dma_start3A_462 : memref<4x1024xf32, #tpu.memory_space<vmem>>) target(%dma_start3A_459 : memref<4x1024xf32, #tpu.memory_space<hbm>>) target_semaphore(%arg17 : memref<!tpu.dma_semaphore, #tpu.memory_space<semaphore_mem>>)
      %parallel_loop3A_463 = arith.constant 0 : i32
      %parallel_loop3A_464 = arith.constant 256 : i32
      %parallel_loop3A_465 = arith.constant 1 : i32
      scf.for %parallel_loop3A_784 = %parallel_loop3A_463 to %parallel_loop3A_464 step %parallel_loop3A_465  : i32 {
        %parallel_loop3A_785 = arith.constant 6 : i32
        %parallel_loop3A_786 = arith.shrui %parallel_loop3A_784, %parallel_loop3A_785 : i32
        %parallel_loop3A_787 = arith.constant 12 : i32
        %parallel_loop3A_788 = arith.addi %parallel_loop3A_786, %parallel_loop3A_787 : i32
        %parallel_loop3A_789 = arith.constant 63 : i32
        %parallel_loop3A_790 = arith.andi %parallel_loop3A_784, %parallel_loop3A_789 : i32
        %parallel_loop3A_791 = arith.constant 16 : i32
        %parallel_loop3A_792 = arith.muli %parallel_loop3A_790, %parallel_loop3A_791 : i32
        %parallel_loop3A_793 = arith.addi %mul3A_387, %parallel_loop3A_788 : i32
        %parallel_loop3A_794 = arith.index_cast %parallel_loop3A_793 : i32 to index
        %parallel_loop3A_795 = arith.index_cast %parallel_loop3A_792 : i32 to index
        %parallel_loop3A_796 = tpu.vector_load %arg6[%parallel_loop3A_794, %parallel_loop3A_795] {strides = array<i32>} : memref<32x1024xf32, #tpu.memory_space<vmem>>, vector<1x16xf32>,
        %parallel_loop3A_797 = vector.shape_cast %parallel_loop3A_796 : vector<1x16xf32> to vector<16xf32>
        %parallel_loop3A_798 = arith.index_cast %parallel_loop3A_788 : i32 to index
        %parallel_loop3A_799 = arith.index_cast %parallel_loop3A_792 : i32 to index
        %parallel_loop3A_800 = tpu.vector_load %arg8[%parallel_loop3A_798, %parallel_loop3A_799] {strides = array<i32>} : memref<16x1024xf32, #tpu.memory_space<vmem>>, vector<1x16xf32>,
        %parallel_loop3A_801 = vector.shape_cast %parallel_loop3A_800 : vector<1x16xf32> to vector<16xf32>
        %parallel_loop3A_802 = vector.shape_cast %parallel_loop3A_797 : vector<16xf32> to vector<1x16xf32>
        tpu.vector_store %arg8[%parallel_loop3A_798, %parallel_loop3A_799], %parallel_loop3A_802 {add = true, strides = array<i32>} : memref<16x1024xf32, #tpu.memory_space<vmem>>, vector<1x16xf32>,
      } {sc.loop_unroll_factor = 16 : i64, sc.parallel_access}
      %and3A_466 = arith.constant 3 : i32
      %and3A_467 = arith.andi %add3A_343, %and3A_466 : i32
      %mul3A_468 = arith.constant 2048 : i32
      %mul3A_469 = arith.muli %and3A_467, %mul3A_468 : i32
      %add3A_470 = arith.addi %mul3A_469, %mul3A_2 : i32
      %shift_right_arithmetic3A_471 = arith.constant 2 : i32
      %shift_right_arithmetic3A_472 = arith.shrsi %add3A_343, %shift_right_arithmetic3A_471 : i32
      %mul3A_473 = arith.constant 16 : i32
      %mul3A_474 = arith.muli %shift_right_arithmetic3A_472, %mul3A_473 : i32
      %add3A_475 = arith.addi %add3A_470, %mul3A_474 : i32
      %add3A_476 = arith.constant 12 : i32
      %add3A_477 = arith.addi %add3A_475, %add3A_476 : i32
      %dma_start3A_478 = arith.constant 12 : i32
      %dma_start3A_479 = arith.constant 0 : i32
      %dma_start3A_480 = tpu.memref_slice %arg8[%dma_start3A_478, %dma_start3A_479] : memref<16x1024xf32, #tpu.memory_space<vmem>> -> memref<4x1024xf32, #tpu.memory_space<vmem>>
      %dma_start3A_481 = arith.constant 0 : i32
      %dma_start3A_482 = tpu.memref_slice %arg5[%add3A_477, %dma_start3A_481] : memref<8192x1024xf32, #tpu.memory_space<hbm>> -> memref<4x1024xf32, #tpu.memory_space<hbm>>
      %dma_start3A_483 = arith.constant 0 : i32
      %dma_start3A_484 = tpu.memref_slice %arg5[%add3A_477, %dma_start3A_483] : memref<8192x1024xf32, #tpu.memory_space<hbm>> -> memref<4x1024xf32, #tpu.memory_space<hbm>>
      %dma_start3A_485 = arith.constant 12 : i32
      %dma_start3A_486 = arith.constant 0 : i32
      %dma_start3A_487 = tpu.memref_slice %arg8[%dma_start3A_485, %dma_start3A_486] : memref<16x1024xf32, #tpu.memory_space<vmem>> -> memref<4x1024xf32, #tpu.memory_space<vmem>>
      tpu.enqueue_dma source(%dma_start3A_487 : memref<4x1024xf32, #tpu.memory_space<vmem>>) target(%dma_start3A_484 : memref<4x1024xf32, #tpu.memory_space<hbm>>) target_semaphore(%arg17 : memref<!tpu.dma_semaphore, #tpu.memory_space<semaphore_mem>>)
      %mul3A_488 = arith.constant 4 : i32
      %mul3A_489 = arith.muli %mul3A_488, %scan3A_200 : i32
      %add3A_490 = arith.constant 2 : i32
      %add3A_491 = arith.addi %mul3A_489, %add3A_490 : i32
      %ge3A_492 = arith.constant 2 : i32
      %ge3A_493 = arith.cmpi sge, %add3A_491, %ge3A_492 : i32
      %convert_element_type3A_494 = arith.extui %ge3A_493 : i1 to i32
      %cond3A_495 = arith.constant 0 : i32
      %cond3A_496 = arith.cmpi ne, %convert_element_type3A_494, %cond3A_495 : i32
      scf.if %cond3A_496 {
        %sub3A = arith.constant 2 : i32
        %sub3A_784 = arith.subi %add3A_491, %sub3A : i32
        %and3A_785 = arith.constant 3 : i32
        %and3A_786 = arith.andi %sub3A_784, %and3A_785 : i32
        %mul3A_787 = arith.constant 2048 : i32
        %mul3A_788 = arith.muli %and3A_786, %mul3A_787 : i32
        %add3A_789 = arith.addi %mul3A_788, %mul3A_2 : i32
        %shift_right_arithmetic3A_790 = arith.constant 2 : i32
        %shift_right_arithmetic3A_791 = arith.shrsi %sub3A_784, %shift_right_arithmetic3A_790 : i32
        %mul3A_792 = arith.constant 16 : i32
        %mul3A_793 = arith.muli %shift_right_arithmetic3A_791, %mul3A_792 : i32
        %add3A_794 = arith.addi %add3A_789, %mul3A_793 : i32
        %add3A_795 = arith.constant 0 : i32
        %add3A_796 = arith.addi %add3A_794, %add3A_795 : i32
        %dma_wait3A_797 = arith.constant 0 : i32
        %dma_wait3A_798 = arith.constant 0 : i32
        %dma_wait3A_799 = tpu.memref_slice %arg7[%dma_wait3A_797, %dma_wait3A_798] : memref<16x1024xf32, #tpu.memory_space<vmem>> -> memref<4x1024xf32, #tpu.memory_space<vmem>>
        %dma_wait3A_800 = arith.constant 0 : i32
        %dma_wait3A_801 = tpu.memref_slice %arg5[%add3A_796, %dma_wait3A_800] : memref<8192x1024xf32, #tpu.memory_space<hbm>> -> memref<4x1024xf32, #tpu.memory_space<hbm>>
        %dma_wait3A_802 = arith.constant 0 : i32
        %dma_wait3A_803 = tpu.memref_slice %arg5[%add3A_796, %dma_wait3A_802] : memref<8192x1024xf32, #tpu.memory_space<hbm>> -> memref<4x1024xf32, #tpu.memory_space<hbm>>
        %dma_wait3A_804 = arith.constant 0 : i32
        %dma_wait3A_805 = arith.constant 0 : i32
        %dma_wait3A_806 = tpu.memref_slice %arg7[%dma_wait3A_804, %dma_wait3A_805] : memref<16x1024xf32, #tpu.memory_space<vmem>> -> memref<4x1024xf32, #tpu.memory_space<vmem>>
        tpu.wait_dma2 semaphore(%arg16 : memref<!tpu.dma_semaphore, #tpu.memory_space<semaphore_mem>>) src(%dma_wait3A_806 : memref<4x1024xf32, #tpu.memory_space<vmem>>) dst(%dma_wait3A_803 : memref<4x1024xf32, #tpu.memory_space<hbm>>)
        %sub3A_807 = arith.constant 2 : i32
        %sub3A_808 = arith.subi %add3A_491, %sub3A_807 : i32
        %and3A_809 = arith.constant 3 : i32
        %and3A_810 = arith.andi %sub3A_808, %and3A_809 : i32
        %mul3A_811 = arith.constant 2048 : i32
        %mul3A_812 = arith.muli %and3A_810, %mul3A_811 : i32
        %add3A_813 = arith.addi %mul3A_812, %mul3A_2 : i32
        %shift_right_arithmetic3A_814 = arith.constant 2 : i32
        %shift_right_arithmetic3A_815 = arith.shrsi %sub3A_808, %shift_right_arithmetic3A_814 : i32
        %mul3A_816 = arith.constant 16 : i32
        %mul3A_817 = arith.muli %shift_right_arithmetic3A_815, %mul3A_816 : i32
        %add3A_818 = arith.addi %add3A_813, %mul3A_817 : i32
        %add3A_819 = arith.constant 4 : i32
        %add3A_820 = arith.addi %add3A_818, %add3A_819 : i32
        %dma_wait3A_821 = arith.constant 4 : i32
        %dma_wait3A_822 = arith.constant 0 : i32
        %dma_wait3A_823 = tpu.memref_slice %arg7[%dma_wait3A_821, %dma_wait3A_822] : memref<16x1024xf32, #tpu.memory_space<vmem>> -> memref<4x1024xf32, #tpu.memory_space<vmem>>
        %dma_wait3A_824 = arith.constant 0 : i32
        %dma_wait3A_825 = tpu.memref_slice %arg5[%add3A_820, %dma_wait3A_824] : memref<8192x1024xf32, #tpu.memory_space<hbm>> -> memref<4x1024xf32, #tpu.memory_space<hbm>>
        %dma_wait3A_826 = arith.constant 0 : i32
        %dma_wait3A_827 = tpu.memref_slice %arg5[%add3A_820, %dma_wait3A_826] : memref<8192x1024xf32, #tpu.memory_space<hbm>> -> memref<4x1024xf32, #tpu.memory_space<hbm>>
        %dma_wait3A_828 = arith.constant 4 : i32
        %dma_wait3A_829 = arith.constant 0 : i32
        %dma_wait3A_830 = tpu.memref_slice %arg7[%dma_wait3A_828, %dma_wait3A_829] : memref<16x1024xf32, #tpu.memory_space<vmem>> -> memref<4x1024xf32, #tpu.memory_space<vmem>>
        tpu.wait_dma2 semaphore(%arg16 : memref<!tpu.dma_semaphore, #tpu.memory_space<semaphore_mem>>) src(%dma_wait3A_830 : memref<4x1024xf32, #tpu.memory_space<vmem>>) dst(%dma_wait3A_827 : memref<4x1024xf32, #tpu.memory_space<hbm>>)
        %sub3A_831 = arith.constant 2 : i32
        %sub3A_832 = arith.subi %add3A_491, %sub3A_831 : i32
        %and3A_833 = arith.constant 3 : i32
        %and3A_834 = arith.andi %sub3A_832, %and3A_833 : i32
        %mul3A_835 = arith.constant 2048 : i32
        %mul3A_836 = arith.muli %and3A_834, %mul3A_835 : i32
        %add3A_837 = arith.addi %mul3A_836, %mul3A_2 : i32
        %shift_right_arithmetic3A_838 = arith.constant 2 : i32
        %shift_right_arithmetic3A_839 = arith.shrsi %sub3A_832, %shift_right_arithmetic3A_838 : i32
        %mul3A_840 = arith.constant 16 : i32
        %mul3A_841 = arith.muli %shift_right_arithmetic3A_839, %mul3A_840 : i32
        %add3A_842 = arith.addi %add3A_837, %mul3A_841 : i32
        %add3A_843 = arith.constant 8 : i32
        %add3A_844 = arith.addi %add3A_842, %add3A_843 : i32
        %dma_wait3A_845 = arith.constant 8 : i32
        %dma_wait3A_846 = arith.constant 0 : i32
        %dma_wait3A_847 = tpu.memref_slice %arg7[%dma_wait3A_845, %dma_wait3A_846] : memref<16x1024xf32, #tpu.memory_space<vmem>> -> memref<4x1024xf32, #tpu.memory_space<vmem>>
        %dma_wait3A_848 = arith.constant 0 : i32
        %dma_wait3A_849 = tpu.memref_slice %arg5[%add3A_844, %dma_wait3A_848] : memref<8192x1024xf32, #tpu.memory_space<hbm>> -> memref<4x1024xf32, #tpu.memory_space<hbm>>
        %dma_wait3A_850 = arith.constant 0 : i32
        %dma_wait3A_851 = tpu.memref_slice %arg5[%add3A_844, %dma_wait3A_850] : memref<8192x1024xf32, #tpu.memory_space<hbm>> -> memref<4x1024xf32, #tpu.memory_space<hbm>>
        %dma_wait3A_852 = arith.constant 8 : i32
        %dma_wait3A_853 = arith.constant 0 : i32
        %dma_wait3A_854 = tpu.memref_slice %arg7[%dma_wait3A_852, %dma_wait3A_853] : memref<16x1024xf32, #tpu.memory_space<vmem>> -> memref<4x1024xf32, #tpu.memory_space<vmem>>
        tpu.wait_dma2 semaphore(%arg16 : memref<!tpu.dma_semaphore, #tpu.memory_space<semaphore_mem>>) src(%dma_wait3A_854 : memref<4x1024xf32, #tpu.memory_space<vmem>>) dst(%dma_wait3A_851 : memref<4x1024xf32, #tpu.memory_space<hbm>>)
        %sub3A_855 = arith.constant 2 : i32
        %sub3A_856 = arith.subi %add3A_491, %sub3A_855 : i32
        %and3A_857 = arith.constant 3 : i32
        %and3A_858 = arith.andi %sub3A_856, %and3A_857 : i32
        %mul3A_859 = arith.constant 2048 : i32
        %mul3A_860 = arith.muli %and3A_858, %mul3A_859 : i32
        %add3A_861 = arith.addi %mul3A_860, %mul3A_2 : i32
        %shift_right_arithmetic3A_862 = arith.constant 2 : i32
        %shift_right_arithmetic3A_863 = arith.shrsi %sub3A_856, %shift_right_arithmetic3A_862 : i32
        %mul3A_864 = arith.constant 16 : i32
        %mul3A_865 = arith.muli %shift_right_arithmetic3A_863, %mul3A_864 : i32
        %add3A_866 = arith.addi %add3A_861, %mul3A_865 : i32
        %add3A_867 = arith.constant 12 : i32
        %add3A_868 = arith.addi %add3A_866, %add3A_867 : i32
        %dma_wait3A_869 = arith.constant 12 : i32
        %dma_wait3A_870 = arith.constant 0 : i32
        %dma_wait3A_871 = tpu.memref_slice %arg7[%dma_wait3A_869, %dma_wait3A_870] : memref<16x1024xf32, #tpu.memory_space<vmem>> -> memref<4x1024xf32, #tpu.memory_space<vmem>>
        %dma_wait3A_872 = arith.constant 0 : i32
        %dma_wait3A_873 = tpu.memref_slice %arg5[%add3A_868, %dma_wait3A_872] : memref<8192x1024xf32, #tpu.memory_space<hbm>> -> memref<4x1024xf32, #tpu.memory_space<hbm>>
        %dma_wait3A_874 = arith.constant 0 : i32
        %dma_wait3A_875 = tpu.memref_slice %arg5[%add3A_868, %dma_wait3A_874] : memref<8192x1024xf32, #tpu.memory_space<hbm>> -> memref<4x1024xf32, #tpu.memory_space<hbm>>
        %dma_wait3A_876 = arith.constant 12 : i32
        %dma_wait3A_877 = arith.constant 0 : i32
        %dma_wait3A_878 = tpu.memref_slice %arg7[%dma_wait3A_876, %dma_wait3A_877] : memref<16x1024xf32, #tpu.memory_space<vmem>> -> memref<4x1024xf32, #tpu.memory_space<vmem>>
        tpu.wait_dma2 semaphore(%arg16 : memref<!tpu.dma_semaphore, #tpu.memory_space<semaphore_mem>>) src(%dma_wait3A_878 : memref<4x1024xf32, #tpu.memory_space<vmem>>) dst(%dma_wait3A_875 : memref<4x1024xf32, #tpu.memory_space<hbm>>)
      } else {
      }
      %le3A_497 = arith.constant 13 : i32
      %le3A_498 = arith.cmpi sle, %add3A_491, %le3A_497 : i32
      %convert_element_type3A_499 = arith.extui %le3A_498 : i1 to i32
      %cond3A_500 = arith.constant 0 : i32
      %cond3A_501 = arith.cmpi ne, %convert_element_type3A_499, %cond3A_500 : i32
      scf.if %cond3A_501 {
        %add3A_784 = arith.constant 2 : i32
        %add3A_785 = arith.addi %add3A_491, %add3A_784 : i32
        %and3A_786 = arith.constant 3 : i32
        %and3A_787 = arith.andi %add3A_785, %and3A_786 : i32
        %mul3A_788 = arith.constant 64 : i32
        %mul3A_789 = arith.muli %and3A_787, %mul3A_788 : i32
        %shift_right_arithmetic3A_790 = arith.constant 2 : i32
        %shift_right_arithmetic3A_791 = arith.shrsi %add3A_785, %shift_right_arithmetic3A_790 : i32
        %mul3A_792 = arith.constant 16 : i32
        %mul3A_793 = arith.muli %shift_right_arithmetic3A_791, %mul3A_792 : i32
        %add3A_794 = arith.addi %mul3A_789, %mul3A_793 : i32
        %dma_start3A_795 = tpu.memref_slice %arg11[%add3A_794] : memref<256xi32, #tpu.memory_space<vmem>> -> memref<16xi32, #tpu.memory_space<vmem>>
        %dma_start3A_796 = arith.constant 0 : i32
        %dma_start3A_797 = arith.constant 0 : i32
        %dma_start3A_798 = tpu.memref_slice %arg3[%dma_start3A_796, %dma_start3A_797] : memref<100000x1024xf32, #tpu.memory_space<hbm>> -> memref<100000x1024xf32, #tpu.memory_space<hbm>>
        tpu.enqueue_indirect_dma source(%dma_start3A_798 : memref<100000x1024xf32, #tpu.memory_space<hbm>>) target(%arg7 : memref<16x1024xf32, #tpu.memory_space<vmem>>) offsets(%dma_start3A_795 : memref<16xi32, #tpu.memory_space<vmem>>) semaphore(%arg12 : memref<!tpu.dma_semaphore, #tpu.memory_space<semaphore_mem>>)
      } else {
      }
      %and3A_502 = arith.constant 3 : i32
      %and3A_503 = arith.andi %add3A_491, %and3A_502 : i32
      %mul3A_504 = arith.constant 64 : i32
      %mul3A_505 = arith.muli %and3A_503, %mul3A_504 : i32
      %shift_right_arithmetic3A_506 = arith.constant 2 : i32
      %shift_right_arithmetic3A_507 = arith.shrsi %add3A_491, %shift_right_arithmetic3A_506 : i32
      %mul3A_508 = arith.constant 16 : i32
      %mul3A_509 = arith.muli %shift_right_arithmetic3A_507, %mul3A_508 : i32
      %add3A_510 = arith.addi %mul3A_505, %mul3A_509 : i32
      %dma_wait3A_511 = tpu.memref_slice %arg11[%add3A_510] : memref<256xi32, #tpu.memory_space<vmem>> -> memref<16xi32, #tpu.memory_space<vmem>>
      %dma_wait3A_512 = arith.constant 0 : i32
      %dma_wait3A_513 = arith.constant 0 : i32
      %dma_wait3A_514 = tpu.memref_slice %arg3[%dma_wait3A_512, %dma_wait3A_513] : memref<100000x1024xf32, #tpu.memory_space<hbm>> -> memref<100000x1024xf32, #tpu.memory_space<hbm>>
      tpu.wait_indirect_dma semaphore(%arg14 : memref<!tpu.dma_semaphore, #tpu.memory_space<semaphore_mem>>) src(%dma_wait3A_514 : memref<100000x1024xf32, #tpu.memory_space<hbm>>) dst(%arg9 : memref<16x1024xf32, #tpu.memory_space<vmem>>)
      %eq3A_515 = arith.constant 6 : i32
      %eq3A_516 = arith.cmpi eq, %add3A_491, %eq3A_515 : i32
      %convert_element_type3A_517 = arith.extui %eq3A_516 : i1 to i32
      %cond3A_518 = arith.constant 0 : i32
      %cond3A_519 = arith.cmpi ne, %convert_element_type3A_517, %cond3A_518 : i32
      scf.if %cond3A_519 {
        %add3A_784 = arith.constant 32 : i32
        %add3A_785 = arith.addi %mul3A_2, %add3A_784 : i32
        %dma_start3A_786 = arith.constant 0 : i32
        %dma_start3A_787 = arith.constant 0 : i32
        %dma_start3A_788 = tpu.memref_slice %arg6[%dma_start3A_786, %dma_start3A_787] : memref<32x1024xf32, #tpu.memory_space<vmem>> -> memref<16x1024xf32, #tpu.memory_space<vmem>>
        %dma_start3A_789 = arith.constant 0 : i32
        %dma_start3A_790 = tpu.memref_slice %arg4[%add3A_785, %dma_start3A_789] : memref<2048x1024xf32, #tpu.memory_space<hbm>> -> memref<16x1024xf32, #tpu.memory_space<hbm>>
        %dma_start3A_791 = arith.constant 0 : i32
        %dma_start3A_792 = arith.constant 0 : i32
        %dma_start3A_793 = tpu.memref_slice %arg6[%dma_start3A_791, %dma_start3A_792] : memref<32x1024xf32, #tpu.memory_space<vmem>> -> memref<16x1024xf32, #tpu.memory_space<vmem>>
        %dma_start3A_794 = arith.constant 0 : i32
        %dma_start3A_795 = tpu.memref_slice %arg4[%add3A_785, %dma_start3A_794] : memref<2048x1024xf32, #tpu.memory_space<hbm>> -> memref<16x1024xf32, #tpu.memory_space<hbm>>
        tpu.enqueue_dma source(%dma_start3A_795 : memref<16x1024xf32, #tpu.memory_space<hbm>>) target(%dma_start3A_793 : memref<16x1024xf32, #tpu.memory_space<vmem>>) target_semaphore(%arg20 : memref<!tpu.dma_semaphore, #tpu.memory_space<semaphore_mem>>)
      } else {
      }
      %eq3A_520 = arith.constant 8 : i32
      %eq3A_521 = arith.cmpi eq, %add3A_491, %eq3A_520 : i32
      %convert_element_type3A_522 = arith.extui %eq3A_521 : i1 to i32
      %cond3A_523 = arith.constant 0 : i32
      %cond3A_524 = arith.cmpi ne, %convert_element_type3A_522, %cond3A_523 : i32
      scf.if %cond3A_524 {
        %add3A_784 = arith.constant 32 : i32
        %add3A_785 = arith.addi %mul3A_2, %add3A_784 : i32
        %dma_wait3A_786 = arith.constant 0 : i32
        %dma_wait3A_787 = arith.constant 0 : i32
        %dma_wait3A_788 = tpu.memref_slice %arg6[%dma_wait3A_786, %dma_wait3A_787] : memref<32x1024xf32, #tpu.memory_space<vmem>> -> memref<16x1024xf32, #tpu.memory_space<vmem>>
        %dma_wait3A_789 = arith.constant 0 : i32
        %dma_wait3A_790 = tpu.memref_slice %arg4[%add3A_785, %dma_wait3A_789] : memref<2048x1024xf32, #tpu.memory_space<hbm>> -> memref<16x1024xf32, #tpu.memory_space<hbm>>
        %dma_wait3A_791 = arith.constant 0 : i32
        %dma_wait3A_792 = arith.constant 0 : i32
        %dma_wait3A_793 = tpu.memref_slice %arg6[%dma_wait3A_791, %dma_wait3A_792] : memref<32x1024xf32, #tpu.memory_space<vmem>> -> memref<16x1024xf32, #tpu.memory_space<vmem>>
        %dma_wait3A_794 = arith.constant 0 : i32
        %dma_wait3A_795 = tpu.memref_slice %arg4[%add3A_785, %dma_wait3A_794] : memref<2048x1024xf32, #tpu.memory_space<hbm>> -> memref<16x1024xf32, #tpu.memory_space<hbm>>
        tpu.wait_dma2 semaphore(%arg20 : memref<!tpu.dma_semaphore, #tpu.memory_space<semaphore_mem>>) src(%dma_wait3A_795 : memref<16x1024xf32, #tpu.memory_space<hbm>>) dst(%dma_wait3A_793 : memref<16x1024xf32, #tpu.memory_space<vmem>>)
        %add3A_796 = arith.constant 32 : i32
        %add3A_797 = arith.addi %mul3A_2, %add3A_796 : i32
        %add3A_798 = arith.constant 16 : i32
        %add3A_799 = arith.addi %add3A_797, %add3A_798 : i32
        %dma_start3A_800 = arith.constant 16 : i32
        %dma_start3A_801 = arith.constant 0 : i32
        %dma_start3A_802 = tpu.memref_slice %arg6[%dma_start3A_800, %dma_start3A_801] : memref<32x1024xf32, #tpu.memory_space<vmem>> -> memref<16x1024xf32, #tpu.memory_space<vmem>>
        %dma_start3A_803 = arith.constant 0 : i32
        %dma_start3A_804 = tpu.memref_slice %arg4[%add3A_799, %dma_start3A_803] : memref<2048x1024xf32, #tpu.memory_space<hbm>> -> memref<16x1024xf32, #tpu.memory_space<hbm>>
        %dma_start3A_805 = arith.constant 16 : i32
        %dma_start3A_806 = arith.constant 0 : i32
        %dma_start3A_807 = tpu.memref_slice %arg6[%dma_start3A_805, %dma_start3A_806] : memref<32x1024xf32, #tpu.memory_space<vmem>> -> memref<16x1024xf32, #tpu.memory_space<vmem>>
        %dma_start3A_808 = arith.constant 0 : i32
        %dma_start3A_809 = tpu.memref_slice %arg4[%add3A_799, %dma_start3A_808] : memref<2048x1024xf32, #tpu.memory_space<hbm>> -> memref<16x1024xf32, #tpu.memory_space<hbm>>
        tpu.enqueue_dma source(%dma_start3A_809 : memref<16x1024xf32, #tpu.memory_space<hbm>>) target(%dma_start3A_807 : memref<16x1024xf32, #tpu.memory_space<vmem>>) target_semaphore(%arg20 : memref<!tpu.dma_semaphore, #tpu.memory_space<semaphore_mem>>)
      } else {
      }
      %eq3A_525 = arith.constant 12 : i32
      %eq3A_526 = arith.cmpi eq, %add3A_491, %eq3A_525 : i32
      %convert_element_type3A_527 = arith.extui %eq3A_526 : i1 to i32
      %cond3A_528 = arith.constant 0 : i32
      %cond3A_529 = arith.cmpi ne, %convert_element_type3A_527, %cond3A_528 : i32
      scf.if %cond3A_529 {
        %add3A_784 = arith.constant 32 : i32
        %add3A_785 = arith.addi %mul3A_2, %add3A_784 : i32
        %add3A_786 = arith.constant 16 : i32
        %add3A_787 = arith.addi %add3A_785, %add3A_786 : i32
        %dma_wait3A_788 = arith.constant 16 : i32
        %dma_wait3A_789 = arith.constant 0 : i32
        %dma_wait3A_790 = tpu.memref_slice %arg6[%dma_wait3A_788, %dma_wait3A_789] : memref<32x1024xf32, #tpu.memory_space<vmem>> -> memref<16x1024xf32, #tpu.memory_space<vmem>>
        %dma_wait3A_791 = arith.constant 0 : i32
        %dma_wait3A_792 = tpu.memref_slice %arg4[%add3A_787, %dma_wait3A_791] : memref<2048x1024xf32, #tpu.memory_space<hbm>> -> memref<16x1024xf32, #tpu.memory_space<hbm>>
        %dma_wait3A_793 = arith.constant 16 : i32
        %dma_wait3A_794 = arith.constant 0 : i32
        %dma_wait3A_795 = tpu.memref_slice %arg6[%dma_wait3A_793, %dma_wait3A_794] : memref<32x1024xf32, #tpu.memory_space<vmem>> -> memref<16x1024xf32, #tpu.memory_space<vmem>>
        %dma_wait3A_796 = arith.constant 0 : i32
        %dma_wait3A_797 = tpu.memref_slice %arg4[%add3A_787, %dma_wait3A_796] : memref<2048x1024xf32, #tpu.memory_space<hbm>> -> memref<16x1024xf32, #tpu.memory_space<hbm>>
        tpu.wait_dma2 semaphore(%arg20 : memref<!tpu.dma_semaphore, #tpu.memory_space<semaphore_mem>>) src(%dma_wait3A_797 : memref<16x1024xf32, #tpu.memory_space<hbm>>) dst(%dma_wait3A_795 : memref<16x1024xf32, #tpu.memory_space<vmem>>)
      } else {
      }
      %shift_right_logical3A_530 = arith.constant 2 : i32
      %shift_right_logical3A_531 = arith.shrui %add3A_491, %shift_right_logical3A_530 : i32
      %and3A_532 = arith.constant 1 : i32
      %and3A_533 = arith.andi %shift_right_logical3A_531, %and3A_532 : i32
      %mul3A_534 = arith.constant 16 : i32
      %mul3A_535 = arith.muli %and3A_533, %mul3A_534 : i32
      %parallel_loop3A_536 = arith.constant 0 : i32
      %parallel_loop3A_537 = arith.constant 256 : i32
      %parallel_loop3A_538 = arith.constant 1 : i32
      scf.for %parallel_loop3A_784 = %parallel_loop3A_536 to %parallel_loop3A_537 step %parallel_loop3A_538  : i32 {
        %parallel_loop3A_785 = arith.constant 6 : i32
        %parallel_loop3A_786 = arith.shrui %parallel_loop3A_784, %parallel_loop3A_785 : i32
        %parallel_loop3A_787 = arith.constant 0 : i32
        %parallel_loop3A_788 = arith.addi %parallel_loop3A_786, %parallel_loop3A_787 : i32
        %parallel_loop3A_789 = arith.constant 63 : i32
        %parallel_loop3A_790 = arith.andi %parallel_loop3A_784, %parallel_loop3A_789 : i32
        %parallel_loop3A_791 = arith.constant 16 : i32
        %parallel_loop3A_792 = arith.muli %parallel_loop3A_790, %parallel_loop3A_791 : i32
        %parallel_loop3A_793 = arith.addi %mul3A_535, %parallel_loop3A_788 : i32
        %parallel_loop3A_794 = arith.index_cast %parallel_loop3A_793 : i32 to index
        %parallel_loop3A_795 = arith.index_cast %parallel_loop3A_792 : i32 to index
        %parallel_loop3A_796 = tpu.vector_load %arg6[%parallel_loop3A_794, %parallel_loop3A_795] {strides = array<i32>} : memref<32x1024xf32, #tpu.memory_space<vmem>>, vector<1x16xf32>,
        %parallel_loop3A_797 = vector.shape_cast %parallel_loop3A_796 : vector<1x16xf32> to vector<16xf32>
        %parallel_loop3A_798 = arith.index_cast %parallel_loop3A_788 : i32 to index
        %parallel_loop3A_799 = arith.index_cast %parallel_loop3A_792 : i32 to index
        %parallel_loop3A_800 = tpu.vector_load %arg9[%parallel_loop3A_798, %parallel_loop3A_799] {strides = array<i32>} : memref<16x1024xf32, #tpu.memory_space<vmem>>, vector<1x16xf32>,
        %parallel_loop3A_801 = vector.shape_cast %parallel_loop3A_800 : vector<1x16xf32> to vector<16xf32>
        %parallel_loop3A_802 = vector.shape_cast %parallel_loop3A_797 : vector<16xf32> to vector<1x16xf32>
        tpu.vector_store %arg9[%parallel_loop3A_798, %parallel_loop3A_799], %parallel_loop3A_802 {add = true, strides = array<i32>} : memref<16x1024xf32, #tpu.memory_space<vmem>>, vector<1x16xf32>,
      } {sc.loop_unroll_factor = 16 : i64, sc.parallel_access}
      %and3A_539 = arith.constant 3 : i32
      %and3A_540 = arith.andi %add3A_491, %and3A_539 : i32
      %mul3A_541 = arith.constant 2048 : i32
      %mul3A_542 = arith.muli %and3A_540, %mul3A_541 : i32
      %add3A_543 = arith.addi %mul3A_542, %mul3A_2 : i32
      %shift_right_arithmetic3A_544 = arith.constant 2 : i32
      %shift_right_arithmetic3A_545 = arith.shrsi %add3A_491, %shift_right_arithmetic3A_544 : i32
      %mul3A_546 = arith.constant 16 : i32
      %mul3A_547 = arith.muli %shift_right_arithmetic3A_545, %mul3A_546 : i32
      %add3A_548 = arith.addi %add3A_543, %mul3A_547 : i32
      %add3A_549 = arith.constant 0 : i32
      %add3A_550 = arith.addi %add3A_548, %add3A_549 : i32
      %dma_start3A_551 = arith.constant 0 : i32
      %dma_start3A_552 = arith.constant 0 : i32
      %dma_start3A_553 = tpu.memref_slice %arg9[%dma_start3A_551, %dma_start3A_552] : memref<16x1024xf32, #tpu.memory_space<vmem>> -> memref<4x1024xf32, #tpu.memory_space<vmem>>
      %dma_start3A_554 = arith.constant 0 : i32
      %dma_start3A_555 = tpu.memref_slice %arg5[%add3A_550, %dma_start3A_554] : memref<8192x1024xf32, #tpu.memory_space<hbm>> -> memref<4x1024xf32, #tpu.memory_space<hbm>>
      %dma_start3A_556 = arith.constant 0 : i32
      %dma_start3A_557 = tpu.memref_slice %arg5[%add3A_550, %dma_start3A_556] : memref<8192x1024xf32, #tpu.memory_space<hbm>> -> memref<4x1024xf32, #tpu.memory_space<hbm>>
      %dma_start3A_558 = arith.constant 0 : i32
      %dma_start3A_559 = arith.constant 0 : i32
      %dma_start3A_560 = tpu.memref_slice %arg9[%dma_start3A_558, %dma_start3A_559] : memref<16x1024xf32, #tpu.memory_space<vmem>> -> memref<4x1024xf32, #tpu.memory_space<vmem>>
      tpu.enqueue_dma source(%dma_start3A_560 : memref<4x1024xf32, #tpu.memory_space<vmem>>) target(%dma_start3A_557 : memref<4x1024xf32, #tpu.memory_space<hbm>>) target_semaphore(%arg18 : memref<!tpu.dma_semaphore, #tpu.memory_space<semaphore_mem>>)
      %parallel_loop3A_561 = arith.constant 0 : i32
      %parallel_loop3A_562 = arith.constant 256 : i32
      %parallel_loop3A_563 = arith.constant 1 : i32
      scf.for %parallel_loop3A_784 = %parallel_loop3A_561 to %parallel_loop3A_562 step %parallel_loop3A_563  : i32 {
        %parallel_loop3A_785 = arith.constant 6 : i32
        %parallel_loop3A_786 = arith.shrui %parallel_loop3A_784, %parallel_loop3A_785 : i32
        %parallel_loop3A_787 = arith.constant 4 : i32
        %parallel_loop3A_788 = arith.addi %parallel_loop3A_786, %parallel_loop3A_787 : i32
        %parallel_loop3A_789 = arith.constant 63 : i32
        %parallel_loop3A_790 = arith.andi %parallel_loop3A_784, %parallel_loop3A_789 : i32
        %parallel_loop3A_791 = arith.constant 16 : i32
        %parallel_loop3A_792 = arith.muli %parallel_loop3A_790, %parallel_loop3A_791 : i32
        %parallel_loop3A_793 = arith.addi %mul3A_535, %parallel_loop3A_788 : i32
        %parallel_loop3A_794 = arith.index_cast %parallel_loop3A_793 : i32 to index
        %parallel_loop3A_795 = arith.index_cast %parallel_loop3A_792 : i32 to index
        %parallel_loop3A_796 = tpu.vector_load %arg6[%parallel_loop3A_794, %parallel_loop3A_795] {strides = array<i32>} : memref<32x1024xf32, #tpu.memory_space<vmem>>, vector<1x16xf32>,
        %parallel_loop3A_797 = vector.shape_cast %parallel_loop3A_796 : vector<1x16xf32> to vector<16xf32>
        %parallel_loop3A_798 = arith.index_cast %parallel_loop3A_788 : i32 to index
        %parallel_loop3A_799 = arith.index_cast %parallel_loop3A_792 : i32 to index
        %parallel_loop3A_800 = tpu.vector_load %arg9[%parallel_loop3A_798, %parallel_loop3A_799] {strides = array<i32>} : memref<16x1024xf32, #tpu.memory_space<vmem>>, vector<1x16xf32>,
        %parallel_loop3A_801 = vector.shape_cast %parallel_loop3A_800 : vector<1x16xf32> to vector<16xf32>
        %parallel_loop3A_802 = vector.shape_cast %parallel_loop3A_797 : vector<16xf32> to vector<1x16xf32>
        tpu.vector_store %arg9[%parallel_loop3A_798, %parallel_loop3A_799], %parallel_loop3A_802 {add = true, strides = array<i32>} : memref<16x1024xf32, #tpu.memory_space<vmem>>, vector<1x16xf32>,
      } {sc.loop_unroll_factor = 16 : i64, sc.parallel_access}
      %and3A_564 = arith.constant 3 : i32
      %and3A_565 = arith.andi %add3A_491, %and3A_564 : i32
      %mul3A_566 = arith.constant 2048 : i32
      %mul3A_567 = arith.muli %and3A_565, %mul3A_566 : i32
      %add3A_568 = arith.addi %mul3A_567, %mul3A_2 : i32
      %shift_right_arithmetic3A_569 = arith.constant 2 : i32
      %shift_right_arithmetic3A_570 = arith.shrsi %add3A_491, %shift_right_arithmetic3A_569 : i32
      %mul3A_571 = arith.constant 16 : i32
      %mul3A_572 = arith.muli %shift_right_arithmetic3A_570, %mul3A_571 : i32
      %add3A_573 = arith.addi %add3A_568, %mul3A_572 : i32
      %add3A_574 = arith.constant 4 : i32
      %add3A_575 = arith.addi %add3A_573, %add3A_574 : i32
      %dma_start3A_576 = arith.constant 4 : i32
      %dma_start3A_577 = arith.constant 0 : i32
      %dma_start3A_578 = tpu.memref_slice %arg9[%dma_start3A_576, %dma_start3A_577] : memref<16x1024xf32, #tpu.memory_space<vmem>> -> memref<4x1024xf32, #tpu.memory_space<vmem>>
      %dma_start3A_579 = arith.constant 0 : i32
      %dma_start3A_580 = tpu.memref_slice %arg5[%add3A_575, %dma_start3A_579] : memref<8192x1024xf32, #tpu.memory_space<hbm>> -> memref<4x1024xf32, #tpu.memory_space<hbm>>
      %dma_start3A_581 = arith.constant 0 : i32
      %dma_start3A_582 = tpu.memref_slice %arg5[%add3A_575, %dma_start3A_581] : memref<8192x1024xf32, #tpu.memory_space<hbm>> -> memref<4x1024xf32, #tpu.memory_space<hbm>>
      %dma_start3A_583 = arith.constant 4 : i32
      %dma_start3A_584 = arith.constant 0 : i32
      %dma_start3A_585 = tpu.memref_slice %arg9[%dma_start3A_583, %dma_start3A_584] : memref<16x1024xf32, #tpu.memory_space<vmem>> -> memref<4x1024xf32, #tpu.memory_space<vmem>>
      tpu.enqueue_dma source(%dma_start3A_585 : memref<4x1024xf32, #tpu.memory_space<vmem>>) target(%dma_start3A_582 : memref<4x1024xf32, #tpu.memory_space<hbm>>) target_semaphore(%arg18 : memref<!tpu.dma_semaphore, #tpu.memory_space<semaphore_mem>>)
      %parallel_loop3A_586 = arith.constant 0 : i32
      %parallel_loop3A_587 = arith.constant 256 : i32
      %parallel_loop3A_588 = arith.constant 1 : i32
      scf.for %parallel_loop3A_784 = %parallel_loop3A_586 to %parallel_loop3A_587 step %parallel_loop3A_588  : i32 {
        %parallel_loop3A_785 = arith.constant 6 : i32
        %parallel_loop3A_786 = arith.shrui %parallel_loop3A_784, %parallel_loop3A_785 : i32
        %parallel_loop3A_787 = arith.constant 8 : i32
        %parallel_loop3A_788 = arith.addi %parallel_loop3A_786, %parallel_loop3A_787 : i32
        %parallel_loop3A_789 = arith.constant 63 : i32
        %parallel_loop3A_790 = arith.andi %parallel_loop3A_784, %parallel_loop3A_789 : i32
        %parallel_loop3A_791 = arith.constant 16 : i32
        %parallel_loop3A_792 = arith.muli %parallel_loop3A_790, %parallel_loop3A_791 : i32
        %parallel_loop3A_793 = arith.addi %mul3A_535, %parallel_loop3A_788 : i32
        %parallel_loop3A_794 = arith.index_cast %parallel_loop3A_793 : i32 to index
        %parallel_loop3A_795 = arith.index_cast %parallel_loop3A_792 : i32 to index
        %parallel_loop3A_796 = tpu.vector_load %arg6[%parallel_loop3A_794, %parallel_loop3A_795] {strides = array<i32>} : memref<32x1024xf32, #tpu.memory_space<vmem>>, vector<1x16xf32>,
        %parallel_loop3A_797 = vector.shape_cast %parallel_loop3A_796 : vector<1x16xf32> to vector<16xf32>
        %parallel_loop3A_798 = arith.index_cast %parallel_loop3A_788 : i32 to index
        %parallel_loop3A_799 = arith.index_cast %parallel_loop3A_792 : i32 to index
        %parallel_loop3A_800 = tpu.vector_load %arg9[%parallel_loop3A_798, %parallel_loop3A_799] {strides = array<i32>} : memref<16x1024xf32, #tpu.memory_space<vmem>>, vector<1x16xf32>,
        %parallel_loop3A_801 = vector.shape_cast %parallel_loop3A_800 : vector<1x16xf32> to vector<16xf32>
        %parallel_loop3A_802 = vector.shape_cast %parallel_loop3A_797 : vector<16xf32> to vector<1x16xf32>
        tpu.vector_store %arg9[%parallel_loop3A_798, %parallel_loop3A_799], %parallel_loop3A_802 {add = true, strides = array<i32>} : memref<16x1024xf32, #tpu.memory_space<vmem>>, vector<1x16xf32>,
      } {sc.loop_unroll_factor = 16 : i64, sc.parallel_access}
      %and3A_589 = arith.constant 3 : i32
      %and3A_590 = arith.andi %add3A_491, %and3A_589 : i32
      %mul3A_591 = arith.constant 2048 : i32
      %mul3A_592 = arith.muli %and3A_590, %mul3A_591 : i32
      %add3A_593 = arith.addi %mul3A_592, %mul3A_2 : i32
      %shift_right_arithmetic3A_594 = arith.constant 2 : i32
      %shift_right_arithmetic3A_595 = arith.shrsi %add3A_491, %shift_right_arithmetic3A_594 : i32
      %mul3A_596 = arith.constant 16 : i32
      %mul3A_597 = arith.muli %shift_right_arithmetic3A_595, %mul3A_596 : i32
      %add3A_598 = arith.addi %add3A_593, %mul3A_597 : i32
      %add3A_599 = arith.constant 8 : i32
      %add3A_600 = arith.addi %add3A_598, %add3A_599 : i32
      %dma_start3A_601 = arith.constant 8 : i32
      %dma_start3A_602 = arith.constant 0 : i32
      %dma_start3A_603 = tpu.memref_slice %arg9[%dma_start3A_601, %dma_start3A_602] : memref<16x1024xf32, #tpu.memory_space<vmem>> -> memref<4x1024xf32, #tpu.memory_space<vmem>>
      %dma_start3A_604 = arith.constant 0 : i32
      %dma_start3A_605 = tpu.memref_slice %arg5[%add3A_600, %dma_start3A_604] : memref<8192x1024xf32, #tpu.memory_space<hbm>> -> memref<4x1024xf32, #tpu.memory_space<hbm>>
      %dma_start3A_606 = arith.constant 0 : i32
      %dma_start3A_607 = tpu.memref_slice %arg5[%add3A_600, %dma_start3A_606] : memref<8192x1024xf32, #tpu.memory_space<hbm>> -> memref<4x1024xf32, #tpu.memory_space<hbm>>
      %dma_start3A_608 = arith.constant 8 : i32
      %dma_start3A_609 = arith.constant 0 : i32
      %dma_start3A_610 = tpu.memref_slice %arg9[%dma_start3A_608, %dma_start3A_609] : memref<16x1024xf32, #tpu.memory_space<vmem>> -> memref<4x1024xf32, #tpu.memory_space<vmem>>
      tpu.enqueue_dma source(%dma_start3A_610 : memref<4x1024xf32, #tpu.memory_space<vmem>>) target(%dma_start3A_607 : memref<4x1024xf32, #tpu.memory_space<hbm>>) target_semaphore(%arg18 : memref<!tpu.dma_semaphore, #tpu.memory_space<semaphore_mem>>)
      %parallel_loop3A_611 = arith.constant 0 : i32
      %parallel_loop3A_612 = arith.constant 256 : i32
      %parallel_loop3A_613 = arith.constant 1 : i32
      scf.for %parallel_loop3A_784 = %parallel_loop3A_611 to %parallel_loop3A_612 step %parallel_loop3A_613  : i32 {
        %parallel_loop3A_785 = arith.constant 6 : i32
        %parallel_loop3A_786 = arith.shrui %parallel_loop3A_784, %parallel_loop3A_785 : i32
        %parallel_loop3A_787 = arith.constant 12 : i32
        %parallel_loop3A_788 = arith.addi %parallel_loop3A_786, %parallel_loop3A_787 : i32
        %parallel_loop3A_789 = arith.constant 63 : i32
        %parallel_loop3A_790 = arith.andi %parallel_loop3A_784, %parallel_loop3A_789 : i32
        %parallel_loop3A_791 = arith.constant 16 : i32
        %parallel_loop3A_792 = arith.muli %parallel_loop3A_790, %parallel_loop3A_791 : i32
        %parallel_loop3A_793 = arith.addi %mul3A_535, %parallel_loop3A_788 : i32
        %parallel_loop3A_794 = arith.index_cast %parallel_loop3A_793 : i32 to index
        %parallel_loop3A_795 = arith.index_cast %parallel_loop3A_792 : i32 to index
        %parallel_loop3A_796 = tpu.vector_load %arg6[%parallel_loop3A_794, %parallel_loop3A_795] {strides = array<i32>} : memref<32x1024xf32, #tpu.memory_space<vmem>>, vector<1x16xf32>,
        %parallel_loop3A_797 = vector.shape_cast %parallel_loop3A_796 : vector<1x16xf32> to vector<16xf32>
        %parallel_loop3A_798 = arith.index_cast %parallel_loop3A_788 : i32 to index
        %parallel_loop3A_799 = arith.index_cast %parallel_loop3A_792 : i32 to index
        %parallel_loop3A_800 = tpu.vector_load %arg9[%parallel_loop3A_798, %parallel_loop3A_799] {strides = array<i32>} : memref<16x1024xf32, #tpu.memory_space<vmem>>, vector<1x16xf32>,
        %parallel_loop3A_801 = vector.shape_cast %parallel_loop3A_800 : vector<1x16xf32> to vector<16xf32>
        %parallel_loop3A_802 = vector.shape_cast %parallel_loop3A_797 : vector<16xf32> to vector<1x16xf32>
        tpu.vector_store %arg9[%parallel_loop3A_798, %parallel_loop3A_799], %parallel_loop3A_802 {add = true, strides = array<i32>} : memref<16x1024xf32, #tpu.memory_space<vmem>>, vector<1x16xf32>,
      } {sc.loop_unroll_factor = 16 : i64, sc.parallel_access}
      %and3A_614 = arith.constant 3 : i32
      %and3A_615 = arith.andi %add3A_491, %and3A_614 : i32
      %mul3A_616 = arith.constant 2048 : i32
      %mul3A_617 = arith.muli %and3A_615, %mul3A_616 : i32
      %add3A_618 = arith.addi %mul3A_617, %mul3A_2 : i32
      %shift_right_arithmetic3A_619 = arith.constant 2 : i32
      %shift_right_arithmetic3A_620 = arith.shrsi %add3A_491, %shift_right_arithmetic3A_619 : i32
      %mul3A_621 = arith.constant 16 : i32
      %mul3A_622 = arith.muli %shift_right_arithmetic3A_620, %mul3A_621 : i32
      %add3A_623 = arith.addi %add3A_618, %mul3A_622 : i32
      %add3A_624 = arith.constant 12 : i32
      %add3A_625 = arith.addi %add3A_623, %add3A_624 : i32
      %dma_start3A_626 = arith.constant 12 : i32
      %dma_start3A_627 = arith.constant 0 : i32
      %dma_start3A_628 = tpu.memref_slice %arg9[%dma_start3A_626, %dma_start3A_627] : memref<16x1024xf32, #tpu.memory_space<vmem>> -> memref<4x1024xf32, #tpu.memory_space<vmem>>
      %dma_start3A_629 = arith.constant 0 : i32
      %dma_start3A_630 = tpu.memref_slice %arg5[%add3A_625, %dma_start3A_629] : memref<8192x1024xf32, #tpu.memory_space<hbm>> -> memref<4x1024xf32, #tpu.memory_space<hbm>>
      %dma_start3A_631 = arith.constant 0 : i32
      %dma_start3A_632 = tpu.memref_slice %arg5[%add3A_625, %dma_start3A_631] : memref<8192x1024xf32, #tpu.memory_space<hbm>> -> memref<4x1024xf32, #tpu.memory_space<hbm>>
      %dma_start3A_633 = arith.constant 12 : i32
      %dma_start3A_634 = arith.constant 0 : i32
      %dma_start3A_635 = tpu.memref_slice %arg9[%dma_start3A_633, %dma_start3A_634] : memref<16x1024xf32, #tpu.memory_space<vmem>> -> memref<4x1024xf32, #tpu.memory_space<vmem>>
      tpu.enqueue_dma source(%dma_start3A_635 : memref<4x1024xf32, #tpu.memory_space<vmem>>) target(%dma_start3A_632 : memref<4x1024xf32, #tpu.memory_space<hbm>>) target_semaphore(%arg18 : memref<!tpu.dma_semaphore, #tpu.memory_space<semaphore_mem>>)
      %mul3A_636 = arith.constant 4 : i32
      %mul3A_637 = arith.muli %mul3A_636, %scan3A_200 : i32
      %add3A_638 = arith.constant 3 : i32
      %add3A_639 = arith.addi %mul3A_637, %add3A_638 : i32
      %ge3A_640 = arith.constant 2 : i32
      %ge3A_641 = arith.cmpi sge, %add3A_639, %ge3A_640 : i32
      %convert_element_type3A_642 = arith.extui %ge3A_641 : i1 to i32
      %cond3A_643 = arith.constant 0 : i32
      %cond3A_644 = arith.cmpi ne, %convert_element_type3A_642, %cond3A_643 : i32
      scf.if %cond3A_644 {
        %sub3A = arith.constant 2 : i32
        %sub3A_784 = arith.subi %add3A_639, %sub3A : i32
        %and3A_785 = arith.constant 3 : i32
        %and3A_786 = arith.andi %sub3A_784, %and3A_785 : i32
        %mul3A_787 = arith.constant 2048 : i32
        %mul3A_788 = arith.muli %and3A_786, %mul3A_787 : i32
        %add3A_789 = arith.addi %mul3A_788, %mul3A_2 : i32
        %shift_right_arithmetic3A_790 = arith.constant 2 : i32
        %shift_right_arithmetic3A_791 = arith.shrsi %sub3A_784, %shift_right_arithmetic3A_790 : i32
        %mul3A_792 = arith.constant 16 : i32
        %mul3A_793 = arith.muli %shift_right_arithmetic3A_791, %mul3A_792 : i32
        %add3A_794 = arith.addi %add3A_789, %mul3A_793 : i32
        %add3A_795 = arith.constant 0 : i32
        %add3A_796 = arith.addi %add3A_794, %add3A_795 : i32
        %dma_wait3A_797 = arith.constant 0 : i32
        %dma_wait3A_798 = arith.constant 0 : i32
        %dma_wait3A_799 = tpu.memref_slice %arg8[%dma_wait3A_797, %dma_wait3A_798] : memref<16x1024xf32, #tpu.memory_space<vmem>> -> memref<4x1024xf32, #tpu.memory_space<vmem>>
        %dma_wait3A_800 = arith.constant 0 : i32
        %dma_wait3A_801 = tpu.memref_slice %arg5[%add3A_796, %dma_wait3A_800] : memref<8192x1024xf32, #tpu.memory_space<hbm>> -> memref<4x1024xf32, #tpu.memory_space<hbm>>
        %dma_wait3A_802 = arith.constant 0 : i32
        %dma_wait3A_803 = tpu.memref_slice %arg5[%add3A_796, %dma_wait3A_802] : memref<8192x1024xf32, #tpu.memory_space<hbm>> -> memref<4x1024xf32, #tpu.memory_space<hbm>>
        %dma_wait3A_804 = arith.constant 0 : i32
        %dma_wait3A_805 = arith.constant 0 : i32
        %dma_wait3A_806 = tpu.memref_slice %arg8[%dma_wait3A_804, %dma_wait3A_805] : memref<16x1024xf32, #tpu.memory_space<vmem>> -> memref<4x1024xf32, #tpu.memory_space<vmem>>
        tpu.wait_dma2 semaphore(%arg17 : memref<!tpu.dma_semaphore, #tpu.memory_space<semaphore_mem>>) src(%dma_wait3A_806 : memref<4x1024xf32, #tpu.memory_space<vmem>>) dst(%dma_wait3A_803 : memref<4x1024xf32, #tpu.memory_space<hbm>>)
        %sub3A_807 = arith.constant 2 : i32
        %sub3A_808 = arith.subi %add3A_639, %sub3A_807 : i32
        %and3A_809 = arith.constant 3 : i32
        %and3A_810 = arith.andi %sub3A_808, %and3A_809 : i32
        %mul3A_811 = arith.constant 2048 : i32
        %mul3A_812 = arith.muli %and3A_810, %mul3A_811 : i32
        %add3A_813 = arith.addi %mul3A_812, %mul3A_2 : i32
        %shift_right_arithmetic3A_814 = arith.constant 2 : i32
        %shift_right_arithmetic3A_815 = arith.shrsi %sub3A_808, %shift_right_arithmetic3A_814 : i32
        %mul3A_816 = arith.constant 16 : i32
        %mul3A_817 = arith.muli %shift_right_arithmetic3A_815, %mul3A_816 : i32
        %add3A_818 = arith.addi %add3A_813, %mul3A_817 : i32
        %add3A_819 = arith.constant 4 : i32
        %add3A_820 = arith.addi %add3A_818, %add3A_819 : i32
        %dma_wait3A_821 = arith.constant 4 : i32
        %dma_wait3A_822 = arith.constant 0 : i32
        %dma_wait3A_823 = tpu.memref_slice %arg8[%dma_wait3A_821, %dma_wait3A_822] : memref<16x1024xf32, #tpu.memory_space<vmem>> -> memref<4x1024xf32, #tpu.memory_space<vmem>>
        %dma_wait3A_824 = arith.constant 0 : i32
        %dma_wait3A_825 = tpu.memref_slice %arg5[%add3A_820, %dma_wait3A_824] : memref<8192x1024xf32, #tpu.memory_space<hbm>> -> memref<4x1024xf32, #tpu.memory_space<hbm>>
        %dma_wait3A_826 = arith.constant 0 : i32
        %dma_wait3A_827 = tpu.memref_slice %arg5[%add3A_820, %dma_wait3A_826] : memref<8192x1024xf32, #tpu.memory_space<hbm>> -> memref<4x1024xf32, #tpu.memory_space<hbm>>
        %dma_wait3A_828 = arith.constant 4 : i32
        %dma_wait3A_829 = arith.constant 0 : i32
        %dma_wait3A_830 = tpu.memref_slice %arg8[%dma_wait3A_828, %dma_wait3A_829] : memref<16x1024xf32, #tpu.memory_space<vmem>> -> memref<4x1024xf32, #tpu.memory_space<vmem>>
        tpu.wait_dma2 semaphore(%arg17 : memref<!tpu.dma_semaphore, #tpu.memory_space<semaphore_mem>>) src(%dma_wait3A_830 : memref<4x1024xf32, #tpu.memory_space<vmem>>) dst(%dma_wait3A_827 : memref<4x1024xf32, #tpu.memory_space<hbm>>)
        %sub3A_831 = arith.constant 2 : i32
        %sub3A_832 = arith.subi %add3A_639, %sub3A_831 : i32
        %and3A_833 = arith.constant 3 : i32
        %and3A_834 = arith.andi %sub3A_832, %and3A_833 : i32
        %mul3A_835 = arith.constant 2048 : i32
        %mul3A_836 = arith.muli %and3A_834, %mul3A_835 : i32
        %add3A_837 = arith.addi %mul3A_836, %mul3A_2 : i32
        %shift_right_arithmetic3A_838 = arith.constant 2 : i32
        %shift_right_arithmetic3A_839 = arith.shrsi %sub3A_832, %shift_right_arithmetic3A_838 : i32
        %mul3A_840 = arith.constant 16 : i32
        %mul3A_841 = arith.muli %shift_right_arithmetic3A_839, %mul3A_840 : i32
        %add3A_842 = arith.addi %add3A_837, %mul3A_841 : i32
        %add3A_843 = arith.constant 8 : i32
        %add3A_844 = arith.addi %add3A_842, %add3A_843 : i32
        %dma_wait3A_845 = arith.constant 8 : i32
        %dma_wait3A_846 = arith.constant 0 : i32
        %dma_wait3A_847 = tpu.memref_slice %arg8[%dma_wait3A_845, %dma_wait3A_846] : memref<16x1024xf32, #tpu.memory_space<vmem>> -> memref<4x1024xf32, #tpu.memory_space<vmem>>
        %dma_wait3A_848 = arith.constant 0 : i32
        %dma_wait3A_849 = tpu.memref_slice %arg5[%add3A_844, %dma_wait3A_848] : memref<8192x1024xf32, #tpu.memory_space<hbm>> -> memref<4x1024xf32, #tpu.memory_space<hbm>>
        %dma_wait3A_850 = arith.constant 0 : i32
        %dma_wait3A_851 = tpu.memref_slice %arg5[%add3A_844, %dma_wait3A_850] : memref<8192x1024xf32, #tpu.memory_space<hbm>> -> memref<4x1024xf32, #tpu.memory_space<hbm>>
        %dma_wait3A_852 = arith.constant 8 : i32
        %dma_wait3A_853 = arith.constant 0 : i32
        %dma_wait3A_854 = tpu.memref_slice %arg8[%dma_wait3A_852, %dma_wait3A_853] : memref<16x1024xf32, #tpu.memory_space<vmem>> -> memref<4x1024xf32, #tpu.memory_space<vmem>>
        tpu.wait_dma2 semaphore(%arg17 : memref<!tpu.dma_semaphore, #tpu.memory_space<semaphore_mem>>) src(%dma_wait3A_854 : memref<4x1024xf32, #tpu.memory_space<vmem>>) dst(%dma_wait3A_851 : memref<4x1024xf32, #tpu.memory_space<hbm>>)
        %sub3A_855 = arith.constant 2 : i32
        %sub3A_856 = arith.subi %add3A_639, %sub3A_855 : i32
        %and3A_857 = arith.constant 3 : i32
        %and3A_858 = arith.andi %sub3A_856, %and3A_857 : i32
        %mul3A_859 = arith.constant 2048 : i32
        %mul3A_860 = arith.muli %and3A_858, %mul3A_859 : i32
        %add3A_861 = arith.addi %mul3A_860, %mul3A_2 : i32
        %shift_right_arithmetic3A_862 = arith.constant 2 : i32
        %shift_right_arithmetic3A_863 = arith.shrsi %sub3A_856, %shift_right_arithmetic3A_862 : i32
        %mul3A_864 = arith.constant 16 : i32
        %mul3A_865 = arith.muli %shift_right_arithmetic3A_863, %mul3A_864 : i32
        %add3A_866 = arith.addi %add3A_861, %mul3A_865 : i32
        %add3A_867 = arith.constant 12 : i32
        %add3A_868 = arith.addi %add3A_866, %add3A_867 : i32
        %dma_wait3A_869 = arith.constant 12 : i32
        %dma_wait3A_870 = arith.constant 0 : i32
        %dma_wait3A_871 = tpu.memref_slice %arg8[%dma_wait3A_869, %dma_wait3A_870] : memref<16x1024xf32, #tpu.memory_space<vmem>> -> memref<4x1024xf32, #tpu.memory_space<vmem>>
        %dma_wait3A_872 = arith.constant 0 : i32
        %dma_wait3A_873 = tpu.memref_slice %arg5[%add3A_868, %dma_wait3A_872] : memref<8192x1024xf32, #tpu.memory_space<hbm>> -> memref<4x1024xf32, #tpu.memory_space<hbm>>
        %dma_wait3A_874 = arith.constant 0 : i32
        %dma_wait3A_875 = tpu.memref_slice %arg5[%add3A_868, %dma_wait3A_874] : memref<8192x1024xf32, #tpu.memory_space<hbm>> -> memref<4x1024xf32, #tpu.memory_space<hbm>>
        %dma_wait3A_876 = arith.constant 12 : i32
        %dma_wait3A_877 = arith.constant 0 : i32
        %dma_wait3A_878 = tpu.memref_slice %arg8[%dma_wait3A_876, %dma_wait3A_877] : memref<16x1024xf32, #tpu.memory_space<vmem>> -> memref<4x1024xf32, #tpu.memory_space<vmem>>
        tpu.wait_dma2 semaphore(%arg17 : memref<!tpu.dma_semaphore, #tpu.memory_space<semaphore_mem>>) src(%dma_wait3A_878 : memref<4x1024xf32, #tpu.memory_space<vmem>>) dst(%dma_wait3A_875 : memref<4x1024xf32, #tpu.memory_space<hbm>>)
      } else {
      }
      %le3A_645 = arith.constant 13 : i32
      %le3A_646 = arith.cmpi sle, %add3A_639, %le3A_645 : i32
      %convert_element_type3A_647 = arith.extui %le3A_646 : i1 to i32
      %cond3A_648 = arith.constant 0 : i32
      %cond3A_649 = arith.cmpi ne, %convert_element_type3A_647, %cond3A_648 : i32
      scf.if %cond3A_649 {
        %add3A_784 = arith.constant 2 : i32
        %add3A_785 = arith.addi %add3A_639, %add3A_784 : i32
        %and3A_786 = arith.constant 3 : i32
        %and3A_787 = arith.andi %add3A_785, %and3A_786 : i32
        %mul3A_788 = arith.constant 64 : i32
        %mul3A_789 = arith.muli %and3A_787, %mul3A_788 : i32
        %shift_right_arithmetic3A_790 = arith.constant 2 : i32
        %shift_right_arithmetic3A_791 = arith.shrsi %add3A_785, %shift_right_arithmetic3A_790 : i32
        %mul3A_792 = arith.constant 16 : i32
        %mul3A_793 = arith.muli %shift_right_arithmetic3A_791, %mul3A_792 : i32
        %add3A_794 = arith.addi %mul3A_789, %mul3A_793 : i32
        %dma_start3A_795 = tpu.memref_slice %arg11[%add3A_794] : memref<256xi32, #tpu.memory_space<vmem>> -> memref<16xi32, #tpu.memory_space<vmem>>
        %dma_start3A_796 = arith.constant 0 : i32
        %dma_start3A_797 = arith.constant 0 : i32
        %dma_start3A_798 = tpu.memref_slice %arg3[%dma_start3A_796, %dma_start3A_797] : memref<100000x1024xf32, #tpu.memory_space<hbm>> -> memref<100000x1024xf32, #tpu.memory_space<hbm>>
        tpu.enqueue_indirect_dma source(%dma_start3A_798 : memref<100000x1024xf32, #tpu.memory_space<hbm>>) target(%arg8 : memref<16x1024xf32, #tpu.memory_space<vmem>>) offsets(%dma_start3A_795 : memref<16xi32, #tpu.memory_space<vmem>>) semaphore(%arg13 : memref<!tpu.dma_semaphore, #tpu.memory_space<semaphore_mem>>)
      } else {
      }
      %and3A_650 = arith.constant 3 : i32
      %and3A_651 = arith.andi %add3A_639, %and3A_650 : i32
      %mul3A_652 = arith.constant 64 : i32
      %mul3A_653 = arith.muli %and3A_651, %mul3A_652 : i32
      %shift_right_arithmetic3A_654 = arith.constant 2 : i32
      %shift_right_arithmetic3A_655 = arith.shrsi %add3A_639, %shift_right_arithmetic3A_654 : i32
      %mul3A_656 = arith.constant 16 : i32
      %mul3A_657 = arith.muli %shift_right_arithmetic3A_655, %mul3A_656 : i32
      %add3A_658 = arith.addi %mul3A_653, %mul3A_657 : i32
      %dma_wait3A_659 = tpu.memref_slice %arg11[%add3A_658] : memref<256xi32, #tpu.memory_space<vmem>> -> memref<16xi32, #tpu.memory_space<vmem>>
      %dma_wait3A_660 = arith.constant 0 : i32
      %dma_wait3A_661 = arith.constant 0 : i32
      %dma_wait3A_662 = tpu.memref_slice %arg3[%dma_wait3A_660, %dma_wait3A_661] : memref<100000x1024xf32, #tpu.memory_space<hbm>> -> memref<100000x1024xf32, #tpu.memory_space<hbm>>
      tpu.wait_indirect_dma semaphore(%arg15 : memref<!tpu.dma_semaphore, #tpu.memory_space<semaphore_mem>>) src(%dma_wait3A_662 : memref<100000x1024xf32, #tpu.memory_space<hbm>>) dst(%arg10 : memref<16x1024xf32, #tpu.memory_space<vmem>>)
      %eq3A_663 = arith.constant 6 : i32
      %eq3A_664 = arith.cmpi eq, %add3A_639, %eq3A_663 : i32
      %convert_element_type3A_665 = arith.extui %eq3A_664 : i1 to i32
      %cond3A_666 = arith.constant 0 : i32
      %cond3A_667 = arith.cmpi ne, %convert_element_type3A_665, %cond3A_666 : i32
      scf.if %cond3A_667 {
        %add3A_784 = arith.constant 32 : i32
        %add3A_785 = arith.addi %mul3A_2, %add3A_784 : i32
        %dma_start3A_786 = arith.constant 0 : i32
        %dma_start3A_787 = arith.constant 0 : i32
        %dma_start3A_788 = tpu.memref_slice %arg6[%dma_start3A_786, %dma_start3A_787] : memref<32x1024xf32, #tpu.memory_space<vmem>> -> memref<16x1024xf32, #tpu.memory_space<vmem>>
        %dma_start3A_789 = arith.constant 0 : i32
        %dma_start3A_790 = tpu.memref_slice %arg4[%add3A_785, %dma_start3A_789] : memref<2048x1024xf32, #tpu.memory_space<hbm>> -> memref<16x1024xf32, #tpu.memory_space<hbm>>
        %dma_start3A_791 = arith.constant 0 : i32
        %dma_start3A_792 = arith.constant 0 : i32
        %dma_start3A_793 = tpu.memref_slice %arg6[%dma_start3A_791, %dma_start3A_792] : memref<32x1024xf32, #tpu.memory_space<vmem>> -> memref<16x1024xf32, #tpu.memory_space<vmem>>
        %dma_start3A_794 = arith.constant 0 : i32
        %dma_start3A_795 = tpu.memref_slice %arg4[%add3A_785, %dma_start3A_794] : memref<2048x1024xf32, #tpu.memory_space<hbm>> -> memref<16x1024xf32, #tpu.memory_space<hbm>>
        tpu.enqueue_dma source(%dma_start3A_795 : memref<16x1024xf32, #tpu.memory_space<hbm>>) target(%dma_start3A_793 : memref<16x1024xf32, #tpu.memory_space<vmem>>) target_semaphore(%arg20 : memref<!tpu.dma_semaphore, #tpu.memory_space<semaphore_mem>>)
      } else {
      }
      %eq3A_668 = arith.constant 8 : i32
      %eq3A_669 = arith.cmpi eq, %add3A_639, %eq3A_668 : i32
      %convert_element_type3A_670 = arith.extui %eq3A_669 : i1 to i32
      %cond3A_671 = arith.constant 0 : i32
      %cond3A_672 = arith.cmpi ne, %convert_element_type3A_670, %cond3A_671 : i32
      scf.if %cond3A_672 {
        %add3A_784 = arith.constant 32 : i32
        %add3A_785 = arith.addi %mul3A_2, %add3A_784 : i32
        %dma_wait3A_786 = arith.constant 0 : i32
        %dma_wait3A_787 = arith.constant 0 : i32
        %dma_wait3A_788 = tpu.memref_slice %arg6[%dma_wait3A_786, %dma_wait3A_787] : memref<32x1024xf32, #tpu.memory_space<vmem>> -> memref<16x1024xf32, #tpu.memory_space<vmem>>
        %dma_wait3A_789 = arith.constant 0 : i32
        %dma_wait3A_790 = tpu.memref_slice %arg4[%add3A_785, %dma_wait3A_789] : memref<2048x1024xf32, #tpu.memory_space<hbm>> -> memref<16x1024xf32, #tpu.memory_space<hbm>>
        %dma_wait3A_791 = arith.constant 0 : i32
        %dma_wait3A_792 = arith.constant 0 : i32
        %dma_wait3A_793 = tpu.memref_slice %arg6[%dma_wait3A_791, %dma_wait3A_792] : memref<32x1024xf32, #tpu.memory_space<vmem>> -> memref<16x1024xf32, #tpu.memory_space<vmem>>
        %dma_wait3A_794 = arith.constant 0 : i32
        %dma_wait3A_795 = tpu.memref_slice %arg4[%add3A_785, %dma_wait3A_794] : memref<2048x1024xf32, #tpu.memory_space<hbm>> -> memref<16x1024xf32, #tpu.memory_space<hbm>>
        tpu.wait_dma2 semaphore(%arg20 : memref<!tpu.dma_semaphore, #tpu.memory_space<semaphore_mem>>) src(%dma_wait3A_795 : memref<16x1024xf32, #tpu.memory_space<hbm>>) dst(%dma_wait3A_793 : memref<16x1024xf32, #tpu.memory_space<vmem>>)
        %add3A_796 = arith.constant 32 : i32
        %add3A_797 = arith.addi %mul3A_2, %add3A_796 : i32
        %add3A_798 = arith.constant 16 : i32
        %add3A_799 = arith.addi %add3A_797, %add3A_798 : i32
        %dma_start3A_800 = arith.constant 16 : i32
        %dma_start3A_801 = arith.constant 0 : i32
        %dma_start3A_802 = tpu.memref_slice %arg6[%dma_start3A_800, %dma_start3A_801] : memref<32x1024xf32, #tpu.memory_space<vmem>> -> memref<16x1024xf32, #tpu.memory_space<vmem>>
        %dma_start3A_803 = arith.constant 0 : i32
        %dma_start3A_804 = tpu.memref_slice %arg4[%add3A_799, %dma_start3A_803] : memref<2048x1024xf32, #tpu.memory_space<hbm>> -> memref<16x1024xf32, #tpu.memory_space<hbm>>
        %dma_start3A_805 = arith.constant 16 : i32
        %dma_start3A_806 = arith.constant 0 : i32
        %dma_start3A_807 = tpu.memref_slice %arg6[%dma_start3A_805, %dma_start3A_806] : memref<32x1024xf32, #tpu.memory_space<vmem>> -> memref<16x1024xf32, #tpu.memory_space<vmem>>
        %dma_start3A_808 = arith.constant 0 : i32
        %dma_start3A_809 = tpu.memref_slice %arg4[%add3A_799, %dma_start3A_808] : memref<2048x1024xf32, #tpu.memory_space<hbm>> -> memref<16x1024xf32, #tpu.memory_space<hbm>>
        tpu.enqueue_dma source(%dma_start3A_809 : memref<16x1024xf32, #tpu.memory_space<hbm>>) target(%dma_start3A_807 : memref<16x1024xf32, #tpu.memory_space<vmem>>) target_semaphore(%arg20 : memref<!tpu.dma_semaphore, #tpu.memory_space<semaphore_mem>>)
      } else {
      }
      %eq3A_673 = arith.constant 12 : i32
      %eq3A_674 = arith.cmpi eq, %add3A_639, %eq3A_673 : i32
      %convert_element_type3A_675 = arith.extui %eq3A_674 : i1 to i32
      %cond3A_676 = arith.constant 0 : i32
      %cond3A_677 = arith.cmpi ne, %convert_element_type3A_675, %cond3A_676 : i32
      scf.if %cond3A_677 {
        %add3A_784 = arith.constant 32 : i32
        %add3A_785 = arith.addi %mul3A_2, %add3A_784 : i32
        %add3A_786 = arith.constant 16 : i32
        %add3A_787 = arith.addi %add3A_785, %add3A_786 : i32
        %dma_wait3A_788 = arith.constant 16 : i32
        %dma_wait3A_789 = arith.constant 0 : i32
        %dma_wait3A_790 = tpu.memref_slice %arg6[%dma_wait3A_788, %dma_wait3A_789] : memref<32x1024xf32, #tpu.memory_space<vmem>> -> memref<16x1024xf32, #tpu.memory_space<vmem>>
        %dma_wait3A_791 = arith.constant 0 : i32
        %dma_wait3A_792 = tpu.memref_slice %arg4[%add3A_787, %dma_wait3A_791] : memref<2048x1024xf32, #tpu.memory_space<hbm>> -> memref<16x1024xf32, #tpu.memory_space<hbm>>
        %dma_wait3A_793 = arith.constant 16 : i32
        %dma_wait3A_794 = arith.constant 0 : i32
        %dma_wait3A_795 = tpu.memref_slice %arg6[%dma_wait3A_793, %dma_wait3A_794] : memref<32x1024xf32, #tpu.memory_space<vmem>> -> memref<16x1024xf32, #tpu.memory_space<vmem>>
        %dma_wait3A_796 = arith.constant 0 : i32
        %dma_wait3A_797 = tpu.memref_slice %arg4[%add3A_787, %dma_wait3A_796] : memref<2048x1024xf32, #tpu.memory_space<hbm>> -> memref<16x1024xf32, #tpu.memory_space<hbm>>
        tpu.wait_dma2 semaphore(%arg20 : memref<!tpu.dma_semaphore, #tpu.memory_space<semaphore_mem>>) src(%dma_wait3A_797 : memref<16x1024xf32, #tpu.memory_space<hbm>>) dst(%dma_wait3A_795 : memref<16x1024xf32, #tpu.memory_space<vmem>>)
      } else {
      }
      %shift_right_logical3A_678 = arith.constant 2 : i32
      %shift_right_logical3A_679 = arith.shrui %add3A_639, %shift_right_logical3A_678 : i32
      %and3A_680 = arith.constant 1 : i32
      %and3A_681 = arith.andi %shift_right_logical3A_679, %and3A_680 : i32
      %mul3A_682 = arith.constant 16 : i32
      %mul3A_683 = arith.muli %and3A_681, %mul3A_682 : i32
      %parallel_loop3A_684 = arith.constant 0 : i32
      %parallel_loop3A_685 = arith.constant 256 : i32
      %parallel_loop3A_686 = arith.constant 1 : i32
      scf.for %parallel_loop3A_784 = %parallel_loop3A_684 to %parallel_loop3A_685 step %parallel_loop3A_686  : i32 {
        %parallel_loop3A_785 = arith.constant 6 : i32
        %parallel_loop3A_786 = arith.shrui %parallel_loop3A_784, %parallel_loop3A_785 : i32
        %parallel_loop3A_787 = arith.constant 0 : i32
        %parallel_loop3A_788 = arith.addi %parallel_loop3A_786, %parallel_loop3A_787 : i32
        %parallel_loop3A_789 = arith.constant 63 : i32
        %parallel_loop3A_790 = arith.andi %parallel_loop3A_784, %parallel_loop3A_789 : i32
        %parallel_loop3A_791 = arith.constant 16 : i32
        %parallel_loop3A_792 = arith.muli %parallel_loop3A_790, %parallel_loop3A_791 : i32
        %parallel_loop3A_793 = arith.addi %mul3A_683, %parallel_loop3A_788 : i32
        %parallel_loop3A_794 = arith.index_cast %parallel_loop3A_793 : i32 to index
        %parallel_loop3A_795 = arith.index_cast %parallel_loop3A_792 : i32 to index
        %parallel_loop3A_796 = tpu.vector_load %arg6[%parallel_loop3A_794, %parallel_loop3A_795] {strides = array<i32>} : memref<32x1024xf32, #tpu.memory_space<vmem>>, vector<1x16xf32>,
        %parallel_loop3A_797 = vector.shape_cast %parallel_loop3A_796 : vector<1x16xf32> to vector<16xf32>
        %parallel_loop3A_798 = arith.index_cast %parallel_loop3A_788 : i32 to index
        %parallel_loop3A_799 = arith.index_cast %parallel_loop3A_792 : i32 to index
        %parallel_loop3A_800 = tpu.vector_load %arg10[%parallel_loop3A_798, %parallel_loop3A_799] {strides = array<i32>} : memref<16x1024xf32, #tpu.memory_space<vmem>>, vector<1x16xf32>,
        %parallel_loop3A_801 = vector.shape_cast %parallel_loop3A_800 : vector<1x16xf32> to vector<16xf32>
        %parallel_loop3A_802 = vector.shape_cast %parallel_loop3A_797 : vector<16xf32> to vector<1x16xf32>
        tpu.vector_store %arg10[%parallel_loop3A_798, %parallel_loop3A_799], %parallel_loop3A_802 {add = true, strides = array<i32>} : memref<16x1024xf32, #tpu.memory_space<vmem>>, vector<1x16xf32>,
      } {sc.loop_unroll_factor = 16 : i64, sc.parallel_access}
      %and3A_687 = arith.constant 3 : i32
      %and3A_688 = arith.andi %add3A_639, %and3A_687 : i32
      %mul3A_689 = arith.constant 2048 : i32
      %mul3A_690 = arith.muli %and3A_688, %mul3A_689 : i32
      %add3A_691 = arith.addi %mul3A_690, %mul3A_2 : i32
      %shift_right_arithmetic3A_692 = arith.constant 2 : i32
      %shift_right_arithmetic3A_693 = arith.shrsi %add3A_639, %shift_right_arithmetic3A_692 : i32
      %mul3A_694 = arith.constant 16 : i32
      %mul3A_695 = arith.muli %shift_right_arithmetic3A_693, %mul3A_694 : i32
      %add3A_696 = arith.addi %add3A_691, %mul3A_695 : i32
      %add3A_697 = arith.constant 0 : i32
      %add3A_698 = arith.addi %add3A_696, %add3A_697 : i32
      %dma_start3A_699 = arith.constant 0 : i32
      %dma_start3A_700 = arith.constant 0 : i32
      %dma_start3A_701 = tpu.memref_slice %arg10[%dma_start3A_699, %dma_start3A_700] : memref<16x1024xf32, #tpu.memory_space<vmem>> -> memref<4x1024xf32, #tpu.memory_space<vmem>>
      %dma_start3A_702 = arith.constant 0 : i32
      %dma_start3A_703 = tpu.memref_slice %arg5[%add3A_698, %dma_start3A_702] : memref<8192x1024xf32, #tpu.memory_space<hbm>> -> memref<4x1024xf32, #tpu.memory_space<hbm>>
      %dma_start3A_704 = arith.constant 0 : i32
      %dma_start3A_705 = tpu.memref_slice %arg5[%add3A_698, %dma_start3A_704] : memref<8192x1024xf32, #tpu.memory_space<hbm>> -> memref<4x1024xf32, #tpu.memory_space<hbm>>
      %dma_start3A_706 = arith.constant 0 : i32
      %dma_start3A_707 = arith.constant 0 : i32
      %dma_start3A_708 = tpu.memref_slice %arg10[%dma_start3A_706, %dma_start3A_707] : memref<16x1024xf32, #tpu.memory_space<vmem>> -> memref<4x1024xf32, #tpu.memory_space<vmem>>
      tpu.enqueue_dma source(%dma_start3A_708 : memref<4x1024xf32, #tpu.memory_space<vmem>>) target(%dma_start3A_705 : memref<4x1024xf32, #tpu.memory_space<hbm>>) target_semaphore(%arg19 : memref<!tpu.dma_semaphore, #tpu.memory_space<semaphore_mem>>)
      %parallel_loop3A_709 = arith.constant 0 : i32
      %parallel_loop3A_710 = arith.constant 256 : i32
      %parallel_loop3A_711 = arith.constant 1 : i32
      scf.for %parallel_loop3A_784 = %parallel_loop3A_709 to %parallel_loop3A_710 step %parallel_loop3A_711  : i32 {
        %parallel_loop3A_785 = arith.constant 6 : i32
        %parallel_loop3A_786 = arith.shrui %parallel_loop3A_784, %parallel_loop3A_785 : i32
        %parallel_loop3A_787 = arith.constant 4 : i32
        %parallel_loop3A_788 = arith.addi %parallel_loop3A_786, %parallel_loop3A_787 : i32
        %parallel_loop3A_789 = arith.constant 63 : i32
        %parallel_loop3A_790 = arith.andi %parallel_loop3A_784, %parallel_loop3A_789 : i32
        %parallel_loop3A_791 = arith.constant 16 : i32
        %parallel_loop3A_792 = arith.muli %parallel_loop3A_790, %parallel_loop3A_791 : i32
        %parallel_loop3A_793 = arith.addi %mul3A_683, %parallel_loop3A_788 : i32
        %parallel_loop3A_794 = arith.index_cast %parallel_loop3A_793 : i32 to index
        %parallel_loop3A_795 = arith.index_cast %parallel_loop3A_792 : i32 to index
        %parallel_loop3A_796 = tpu.vector_load %arg6[%parallel_loop3A_794, %parallel_loop3A_795] {strides = array<i32>} : memref<32x1024xf32, #tpu.memory_space<vmem>>, vector<1x16xf32>,
        %parallel_loop3A_797 = vector.shape_cast %parallel_loop3A_796 : vector<1x16xf32> to vector<16xf32>
        %parallel_loop3A_798 = arith.index_cast %parallel_loop3A_788 : i32 to index
        %parallel_loop3A_799 = arith.index_cast %parallel_loop3A_792 : i32 to index
        %parallel_loop3A_800 = tpu.vector_load %arg10[%parallel_loop3A_798, %parallel_loop3A_799] {strides = array<i32>} : memref<16x1024xf32, #tpu.memory_space<vmem>>, vector<1x16xf32>,
        %parallel_loop3A_801 = vector.shape_cast %parallel_loop3A_800 : vector<1x16xf32> to vector<16xf32>
        %parallel_loop3A_802 = vector.shape_cast %parallel_loop3A_797 : vector<16xf32> to vector<1x16xf32>
        tpu.vector_store %arg10[%parallel_loop3A_798, %parallel_loop3A_799], %parallel_loop3A_802 {add = true, strides = array<i32>} : memref<16x1024xf32, #tpu.memory_space<vmem>>, vector<1x16xf32>,
      } {sc.loop_unroll_factor = 16 : i64, sc.parallel_access}
      %and3A_712 = arith.constant 3 : i32
      %and3A_713 = arith.andi %add3A_639, %and3A_712 : i32
      %mul3A_714 = arith.constant 2048 : i32
      %mul3A_715 = arith.muli %and3A_713, %mul3A_714 : i32
      %add3A_716 = arith.addi %mul3A_715, %mul3A_2 : i32
      %shift_right_arithmetic3A_717 = arith.constant 2 : i32
      %shift_right_arithmetic3A_718 = arith.shrsi %add3A_639, %shift_right_arithmetic3A_717 : i32
      %mul3A_719 = arith.constant 16 : i32
      %mul3A_720 = arith.muli %shift_right_arithmetic3A_718, %mul3A_719 : i32
      %add3A_721 = arith.addi %add3A_716, %mul3A_720 : i32
      %add3A_722 = arith.constant 4 : i32
      %add3A_723 = arith.addi %add3A_721, %add3A_722 : i32
      %dma_start3A_724 = arith.constant 4 : i32
      %dma_start3A_725 = arith.constant 0 : i32
      %dma_start3A_726 = tpu.memref_slice %arg10[%dma_start3A_724, %dma_start3A_725] : memref<16x1024xf32, #tpu.memory_space<vmem>> -> memref<4x1024xf32, #tpu.memory_space<vmem>>
      %dma_start3A_727 = arith.constant 0 : i32
      %dma_start3A_728 = tpu.memref_slice %arg5[%add3A_723, %dma_start3A_727] : memref<8192x1024xf32, #tpu.memory_space<hbm>> -> memref<4x1024xf32, #tpu.memory_space<hbm>>
      %dma_start3A_729 = arith.constant 0 : i32
      %dma_start3A_730 = tpu.memref_slice %arg5[%add3A_723, %dma_start3A_729] : memref<8192x1024xf32, #tpu.memory_space<hbm>> -> memref<4x1024xf32, #tpu.memory_space<hbm>>
      %dma_start3A_731 = arith.constant 4 : i32
      %dma_start3A_732 = arith.constant 0 : i32
      %dma_start3A_733 = tpu.memref_slice %arg10[%dma_start3A_731, %dma_start3A_732] : memref<16x1024xf32, #tpu.memory_space<vmem>> -> memref<4x1024xf32, #tpu.memory_space<vmem>>
      tpu.enqueue_dma source(%dma_start3A_733 : memref<4x1024xf32, #tpu.memory_space<vmem>>) target(%dma_start3A_730 : memref<4x1024xf32, #tpu.memory_space<hbm>>) target_semaphore(%arg19 : memref<!tpu.dma_semaphore, #tpu.memory_space<semaphore_mem>>)
      %parallel_loop3A_734 = arith.constant 0 : i32
      %parallel_loop3A_735 = arith.constant 256 : i32
      %parallel_loop3A_736 = arith.constant 1 : i32
      scf.for %parallel_loop3A_784 = %parallel_loop3A_734 to %parallel_loop3A_735 step %parallel_loop3A_736  : i32 {
        %parallel_loop3A_785 = arith.constant 6 : i32
        %parallel_loop3A_786 = arith.shrui %parallel_loop3A_784, %parallel_loop3A_785 : i32
        %parallel_loop3A_787 = arith.constant 8 : i32
        %parallel_loop3A_788 = arith.addi %parallel_loop3A_786, %parallel_loop3A_787 : i32
        %parallel_loop3A_789 = arith.constant 63 : i32
        %parallel_loop3A_790 = arith.andi %parallel_loop3A_784, %parallel_loop3A_789 : i32
        %parallel_loop3A_791 = arith.constant 16 : i32
        %parallel_loop3A_792 = arith.muli %parallel_loop3A_790, %parallel_loop3A_791 : i32
        %parallel_loop3A_793 = arith.addi %mul3A_683, %parallel_loop3A_788 : i32
        %parallel_loop3A_794 = arith.index_cast %parallel_loop3A_793 : i32 to index
        %parallel_loop3A_795 = arith.index_cast %parallel_loop3A_792 : i32 to index
        %parallel_loop3A_796 = tpu.vector_load %arg6[%parallel_loop3A_794, %parallel_loop3A_795] {strides = array<i32>} : memref<32x1024xf32, #tpu.memory_space<vmem>>, vector<1x16xf32>,
        %parallel_loop3A_797 = vector.shape_cast %parallel_loop3A_796 : vector<1x16xf32> to vector<16xf32>
        %parallel_loop3A_798 = arith.index_cast %parallel_loop3A_788 : i32 to index
        %parallel_loop3A_799 = arith.index_cast %parallel_loop3A_792 : i32 to index
        %parallel_loop3A_800 = tpu.vector_load %arg10[%parallel_loop3A_798, %parallel_loop3A_799] {strides = array<i32>} : memref<16x1024xf32, #tpu.memory_space<vmem>>, vector<1x16xf32>,
        %parallel_loop3A_801 = vector.shape_cast %parallel_loop3A_800 : vector<1x16xf32> to vector<16xf32>
        %parallel_loop3A_802 = vector.shape_cast %parallel_loop3A_797 : vector<16xf32> to vector<1x16xf32>
        tpu.vector_store %arg10[%parallel_loop3A_798, %parallel_loop3A_799], %parallel_loop3A_802 {add = true, strides = array<i32>} : memref<16x1024xf32, #tpu.memory_space<vmem>>, vector<1x16xf32>,
      } {sc.loop_unroll_factor = 16 : i64, sc.parallel_access}
      %and3A_737 = arith.constant 3 : i32
      %and3A_738 = arith.andi %add3A_639, %and3A_737 : i32
      %mul3A_739 = arith.constant 2048 : i32
      %mul3A_740 = arith.muli %and3A_738, %mul3A_739 : i32
      %add3A_741 = arith.addi %mul3A_740, %mul3A_2 : i32
      %shift_right_arithmetic3A_742 = arith.constant 2 : i32
      %shift_right_arithmetic3A_743 = arith.shrsi %add3A_639, %shift_right_arithmetic3A_742 : i32
      %mul3A_744 = arith.constant 16 : i32
      %mul3A_745 = arith.muli %shift_right_arithmetic3A_743, %mul3A_744 : i32
      %add3A_746 = arith.addi %add3A_741, %mul3A_745 : i32
      %add3A_747 = arith.constant 8 : i32
      %add3A_748 = arith.addi %add3A_746, %add3A_747 : i32
      %dma_start3A_749 = arith.constant 8 : i32
      %dma_start3A_750 = arith.constant 0 : i32
      %dma_start3A_751 = tpu.memref_slice %arg10[%dma_start3A_749, %dma_start3A_750] : memref<16x1024xf32, #tpu.memory_space<vmem>> -> memref<4x1024xf32, #tpu.memory_space<vmem>>
      %dma_start3A_752 = arith.constant 0 : i32
      %dma_start3A_753 = tpu.memref_slice %arg5[%add3A_748, %dma_start3A_752] : memref<8192x1024xf32, #tpu.memory_space<hbm>> -> memref<4x1024xf32, #tpu.memory_space<hbm>>
      %dma_start3A_754 = arith.constant 0 : i32
      %dma_start3A_755 = tpu.memref_slice %arg5[%add3A_748, %dma_start3A_754] : memref<8192x1024xf32, #tpu.memory_space<hbm>> -> memref<4x1024xf32, #tpu.memory_space<hbm>>
      %dma_start3A_756 = arith.constant 8 : i32
      %dma_start3A_757 = arith.constant 0 : i32
      %dma_start3A_758 = tpu.memref_slice %arg10[%dma_start3A_756, %dma_start3A_757] : memref<16x1024xf32, #tpu.memory_space<vmem>> -> memref<4x1024xf32, #tpu.memory_space<vmem>>
      tpu.enqueue_dma source(%dma_start3A_758 : memref<4x1024xf32, #tpu.memory_space<vmem>>) target(%dma_start3A_755 : memref<4x1024xf32, #tpu.memory_space<hbm>>) target_semaphore(%arg19 : memref<!tpu.dma_semaphore, #tpu.memory_space<semaphore_mem>>)
      %parallel_loop3A_759 = arith.constant 0 : i32
      %parallel_loop3A_760 = arith.constant 256 : i32
      %parallel_loop3A_761 = arith.constant 1 : i32
      scf.for %parallel_loop3A_784 = %parallel_loop3A_759 to %parallel_loop3A_760 step %parallel_loop3A_761  : i32 {
        %parallel_loop3A_785 = arith.constant 6 : i32
        %parallel_loop3A_786 = arith.shrui %parallel_loop3A_784, %parallel_loop3A_785 : i32
        %parallel_loop3A_787 = arith.constant 12 : i32
        %parallel_loop3A_788 = arith.addi %parallel_loop3A_786, %parallel_loop3A_787 : i32
        %parallel_loop3A_789 = arith.constant 63 : i32
        %parallel_loop3A_790 = arith.andi %parallel_loop3A_784, %parallel_loop3A_789 : i32
        %parallel_loop3A_791 = arith.constant 16 : i32
        %parallel_loop3A_792 = arith.muli %parallel_loop3A_790, %parallel_loop3A_791 : i32
        %parallel_loop3A_793 = arith.addi %mul3A_683, %parallel_loop3A_788 : i32
        %parallel_loop3A_794 = arith.index_cast %parallel_loop3A_793 : i32 to index
        %parallel_loop3A_795 = arith.index_cast %parallel_loop3A_792 : i32 to index
        %parallel_loop3A_796 = tpu.vector_load %arg6[%parallel_loop3A_794, %parallel_loop3A_795] {strides = array<i32>} : memref<32x1024xf32, #tpu.memory_space<vmem>>, vector<1x16xf32>,
        %parallel_loop3A_797 = vector.shape_cast %parallel_loop3A_796 : vector<1x16xf32> to vector<16xf32>
        %parallel_loop3A_798 = arith.index_cast %parallel_loop3A_788 : i32 to index
        %parallel_loop3A_799 = arith.index_cast %parallel_loop3A_792 : i32 to index
        %parallel_loop3A_800 = tpu.vector_load %arg10[%parallel_loop3A_798, %parallel_loop3A_799] {strides = array<i32>} : memref<16x1024xf32, #tpu.memory_space<vmem>>, vector<1x16xf32>,
        %parallel_loop3A_801 = vector.shape_cast %parallel_loop3A_800 : vector<1x16xf32> to vector<16xf32>
        %parallel_loop3A_802 = vector.shape_cast %parallel_loop3A_797 : vector<16xf32> to vector<1x16xf32>
        tpu.vector_store %arg10[%parallel_loop3A_798, %parallel_loop3A_799], %parallel_loop3A_802 {add = true, strides = array<i32>} : memref<16x1024xf32, #tpu.memory_space<vmem>>, vector<1x16xf32>,
      } {sc.loop_unroll_factor = 16 : i64, sc.parallel_access}
      %and3A_762 = arith.constant 3 : i32
      %and3A_763 = arith.andi %add3A_639, %and3A_762 : i32
      %mul3A_764 = arith.constant 2048 : i32
      %mul3A_765 = arith.muli %and3A_763, %mul3A_764 : i32
      %add3A_766 = arith.addi %mul3A_765, %mul3A_2 : i32
      %shift_right_arithmetic3A_767 = arith.constant 2 : i32
      %shift_right_arithmetic3A_768 = arith.shrsi %add3A_639, %shift_right_arithmetic3A_767 : i32
      %mul3A_769 = arith.constant 16 : i32
      %mul3A_770 = arith.muli %shift_right_arithmetic3A_768, %mul3A_769 : i32
      %add3A_771 = arith.addi %add3A_766, %mul3A_770 : i32
      %add3A_772 = arith.constant 12 : i32
      %add3A_773 = arith.addi %add3A_771, %add3A_772 : i32
      %dma_start3A_774 = arith.constant 12 : i32
      %dma_start3A_775 = arith.constant 0 : i32
      %dma_start3A_776 = tpu.memref_slice %arg10[%dma_start3A_774, %dma_start3A_775] : memref<16x1024xf32, #tpu.memory_space<vmem>> -> memref<4x1024xf32, #tpu.memory_space<vmem>>
      %dma_start3A_777 = arith.constant 0 : i32
      %dma_start3A_778 = tpu.memref_slice %arg5[%add3A_773, %dma_start3A_777] : memref<8192x1024xf32, #tpu.memory_space<hbm>> -> memref<4x1024xf32, #tpu.memory_space<hbm>>
      %dma_start3A_779 = arith.constant 0 : i32
      %dma_start3A_780 = tpu.memref_slice %arg5[%add3A_773, %dma_start3A_779] : memref<8192x1024xf32, #tpu.memory_space<hbm>> -> memref<4x1024xf32, #tpu.memory_space<hbm>>
      %dma_start3A_781 = arith.constant 12 : i32
      %dma_start3A_782 = arith.constant 0 : i32
      %dma_start3A_783 = tpu.memref_slice %arg10[%dma_start3A_781, %dma_start3A_782] : memref<16x1024xf32, #tpu.memory_space<vmem>> -> memref<4x1024xf32, #tpu.memory_space<vmem>>
      tpu.enqueue_dma source(%dma_start3A_783 : memref<4x1024xf32, #tpu.memory_space<vmem>>) target(%dma_start3A_780 : memref<4x1024xf32, #tpu.memory_space<hbm>>) target_semaphore(%arg19 : memref<!tpu.dma_semaphore, #tpu.memory_space<semaphore_mem>>)
    }
    %scan3A_71 = arith.constant 4 : i32
    %add3A_72 = arith.constant 4096 : i32
    %add3A_73 = arith.addi %add3A_72, %mul3A_2 : i32
    %add3A_74 = arith.constant 48 : i32
    %add3A_75 = arith.addi %add3A_73, %add3A_74 : i32
    %add3A_76 = arith.constant 0 : i32
    %add3A_77 = arith.addi %add3A_75, %add3A_76 : i32
    %dma_wait3A_78 = arith.constant 0 : i32
    %dma_wait3A_79 = arith.constant 0 : i32
    %dma_wait3A_80 = tpu.memref_slice %arg9[%dma_wait3A_78, %dma_wait3A_79] : memref<16x1024xf32, #tpu.memory_space<vmem>> -> memref<4x1024xf32, #tpu.memory_space<vmem>>
    %dma_wait3A_81 = arith.constant 0 : i32
    %dma_wait3A_82 = tpu.memref_slice %arg5[%add3A_77, %dma_wait3A_81] : memref<8192x1024xf32, #tpu.memory_space<hbm>> -> memref<4x1024xf32, #tpu.memory_space<hbm>>
    %dma_wait3A_83 = arith.constant 0 : i32
    %dma_wait3A_84 = tpu.memref_slice %arg5[%add3A_77, %dma_wait3A_83] : memref<8192x1024xf32, #tpu.memory_space<hbm>> -> memref<4x1024xf32, #tpu.memory_space<hbm>>
    %dma_wait3A_85 = arith.constant 0 : i32
    %dma_wait3A_86 = arith.constant 0 : i32
    %dma_wait3A_87 = tpu.memref_slice %arg9[%dma_wait3A_85, %dma_wait3A_86] : memref<16x1024xf32, #tpu.memory_space<vmem>> -> memref<4x1024xf32, #tpu.memory_space<vmem>>
    tpu.wait_dma2 semaphore(%arg18 : memref<!tpu.dma_semaphore, #tpu.memory_space<semaphore_mem>>) src(%dma_wait3A_87 : memref<4x1024xf32, #tpu.memory_space<vmem>>) dst(%dma_wait3A_84 : memref<4x1024xf32, #tpu.memory_space<hbm>>)
    %add3A_88 = arith.constant 4096 : i32
    %add3A_89 = arith.addi %add3A_88, %mul3A_2 : i32
    %add3A_90 = arith.constant 48 : i32
    %add3A_91 = arith.addi %add3A_89, %add3A_90 : i32
    %add3A_92 = arith.constant 4 : i32
    %add3A_93 = arith.addi %add3A_91, %add3A_92 : i32
    %dma_wait3A_94 = arith.constant 4 : i32
    %dma_wait3A_95 = arith.constant 0 : i32
    %dma_wait3A_96 = tpu.memref_slice %arg9[%dma_wait3A_94, %dma_wait3A_95] : memref<16x1024xf32, #tpu.memory_space<vmem>> -> memref<4x1024xf32, #tpu.memory_space<vmem>>
    %dma_wait3A_97 = arith.constant 0 : i32
    %dma_wait3A_98 = tpu.memref_slice %arg5[%add3A_93, %dma_wait3A_97] : memref<8192x1024xf32, #tpu.memory_space<hbm>> -> memref<4x1024xf32, #tpu.memory_space<hbm>>
    %dma_wait3A_99 = arith.constant 0 : i32
    %dma_wait3A_100 = tpu.memref_slice %arg5[%add3A_93, %dma_wait3A_99] : memref<8192x1024xf32, #tpu.memory_space<hbm>> -> memref<4x1024xf32, #tpu.memory_space<hbm>>
    %dma_wait3A_101 = arith.constant 4 : i32
    %dma_wait3A_102 = arith.constant 0 : i32
    %dma_wait3A_103 = tpu.memref_slice %arg9[%dma_wait3A_101, %dma_wait3A_102] : memref<16x1024xf32, #tpu.memory_space<vmem>> -> memref<4x1024xf32, #tpu.memory_space<vmem>>
    tpu.wait_dma2 semaphore(%arg18 : memref<!tpu.dma_semaphore, #tpu.memory_space<semaphore_mem>>) src(%dma_wait3A_103 : memref<4x1024xf32, #tpu.memory_space<vmem>>) dst(%dma_wait3A_100 : memref<4x1024xf32, #tpu.memory_space<hbm>>)
    %add3A_104 = arith.constant 4096 : i32
    %add3A_105 = arith.addi %add3A_104, %mul3A_2 : i32
    %add3A_106 = arith.constant 48 : i32
    %add3A_107 = arith.addi %add3A_105, %add3A_106 : i32
    %add3A_108 = arith.constant 8 : i32
    %add3A_109 = arith.addi %add3A_107, %add3A_108 : i32
    %dma_wait3A_110 = arith.constant 8 : i32
    %dma_wait3A_111 = arith.constant 0 : i32
    %dma_wait3A_112 = tpu.memref_slice %arg9[%dma_wait3A_110, %dma_wait3A_111] : memref<16x1024xf32, #tpu.memory_space<vmem>> -> memref<4x1024xf32, #tpu.memory_space<vmem>>
    %dma_wait3A_113 = arith.constant 0 : i32
    %dma_wait3A_114 = tpu.memref_slice %arg5[%add3A_109, %dma_wait3A_113] : memref<8192x1024xf32, #tpu.memory_space<hbm>> -> memref<4x1024xf32, #tpu.memory_space<hbm>>
    %dma_wait3A_115 = arith.constant 0 : i32
    %dma_wait3A_116 = tpu.memref_slice %arg5[%add3A_109, %dma_wait3A_115] : memref<8192x1024xf32, #tpu.memory_space<hbm>> -> memref<4x1024xf32, #tpu.memory_space<hbm>>
    %dma_wait3A_117 = arith.constant 8 : i32
    %dma_wait3A_118 = arith.constant 0 : i32
    %dma_wait3A_119 = tpu.memref_slice %arg9[%dma_wait3A_117, %dma_wait3A_118] : memref<16x1024xf32, #tpu.memory_space<vmem>> -> memref<4x1024xf32, #tpu.memory_space<vmem>>
    tpu.wait_dma2 semaphore(%arg18 : memref<!tpu.dma_semaphore, #tpu.memory_space<semaphore_mem>>) src(%dma_wait3A_119 : memref<4x1024xf32, #tpu.memory_space<vmem>>) dst(%dma_wait3A_116 : memref<4x1024xf32, #tpu.memory_space<hbm>>)
    %add3A_120 = arith.constant 4096 : i32
    %add3A_121 = arith.addi %add3A_120, %mul3A_2 : i32
    %add3A_122 = arith.constant 48 : i32
    %add3A_123 = arith.addi %add3A_121, %add3A_122 : i32
    %add3A_124 = arith.constant 12 : i32
    %add3A_125 = arith.addi %add3A_123, %add3A_124 : i32
    %dma_wait3A_126 = arith.constant 12 : i32
    %dma_wait3A_127 = arith.constant 0 : i32
    %dma_wait3A_128 = tpu.memref_slice %arg9[%dma_wait3A_126, %dma_wait3A_127] : memref<16x1024xf32, #tpu.memory_space<vmem>> -> memref<4x1024xf32, #tpu.memory_space<vmem>>
    %dma_wait3A_129 = arith.constant 0 : i32
    %dma_wait3A_130 = tpu.memref_slice %arg5[%add3A_125, %dma_wait3A_129] : memref<8192x1024xf32, #tpu.memory_space<hbm>> -> memref<4x1024xf32, #tpu.memory_space<hbm>>
    %dma_wait3A_131 = arith.constant 0 : i32
    %dma_wait3A_132 = tpu.memref_slice %arg5[%add3A_125, %dma_wait3A_131] : memref<8192x1024xf32, #tpu.memory_space<hbm>> -> memref<4x1024xf32, #tpu.memory_space<hbm>>
    %dma_wait3A_133 = arith.constant 12 : i32
    %dma_wait3A_134 = arith.constant 0 : i32
    %dma_wait3A_135 = tpu.memref_slice %arg9[%dma_wait3A_133, %dma_wait3A_134] : memref<16x1024xf32, #tpu.memory_space<vmem>> -> memref<4x1024xf32, #tpu.memory_space<vmem>>
    tpu.wait_dma2 semaphore(%arg18 : memref<!tpu.dma_semaphore, #tpu.memory_space<semaphore_mem>>) src(%dma_wait3A_135 : memref<4x1024xf32, #tpu.memory_space<vmem>>) dst(%dma_wait3A_132 : memref<4x1024xf32, #tpu.memory_space<hbm>>)
    %add3A_136 = arith.constant 6144 : i32
    %add3A_137 = arith.addi %add3A_136, %mul3A_2 : i32
    %add3A_138 = arith.constant 48 : i32
    %add3A_139 = arith.addi %add3A_137, %add3A_138 : i32
    %add3A_140 = arith.constant 0 : i32
    %add3A_141 = arith.addi %add3A_139, %add3A_140 : i32
    %dma_wait3A_142 = arith.constant 0 : i32
    %dma_wait3A_143 = arith.constant 0 : i32
    %dma_wait3A_144 = tpu.memref_slice %arg10[%dma_wait3A_142, %dma_wait3A_143] : memref<16x1024xf32, #tpu.memory_space<vmem>> -> memref<4x1024xf32, #tpu.memory_space<vmem>>
    %dma_wait3A_145 = arith.constant 0 : i32
    %dma_wait3A_146 = tpu.memref_slice %arg5[%add3A_141, %dma_wait3A_145] : memref<8192x1024xf32, #tpu.memory_space<hbm>> -> memref<4x1024xf32, #tpu.memory_space<hbm>>
    %dma_wait3A_147 = arith.constant 0 : i32
    %dma_wait3A_148 = tpu.memref_slice %arg5[%add3A_141, %dma_wait3A_147] : memref<8192x1024xf32, #tpu.memory_space<hbm>> -> memref<4x1024xf32, #tpu.memory_space<hbm>>
    %dma_wait3A_149 = arith.constant 0 : i32
    %dma_wait3A_150 = arith.constant 0 : i32
    %dma_wait3A_151 = tpu.memref_slice %arg10[%dma_wait3A_149, %dma_wait3A_150] : memref<16x1024xf32, #tpu.memory_space<vmem>> -> memref<4x1024xf32, #tpu.memory_space<vmem>>
    tpu.wait_dma2 semaphore(%arg19 : memref<!tpu.dma_semaphore, #tpu.memory_space<semaphore_mem>>) src(%dma_wait3A_151 : memref<4x1024xf32, #tpu.memory_space<vmem>>) dst(%dma_wait3A_148 : memref<4x1024xf32, #tpu.memory_space<hbm>>)
    %add3A_152 = arith.constant 6144 : i32
    %add3A_153 = arith.addi %add3A_152, %mul3A_2 : i32
    %add3A_154 = arith.constant 48 : i32
    %add3A_155 = arith.addi %add3A_153, %add3A_154 : i32
    %add3A_156 = arith.constant 4 : i32
    %add3A_157 = arith.addi %add3A_155, %add3A_156 : i32
    %dma_wait3A_158 = arith.constant 4 : i32
    %dma_wait3A_159 = arith.constant 0 : i32
    %dma_wait3A_160 = tpu.memref_slice %arg10[%dma_wait3A_158, %dma_wait3A_159] : memref<16x1024xf32, #tpu.memory_space<vmem>> -> memref<4x1024xf32, #tpu.memory_space<vmem>>
    %dma_wait3A_161 = arith.constant 0 : i32
    %dma_wait3A_162 = tpu.memref_slice %arg5[%add3A_157, %dma_wait3A_161] : memref<8192x1024xf32, #tpu.memory_space<hbm>> -> memref<4x1024xf32, #tpu.memory_space<hbm>>
    %dma_wait3A_163 = arith.constant 0 : i32
    %dma_wait3A_164 = tpu.memref_slice %arg5[%add3A_157, %dma_wait3A_163] : memref<8192x1024xf32, #tpu.memory_space<hbm>> -> memref<4x1024xf32, #tpu.memory_space<hbm>>
    %dma_wait3A_165 = arith.constant 4 : i32
    %dma_wait3A_166 = arith.constant 0 : i32
    %dma_wait3A_167 = tpu.memref_slice %arg10[%dma_wait3A_165, %dma_wait3A_166] : memref<16x1024xf32, #tpu.memory_space<vmem>> -> memref<4x1024xf32, #tpu.memory_space<vmem>>
    tpu.wait_dma2 semaphore(%arg19 : memref<!tpu.dma_semaphore, #tpu.memory_space<semaphore_mem>>) src(%dma_wait3A_167 : memref<4x1024xf32, #tpu.memory_space<vmem>>) dst(%dma_wait3A_164 : memref<4x1024xf32, #tpu.memory_space<hbm>>)
    %add3A_168 = arith.constant 6144 : i32
    %add3A_169 = arith.addi %add3A_168, %mul3A_2 : i32
    %add3A_170 = arith.constant 48 : i32
    %add3A_171 = arith.addi %add3A_169, %add3A_170 : i32
    %add3A_172 = arith.constant 8 : i32
    %add3A_173 = arith.addi %add3A_171, %add3A_172 : i32
    %dma_wait3A_174 = arith.constant 8 : i32
    %dma_wait3A_175 = arith.constant 0 : i32
    %dma_wait3A_176 = tpu.memref_slice %arg10[%dma_wait3A_174, %dma_wait3A_175] : memref<16x1024xf32, #tpu.memory_space<vmem>> -> memref<4x1024xf32, #tpu.memory_space<vmem>>
    %dma_wait3A_177 = arith.constant 0 : i32
    %dma_wait3A_178 = tpu.memref_slice %arg5[%add3A_173, %dma_wait3A_177] : memref<8192x1024xf32, #tpu.memory_space<hbm>> -> memref<4x1024xf32, #tpu.memory_space<hbm>>
    %dma_wait3A_179 = arith.constant 0 : i32
    %dma_wait3A_180 = tpu.memref_slice %arg5[%add3A_173, %dma_wait3A_179] : memref<8192x1024xf32, #tpu.memory_space<hbm>> -> memref<4x1024xf32, #tpu.memory_space<hbm>>
    %dma_wait3A_181 = arith.constant 8 : i32
    %dma_wait3A_182 = arith.constant 0 : i32
    %dma_wait3A_183 = tpu.memref_slice %arg10[%dma_wait3A_181, %dma_wait3A_182] : memref<16x1024xf32, #tpu.memory_space<vmem>> -> memref<4x1024xf32, #tpu.memory_space<vmem>>
    tpu.wait_dma2 semaphore(%arg19 : memref<!tpu.dma_semaphore, #tpu.memory_space<semaphore_mem>>) src(%dma_wait3A_183 : memref<4x1024xf32, #tpu.memory_space<vmem>>) dst(%dma_wait3A_180 : memref<4x1024xf32, #tpu.memory_space<hbm>>)
    %add3A_184 = arith.constant 6144 : i32
    %add3A_185 = arith.addi %add3A_184, %mul3A_2 : i32
    %add3A_186 = arith.constant 48 : i32
    %add3A_187 = arith.addi %add3A_185, %add3A_186 : i32
    %add3A_188 = arith.constant 12 : i32
    %add3A_189 = arith.addi %add3A_187, %add3A_188 : i32
    %dma_wait3A_190 = arith.constant 12 : i32
    %dma_wait3A_191 = arith.constant 0 : i32
    %dma_wait3A_192 = tpu.memref_slice %arg10[%dma_wait3A_190, %dma_wait3A_191] : memref<16x1024xf32, #tpu.memory_space<vmem>> -> memref<4x1024xf32, #tpu.memory_space<vmem>>
    %dma_wait3A_193 = arith.constant 0 : i32
    %dma_wait3A_194 = tpu.memref_slice %arg5[%add3A_189, %dma_wait3A_193] : memref<8192x1024xf32, #tpu.memory_space<hbm>> -> memref<4x1024xf32, #tpu.memory_space<hbm>>
    %dma_wait3A_195 = arith.constant 0 : i32
    %dma_wait3A_196 = tpu.memref_slice %arg5[%add3A_189, %dma_wait3A_195] : memref<8192x1024xf32, #tpu.memory_space<hbm>> -> memref<4x1024xf32, #tpu.memory_space<hbm>>
    %dma_wait3A_197 = arith.constant 12 : i32
    %dma_wait3A_198 = arith.constant 0 : i32
    %dma_wait3A_199 = tpu.memref_slice %arg10[%dma_wait3A_197, %dma_wait3A_198] : memref<16x1024xf32, #tpu.memory_space<vmem>> -> memref<4x1024xf32, #tpu.memory_space<vmem>>
    tpu.wait_dma2 semaphore(%arg19 : memref<!tpu.dma_semaphore, #tpu.memory_space<semaphore_mem>>) src(%dma_wait3A_199 : memref<4x1024xf32, #tpu.memory_space<vmem>>) dst(%dma_wait3A_196 : memref<4x1024xf32, #tpu.memory_space<hbm>>)
    return
  }
}

</mosaic_0001>

<sc_bundles>
// kernel: _emb.3.cloned.1.call-start
scs
__scs_entry_jumppad:
0x0: {  	(pc) =	sbr.rel $0x88, $3  }
0x1: {  	(tag) =	ssettag $0x0;
	lr =	simm.s32 $0x1  }
0x2: {  	[smem:$0x3F9E] =	sst lr;
	_ =	strace $0xD0000000  }
0x3: {  	_ = 	snop  }
0x4: {  	_ = 	snop  }
0x5: {  	_ = 	snop  }
0x6: {  	_ = 	snop  }
0x7: {  	_ = 	snop  }
__scs_overlays_trampoline_lowered:
0x8: {  	[smem:$0x3FAD] =	sst s0  }
0x9: {  	[smem:$0x3FAE] =	sst s1  }
0xa: {  	[smem:$0x3FAF] =	sst s2  }
0xb: {  	[smem:$0x3FB0] =	sst s3  }
0xc: {  	[smem:$0x3FB1] =	sst s4  }
0xd: {  	[smem:$0x3FB2] =	sst s5  }
0xe: {  	[smem:$0x3FB3] =	sst s6  }
0xf: {  	[smem:$0x3FB4] =	sst s7  }
0x10: {  	[smem:$0x3FB5] =	sst s8  }
0x11: {  	[smem:$0x3FB6] =	sst s9;
	s0 =	simm.s32 @!p0 $0x0  }
0x12: {  	s1 =	sld [smem:$0x3F9C];
	s0 =	simm.s32 @p0 $0x1  }
0x13: {  	[smem:$0x3FB7] =	sst s0;
	s0 =	simm.s32 @!p1 $0x0  }
0x14: {  	s2 =	sld [smem:$0x3F9B];
	s0 =	simm.s32 @p1 $0x1  }
0x15: {  	[smem:$0x3FB8] =	sst s0;
	s0 =	simm.s32 @!p2 $0x0  }
0x16: {  	s3 =	sld [smem:$0x3FDB];
	s0 =	simm.s32 @p2 $0x1  }
0x17: {  	s4 =	simm.s32 $0x1BF5;
	[smem:$0x3FBA] =	sst s0  }
0x18: {  	s0 =	sld [smem:$0x3F9D];
	_ =	swait.ge [sflag:s4], $0x0  }
0x19: {  	s7 =	sld [smem:$0x3F9E]  }
0x1a: {  	s8 =	sadd.s32 $0xFFFFE003, lr  }
0x1b: {  	s9 =	sadd.s32 $0xFFFFFEF7, lr;
	s5 =	simm.s32 $0xFFFFFFFF;
	p2 =	slt.u32 s8, $0xFFFFF086  }
0x1c: {  	p1 =	slt.u32 s9, $0xF7A;
	s5 =	simm.s32 @!p2 $0x0  }
0x1d: {  	s5 =	simm.s32 @p1 $0x1;
	p0 =	seq.s32 s7, s2  }
0x1e: {  	s7 =	smul.u32 @!p0 $0xF7A, s2;
	p2 =	seq.s32 @!p0 s5, $0x0  }
0x1f: {  	s9 =	smul.u32 $0xF7A, s1;
	s8 =	simm.s32 @!p0 $0x1BF5;
	p2 =	por !p2, p0  }
0x20: {  	[sflag:s8] =	ssyncset.s32 @!p0 $0xFFFFF086;
	s6 =	sadd.s32 @!p0 s3, s7;
	s7 =	simm.s32 @!p0 $0x108  }
0x21: {  	s3 =	sadd.s32 s3, s9;
	s6 =	sadd.s32 @!p0 $0x88, s6;
	s7 =	simm.s32 @p2 $0x1082  }
0x22: {  	[simem:s7], [sflag:s8] =	dma.local @!p0 [hbm:s6], $0xF7A  }
0x23: {  	s9 =	sor.u32 $0xD0000000, s2;
	s6 =	simm.s32 $0x108;
	_ =	swait.ge @!p0 [sflag:s8], $0x0  }
0x24: {  	s3 =	sadd.s32 $0x88, s3;
	s6 =	simm.s32 @!p1 $0x1082;
	[sflag:s4] =	ssyncset.s32 $0xFFFFF086  }
0x25: {  	[simem:s6], [sflag:s4] =	dma.local [hbm:s3], $0xF7A  }
0x26: {  	[smem:$0x3F9E] =	sst s1;
	(tag) =	ssettag s2;
	_ =	strace s9  }
0x27: {  	s1 =	sld [smem:$0x3FAE]  }
0x28: {  	s2 =	sld [smem:$0x3FAF]  }
0x29: {  	s4 =	sld [smem:$0x3FB1]  }
0x2a: {  	p0 =	seq.s32 s5, $0x0;
	s5 =	sld [smem:$0x3FB2]  }
0x2b: {  	s6 =	sld [smem:$0x3FB3]  }
0x2c: {  	s7 =	sld [smem:$0x3FB4]  }
0x2d: {  	s3 =	simm.s32 $0x108;
	s8 =	sld [smem:$0x3FB5]  }
0x2e: {  	s3 =	simm.s32 @!p0 $0x1082;
	s9 =	sld [smem:$0x3FB6]  }
0x2f: {  	lr =	sadd.s32 s0, s3;
	s0 =	sld [smem:$0x3FAD]  }
0x30: {  	s3 =	sld [smem:$0x3FB0]  }
0x31: {  	[smem:$0x3FB9] =	sst s10  }
0x32: {  	s10 =	sld [smem:$0x3FB7];
	_ =	sdelay $0x3  }
0x33: {  	p0 =	seq.s32 s10, $0x1;
	s10 =	sld [smem:$0x3FB9];
	_ =	sdelay $0x3  }
0x34: {  	[smem:$0x3FB9] =	sst s10  }
0x35: {  	s10 =	sld [smem:$0x3FB8];
	_ =	sdelay $0x3  }
0x36: {  	p1 =	seq.s32 s10, $0x1;
	s10 =	sld [smem:$0x3FB9];
	_ =	sdelay $0x3  }
0x37: {  	[smem:$0x3FB9] =	sst s10  }
0x38: {  	s10 =	sld [smem:$0x3FBA]  }
0x39: {  	_ = 	snop;
	(pc) =	sbr.ind lr, $3  }
0x3a: {  	_ = 	snop  }
0x3b: {  	_ = 	snop  }
0x3c: {  	p2 =	seq.s32 s10, $0x1;
	s10 =	sld [smem:$0x3FB9]  }
0x3d: {  	_ =	shalt  }
0x3e: {  	_ =	shalt  }
0x3f: {  	_ =	shalt  }
0x40: {  	_ =	shalt  }
0x41: {  	_ =	shalt  }
0x42: {  	_ =	shalt  }
0x43: {  	_ =	shalt  }
0x44: {  	_ =	shalt  }
0x45: {  	_ =	shalt  }
0x46: {  	_ =	shalt  }
0x47: {  	_ =	shalt  }
0x48: {  	_ =	shalt  }
0x49: {  	_ =	shalt  }
0x4a: {  	_ =	shalt  }
0x4b: {  	_ =	shalt  }
0x4c: {  	_ =	shalt  }
0x4d: {  	_ =	shalt  }
0x4e: {  	_ =	shalt  }
0x4f: {  	_ =	shalt  }
0x50: {  	_ =	shalt  }
0x51: {  	_ =	shalt  }
0x52: {  	_ =	shalt  }
0x53: {  	_ =	shalt  }
0x54: {  	_ =	shalt  }
0x55: {  	_ =	shalt  }
0x56: {  	_ =	shalt  }
0x57: {  	_ =	shalt  }
0x58: {  	_ =	shalt  }
0x59: {  	_ =	shalt  }
0x5a: {  	_ =	shalt  }
0x5b: {  	_ =	shalt  }
0x5c: {  	_ =	shalt  }
0x5d: {  	_ =	shalt  }
0x5e: {  	_ =	shalt  }
0x5f: {  	_ =	shalt  }
0x60: {  	_ =	shalt  }
0x61: {  	_ =	shalt  }
0x62: {  	_ =	shalt  }
0x63: {  	_ =	shalt  }
0x64: {  	_ =	shalt  }
0x65: {  	_ =	shalt  }
0x66: {  	_ =	shalt  }
0x67: {  	_ =	shalt  }
0x68: {  	_ =	shalt  }
0x69: {  	_ =	shalt  }
0x6a: {  	_ =	shalt  }
0x6b: {  	_ =	shalt  }
0x6c: {  	_ =	shalt  }
0x6d: {  	_ =	shalt  }
0x6e: {  	_ =	shalt  }
0x6f: {  	_ =	shalt  }
0x70: {  	_ =	shalt  }
0x71: {  	_ =	shalt  }
0x72: {  	_ =	shalt  }
0x73: {  	_ =	shalt  }
0x74: {  	_ =	shalt  }
0x75: {  	_ =	shalt  }
0x76: {  	_ =	shalt  }
0x77: {  	_ =	shalt  }
0x78: {  	_ =	shalt  }
0x79: {  	_ =	shalt  }
0x7a: {  	_ =	shalt  }
0x7b: {  	_ =	shalt  }
0x7c: {  	_ =	shalt  }
0x7d: {  	_ =	shalt  }
0x7e: {  	_ =	shalt  }
0x7f: {  	_ =	shalt  }
0x80: {  	_ =	shalt  }
0x81: {  	_ =	shalt  }
0x82: {  	_ =	shalt  }
0x83: {  	_ =	shalt  }
0x84: {  	_ =	shalt  }
0x85: {  	_ =	shalt  }
0x86: {  	_ =	shalt  }
0x87: {  	_ =	shalt  }
.Lfunc_end0:
.L_simem_size_0:
called_computation_lowered:
.L_overlay_start_0:
0x88: {  	s2 =	sld [smem:$0x3FD9]  }
0x89: {  	s3 =	sld [smem:$0x3FFE];
	_ =	sdelay $0x1  }
0x8a: {  	s1 =	srdreg.scid  }
0x8b: {  	s0 =	sand.u32 $0x1, s1  }
0x8c: {  	s18 =	sshll.u32 s0, $0xA;
	s2 =	sadd.s32 s3, s2  }
0x8d: {  	s2 =	sadd.s32 s2, s18  }
0x8e: {  	[smem:$0x3FC5] =	sst s2  }
0x8f: {  	_ = 	snop  }
0x90: {  	s2 =	sld [smem:$0x3FC9]  }
0x91: {  	s19 =	sld [smem:$0x3FC8]  }
0x92: {  	s4 =	sld [smem:$0x3FC7]  }
0x93: {  	s5 =	sld [smem:$0x3FD0];
	(tm) =	ssettm $0x1  }
0x94: {  	s6 =	sld [smem:$0x3FFB];
	_ =	sdelay $0x3  }
0x95: {  	_ =	strace s6  }
0x96: {  	s6 =	sld [smem:$0x3FFC];
	_ =	sdelay $0x3  }
0x97: {  	_ =	strace s6  }
0x98: {  	s6 =	sld [smem:$0x3FFD];
	_ =	sdelay $0x3  }
0x99: {  	_ =	strace s6  }
0x9a: {  	_ =	strace $0x8FFFFFFF  }
0x9b: {  	s20 =	sld [smem:$0x3FDB];
	_ =	sdelay $0x1  }
0x9c: {  	s7 =	simm.s32 $_scs_section_size  }
0x9d: {  	s8 =	simm.s32 $_size__tile_overlayer_lowered;
	s9 =	simm.s32 $_tile_overlayer_lowered  }
0x9e: {  	s23 =	simm.s32 $0x1BFF;
	s22 =	sshll.u32 s9, $0x1;
	s6 =	sadd.s32 s7, s20  }
0x9f: {  	s10 =	simm.s32 $0x0;
	s21 =	sshll.u32 s8, $0x1;
	s8 =	sadd.s32 s22, s6  }
0xa0: {  	[timem:s10], [sflag:s23] =	dma.local [hbm:s8], s21  }
0xa1: {  	_ =	swait.ge [sflag:s23], s21  }
0xa2: {  	s7 =	ssub.s32 $0x0, s21;
	[sflag:s23] =	ssyncset.done $0x0  }
0xa3: {  	[sflag:s23] =	ssyncadd.s32 s7;
	_ =	sdelay $0x1  }
0xa4: {  	s24 =	simm.s32 $0x1B8B  }
0xa5: {  	_ =	swait.ge [sflag:s24], $0x1  }
0xa6: {  	[sflag:s24] =	ssyncset.done $0x0  }
0xa7: {  	s25 =	simm.s32 $0x1B8E;
	[sflag:s24] =	ssyncadd.s32 $0xFFFFFFFF  }
0xa8: {  	s26 =	simm.s32 $execute0_lowered;
	[smem:$0x3FD2] =	sst s25  }
0xa9: {  	s7 =	sshll.u32 s26, $0x1;
	_ =	strace $0x80000046;
	[dreg:$0x1] =	wrdreg $0xFFFFFFFF  }
0xaa: {  	s28 =	simm.s32 $_size_execute0_lowered;
	s6 =	sadd.s32 s6, s7;
	[dreg:$0x0] =	wrdreg $0x0  }
0xab: {  	s7 =	sshll.u32 s28, $0x1;
	[dreg:$0x2] =	wrdreg s6  }
0xac: {  	[dreg:$0x3] =	wrdreg s7  }
0xad: {  	[dreg:$0x4] =	wrdreg $0xC0  }
0xae: {  	_ =	task [dreg:s10], $0x5FFFF  }
0xaf: {  	[dreg:$0x1] =	wrdreg $0xFFFFFFFF  }
0xb0: {  	[dreg:$0x0] =	wrdreg $0x60  }
0xb1: {  	[dreg:$0x2] =	wrdreg s2  }
0xb2: {  	[dreg:$0x3] =	wrdreg s19  }
0xb3: {  	[dreg:$0x4] =	wrdreg s4  }
0xb4: {  	[dreg:$0x5] =	wrdreg s5  }
0xb5: {  	[dreg:$0x6] =	wrdreg $0x9  }
0xb6: {  	_ =	task.clear_ibuf [dreg:s10], $0x7FFFF;
	_ =	strace $0x90000046  }
0xb7: {  	s29 =	simm.s32 $0x9;
	_ =	strace $0x80000048  }
0xb8: {  	_ =	swait.ge [sflag:s29], $0x1  }
0xb9: {  	[sflag:s29] =	ssyncadd.s32 $0xFFFFFFFF  }
0xba: {  	_ =	strace $0x90000048  }
0xbb: {  	_ =	sfence  }
0xbc: {  	s30 =	sld [smem:$0x0];
	_ =	sdelay $0x2  }
0xbd: {  	s31 =	sshll.u32 s1, $0xD;
	s1 =	sshrl.u32 s1, $0x2  }
0xbe: {  	s3 =	sand.u32 $0x4000, s31;
	s1 =	sadd.s32 s1, s30  }
0xbf: {  	s0 =	sor.u32 s3, s0;
	s1 =	sshll.u32 s1, $0x11  }
0xc0: {  	s0 =	sor.u32 s1, s0  }
0xc1: {  	s0 =	sadd.s32 $0x8F2B, s0  }
0xc2: {  	[sflag:s0] =	ssyncadd.remote.s32 $0x1  }
0xc3: {  	_ =	sfence.sel $0xFFFF  }
0xc4: {  	[dreg:$0x0] =	wrdreg $0xFFFFFFFF;
	(pc) =	sbr.abs _section_cstart, $3  }
0xc5: {  	[dreg:$0x1] =	wrdreg $0xFFFFFFFF  }
0xc6: {  	_ =	task.clear_ibuf [dreg:s10], $0x2FFFF;
	_ =	strace $0x9FFFFFFF  }
0xc7: {  	(tm) =	ssettm $0x7FFFFFFF  }
tec
execute0_lowered:
.L_overlay_start_1:
0x0: {  	(tag) =	ssettag $0x1  }
0x1: {  	s0 =	rddreg [dreg:$0x0];
	s2 =	srdreg.scid  }
0x2: {  	s8 =	rddreg [dreg:$0x1];
	s1 =	stileid.u32;
	s2 =	sand.u32 $0x1, s2  }
0x3: {  	s3 =	rddreg [dreg:$0x2];
	s4 =	sshll.u32 s1, $0x7;
	s5 =	sshll.u32 s2, $0x6  }
0x4: {  	s9 =	rddreg [dreg:$0x3];
	s5 =	sor.u32 s5, s4;
	s4 =	simm.s32 $0x0  }
0x5: {  	[smem:$0x7FF] =	sst s4;
	s14 =	sshll.u32 s5, $0x7  }
0x6: {  	s16 =	sadd.s32 $0x40, s9;
	_ =	strace $0x80000047;
	[dreg:$0x9] =	wrdreg s14  }
0x7: {  	s17 =	sadd.s32 $0x400, s9;
	[dreg:$0xc] =	wrdreg s16  }
0x8: {  	s18 =	sadd.s32 $0x440, s9;
	[dreg:$0xd] =	wrdreg s17  }
0x9: {  	s19 =	sadd.s32 $0x40000, s9;
	[dreg:$0xe] =	wrdreg s18  }
0xa: {  	s20 =	sadd.s32 $0x40040, s9;
	[dreg:$0xf] =	wrdreg s19  }
0xb: {  	s21 =	sadd.s32 $0x40400, s9;
	[dreg:$0x10] =	wrdreg s20  }
0xc: {  	s22 =	sadd.s32 $0x40440, s9;
	[dreg:$0x11] =	wrdreg s21  }
0xd: {  	s23 =	sadd.s32 $0x80000, s9;
	[dreg:$0x12] =	wrdreg s22  }
0xe: {  	s24 =	sadd.s32 $0x80040, s9;
	[dreg:$0x14] =	wrdreg s23  }
0xf: {  	s25 =	sadd.s32 $0x80400, s9;
	[dreg:$0x15] =	wrdreg s24  }
0x10: {  	s26 =	sadd.s32 $0x80440, s9;
	[dreg:$0x17] =	wrdreg s25  }
0x11: {  	s28 =	sadd.s32 $0xC0000, s9;
	[dreg:$0x18] =	wrdreg s26  }
0x12: {  	s29 =	sadd.s32 $0xC0040, s9;
	s30 =	sadd.s32 $0xC0400, s9;
	[dreg:$0x19] =	wrdreg s28  }
0x13: {  	s31 =	sadd.s32 $0xC0440, s9;
	s2 =	ssub.s32 $0x2, s2;
	[dreg:$0x1a] =	wrdreg s29  }
0x14: {  	s7 =	sshrl.u32 s2, $0x1;
	s6 =	sshrl.u32 s5, $0x3;
	[dreg:$0x1b] =	wrdreg s30  }
0x15: {  	s7 =	ssub.s32 s2, s7;
	s6 =	sadd.s32 s0, s6;
	[dreg:$0x1c] =	wrdreg s31  }
0x16: {  	s0 =	smax.u32 s7, $0x1;
	[dreg:$0x5] =	wrdreg s6  }
0x17: {  	s12 =	sadd.s32 $0x100, s6;
	[dreg:$0x16] =	wrdreg s0  }
0x18: {  	s13 =	sadd.s32 $0x200, s6;
	[dreg:$0x6] =	wrdreg s12  }
0x19: {  	s1 =	sadd.s32 $0x300, s6;
	[dreg:$0x7] =	wrdreg s13  }
0x1a: {  	[dreg:$0x8] =	wrdreg s1;
	s1 =	sadd.s32 s3, s14  }
0x1b: {  	v2 =	vlaneseq.u32;
	s10 =	sadd.s32 $0x100, s8;
	s15 =	sadd.s32 $0x1800, s1;
	[dreg:$0xa] =	wrdreg s1  }
0x1c: {  	vm0 =	vmmov $0xffff;
	s11 =	sadd.s32 $0x200, s8;
	v1 =	vshrl.u32 v2, $0x3;
	s1 =	sadd.s32 $0x1000, s1;
	[dreg:$0xb] =	wrdreg s15  }
0x1d: {  	v0 =	vand.u32 $0x7, v2;
	v2 =	vor.u32 $0x8, v2;
	v1 =	vmul.u32 $0x8, v1;
	s2 =	simm.s32 $0x0;
	s13 =	sadd.s32 $0x300, s8;
	[dreg:$0x13] =	wrdreg s1  }
.LBB2_1:
0x1e: {  	[dreg:$0x1d] =	wrdreg s2  }
0x1f: {  	s0 =	rddreg [dreg:$0x5];
	s1 =	simm.s32 $0x18000  }
0x20: {  	[tilespmem:s1], [sflag:$0xA] =	stream.linear.gather [hbm4b:s0+s4], $0x40, $0x38;
	[tilespmem:$0x18100] =	vst v63  }
0x21: {  	s2 =	simm.s32 $0x18040;
	s1 =	rddreg [dreg:$0x6]  }
0x22: {  	[tilespmem:s2], [sflag:$0xA] =	stream.linear.gather [hbm4b:s1+s4], $0x40, $0x38;
	[tilespmem:$0x18100] =	vst v63  }
0x23: {  	s3 =	rddreg [dreg:$0x7];
	s5 =	simm.s32 $0x18080  }
0x24: {  	[tilespmem:s5], [sflag:$0xA] =	stream.linear.gather [hbm4b:s3+s4], $0x40, $0x38;
	[tilespmem:$0x18100] =	vst v63  }
0x25: {  	s6 =	rddreg [dreg:$0x8];
	s7 =	simm.s32 $0x180C0;
	s8 =	simm.s32 $0xA  }
0x26: {  	[tilespmem:s7], [sflag:$0xA] =	stream.linear.gather [hbm4b:s6+s4], $0x40, $0x38;
	[tilespmem:$0x18100] =	vst v63  }
0x27: {  	_ =	swait.ge [sflag:s8], $0x40  }
0x28: {  	[sflag:s8] =	ssyncset.done $0x0  }
0x29: {  	[sflag:s8] =	ssyncadd.s32 $0xFFFFFFC0  }
0x2a: {  	_ =	swait.ge [sflag:s8], $0x40  }
0x2b: {  	[sflag:s8] =	ssyncset.done $0x0  }
0x2c: {  	[sflag:s8] =	ssyncadd.s32 $0xFFFFFFC0  }
0x2d: {  	_ =	swait.ge [sflag:s8], $0x40  }
0x2e: {  	[sflag:s8] =	ssyncset.done $0x0  }
0x2f: {  	[sflag:s8] =	ssyncadd.s32 $0xFFFFFFC0  }
0x30: {  	_ =	swait.ge [sflag:s8], $0x40  }
0x31: {  	[sflag:s8] =	ssyncset.done $0x0  }
0x32: {  	[sflag:s8] =	ssyncadd.s32 $0xFFFFFFC0  }
0x33: {  	v3 =	vld [tilespmem:$0x18000];
	_ =	sdelay $0x4  }
0x34: {  	v4 =	vshll.u32 v3, $0x3  }
0x35: {  	v3 =	vand.u32 $0x7, v3;
	v4 =	vand.u32 $0xFFFFFFC0, v4  }
0x36: {  	v3 =	vor.u32 v3, v4  }
0x37: {  	v4 =	vperm.xlane v3, v0;
	_ =	sdelay $0x1  }
0x38: {  	v4 =	vadd.s32 v1, v4;
	_ =	sdelay $0x3  }
0x39: {  	s9 =	simm.s32 $0x8000;
	s0 =	rddreg [dreg:$0x1]  }
0x3a: {  	[tilespmem:s9], [sflag:$0x1] =	stream.indirect_vreg.gather [hbm4b:s0+s4], $0x80, v4, vm0, $0xb8;
	[tilespmem:$0x18100] =	vst v63  }
0x3b: {  	s12 =	simm.s32 $0x8800;
	v3 =	vperm.xlane v3, v2  }
0x3c: {  	[tilespmem:s12], [sflag:$0x1] =	stream.indirect_vreg.gather [hbm4b:s10+s4], $0x80, v4, vm0, $0xb8;
	[tilespmem:$0x18100] =	vst v63  }
0x3d: {  	s14 =	simm.s32 $0x9000;
	v3 =	vadd.s32 v1, v3  }
0x3e: {  	[tilespmem:s14], [sflag:$0x1] =	stream.indirect_vreg.gather [hbm4b:s11+s4], $0x80, v4, vm0, $0xb8;
	[tilespmem:$0x18100] =	vst v63  }
0x3f: {  	s15 =	simm.s32 $0x9800  }
0x40: {  	[tilespmem:s15], [sflag:$0x1] =	stream.indirect_vreg.gather [hbm4b:s13+s4], $0x80, v4, vm0, $0xb8;
	[tilespmem:$0x18100] =	vst v63  }
0x41: {  	s16 =	simm.s32 $0xA000  }
0x42: {  	[tilespmem:s16], [sflag:$0x1] =	stream.indirect_vreg.gather [hbm4b:s0+s4], $0x80, v3, vm0, $0xb8;
	[tilespmem:$0x18100] =	vst v63  }
0x43: {  	s17 =	simm.s32 $0xA800  }
0x44: {  	[tilespmem:s17], [sflag:$0x1] =	stream.indirect_vreg.gather [hbm4b:s10+s4], $0x80, v3, vm0, $0xb8;
	[tilespmem:$0x18100] =	vst v63  }
0x45: {  	s18 =	simm.s32 $0xB000  }
0x46: {  	[tilespmem:s18], [sflag:$0x1] =	stream.indirect_vreg.gather [hbm4b:s11+s4], $0x80, v3, vm0, $0xb8;
	[tilespmem:$0x18100] =	vst v63  }
0x47: {  	s19 =	simm.s32 $0xB800  }
0x48: {  	[tilespmem:s19], [sflag:$0x1] =	stream.indirect_vreg.gather [hbm4b:s13+s4], $0x80, v3, vm0, $0xb8;
	[tilespmem:$0x18100] =	vst v63  }
0x49: {  	v3 =	vld [tilespmem:$0x18040];
	_ =	sdelay $0x4  }
0x4a: {  	v63 =	vshll.u32 v3, $0x3  }
0x4b: {  	v3 =	vand.u32 $0x7, v3;
	v4 =	vand.u32 $0xFFFFFFC0, v63  }
0x4c: {  	v3 =	vor.u32 v3, v4  }
0x4d: {  	v4 =	vperm.xlane v3, v0;
	_ =	sdelay $0x1  }
0x4e: {  	v4 =	vadd.s32 v1, v4;
	_ =	sdelay $0x3  }
0x4f: {  	s20 =	simm.s32 $0xC000  }
0x50: {  	[tilespmem:s20], [sflag:$0x2] =	stream.indirect_vreg.gather [hbm4b:s0+s4], $0x80, v4, vm0, $0xb8;
	[tilespmem:$0x18100] =	vst v63  }
0x51: {  	s21 =	simm.s32 $0xC800;
	v3 =	vperm.xlane v3, v2  }
0x52: {  	[tilespmem:s21], [sflag:$0x2] =	stream.indirect_vreg.gather [hbm4b:s10+s4], $0x80, v4, vm0, $0xb8;
	[tilespmem:$0x18100] =	vst v63  }
0x53: {  	s22 =	simm.s32 $0xD000;
	v3 =	vadd.s32 v1, v3  }
0x54: {  	[tilespmem:s22], [sflag:$0x2] =	stream.indirect_vreg.gather [hbm4b:s11+s4], $0x80, v4, vm0, $0xb8;
	[tilespmem:$0x18100] =	vst v63  }
0x55: {  	s23 =	simm.s32 $0xD800  }
0x56: {  	[tilespmem:s23], [sflag:$0x2] =	stream.indirect_vreg.gather [hbm4b:s13+s4], $0x80, v4, vm0, $0xb8;
	[tilespmem:$0x18100] =	vst v63  }
0x57: {  	s24 =	simm.s32 $0xE000  }
0x58: {  	[tilespmem:s24], [sflag:$0x2] =	stream.indirect_vreg.gather [hbm4b:s0+s4], $0x80, v3, vm0, $0xb8;
	[tilespmem:$0x18100] =	vst v63  }
0x59: {  	s25 =	simm.s32 $0xE800  }
0x5a: {  	[tilespmem:s25], [sflag:$0x2] =	stream.indirect_vreg.gather [hbm4b:s10+s4], $0x80, v3, vm0, $0xb8;
	[tilespmem:$0x18100] =	vst v63  }
0x5b: {  	s26 =	simm.s32 $0xF000  }
0x5c: {  	[tilespmem:s26], [sflag:$0x2] =	stream.indirect_vreg.gather [hbm4b:s11+s4], $0x80, v3, vm0, $0xb8;
	[tilespmem:$0x18100] =	vst v63  }
0x5d: {  	s28 =	simm.s32 $0xF800  }
0x5e: {  	[tilespmem:s28], [sflag:$0x2] =	stream.indirect_vreg.gather [hbm4b:s13+s4], $0x80, v3, vm0, $0xb8;
	[tilespmem:$0x18100] =	vst v63  }
0x5f: {  	s31 =	simm.s32 $0xB;
	s30 =	rddreg [dreg:$0xa]  }
0x60: {  	[tilespmem:s4], [sflag:$0xB] =	stream.linear.gather [hbm4b:s30+s4], $0x8000, $0x38;
	[tilespmem:$0x18100] =	vst v63  }
0x61: {  	_ =	swait.ge [sflag:s31], $0x8000  }
0x62: {  	[sflag:s31] =	ssyncset.done $0x0  }
0x63: {  	s29 =	simm.s32 $0x0;
	[sflag:s31] =	ssyncadd.s32 $0xFFFF8000  }
.LBB2_2:
0x64: {  	p0 =	seq.s32 s29, $0x0  }
0x65: {  	s0 =	simm.s32 @!p0 $0x7  }
0x66: {  	_ =	swait.ge @!p0 [sflag:s0], $0x1000  }
0x67: {  	[sflag:s0] =	ssyncset.done @!p0 $0x0  }
0x68: {  	[sflag:s0] =	ssyncadd.s32 @!p0 $0xFFFFF000  }
0x69: {  	_ =	swait.ge @!p0 [sflag:s0], $0x1000  }
0x6a: {  	[sflag:s0] =	ssyncset.done @!p0 $0x0  }
0x6b: {  	[sflag:s0] =	ssyncadd.s32 @!p0 $0xFFFFF000  }
0x6c: {  	_ =	swait.ge @!p0 [sflag:s0], $0x1000  }
0x6d: {  	[sflag:s0] =	ssyncset.done @!p0 $0x0  }
0x6e: {  	[sflag:s0] =	ssyncadd.s32 @!p0 $0xFFFFF000  }
0x6f: {  	_ =	swait.ge @!p0 [sflag:s0], $0x1000  }
0x70: {  	s2 =	sshll.u32 s29, $0x4;
	[sflag:s0] =	ssyncset.done @!p0 $0x0  }
0x71: {  	s6 =	sand.u32 $0x3FFFFFF0, s2;
	[sflag:s0] =	ssyncadd.s32 @!p0 $0xFFFFF000  }
0x72: {  	v3 =	vld [tilespmem:s6+$0x18080];
	_ =	sdelay $0x4  }
0x73: {  	v4 =	vshll.u32 v3, $0x3  }
0x74: {  	v3 =	vand.u32 $0x7, v3;
	v4 =	vand.u32 $0xFFFFFFC0, v4  }
0x75: {  	v3 =	vor.u32 v3, v4  }
0x76: {  	v4 =	vperm.xlane v3, v0;
	_ =	sdelay $0x1  }
0x77: {  	v4 =	vadd.s32 v1, v4;
	_ =	sdelay $0x3  }
0x78: {  	s1 =	simm.s32 $0x10000;
	s0 =	rddreg [dreg:$0x1]  }
0x79: {  	[tilespmem:s1], [sflag:$0x3] =	stream.indirect_vreg.gather [hbm4b:s0+s4], $0x80, v4, vm0, $0xb8;
	[tilespmem:$0x18100] =	vst v63  }
0x7a: {  	s9 =	simm.s32 $0x10800;
	v3 =	vperm.xlane v3, v2  }
0x7b: {  	[tilespmem:s9], [sflag:$0x3] =	stream.indirect_vreg.gather [hbm4b:s10+s4], $0x80, v4, vm0, $0xb8;
	[tilespmem:$0x18100] =	vst v63  }
0x7c: {  	s12 =	simm.s32 $0x11000;
	v3 =	vadd.s32 v1, v3  }
0x7d: {  	[tilespmem:s12], [sflag:$0x3] =	stream.indirect_vreg.gather [hbm4b:s11+s4], $0x80, v4, vm0, $0xb8;
	[tilespmem:$0x18100] =	vst v63  }
0x7e: {  	s14 =	simm.s32 $0x11800  }
0x7f: {  	[tilespmem:s14], [sflag:$0x3] =	stream.indirect_vreg.gather [hbm4b:s13+s4], $0x80, v4, vm0, $0xb8;
	[tilespmem:$0x18100] =	vst v63  }
0x80: {  	s15 =	simm.s32 $0x12000  }
0x81: {  	[tilespmem:s15], [sflag:$0x3] =	stream.indirect_vreg.gather [hbm4b:s0+s4], $0x80, v3, vm0, $0xb8;
	[tilespmem:$0x18100] =	vst v63  }
0x82: {  	s16 =	simm.s32 $0x12800  }
0x83: {  	[tilespmem:s16], [sflag:$0x3] =	stream.indirect_vreg.gather [hbm4b:s10+s4], $0x80, v3, vm0, $0xb8;
	[tilespmem:$0x18100] =	vst v63  }
0x84: {  	s17 =	simm.s32 $0x13000  }
0x85: {  	[tilespmem:s17], [sflag:$0x3] =	stream.indirect_vreg.gather [hbm4b:s11+s4], $0x80, v3, vm0, $0xb8;
	[tilespmem:$0x18100] =	vst v63  }
0x86: {  	s18 =	simm.s32 $0x13800;
	s19 =	simm.s32 $0x1  }
0x87: {  	[tilespmem:s18], [sflag:$0x3] =	stream.indirect_vreg.gather [hbm4b:s13+s4], $0x80, v3, vm0, $0xb8;
	[tilespmem:$0x18100] =	vst v63  }
0x88: {  	_ =	swait.ge [sflag:s19], $0x4000  }
0x89: {  	p1 =	seq.s32 s29, $0x3;
	[sflag:s19] =	ssyncset.done $0x0  }
0x8a: {  	s0 =	simm.s32 @p1 $0x9;
	[sflag:s19] =	ssyncadd.s32 $0xFFFFC000  }
0x8b: {  	p2 =	sne.s32 @!p1 s29, $0x2;
	_ =	swait.ge @p1 [sflag:s0], $0x4000  }
0x8c: {  	p2 =	por p2, p1;
	[sflag:s0] =	ssyncset.done @p1 $0x0  }
0x8d: {  	[sflag:s0] =	ssyncadd.s32 @p1 $0xFFFFC000;
	s0 =	simm.s32 @!p2 $0x9  }
0x8e: {  	_ =	swait.ge @!p2 [sflag:s0], $0x4000  }
0x8f: {  	s2 =	simm.s32 @!p2 $0x4000;
	[sflag:s0] =	ssyncset.done @!p2 $0x0  }
0x90: {  	s1 =	rddreg [dreg:$0xb];
	[sflag:s0] =	ssyncadd.s32 @!p2 $0xFFFFC000;
	s0 =	simm.s32 @!p2 $0x0  }
0x91: {  	[tilespmem:s2], [sflag:$0x9] =	stream.linear.gather @!p2 [hbm4b:s1+s0], $0x4000, $0x38;
	[tilespmem:$0x18100] =	vst v63  }
0x92: {  	s20 =	sshll.u32 s29, $0xE;
	s3 =	simm.s32 $0x0;
	s2 =	simm.s32 $0x0  }
0x93: {  	s30 =	sand.u32 $0x4000, s20;
	s3 =	sand.u32 $0x180, s3;
	s21 =	sand.u32 $0x1800, s2  }
0x94: {  	s5 =	sadd.s32 s3, s30;
	s7 =	sor.u32 $0x400, s21  }
0x95: {  	s8 =	sadd.s32 s7, s5  }
0x96: {  	s5 =	sadd.s32 s21, s5;
	v3 =	vld [tilespmem:s8+$0x70]  }
0x97: {  	v7 =	vld [tilespmem:s5+$0x0]  }
0x98: {  	v8 =	vld [tilespmem:s5+$0x10]  }
0x99: {  	v9 =	vld [tilespmem:s5+$0x20]  }
0x9a: {  	v10 =	vld [tilespmem:s5+$0x30]  }
0x9b: {  	v11 =	vld [tilespmem:s5+$0x40]  }
0x9c: {  	v12 =	vld [tilespmem:s5+$0x50]  }
0x9d: {  	v13 =	vld [tilespmem:s5+$0x60]  }
0x9e: {  	v14 =	vld [tilespmem:s5+$0x70]  }
0x9f: {  	v15 =	vld [tilespmem:s8+$0x0]  }
0xa0: {  	v16 =	vld [tilespmem:s8+$0x10]  }
0xa1: {  	v17 =	vld [tilespmem:s8+$0x20]  }
0xa2: {  	s3 =	sor.u32 $0x8000, s3;
	v6 =	vld [tilespmem:s8+$0x30]  }
0xa3: {  	s12 =	sor.u32 s7, s3;
	v5 =	vld [tilespmem:s8+$0x40]  }
0xa4: {  	s7 =	sor.u32 $0x70, s12;
	v4 =	vld [tilespmem:s8+$0x50]  }
0xa5: {  	[tilespmem:s7+$0x0] =	vst.add.f32.msk $0xffff, v3  }
0xa6: {  	s0 =	sor.u32 s21, s3;
	v3 =	vld [tilespmem:s8+$0x60]  }
0xa7: {  	s3 =	sor.u32 $0x10, s0;
	[tilespmem:s0+$0x0] =	vst.add.f32.msk $0xffff, v7  }
0xa8: {  	s22 =	sor.u32 $0x20, s0;
	[tilespmem:s3+$0x0] =	vst.add.f32.msk $0xffff, v8  }
0xa9: {  	s23 =	sor.u32 $0x30, s0;
	[tilespmem:s22+$0x0] =	vst.add.f32.msk $0xffff, v9  }
0xaa: {  	s24 =	sor.u32 $0x40, s0;
	[tilespmem:s23+$0x0] =	vst.add.f32.msk $0xffff, v10  }
0xab: {  	s25 =	sor.u32 $0x50, s0;
	[tilespmem:s24+$0x0] =	vst.add.f32.msk $0xffff, v11  }
0xac: {  	s26 =	sor.u32 $0x60, s0;
	[tilespmem:s25+$0x0] =	vst.add.f32.msk $0xffff, v12  }
0xad: {  	[tilespmem:s26+$0x0] =	vst.add.f32.msk $0xffff, v13  }
0xae: {  	s28 =	sor.u32 $0x10, s12;
	[tilespmem:s12+$0x0] =	vst.add.f32.msk $0xffff, v15  }
0xaf: {  	s31 =	sor.u32 $0x20, s12;
	s5 =	sor.u32 $0x40, s12;
	[tilespmem:s28+$0x0] =	vst.add.f32.msk $0xffff, v16  }
0xb0: {  	s0 =	sor.u32 $0x70, s0;
	s7 =	simm.s32 $0x0;
	s3 =	sor.u32 $0x30, s12;
	[tilespmem:s31+$0x0] =	vst.add.f32.msk $0xffff, v17  }
0xb1: {  	s25 =	sor.u32 $0x60, s12;
	s8 =	simm.s32 $0x80;
	[tilespmem:s0+$0x0] =	vst.add.f32.msk $0xffff, v14;
	s0 =	sor.u32 $0x50, s12  }
.LBB2_3:
0xb2: {  	s12 =	sshrl.u32 s8, $0x2;
	s7 =	sadd.s32 $0x10, s7;
	[tilespmem:s3+$0x0] =	vst.add.f32.msk $0xffff, v6;
	s2 =	sadd.s32 $0x800, s2  }
0xb3: {  	s3 =	sand.u32 $0x1800, s2;
	s12 =	sand.u32 $0x180, s12;
	p1 =	slt.u32 s7, $0xF0;
	[tilespmem:s5+$0x0] =	vst.add.f32.msk $0xffff, v5  }
0xb4: {  	s5 =	sadd.s32 s12, s30;
	s14 =	sor.u32 $0x400, s3;
	[tilespmem:s0+$0x0] =	vst.add.f32.msk $0xffff, v4  }
0xb5: {  	s31 =	sadd.s32 s3, s5;
	s15 =	sadd.s32 s14, s5;
	[tilespmem:s25+$0x0] =	vst.add.f32.msk $0xffff, v3  }
0xb6: {  	v3 =	vld [tilespmem:s15+$0x70]  }
0xb7: {  	v7 =	vld [tilespmem:s31+$0x0]  }
0xb8: {  	s0 =	sor.u32 $0x8000, s12;
	v8 =	vld [tilespmem:s31+$0x10]  }
0xb9: {  	s12 =	sor.u32 s3, s0;
	s14 =	sor.u32 s14, s0;
	v9 =	vld [tilespmem:s31+$0x20]  }
0xba: {  	s16 =	sor.u32 $0x10, s12;
	s17 =	sor.u32 $0x20, s12;
	s0 =	sor.u32 $0x70, s14;
	v10 =	vld [tilespmem:s31+$0x30]  }
0xbb: {  	s18 =	sor.u32 $0x30, s12;
	s19 =	sor.u32 $0x40, s12;
	s20 =	sor.u32 $0x50, s12;
	[tilespmem:s0+$0x0] =	vst.add.f32.msk $0xffff, v3  }
0xbc: {  	s21 =	sor.u32 $0x60, s12;
	s9 =	sor.u32 $0x70, s12;
	s22 =	sor.u32 $0x10, s14;
	v11 =	vld [tilespmem:s31+$0x40]  }
0xbd: {  	s24 =	sor.u32 $0x20, s14;
	s3 =	sor.u32 $0x30, s14;
	s5 =	sor.u32 $0x40, s14;
	v12 =	vld [tilespmem:s31+$0x50]  }
0xbe: {  	s25 =	sor.u32 $0x60, s14;
	s0 =	sor.u32 $0x50, s14;
	v13 =	vld [tilespmem:s31+$0x60]  }
0xbf: {  	v14 =	vld [tilespmem:s31+$0x70]  }
0xc0: {  	v15 =	vld [tilespmem:s15+$0x0]  }
0xc1: {  	v16 =	vld [tilespmem:s15+$0x10]  }
0xc2: {  	v17 =	vld [tilespmem:s15+$0x20]  }
0xc3: {  	v6 =	vld [tilespmem:s15+$0x30]  }
0xc4: {  	v5 =	vld [tilespmem:s15+$0x40]  }
0xc5: {  	v4 =	vld [tilespmem:s15+$0x50]  }
0xc6: {  	v3 =	vld [tilespmem:s15+$0x60]  }
0xc7: {  	[tilespmem:s12+$0x0] =	vst.add.f32.msk $0xffff, v7  }
0xc8: {  	[tilespmem:s16+$0x0] =	vst.add.f32.msk $0xffff, v8  }
0xc9: {  	[tilespmem:s17+$0x0] =	vst.add.f32.msk $0xffff, v9  }
0xca: {  	[tilespmem:s18+$0x0] =	vst.add.f32.msk $0xffff, v10  }
0xcb: {  	[tilespmem:s19+$0x0] =	vst.add.f32.msk $0xffff, v11  }
0xcc: {  	[tilespmem:s20+$0x0] =	vst.add.f32.msk $0xffff, v12  }
.Ltmp0:
0xcd: {  	[tilespmem:s21+$0x0] =	vst.add.f32.msk $0xffff, v13;
	(pc) =	sbr.rel @p1 .LBB2_3-.Ltmp0, $4  }
0xce: {  	[tilespmem:s9+$0x0] =	vst.add.f32.msk $0xffff, v14  }
0xcf: {  	[tilespmem:s14+$0x0] =	vst.add.f32.msk $0xffff, v15  }
0xd0: {  	[tilespmem:s22+$0x0] =	vst.add.f32.msk $0xffff, v16  }
0xd1: {  	s8 =	sadd.s32 $0x80, s8;
	[tilespmem:s24+$0x0] =	vst.add.f32.msk $0xffff, v17  }
0xd2: {  	[tilespmem:s3+$0x0] =	vst.add.f32.msk $0xffff, v6  }
0xd3: {  	[tilespmem:s5+$0x0] =	vst.add.f32.msk $0xffff, v5  }
0xd4: {  	[tilespmem:s0+$0x0] =	vst.add.f32.msk $0xffff, v4  }
0xd5: {  	s2 =	sshll.u32 s29, $0xB;
	s0 =	rddreg [dreg:$0x9]  }
0xd6: {  	[tilespmem:s25+$0x0] =	vst.add.f32.msk $0xffff, v3;
	s25 =	rddreg [dreg:$0x3];
	s31 =	sor.u32 s0, s2  }
0xd7: {  	s1 =	simm.s32 $0x8000;
	s2 =	simm.s32 $0x0;
	s0 =	sadd.s32 s25, s31  }
0xd8: {  	[hbm4b:s0+s2] =	stream.linear.scatter [tilespmem:s1], [sflag:$0x5], $0x200, $0x38;
	[tilespmem:$0x18100] =	vst v63  }
0xd9: {  	s28 =	simm.s32 $0x8400;
	s26 =	sadd.s32 $0x80, s0  }
0xda: {  	[hbm4b:s26+s2] =	stream.linear.scatter [tilespmem:s28], [sflag:$0x5], $0x200, $0x38;
	[tilespmem:$0x18100] =	vst v63  }
0xdb: {  	s5 =	simm.s32 $0x8800;
	s1 =	sadd.s32 $0x100, s0  }
0xdc: {  	[hbm4b:s1+s2] =	stream.linear.scatter [tilespmem:s5], [sflag:$0x5], $0x200, $0x38;
	[tilespmem:$0x18100] =	vst v63  }
0xdd: {  	s8 =	simm.s32 $0x8C00;
	s7 =	sadd.s32 $0x180, s0  }
0xde: {  	[hbm4b:s7+s2] =	stream.linear.scatter [tilespmem:s8], [sflag:$0x5], $0x200, $0x38;
	[tilespmem:$0x18100] =	vst v63  }
0xdf: {  	s12 =	simm.s32 $0x9000;
	s9 =	sadd.s32 $0x200, s0  }
0xe0: {  	[hbm4b:s9+s2] =	stream.linear.scatter [tilespmem:s12], [sflag:$0x5], $0x200, $0x38;
	[tilespmem:$0x18100] =	vst v63  }
0xe1: {  	s15 =	simm.s32 $0x9400;
	s14 =	sadd.s32 $0x280, s0  }
0xe2: {  	[hbm4b:s14+s2] =	stream.linear.scatter [tilespmem:s15], [sflag:$0x5], $0x200, $0x38;
	[tilespmem:$0x18100] =	vst v63  }
0xe3: {  	s17 =	simm.s32 $0x9800;
	s16 =	sadd.s32 $0x300, s0  }
0xe4: {  	[hbm4b:s16+s2] =	stream.linear.scatter [tilespmem:s17], [sflag:$0x5], $0x200, $0x38;
	[tilespmem:$0x18100] =	vst v63  }
0xe5: {  	s18 =	simm.s32 $0x9C00;
	s19 =	sand.u32 $0x600, s2;
	s0 =	sadd.s32 $0x380, s0  }
0xe6: {  	[hbm4b:s0+s2] =	stream.linear.scatter [tilespmem:s18], [sflag:$0x5], $0x200, $0x38;
	[tilespmem:$0x18100] =	vst v63  }
0xe7: {  	s0 =	sor.u32 $0x800, s19  }
0xe8: {  	s20 =	sand.u32 $0x1800, s2;
	s0 =	sshrl.u32 s0, $0x2  }
0xe9: {  	s7 =	sor.u32 $0x400, s20;
	s21 =	sadd.s32 s0, s30  }
0xea: {  	s8 =	sadd.s32 s7, s21  }
0xeb: {  	s5 =	sadd.s32 s20, s21;
	v3 =	vld [tilespmem:s8+$0x70]  }
0xec: {  	v8 =	vld [tilespmem:s5+$0x0]  }
0xed: {  	v9 =	vld [tilespmem:s5+$0x10]  }
0xee: {  	v10 =	vld [tilespmem:s5+$0x20]  }
0xef: {  	v11 =	vld [tilespmem:s5+$0x30]  }
0xf0: {  	v12 =	vld [tilespmem:s5+$0x40]  }
0xf1: {  	v13 =	vld [tilespmem:s5+$0x50]  }
0xf2: {  	v14 =	vld [tilespmem:s5+$0x60]  }
0xf3: {  	v15 =	vld [tilespmem:s5+$0x70]  }
0xf4: {  	v16 =	vld [tilespmem:s8+$0x0]  }
0xf5: {  	v17 =	vld [tilespmem:s8+$0x10]  }
0xf6: {  	v7 =	vld [tilespmem:s8+$0x20]  }
0xf7: {  	s0 =	sor.u32 $0x8000, s0;
	v6 =	vld [tilespmem:s8+$0x30]  }
0xf8: {  	s9 =	sor.u32 s7, s0;
	v5 =	vld [tilespmem:s8+$0x40]  }
0xf9: {  	s7 =	sor.u32 $0x70, s9;
	v4 =	vld [tilespmem:s8+$0x50]  }
0xfa: {  	[tilespmem:s7+$0x0] =	vst.add.f32.msk $0xffff, v3  }
0xfb: {  	s0 =	sor.u32 s20, s0;
	v3 =	vld [tilespmem:s8+$0x60]  }
0xfc: {  	s3 =	sor.u32 $0x10, s0;
	[tilespmem:s0+$0x0] =	vst.add.f32.msk $0xffff, v8  }
0xfd: {  	s22 =	sor.u32 $0x20, s0;
	[tilespmem:s3+$0x0] =	vst.add.f32.msk $0xffff, v9  }
0xfe: {  	s23 =	sor.u32 $0x30, s0;
	[tilespmem:s22+$0x0] =	vst.add.f32.msk $0xffff, v10  }
0xff: {  	s24 =	sor.u32 $0x40, s0;
	[tilespmem:s23+$0x0] =	vst.add.f32.msk $0xffff, v11  }
0x100: {  	s25 =	sor.u32 $0x50, s0;
	[tilespmem:s24+$0x0] =	vst.add.f32.msk $0xffff, v12  }
0x101: {  	s26 =	sor.u32 $0x60, s0;
	[tilespmem:s25+$0x0] =	vst.add.f32.msk $0xffff, v13  }
0x102: {  	[tilespmem:s26+$0x0] =	vst.add.f32.msk $0xffff, v14  }
0x103: {  	s28 =	sor.u32 $0x10, s9;
	s12 =	sor.u32 $0x40, s9;
	s5 =	sor.u32 $0x50, s9;
	[tilespmem:s9+$0x0] =	vst.add.f32.msk $0xffff, v16  }
0x104: {  	s0 =	sor.u32 $0x70, s0;
	s7 =	simm.s32 $0x0;
	s3 =	sor.u32 $0x20, s9;
	[tilespmem:s28+$0x0] =	vst.add.f32.msk $0xffff, v17  }
0x105: {  	s25 =	sor.u32 $0x60, s9;
	s8 =	simm.s32 $0x80;
	[tilespmem:s0+$0x0] =	vst.add.f32.msk $0xffff, v15;
	s0 =	sor.u32 $0x30, s9  }
.LBB2_5:
0x106: {  	s9 =	sand.u32 $0x600, s8;
	s7 =	sadd.s32 $0x10, s7;
	[tilespmem:s3+$0x0] =	vst.add.f32.msk $0xffff, v7  }
0x107: {  	s2 =	sadd.s32 $0x800, s2;
	s3 =	sor.u32 $0x800, s9;
	p1 =	slt.u32 s7, $0xF0;
	[tilespmem:s0+$0x0] =	vst.add.f32.msk $0xffff, v6  }
0x108: {  	s0 =	sand.u32 $0x1800, s2;
	s3 =	sshrl.u32 s3, $0x2;
	[tilespmem:s12+$0x0] =	vst.add.f32.msk $0xffff, v5  }
0x109: {  	s12 =	sor.u32 $0x400, s0;
	s9 =	sadd.s32 s3, s30;
	[tilespmem:s5+$0x0] =	vst.add.f32.msk $0xffff, v4  }
0x10a: {  	s14 =	sadd.s32 s0, s9;
	s9 =	sadd.s32 s12, s9;
	[tilespmem:s25+$0x0] =	vst.add.f32.msk $0xffff, v3  }
0x10b: {  	v3 =	vld [tilespmem:s9+$0x70]  }
0x10c: {  	v8 =	vld [tilespmem:s14+$0x0]  }
0x10d: {  	s3 =	sor.u32 $0x8000, s3;
	v9 =	vld [tilespmem:s14+$0x10]  }
0x10e: {  	s15 =	sor.u32 s0, s3;
	s16 =	sor.u32 s12, s3;
	v10 =	vld [tilespmem:s14+$0x20]  }
0x10f: {  	s17 =	sor.u32 $0x10, s15;
	s18 =	sor.u32 $0x20, s15;
	s0 =	sor.u32 $0x70, s16;
	v11 =	vld [tilespmem:s14+$0x30]  }
0x110: {  	s19 =	sor.u32 $0x30, s15;
	s20 =	sor.u32 $0x40, s15;
	s21 =	sor.u32 $0x50, s15;
	[tilespmem:s0+$0x0] =	vst.add.f32.msk $0xffff, v3  }
0x111: {  	s22 =	sor.u32 $0x60, s15;
	s24 =	sor.u32 $0x70, s15;
	s28 =	sor.u32 $0x10, s16;
	v12 =	vld [tilespmem:s14+$0x40]  }
0x112: {  	s3 =	sor.u32 $0x20, s16;
	s12 =	sor.u32 $0x40, s16;
	s0 =	sor.u32 $0x30, s16;
	v13 =	vld [tilespmem:s14+$0x50]  }
0x113: {  	s5 =	sor.u32 $0x50, s16;
	s25 =	sor.u32 $0x60, s16;
	v14 =	vld [tilespmem:s14+$0x60]  }
0x114: {  	v15 =	vld [tilespmem:s14+$0x70]  }
0x115: {  	v16 =	vld [tilespmem:s9+$0x0]  }
0x116: {  	v17 =	vld [tilespmem:s9+$0x10]  }
0x117: {  	v7 =	vld [tilespmem:s9+$0x20]  }
0x118: {  	v6 =	vld [tilespmem:s9+$0x30]  }
0x119: {  	v5 =	vld [tilespmem:s9+$0x40]  }
0x11a: {  	v4 =	vld [tilespmem:s9+$0x50]  }
0x11b: {  	v3 =	vld [tilespmem:s9+$0x60]  }
0x11c: {  	[tilespmem:s15+$0x0] =	vst.add.f32.msk $0xffff, v8  }
0x11d: {  	[tilespmem:s17+$0x0] =	vst.add.f32.msk $0xffff, v9  }
0x11e: {  	[tilespmem:s18+$0x0] =	vst.add.f32.msk $0xffff, v10  }
0x11f: {  	[tilespmem:s19+$0x0] =	vst.add.f32.msk $0xffff, v11  }
0x120: {  	[tilespmem:s20+$0x0] =	vst.add.f32.msk $0xffff, v12  }
.Ltmp1:
0x121: {  	[tilespmem:s21+$0x0] =	vst.add.f32.msk $0xffff, v13;
	(pc) =	sbr.rel @p1 .LBB2_5-.Ltmp1, $4  }
0x122: {  	[tilespmem:s22+$0x0] =	vst.add.f32.msk $0xffff, v14  }
0x123: {  	[tilespmem:s24+$0x0] =	vst.add.f32.msk $0xffff, v15  }
0x124: {  	[tilespmem:s16+$0x0] =	vst.add.f32.msk $0xffff, v16  }
0x125: {  	s8 =	sadd.s32 $0x80, s8;
	[tilespmem:s28+$0x0] =	vst.add.f32.msk $0xffff, v17  }
0x126: {  	[tilespmem:s3+$0x0] =	vst.add.f32.msk $0xffff, v7  }
0x127: {  	[tilespmem:s0+$0x0] =	vst.add.f32.msk $0xffff, v6  }
0x128: {  	[tilespmem:s12+$0x0] =	vst.add.f32.msk $0xffff, v5  }
0x129: {  	[tilespmem:s5+$0x0] =	vst.add.f32.msk $0xffff, v4  }
0x12a: {  	[tilespmem:s25+$0x0] =	vst.add.f32.msk $0xffff, v3  }
0x12b: {  	s0 =	rddreg [dreg:$0xc]  }
0x12c: {  	s7 =	simm.s32 $0x0;
	s1 =	simm.s32 $0x8200;
	s0 =	sadd.s32 s31, s0  }
0x12d: {  	[hbm4b:s0+s7] =	stream.linear.scatter [tilespmem:s1], [sflag:$0x5], $0x200, $0x38;
	[tilespmem:$0x18100] =	vst v63  }
0x12e: {  	s12 =	simm.s32 $0x8600;
	s2 =	sadd.s32 $0x80, s0  }
0x12f: {  	[hbm4b:s2+s7] =	stream.linear.scatter [tilespmem:s12], [sflag:$0x5], $0x200, $0x38;
	[tilespmem:$0x18100] =	vst v63  }
0x130: {  	s15 =	simm.s32 $0x8A00;
	s14 =	sadd.s32 $0x100, s0  }
0x131: {  	[hbm4b:s14+s7] =	stream.linear.scatter [tilespmem:s15], [sflag:$0x5], $0x200, $0x38;
	[tilespmem:$0x18100] =	vst v63  }
0x132: {  	s17 =	simm.s32 $0x8E00;
	s16 =	sadd.s32 $0x180, s0  }
0x133: {  	[hbm4b:s16+s7] =	stream.linear.scatter [tilespmem:s17], [sflag:$0x5], $0x200, $0x38;
	[tilespmem:$0x18100] =	vst v63  }
0x134: {  	s19 =	simm.s32 $0x9200;
	s18 =	sadd.s32 $0x200, s0  }
0x135: {  	[hbm4b:s18+s7] =	stream.linear.scatter [tilespmem:s19], [sflag:$0x5], $0x200, $0x38;
	[tilespmem:$0x18100] =	vst v63  }
0x136: {  	s21 =	simm.s32 $0x9600;
	s20 =	sadd.s32 $0x280, s0  }
0x137: {  	[hbm4b:s20+s7] =	stream.linear.scatter [tilespmem:s21], [sflag:$0x5], $0x200, $0x38;
	[tilespmem:$0x18100] =	vst v63  }
0x138: {  	s23 =	simm.s32 $0x9A00;
	s22 =	sadd.s32 $0x300, s0  }
0x139: {  	[hbm4b:s22+s7] =	stream.linear.scatter [tilespmem:s23], [sflag:$0x5], $0x200, $0x38;
	[tilespmem:$0x18100] =	vst v63  }
0x13a: {  	s24 =	simm.s32 $0x9E00;
	s25 =	simm.s32 $0x0;
	s0 =	sadd.s32 $0x380, s0  }
0x13b: {  	[hbm4b:s0+s7] =	stream.linear.scatter [tilespmem:s24], [sflag:$0x5], $0x200, $0x38;
	[tilespmem:$0x18100] =	vst v63  }
0x13c: {  	s26 =	sand.u32 $0x1800, s7;
	s0 =	sand.u32 $0x180, s25  }
0x13d: {  	s8 =	sor.u32 $0x400, s26;
	s2 =	sadd.s32 $0x2000, s30;
	s28 =	sadd.s32 s0, s30  }
0x13e: {  	s1 =	sadd.s32 s0, s2;
	s9 =	sadd.s32 s8, s28  }
0x13f: {  	s15 =	sadd.s32 s26, s1;
	v3 =	vld [tilespmem:s9+$0x2070]  }
0x140: {  	s5 =	sadd.s32 s26, s28;
	v7 =	vld [tilespmem:s15+$0x0]  }
0x141: {  	v8 =	vld [tilespmem:s5+$0x2010]  }
0x142: {  	v9 =	vld [tilespmem:s5+$0x2020]  }
0x143: {  	v10 =	vld [tilespmem:s5+$0x2030]  }
0x144: {  	v11 =	vld [tilespmem:s5+$0x2040]  }
0x145: {  	v12 =	vld [tilespmem:s5+$0x2050]  }
0x146: {  	v13 =	vld [tilespmem:s5+$0x2060]  }
0x147: {  	s18 =	sadd.s32 s8, s1;
	v14 =	vld [tilespmem:s5+$0x2070]  }
0x148: {  	v15 =	vld [tilespmem:s18+$0x0]  }
0x149: {  	v16 =	vld [tilespmem:s9+$0x2010]  }
0x14a: {  	v17 =	vld [tilespmem:s9+$0x2020]  }
0x14b: {  	s14 =	sor.u32 $0x8000, s0;
	v6 =	vld [tilespmem:s9+$0x2030]  }
0x14c: {  	s16 =	sor.u32 s8, s14;
	v5 =	vld [tilespmem:s9+$0x2040]  }
0x14d: {  	s17 =	sor.u32 $0x2070, s16;
	v4 =	vld [tilespmem:s9+$0x2050]  }
0x14e: {  	s0 =	sor.u32 $0xA000, s0;
	[tilespmem:s17+$0x0] =	vst.add.f32.msk $0xffff, v3  }
0x14f: {  	s19 =	sor.u32 s26, s14;
	s3 =	sor.u32 s26, s0;
	v3 =	vld [tilespmem:s9+$0x2060]  }
0x150: {  	s20 =	sor.u32 $0x2010, s19;
	[tilespmem:s3+$0x0] =	vst.add.f32.msk $0xffff, v7  }
0x151: {  	s21 =	sor.u32 $0x2020, s19;
	[tilespmem:s20+$0x0] =	vst.add.f32.msk $0xffff, v8  }
0x152: {  	s22 =	sor.u32 $0x2030, s19;
	[tilespmem:s21+$0x0] =	vst.add.f32.msk $0xffff, v9  }
0x153: {  	s23 =	sor.u32 $0x2040, s19;
	[tilespmem:s22+$0x0] =	vst.add.f32.msk $0xffff, v10  }
0x154: {  	s24 =	sor.u32 $0x2050, s19;
	[tilespmem:s23+$0x0] =	vst.add.f32.msk $0xffff, v11  }
0x155: {  	s25 =	sor.u32 $0x2060, s19;
	[tilespmem:s24+$0x0] =	vst.add.f32.msk $0xffff, v12  }
0x156: {  	s5 =	sor.u32 $0x2070, s19;
	[tilespmem:s25+$0x0] =	vst.add.f32.msk $0xffff, v13  }
0x157: {  	s0 =	sor.u32 s8, s0;
	[tilespmem:s5+$0x0] =	vst.add.f32.msk $0xffff, v14  }
0x158: {  	s8 =	simm.s32 $0x0;
	s26 =	sor.u32 $0x2010, s16;
	[tilespmem:s0+$0x0] =	vst.add.f32.msk $0xffff, v15  }
0x159: {  	s28 =	sor.u32 $0x2020, s16;
	s14 =	sor.u32 $0x2030, s16;
	s12 =	sor.u32 $0x2060, s16;
	[tilespmem:s26+$0x0] =	vst.add.f32.msk $0xffff, v16  }
0x15a: {  	s3 =	sor.u32 $0x2040, s16;
	s5 =	sor.u32 $0x2050, s16;
	[tilespmem:s28+$0x0] =	vst.add.f32.msk $0xffff, v17;
	s25 =	simm.s32 $0x80  }
.LBB2_7:
0x15b: {  	s0 =	sshrl.u32 s25, $0x2;
	s8 =	sadd.s32 $0x10, s8;
	[tilespmem:s14+$0x0] =	vst.add.f32.msk $0xffff, v6;
	s7 =	sadd.s32 $0x800, s7  }
0x15c: {  	s9 =	sand.u32 $0x1800, s7;
	s14 =	sand.u32 $0x180, s0;
	p1 =	slt.u32 s8, $0xF0;
	[tilespmem:s3+$0x0] =	vst.add.f32.msk $0xffff, v5  }
0x15d: {  	s0 =	sadd.s32 s14, s2;
	s3 =	sadd.s32 s14, s30;
	s15 =	sor.u32 $0x400, s9;
	[tilespmem:s5+$0x0] =	vst.add.f32.msk $0xffff, v4  }
0x15e: {  	s5 =	sadd.s32 s9, s0;
	s16 =	sadd.s32 s9, s3;
	s17 =	sadd.s32 s15, s3;
	[tilespmem:s12+$0x0] =	vst.add.f32.msk $0xffff, v3  }
0x15f: {  	s3 =	sor.u32 $0xA000, s14;
	s18 =	sadd.s32 s15, s0;
	v3 =	vld [tilespmem:s17+$0x2070]  }
0x160: {  	s19 =	sor.u32 s9, s3;
	s0 =	sor.u32 s15, s3;
	v7 =	vld [tilespmem:s5+$0x0]  }
0x161: {  	s3 =	sor.u32 $0x8000, s14;
	v8 =	vld [tilespmem:s16+$0x2010]  }
0x162: {  	s5 =	sor.u32 s9, s3;
	s9 =	sor.u32 s15, s3;
	v9 =	vld [tilespmem:s16+$0x2020]  }
0x163: {  	s15 =	sor.u32 $0x2010, s5;
	s20 =	sor.u32 $0x2020, s5;
	s3 =	sor.u32 $0x2070, s9;
	v10 =	vld [tilespmem:s16+$0x2030]  }
0x164: {  	s21 =	sor.u32 $0x2030, s5;
	s22 =	sor.u32 $0x2040, s5;
	s24 =	sor.u32 $0x2050, s5;
	[tilespmem:s3+$0x0] =	vst.add.f32.msk $0xffff, v3  }
0x165: {  	s28 =	sor.u32 $0x2060, s5;
	s1 =	sor.u32 $0x2070, s5;
	s23 =	sor.u32 $0x2010, s9;
	v11 =	vld [tilespmem:s16+$0x2040]  }
0x166: {  	s26 =	sor.u32 $0x2020, s9;
	s14 =	sor.u32 $0x2030, s9;
	s3 =	sor.u32 $0x2040, s9;
	v12 =	vld [tilespmem:s16+$0x2050]  }
0x167: {  	s5 =	sor.u32 $0x2050, s9;
	s12 =	sor.u32 $0x2060, s9;
	v13 =	vld [tilespmem:s16+$0x2060]  }
0x168: {  	v14 =	vld [tilespmem:s16+$0x2070]  }
0x169: {  	v15 =	vld [tilespmem:s18+$0x0]  }
0x16a: {  	v16 =	vld [tilespmem:s17+$0x2010]  }
0x16b: {  	v17 =	vld [tilespmem:s17+$0x2020]  }
0x16c: {  	v6 =	vld [tilespmem:s17+$0x2030]  }
0x16d: {  	v5 =	vld [tilespmem:s17+$0x2040]  }
0x16e: {  	v4 =	vld [tilespmem:s17+$0x2050]  }
0x16f: {  	v3 =	vld [tilespmem:s17+$0x2060]  }
0x170: {  	[tilespmem:s19+$0x0] =	vst.add.f32.msk $0xffff, v7  }
0x171: {  	[tilespmem:s15+$0x0] =	vst.add.f32.msk $0xffff, v8  }
0x172: {  	[tilespmem:s20+$0x0] =	vst.add.f32.msk $0xffff, v9  }
0x173: {  	[tilespmem:s21+$0x0] =	vst.add.f32.msk $0xffff, v10  }
0x174: {  	[tilespmem:s22+$0x0] =	vst.add.f32.msk $0xffff, v11  }
0x175: {  	[tilespmem:s24+$0x0] =	vst.add.f32.msk $0xffff, v12  }
.Ltmp2:
0x176: {  	[tilespmem:s28+$0x0] =	vst.add.f32.msk $0xffff, v13;
	(pc) =	sbr.rel @p1 .LBB2_7-.Ltmp2, $4  }
0x177: {  	[tilespmem:s1+$0x0] =	vst.add.f32.msk $0xffff, v14  }
0x178: {  	[tilespmem:s0+$0x0] =	vst.add.f32.msk $0xffff, v15  }
0x179: {  	[tilespmem:s23+$0x0] =	vst.add.f32.msk $0xffff, v16  }
0x17a: {  	s25 =	sadd.s32 $0x80, s25;
	[tilespmem:s26+$0x0] =	vst.add.f32.msk $0xffff, v17  }
0x17b: {  	[tilespmem:s14+$0x0] =	vst.add.f32.msk $0xffff, v6  }
0x17c: {  	[tilespmem:s3+$0x0] =	vst.add.f32.msk $0xffff, v5  }
0x17d: {  	[tilespmem:s5+$0x0] =	vst.add.f32.msk $0xffff, v4  }
0x17e: {  	[tilespmem:s12+$0x0] =	vst.add.f32.msk $0xffff, v3  }
0x17f: {  	s0 =	rddreg [dreg:$0xd]  }
0x180: {  	s7 =	simm.s32 $0x0;
	s1 =	simm.s32 $0xA000;
	s0 =	sadd.s32 s31, s0  }
0x181: {  	[hbm4b:s0+s7] =	stream.linear.scatter [tilespmem:s1], [sflag:$0x5], $0x200, $0x38;
	[tilespmem:$0x18100] =	vst v63  }
0x182: {  	s14 =	simm.s32 $0xA400;
	s16 =	simm.s32 $0xA800;
	s12 =	sadd.s32 $0x80, s0  }
0x183: {  	[hbm4b:s12+s7] =	stream.linear.scatter [tilespmem:s14], [sflag:$0x5], $0x200, $0x38;
	[tilespmem:$0x18100] =	vst v63  }
0x184: {  	s18 =	simm.s32 $0xAC00;
	s20 =	simm.s32 $0xB000;
	s15 =	sadd.s32 $0x100, s0  }
0x185: {  	[hbm4b:s15+s7] =	stream.linear.scatter [tilespmem:s16], [sflag:$0x5], $0x200, $0x38;
	[tilespmem:$0x18100] =	vst v63  }
0x186: {  	s22 =	simm.s32 $0xB400;
	s24 =	simm.s32 $0xB800;
	s17 =	sadd.s32 $0x180, s0  }
0x187: {  	[hbm4b:s17+s7] =	stream.linear.scatter [tilespmem:s18], [sflag:$0x5], $0x200, $0x38;
	[tilespmem:$0x18100] =	vst v63  }
0x188: {  	s25 =	simm.s32 $0xBC00;
	s26 =	sand.u32 $0x180, s7;
	s19 =	sadd.s32 $0x200, s0  }
0x189: {  	[hbm4b:s19+s7] =	stream.linear.scatter [tilespmem:s20], [sflag:$0x5], $0x200, $0x38;
	[tilespmem:$0x18100] =	vst v63  }
0x18a: {  	s28 =	sand.u32 $0x1800, s7;
	s5 =	sor.u32 $0x200, s26;
	s21 =	sadd.s32 $0x280, s0  }
0x18b: {  	[hbm4b:s21+s7] =	stream.linear.scatter [tilespmem:s22], [sflag:$0x5], $0x200, $0x38;
	[tilespmem:$0x18100] =	vst v63  }
0x18c: {  	s8 =	sor.u32 $0x400, s28;
	s23 =	sadd.s32 $0x300, s0;
	s12 =	sadd.s32 s5, s30  }
0x18d: {  	[hbm4b:s23+s7] =	stream.linear.scatter [tilespmem:s24], [sflag:$0x5], $0x200, $0x38;
	[tilespmem:$0x18100] =	vst v63  }
0x18e: {  	s0 =	sadd.s32 $0x380, s0;
	s3 =	sadd.s32 s5, s2;
	s9 =	sadd.s32 s8, s12  }
0x18f: {  	[hbm4b:s0+s7] =	stream.linear.scatter [tilespmem:s25], [sflag:$0x5], $0x200, $0x38;
	[tilespmem:$0x18100] =	vst v63  }
0x190: {  	s17 =	sadd.s32 s28, s3;
	v3 =	vld [tilespmem:s9+$0x2070]  }
0x191: {  	s5 =	sadd.s32 s28, s12;
	v7 =	vld [tilespmem:s17+$0x0]  }
0x192: {  	v8 =	vld [tilespmem:s5+$0x2010]  }
0x193: {  	v9 =	vld [tilespmem:s5+$0x2020]  }
0x194: {  	v10 =	vld [tilespmem:s5+$0x2030]  }
0x195: {  	v11 =	vld [tilespmem:s5+$0x2040]  }
0x196: {  	v12 =	vld [tilespmem:s5+$0x2050]  }
0x197: {  	v13 =	vld [tilespmem:s5+$0x2060]  }
0x198: {  	s3 =	sadd.s32 s8, s3;
	v14 =	vld [tilespmem:s5+$0x2070]  }
0x199: {  	v15 =	vld [tilespmem:s3+$0x0]  }
0x19a: {  	v16 =	vld [tilespmem:s9+$0x2010]  }
0x19b: {  	v17 =	vld [tilespmem:s9+$0x2020]  }
0x19c: {  	s16 =	sor.u32 $0x8200, s26;
	v6 =	vld [tilespmem:s9+$0x2030]  }
0x19d: {  	s15 =	sor.u32 s8, s16;
	v5 =	vld [tilespmem:s9+$0x2040]  }
0x19e: {  	s18 =	sor.u32 $0x2070, s15;
	v4 =	vld [tilespmem:s9+$0x2050]  }
0x19f: {  	s0 =	sor.u32 $0xA200, s26;
	[tilespmem:s18+$0x0] =	vst.add.f32.msk $0xffff, v3  }
0x1a0: {  	s19 =	sor.u32 s28, s16;
	s1 =	sor.u32 s28, s0;
	v3 =	vld [tilespmem:s9+$0x2060]  }
0x1a1: {  	s20 =	sor.u32 $0x2010, s19;
	[tilespmem:s1+$0x0] =	vst.add.f32.msk $0xffff, v7  }
0x1a2: {  	s21 =	sor.u32 $0x2020, s19;
	[tilespmem:s20+$0x0] =	vst.add.f32.msk $0xffff, v8  }
0x1a3: {  	s22 =	sor.u32 $0x2030, s19;
	[tilespmem:s21+$0x0] =	vst.add.f32.msk $0xffff, v9  }
0x1a4: {  	s23 =	sor.u32 $0x2040, s19;
	[tilespmem:s22+$0x0] =	vst.add.f32.msk $0xffff, v10  }
0x1a5: {  	s24 =	sor.u32 $0x2050, s19;
	[tilespmem:s23+$0x0] =	vst.add.f32.msk $0xffff, v11  }
0x1a6: {  	s25 =	sor.u32 $0x2060, s19;
	[tilespmem:s24+$0x0] =	vst.add.f32.msk $0xffff, v12  }
0x1a7: {  	s3 =	sor.u32 $0x2070, s19;
	[tilespmem:s25+$0x0] =	vst.add.f32.msk $0xffff, v13  }
0x1a8: {  	s0 =	sor.u32 s8, s0;
	[tilespmem:s3+$0x0] =	vst.add.f32.msk $0xffff, v14  }
0x1a9: {  	s14 =	sor.u32 $0x2030, s15;
	s26 =	sor.u32 $0x2010, s15;
	[tilespmem:s0+$0x0] =	vst.add.f32.msk $0xffff, v15  }
0x1aa: {  	s12 =	sor.u32 $0x2060, s15;
	s8 =	simm.s32 $0x0;
	s28 =	sor.u32 $0x2020, s15;
	[tilespmem:s26+$0x0] =	vst.add.f32.msk $0xffff, v16  }
0x1ab: {  	s5 =	sor.u32 $0x2050, s15;
	s3 =	sor.u32 $0x2040, s15;
	[tilespmem:s28+$0x0] =	vst.add.f32.msk $0xffff, v17;
	s25 =	simm.s32 $0x20  }
.LBB2_9:
0x1ac: {  	s1 =	sand.u32 $0x180, s25;
	s8 =	sadd.s32 $0x10, s8;
	[tilespmem:s14+$0x0] =	vst.add.f32.msk $0xffff, v6;
	s7 =	sadd.s32 $0x800, s7  }
0x1ad: {  	s9 =	sand.u32 $0x1800, s7;
	s0 =	sor.u32 $0x200, s1;
	p1 =	slt.u32 s8, $0xF0;
	[tilespmem:s3+$0x0] =	vst.add.f32.msk $0xffff, v5  }
0x1ae: {  	s3 =	sadd.s32 s0, s2;
	s0 =	sadd.s32 s0, s30;
	s14 =	sor.u32 $0x400, s9;
	[tilespmem:s5+$0x0] =	vst.add.f32.msk $0xffff, v4  }
0x1af: {  	s5 =	sadd.s32 s9, s3;
	s15 =	sadd.s32 s9, s0;
	s16 =	sadd.s32 s14, s0;
	[tilespmem:s12+$0x0] =	vst.add.f32.msk $0xffff, v3  }
0x1b0: {  	s0 =	sor.u32 $0xA200, s1;
	s17 =	sadd.s32 s14, s3;
	v3 =	vld [tilespmem:s16+$0x2070]  }
0x1b1: {  	s18 =	sor.u32 s9, s0;
	s0 =	sor.u32 s14, s0;
	v7 =	vld [tilespmem:s5+$0x0]  }
0x1b2: {  	s1 =	sor.u32 $0x8200, s1;
	v8 =	vld [tilespmem:s15+$0x2010]  }
0x1b3: {  	s3 =	sor.u32 s9, s1;
	s1 =	sor.u32 s14, s1;
	v9 =	vld [tilespmem:s15+$0x2020]  }
0x1b4: {  	s9 =	sor.u32 $0x2010, s3;
	s19 =	sor.u32 $0x2020, s3;
	s5 =	sor.u32 $0x2070, s1;
	v10 =	vld [tilespmem:s15+$0x2030]  }
0x1b5: {  	s20 =	sor.u32 $0x2030, s3;
	s21 =	sor.u32 $0x2040, s3;
	s22 =	sor.u32 $0x2050, s3;
	[tilespmem:s5+$0x0] =	vst.add.f32.msk $0xffff, v3  }
0x1b6: {  	s23 =	sor.u32 $0x2060, s3;
	s24 =	sor.u32 $0x2070, s3;
	s26 =	sor.u32 $0x2010, s1;
	v11 =	vld [tilespmem:s15+$0x2040]  }
0x1b7: {  	s28 =	sor.u32 $0x2020, s1;
	s14 =	sor.u32 $0x2030, s1;
	s3 =	sor.u32 $0x2040, s1;
	v12 =	vld [tilespmem:s15+$0x2050]  }
0x1b8: {  	s12 =	sor.u32 $0x2060, s1;
	s5 =	sor.u32 $0x2050, s1;
	v13 =	vld [tilespmem:s15+$0x2060]  }
0x1b9: {  	v14 =	vld [tilespmem:s15+$0x2070]  }
0x1ba: {  	v15 =	vld [tilespmem:s17+$0x0]  }
0x1bb: {  	v16 =	vld [tilespmem:s16+$0x2010]  }
0x1bc: {  	v17 =	vld [tilespmem:s16+$0x2020]  }
0x1bd: {  	v6 =	vld [tilespmem:s16+$0x2030]  }
0x1be: {  	v5 =	vld [tilespmem:s16+$0x2040]  }
0x1bf: {  	v4 =	vld [tilespmem:s16+$0x2050]  }
0x1c0: {  	v3 =	vld [tilespmem:s16+$0x2060]  }
0x1c1: {  	[tilespmem:s18+$0x0] =	vst.add.f32.msk $0xffff, v7  }
0x1c2: {  	[tilespmem:s9+$0x0] =	vst.add.f32.msk $0xffff, v8  }
0x1c3: {  	[tilespmem:s19+$0x0] =	vst.add.f32.msk $0xffff, v9  }
0x1c4: {  	[tilespmem:s20+$0x0] =	vst.add.f32.msk $0xffff, v10  }
0x1c5: {  	[tilespmem:s21+$0x0] =	vst.add.f32.msk $0xffff, v11  }
0x1c6: {  	[tilespmem:s22+$0x0] =	vst.add.f32.msk $0xffff, v12  }
.Ltmp3:
0x1c7: {  	[tilespmem:s23+$0x0] =	vst.add.f32.msk $0xffff, v13;
	(pc) =	sbr.rel @p1 .LBB2_9-.Ltmp3, $4  }
0x1c8: {  	[tilespmem:s24+$0x0] =	vst.add.f32.msk $0xffff, v14  }
0x1c9: {  	[tilespmem:s0+$0x0] =	vst.add.f32.msk $0xffff, v15  }
0x1ca: {  	[tilespmem:s26+$0x0] =	vst.add.f32.msk $0xffff, v16  }
0x1cb: {  	s25 =	sadd.s32 $0x20, s25;
	[tilespmem:s28+$0x0] =	vst.add.f32.msk $0xffff, v17  }
0x1cc: {  	[tilespmem:s14+$0x0] =	vst.add.f32.msk $0xffff, v6  }
0x1cd: {  	[tilespmem:s3+$0x0] =	vst.add.f32.msk $0xffff, v5  }
0x1ce: {  	[tilespmem:s5+$0x0] =	vst.add.f32.msk $0xffff, v4  }
0x1cf: {  	[tilespmem:s12+$0x0] =	vst.add.f32.msk $0xffff, v3  }
0x1d0: {  	s0 =	rddreg [dreg:$0xe]  }
0x1d1: {  	s1 =	simm.s32 $0xA200;
	s0 =	sadd.s32 s31, s0  }
0x1d2: {  	[hbm4b:s0+s4] =	stream.linear.scatter [tilespmem:s1], [sflag:$0x5], $0x200, $0x38;
	[tilespmem:$0x18100] =	vst v63  }
0x1d3: {  	s15 =	simm.s32 $0xA600;
	s14 =	sadd.s32 $0x80, s0  }
0x1d4: {  	[hbm4b:s14+s4] =	stream.linear.scatter [tilespmem:s15], [sflag:$0x5], $0x200, $0x38;
	[tilespmem:$0x18100] =	vst v63  }
0x1d5: {  	s17 =	simm.s32 $0xAA00;
	s16 =	sadd.s32 $0x100, s0  }
0x1d6: {  	[hbm4b:s16+s4] =	stream.linear.scatter [tilespmem:s17], [sflag:$0x5], $0x200, $0x38;
	[tilespmem:$0x18100] =	vst v63  }
0x1d7: {  	s19 =	simm.s32 $0xAE00;
	s18 =	sadd.s32 $0x180, s0  }
0x1d8: {  	[hbm4b:s18+s4] =	stream.linear.scatter [tilespmem:s19], [sflag:$0x5], $0x200, $0x38;
	[tilespmem:$0x18100] =	vst v63  }
0x1d9: {  	s21 =	simm.s32 $0xB200;
	s20 =	sadd.s32 $0x200, s0  }
0x1da: {  	[hbm4b:s20+s4] =	stream.linear.scatter [tilespmem:s21], [sflag:$0x5], $0x200, $0x38;
	[tilespmem:$0x18100] =	vst v63  }
0x1db: {  	s23 =	simm.s32 $0xB600;
	s22 =	sadd.s32 $0x280, s0  }
0x1dc: {  	[hbm4b:s22+s4] =	stream.linear.scatter [tilespmem:s23], [sflag:$0x5], $0x200, $0x38;
	[tilespmem:$0x18100] =	vst v63  }
0x1dd: {  	s25 =	simm.s32 $0xBA00;
	s24 =	sadd.s32 $0x300, s0  }
0x1de: {  	[hbm4b:s24+s4] =	stream.linear.scatter [tilespmem:s25], [sflag:$0x5], $0x200, $0x38;
	[tilespmem:$0x18100] =	vst v63  }
0x1df: {  	s26 =	simm.s32 $0xBE00;
	s0 =	sadd.s32 $0x380, s0  }
0x1e0: {  	[hbm4b:s0+s4] =	stream.linear.scatter [tilespmem:s26], [sflag:$0x5], $0x200, $0x38;
	[tilespmem:$0x18100] =	vst v63  }
0x1e1: {  	s0 =	simm.s32 @!p0 $0x8  }
0x1e2: {  	_ =	swait.ge @!p0 [sflag:s0], $0x1000  }
0x1e3: {  	[sflag:s0] =	ssyncset.done @!p0 $0x0  }
0x1e4: {  	[sflag:s0] =	ssyncadd.s32 @!p0 $0xFFFFF000  }
0x1e5: {  	_ =	swait.ge @!p0 [sflag:s0], $0x1000  }
0x1e6: {  	[sflag:s0] =	ssyncset.done @!p0 $0x0  }
0x1e7: {  	[sflag:s0] =	ssyncadd.s32 @!p0 $0xFFFFF000  }
0x1e8: {  	_ =	swait.ge @!p0 [sflag:s0], $0x1000  }
0x1e9: {  	[sflag:s0] =	ssyncset.done @!p0 $0x0  }
0x1ea: {  	[sflag:s0] =	ssyncadd.s32 @!p0 $0xFFFFF000  }
0x1eb: {  	_ =	swait.ge @!p0 [sflag:s0], $0x1000  }
0x1ec: {  	[sflag:s0] =	ssyncset.done @!p0 $0x0  }
0x1ed: {  	[sflag:s0] =	ssyncadd.s32 @!p0 $0xFFFFF000  }
0x1ee: {  	v3 =	vld [tilespmem:s6+$0x180C0];
	_ =	sdelay $0x4  }
0x1ef: {  	v4 =	vshll.u32 v3, $0x3  }
0x1f0: {  	v3 =	vand.u32 $0x7, v3;
	v4 =	vand.u32 $0xFFFFFFC0, v4  }
0x1f1: {  	v3 =	vor.u32 v3, v4  }
0x1f2: {  	v4 =	vperm.xlane v3, v0;
	_ =	sdelay $0x1  }
0x1f3: {  	v4 =	vadd.s32 v1, v4;
	_ =	sdelay $0x3  }
0x1f4: {  	s7 =	simm.s32 $0x0;
	s28 =	simm.s32 $0x14000;
	s0 =	rddreg [dreg:$0x1]  }
0x1f5: {  	[tilespmem:s28], [sflag:$0x4] =	stream.indirect_vreg.gather [hbm4b:s0+s7], $0x80, v4, vm0, $0xb8;
	[tilespmem:$0x18100] =	vst v63  }
0x1f6: {  	s3 =	simm.s32 $0x14800;
	v3 =	vperm.xlane v3, v2  }
0x1f7: {  	[tilespmem:s3], [sflag:$0x4] =	stream.indirect_vreg.gather [hbm4b:s10+s7], $0x80, v4, vm0, $0xb8;
	[tilespmem:$0x18100] =	vst v63  }
0x1f8: {  	s5 =	simm.s32 $0x15000;
	v3 =	vadd.s32 v1, v3  }
0x1f9: {  	[tilespmem:s5], [sflag:$0x4] =	stream.indirect_vreg.gather [hbm4b:s11+s7], $0x80, v4, vm0, $0xb8;
	[tilespmem:$0x18100] =	vst v63  }
0x1fa: {  	s8 =	simm.s32 $0x15800  }
0x1fb: {  	[tilespmem:s8], [sflag:$0x4] =	stream.indirect_vreg.gather [hbm4b:s13+s7], $0x80, v4, vm0, $0xb8;
	[tilespmem:$0x18100] =	vst v63  }
0x1fc: {  	s9 =	simm.s32 $0x16000  }
0x1fd: {  	[tilespmem:s9], [sflag:$0x4] =	stream.indirect_vreg.gather [hbm4b:s0+s7], $0x80, v3, vm0, $0xb8;
	[tilespmem:$0x18100] =	vst v63  }
0x1fe: {  	s12 =	simm.s32 $0x16800  }
0x1ff: {  	[tilespmem:s12], [sflag:$0x4] =	stream.indirect_vreg.gather [hbm4b:s10+s7], $0x80, v3, vm0, $0xb8;
	[tilespmem:$0x18100] =	vst v63  }
0x200: {  	s14 =	simm.s32 $0x17000  }
0x201: {  	[tilespmem:s14], [sflag:$0x4] =	stream.indirect_vreg.gather [hbm4b:s11+s7], $0x80, v3, vm0, $0xb8;
	[tilespmem:$0x18100] =	vst v63  }
0x202: {  	s15 =	simm.s32 $0x17800;
	s16 =	simm.s32 $0x0;
	s8 =	simm.s32 $0x2  }
0x203: {  	[tilespmem:s15], [sflag:$0x4] =	stream.indirect_vreg.gather [hbm4b:s13+s7], $0x80, v3, vm0, $0xb8;
	[tilespmem:$0x18100] =	vst v63  }
0x204: {  	s17 =	sand.u32 $0x1800, s7;
	s0 =	sand.u32 $0x180, s16;
	_ =	swait.ge [sflag:s8], $0x4000  }
0x205: {  	s19 =	sor.u32 $0x400, s17;
	s18 =	sadd.s32 s0, s30;
	[sflag:s8] =	ssyncset.done $0x0  }
0x206: {  	s20 =	sadd.s32 s19, s18;
	[sflag:s8] =	ssyncadd.s32 $0xFFFFC000  }
0x207: {  	s3 =	sadd.s32 s17, s18;
	v3 =	vld [tilespmem:s20+$0x70]  }
0x208: {  	v7 =	vld [tilespmem:s3+$0x0]  }
0x209: {  	v8 =	vld [tilespmem:s3+$0x10]  }
0x20a: {  	v9 =	vld [tilespmem:s3+$0x20]  }
0x20b: {  	v10 =	vld [tilespmem:s3+$0x30]  }
0x20c: {  	v11 =	vld [tilespmem:s3+$0x40]  }
0x20d: {  	v12 =	vld [tilespmem:s3+$0x50]  }
0x20e: {  	v13 =	vld [tilespmem:s3+$0x60]  }
0x20f: {  	v14 =	vld [tilespmem:s3+$0x70]  }
0x210: {  	v15 =	vld [tilespmem:s20+$0x0]  }
0x211: {  	v16 =	vld [tilespmem:s20+$0x10]  }
0x212: {  	v17 =	vld [tilespmem:s20+$0x20]  }
0x213: {  	s0 =	sor.u32 $0xC000, s0;
	v6 =	vld [tilespmem:s20+$0x30]  }
0x214: {  	s9 =	sor.u32 s19, s0;
	v5 =	vld [tilespmem:s20+$0x40]  }
0x215: {  	s5 =	sor.u32 $0x70, s9;
	v4 =	vld [tilespmem:s20+$0x50]  }
0x216: {  	[tilespmem:s5+$0x0] =	vst.add.f32.msk $0xffff, v3  }
0x217: {  	s0 =	sor.u32 s17, s0;
	v3 =	vld [tilespmem:s20+$0x60]  }
0x218: {  	s1 =	sor.u32 $0x10, s0;
	[tilespmem:s0+$0x0] =	vst.add.f32.msk $0xffff, v7  }
0x219: {  	s21 =	sor.u32 $0x20, s0;
	[tilespmem:s1+$0x0] =	vst.add.f32.msk $0xffff, v8  }
0x21a: {  	s22 =	sor.u32 $0x30, s0;
	[tilespmem:s21+$0x0] =	vst.add.f32.msk $0xffff, v9  }
0x21b: {  	s23 =	sor.u32 $0x40, s0;
	[tilespmem:s22+$0x0] =	vst.add.f32.msk $0xffff, v10  }
0x21c: {  	s24 =	sor.u32 $0x50, s0;
	[tilespmem:s23+$0x0] =	vst.add.f32.msk $0xffff, v11  }
0x21d: {  	s25 =	sor.u32 $0x60, s0;
	[tilespmem:s24+$0x0] =	vst.add.f32.msk $0xffff, v12  }
0x21e: {  	[tilespmem:s25+$0x0] =	vst.add.f32.msk $0xffff, v13  }
0x21f: {  	s26 =	sor.u32 $0x10, s9;
	[tilespmem:s9+$0x0] =	vst.add.f32.msk $0xffff, v15  }
0x220: {  	s28 =	sor.u32 $0x20, s9;
	s12 =	sor.u32 $0x60, s9;
	[tilespmem:s26+$0x0] =	vst.add.f32.msk $0xffff, v16  }
0x221: {  	s8 =	simm.s32 $0x0;
	s3 =	sor.u32 $0x50, s9;
	s0 =	sor.u32 $0x70, s0;
	[tilespmem:s28+$0x0] =	vst.add.f32.msk $0xffff, v17  }
0x222: {  	s5 =	sor.u32 $0x30, s9;
	s25 =	simm.s32 $0x80;
	[tilespmem:s0+$0x0] =	vst.add.f32.msk $0xffff, v14;
	s0 =	sor.u32 $0x40, s9  }
.LBB2_11:
0x223: {  	s1 =	sshrl.u32 s25, $0x2;
	s8 =	sadd.s32 $0x10, s8;
	[tilespmem:s5+$0x0] =	vst.add.f32.msk $0xffff, v6;
	s7 =	sadd.s32 $0x800, s7  }
0x224: {  	s5 =	sand.u32 $0x1800, s7;
	s1 =	sand.u32 $0x180, s1;
	p0 =	slt.u32 s8, $0xF0;
	[tilespmem:s0+$0x0] =	vst.add.f32.msk $0xffff, v5  }
0x225: {  	s0 =	sadd.s32 s1, s30;
	s9 =	sor.u32 $0x400, s5;
	[tilespmem:s3+$0x0] =	vst.add.f32.msk $0xffff, v4  }
0x226: {  	s14 =	sadd.s32 s5, s0;
	s15 =	sadd.s32 s9, s0;
	[tilespmem:s12+$0x0] =	vst.add.f32.msk $0xffff, v3  }
0x227: {  	v3 =	vld [tilespmem:s15+$0x70]  }
0x228: {  	v7 =	vld [tilespmem:s14+$0x0]  }
0x229: {  	s0 =	sor.u32 $0xC000, s1;
	v8 =	vld [tilespmem:s14+$0x10]  }
0x22a: {  	s1 =	sor.u32 s5, s0;
	s9 =	sor.u32 s9, s0;
	v9 =	vld [tilespmem:s14+$0x20]  }
0x22b: {  	s16 =	sor.u32 $0x10, s1;
	s17 =	sor.u32 $0x20, s1;
	s0 =	sor.u32 $0x70, s9;
	v10 =	vld [tilespmem:s14+$0x30]  }
0x22c: {  	s18 =	sor.u32 $0x30, s1;
	s19 =	sor.u32 $0x40, s1;
	s20 =	sor.u32 $0x50, s1;
	[tilespmem:s0+$0x0] =	vst.add.f32.msk $0xffff, v3  }
0x22d: {  	s21 =	sor.u32 $0x60, s1;
	s22 =	sor.u32 $0x70, s1;
	s23 =	sor.u32 $0x10, s9;
	v11 =	vld [tilespmem:s14+$0x40]  }
0x22e: {  	s24 =	sor.u32 $0x20, s9;
	s5 =	sor.u32 $0x30, s9;
	s0 =	sor.u32 $0x40, s9;
	v12 =	vld [tilespmem:s14+$0x50]  }
0x22f: {  	s3 =	sor.u32 $0x50, s9;
	s12 =	sor.u32 $0x60, s9;
	v13 =	vld [tilespmem:s14+$0x60]  }
0x230: {  	v14 =	vld [tilespmem:s14+$0x70]  }
0x231: {  	v15 =	vld [tilespmem:s15+$0x0]  }
0x232: {  	v16 =	vld [tilespmem:s15+$0x10]  }
0x233: {  	v17 =	vld [tilespmem:s15+$0x20]  }
0x234: {  	v6 =	vld [tilespmem:s15+$0x30]  }
0x235: {  	v5 =	vld [tilespmem:s15+$0x40]  }
0x236: {  	v4 =	vld [tilespmem:s15+$0x50]  }
0x237: {  	v3 =	vld [tilespmem:s15+$0x60]  }
0x238: {  	[tilespmem:s1+$0x0] =	vst.add.f32.msk $0xffff, v7  }
0x239: {  	[tilespmem:s16+$0x0] =	vst.add.f32.msk $0xffff, v8  }
0x23a: {  	[tilespmem:s17+$0x0] =	vst.add.f32.msk $0xffff, v9  }
0x23b: {  	[tilespmem:s18+$0x0] =	vst.add.f32.msk $0xffff, v10  }
0x23c: {  	[tilespmem:s19+$0x0] =	vst.add.f32.msk $0xffff, v11  }
0x23d: {  	[tilespmem:s20+$0x0] =	vst.add.f32.msk $0xffff, v12  }
.Ltmp4:
0x23e: {  	[tilespmem:s21+$0x0] =	vst.add.f32.msk $0xffff, v13;
	(pc) =	sbr.rel @p0 .LBB2_11-.Ltmp4, $4  }
0x23f: {  	[tilespmem:s22+$0x0] =	vst.add.f32.msk $0xffff, v14  }
0x240: {  	[tilespmem:s9+$0x0] =	vst.add.f32.msk $0xffff, v15  }
0x241: {  	[tilespmem:s23+$0x0] =	vst.add.f32.msk $0xffff, v16  }
0x242: {  	s25 =	sadd.s32 $0x80, s25;
	[tilespmem:s24+$0x0] =	vst.add.f32.msk $0xffff, v17  }
0x243: {  	[tilespmem:s5+$0x0] =	vst.add.f32.msk $0xffff, v6  }
0x244: {  	[tilespmem:s0+$0x0] =	vst.add.f32.msk $0xffff, v5  }
0x245: {  	[tilespmem:s3+$0x0] =	vst.add.f32.msk $0xffff, v4  }
0x246: {  	[tilespmem:s12+$0x0] =	vst.add.f32.msk $0xffff, v3  }
0x247: {  	s0 =	rddreg [dreg:$0xf]  }
0x248: {  	s7 =	simm.s32 $0x0;
	s1 =	simm.s32 $0xC000;
	s0 =	sadd.s32 s31, s0  }
0x249: {  	[hbm4b:s0+s7] =	stream.linear.scatter [tilespmem:s1], [sflag:$0x6], $0x200, $0x38;
	[tilespmem:$0x18100] =	vst v63  }
0x24a: {  	s25 =	simm.s32 $0xC400;
	s24 =	sadd.s32 $0x80, s0  }
0x24b: {  	[hbm4b:s24+s7] =	stream.linear.scatter [tilespmem:s25], [sflag:$0x6], $0x200, $0x38;
	[tilespmem:$0x18100] =	vst v63  }
0x24c: {  	s28 =	simm.s32 $0xC800;
	s26 =	sadd.s32 $0x100, s0  }
0x24d: {  	[hbm4b:s26+s7] =	stream.linear.scatter [tilespmem:s28], [sflag:$0x6], $0x200, $0x38;
	[tilespmem:$0x18100] =	vst v63  }
0x24e: {  	s5 =	simm.s32 $0xCC00;
	s3 =	sadd.s32 $0x180, s0  }
0x24f: {  	[hbm4b:s3+s7] =	stream.linear.scatter [tilespmem:s5], [sflag:$0x6], $0x200, $0x38;
	[tilespmem:$0x18100] =	vst v63  }
0x250: {  	s9 =	simm.s32 $0xD000;
	s8 =	sadd.s32 $0x200, s0  }
0x251: {  	[hbm4b:s8+s7] =	stream.linear.scatter [tilespmem:s9], [sflag:$0x6], $0x200, $0x38;
	[tilespmem:$0x18100] =	vst v63  }
0x252: {  	s14 =	simm.s32 $0xD400;
	s12 =	sadd.s32 $0x280, s0  }
0x253: {  	[hbm4b:s12+s7] =	stream.linear.scatter [tilespmem:s14], [sflag:$0x6], $0x200, $0x38;
	[tilespmem:$0x18100] =	vst v63  }
0x254: {  	s16 =	simm.s32 $0xD800;
	s15 =	sadd.s32 $0x300, s0  }
0x255: {  	[hbm4b:s15+s7] =	stream.linear.scatter [tilespmem:s16], [sflag:$0x6], $0x200, $0x38;
	[tilespmem:$0x18100] =	vst v63  }
0x256: {  	s17 =	simm.s32 $0xDC00;
	s18 =	sand.u32 $0x600, s7;
	s0 =	sadd.s32 $0x380, s0  }
0x257: {  	[hbm4b:s0+s7] =	stream.linear.scatter [tilespmem:s17], [sflag:$0x6], $0x200, $0x38;
	[tilespmem:$0x18100] =	vst v63  }
0x258: {  	s0 =	sor.u32 $0x800, s18  }
0x259: {  	s19 =	sand.u32 $0x1800, s7;
	s0 =	sshrl.u32 s0, $0x2  }
0x25a: {  	s21 =	sor.u32 $0x400, s19;
	s20 =	sadd.s32 s0, s30  }
0x25b: {  	s8 =	sadd.s32 s21, s20  }
0x25c: {  	s3 =	sadd.s32 s19, s20;
	v3 =	vld [tilespmem:s8+$0x70]  }
0x25d: {  	v8 =	vld [tilespmem:s3+$0x0]  }
0x25e: {  	v9 =	vld [tilespmem:s3+$0x10]  }
0x25f: {  	v10 =	vld [tilespmem:s3+$0x20]  }
0x260: {  	v11 =	vld [tilespmem:s3+$0x30]  }
0x261: {  	v12 =	vld [tilespmem:s3+$0x40]  }
0x262: {  	v13 =	vld [tilespmem:s3+$0x50]  }
0x263: {  	v14 =	vld [tilespmem:s3+$0x60]  }
0x264: {  	v15 =	vld [tilespmem:s3+$0x70]  }
0x265: {  	v16 =	vld [tilespmem:s8+$0x0]  }
0x266: {  	v17 =	vld [tilespmem:s8+$0x10]  }
0x267: {  	v7 =	vld [tilespmem:s8+$0x20]  }
0x268: {  	s0 =	sor.u32 $0xC000, s0;
	v6 =	vld [tilespmem:s8+$0x30]  }
0x269: {  	s9 =	sor.u32 s21, s0;
	v5 =	vld [tilespmem:s8+$0x40]  }
0x26a: {  	s5 =	sor.u32 $0x70, s9;
	v4 =	vld [tilespmem:s8+$0x50]  }
0x26b: {  	[tilespmem:s5+$0x0] =	vst.add.f32.msk $0xffff, v3  }
0x26c: {  	s0 =	sor.u32 s19, s0;
	v3 =	vld [tilespmem:s8+$0x60]  }
0x26d: {  	s1 =	sor.u32 $0x10, s0;
	[tilespmem:s0+$0x0] =	vst.add.f32.msk $0xffff, v8  }
0x26e: {  	s22 =	sor.u32 $0x20, s0;
	[tilespmem:s1+$0x0] =	vst.add.f32.msk $0xffff, v9  }
0x26f: {  	s23 =	sor.u32 $0x30, s0;
	[tilespmem:s22+$0x0] =	vst.add.f32.msk $0xffff, v10  }
0x270: {  	s24 =	sor.u32 $0x40, s0;
	[tilespmem:s23+$0x0] =	vst.add.f32.msk $0xffff, v11  }
0x271: {  	s25 =	sor.u32 $0x50, s0;
	[tilespmem:s24+$0x0] =	vst.add.f32.msk $0xffff, v12  }
0x272: {  	s26 =	sor.u32 $0x60, s0;
	[tilespmem:s25+$0x0] =	vst.add.f32.msk $0xffff, v13  }
0x273: {  	[tilespmem:s26+$0x0] =	vst.add.f32.msk $0xffff, v14  }
0x274: {  	s28 =	sor.u32 $0x10, s9;
	s14 =	sor.u32 $0x20, s9;
	s3 =	sor.u32 $0x30, s9;
	[tilespmem:s9+$0x0] =	vst.add.f32.msk $0xffff, v16  }
0x275: {  	s12 =	sor.u32 $0x60, s9;
	s0 =	sor.u32 $0x70, s0;
	s8 =	simm.s32 $0x0;
	[tilespmem:s28+$0x0] =	vst.add.f32.msk $0xffff, v17  }
0x276: {  	s5 =	sor.u32 $0x40, s9;
	s25 =	simm.s32 $0x80;
	[tilespmem:s0+$0x0] =	vst.add.f32.msk $0xffff, v15;
	s0 =	sor.u32 $0x50, s9  }
.LBB2_13:
0x277: {  	s1 =	sand.u32 $0x600, s25;
	s8 =	sadd.s32 $0x10, s8;
	[tilespmem:s14+$0x0] =	vst.add.f32.msk $0xffff, v7  }
0x278: {  	s7 =	sadd.s32 $0x800, s7;
	s1 =	sor.u32 $0x800, s1;
	p0 =	slt.u32 s8, $0xF0;
	[tilespmem:s3+$0x0] =	vst.add.f32.msk $0xffff, v6  }
0x279: {  	s3 =	sand.u32 $0x1800, s7;
	s1 =	sshrl.u32 s1, $0x2;
	[tilespmem:s5+$0x0] =	vst.add.f32.msk $0xffff, v5  }
0x27a: {  	s9 =	sor.u32 $0x400, s3;
	s5 =	sadd.s32 s1, s30;
	[tilespmem:s0+$0x0] =	vst.add.f32.msk $0xffff, v4  }
0x27b: {  	s15 =	sadd.s32 s3, s5;
	s16 =	sadd.s32 s9, s5;
	[tilespmem:s12+$0x0] =	vst.add.f32.msk $0xffff, v3  }
0x27c: {  	v3 =	vld [tilespmem:s16+$0x70]  }
0x27d: {  	v8 =	vld [tilespmem:s15+$0x0]  }
0x27e: {  	s0 =	sor.u32 $0xC000, s1;
	v9 =	vld [tilespmem:s15+$0x10]  }
0x27f: {  	s1 =	sor.u32 s3, s0;
	s9 =	sor.u32 s9, s0;
	v10 =	vld [tilespmem:s15+$0x20]  }
0x280: {  	s17 =	sor.u32 $0x10, s1;
	s18 =	sor.u32 $0x20, s1;
	s0 =	sor.u32 $0x70, s9;
	v11 =	vld [tilespmem:s15+$0x30]  }
0x281: {  	s19 =	sor.u32 $0x30, s1;
	s20 =	sor.u32 $0x40, s1;
	s21 =	sor.u32 $0x50, s1;
	[tilespmem:s0+$0x0] =	vst.add.f32.msk $0xffff, v3  }
0x282: {  	s22 =	sor.u32 $0x60, s1;
	s23 =	sor.u32 $0x70, s1;
	s24 =	sor.u32 $0x10, s9;
	v12 =	vld [tilespmem:s15+$0x40]  }
0x283: {  	s14 =	sor.u32 $0x20, s9;
	s3 =	sor.u32 $0x30, s9;
	s5 =	sor.u32 $0x40, s9;
	v13 =	vld [tilespmem:s15+$0x50]  }
0x284: {  	s12 =	sor.u32 $0x60, s9;
	s0 =	sor.u32 $0x50, s9;
	v14 =	vld [tilespmem:s15+$0x60]  }
0x285: {  	v15 =	vld [tilespmem:s15+$0x70]  }
0x286: {  	v16 =	vld [tilespmem:s16+$0x0]  }
0x287: {  	v17 =	vld [tilespmem:s16+$0x10]  }
0x288: {  	v7 =	vld [tilespmem:s16+$0x20]  }
0x289: {  	v6 =	vld [tilespmem:s16+$0x30]  }
0x28a: {  	v5 =	vld [tilespmem:s16+$0x40]  }
0x28b: {  	v4 =	vld [tilespmem:s16+$0x50]  }
0x28c: {  	v3 =	vld [tilespmem:s16+$0x60]  }
0x28d: {  	[tilespmem:s1+$0x0] =	vst.add.f32.msk $0xffff, v8  }
0x28e: {  	[tilespmem:s17+$0x0] =	vst.add.f32.msk $0xffff, v9  }
0x28f: {  	[tilespmem:s18+$0x0] =	vst.add.f32.msk $0xffff, v10  }
0x290: {  	[tilespmem:s19+$0x0] =	vst.add.f32.msk $0xffff, v11  }
0x291: {  	[tilespmem:s20+$0x0] =	vst.add.f32.msk $0xffff, v12  }
.Ltmp5:
0x292: {  	[tilespmem:s21+$0x0] =	vst.add.f32.msk $0xffff, v13;
	(pc) =	sbr.rel @p0 .LBB2_13-.Ltmp5, $4  }
0x293: {  	[tilespmem:s22+$0x0] =	vst.add.f32.msk $0xffff, v14  }
0x294: {  	[tilespmem:s23+$0x0] =	vst.add.f32.msk $0xffff, v15  }
0x295: {  	[tilespmem:s9+$0x0] =	vst.add.f32.msk $0xffff, v16  }
0x296: {  	s25 =	sadd.s32 $0x80, s25;
	[tilespmem:s24+$0x0] =	vst.add.f32.msk $0xffff, v17  }
0x297: {  	[tilespmem:s14+$0x0] =	vst.add.f32.msk $0xffff, v7  }
0x298: {  	[tilespmem:s3+$0x0] =	vst.add.f32.msk $0xffff, v6  }
0x299: {  	[tilespmem:s5+$0x0] =	vst.add.f32.msk $0xffff, v5  }
0x29a: {  	[tilespmem:s0+$0x0] =	vst.add.f32.msk $0xffff, v4  }
0x29b: {  	[tilespmem:s12+$0x0] =	vst.add.f32.msk $0xffff, v3  }
0x29c: {  	s0 =	rddreg [dreg:$0x10]  }
0x29d: {  	s7 =	simm.s32 $0x0;
	s1 =	simm.s32 $0xC200;
	s0 =	sadd.s32 s31, s0  }
0x29e: {  	[hbm4b:s0+s7] =	stream.linear.scatter [tilespmem:s1], [sflag:$0x6], $0x200, $0x38;
	[tilespmem:$0x18100] =	vst v63  }
0x29f: {  	s8 =	simm.s32 $0xC600;
	s5 =	sadd.s32 $0x80, s0  }
0x2a0: {  	[hbm4b:s5+s7] =	stream.linear.scatter [tilespmem:s8], [sflag:$0x6], $0x200, $0x38;
	[tilespmem:$0x18100] =	vst v63  }
0x2a1: {  	s12 =	simm.s32 $0xCA00;
	s9 =	sadd.s32 $0x100, s0  }
0x2a2: {  	[hbm4b:s9+s7] =	stream.linear.scatter [tilespmem:s12], [sflag:$0x6], $0x200, $0x38;
	[tilespmem:$0x18100] =	vst v63  }
0x2a3: {  	s15 =	simm.s32 $0xCE00;
	s14 =	sadd.s32 $0x180, s0  }
0x2a4: {  	[hbm4b:s14+s7] =	stream.linear.scatter [tilespmem:s15], [sflag:$0x6], $0x200, $0x38;
	[tilespmem:$0x18100] =	vst v63  }
0x2a5: {  	s17 =	simm.s32 $0xD200;
	s16 =	sadd.s32 $0x200, s0  }
0x2a6: {  	[hbm4b:s16+s7] =	stream.linear.scatter [tilespmem:s17], [sflag:$0x6], $0x200, $0x38;
	[tilespmem:$0x18100] =	vst v63  }
0x2a7: {  	s19 =	simm.s32 $0xD600;
	s18 =	sadd.s32 $0x280, s0  }
0x2a8: {  	[hbm4b:s18+s7] =	stream.linear.scatter [tilespmem:s19], [sflag:$0x6], $0x200, $0x38;
	[tilespmem:$0x18100] =	vst v63  }
0x2a9: {  	s21 =	simm.s32 $0xDA00;
	s20 =	sadd.s32 $0x300, s0  }
0x2aa: {  	[hbm4b:s20+s7] =	stream.linear.scatter [tilespmem:s21], [sflag:$0x6], $0x200, $0x38;
	[tilespmem:$0x18100] =	vst v63  }
0x2ab: {  	s22 =	simm.s32 $0xDE00;
	s23 =	simm.s32 $0x0;
	s0 =	sadd.s32 $0x380, s0  }
0x2ac: {  	[hbm4b:s0+s7] =	stream.linear.scatter [tilespmem:s22], [sflag:$0x6], $0x200, $0x38;
	[tilespmem:$0x18100] =	vst v63  }
0x2ad: {  	s24 =	sand.u32 $0x1800, s7;
	s0 =	sand.u32 $0x180, s23  }
0x2ae: {  	s26 =	sor.u32 $0x400, s24;
	s25 =	sadd.s32 s0, s30  }
0x2af: {  	s9 =	sadd.s32 s0, s2;
	s8 =	sadd.s32 s26, s25  }
0x2b0: {  	s16 =	sadd.s32 s24, s9;
	v3 =	vld [tilespmem:s8+$0x2070]  }
0x2b1: {  	s3 =	sadd.s32 s24, s25;
	v7 =	vld [tilespmem:s16+$0x0]  }
0x2b2: {  	v8 =	vld [tilespmem:s3+$0x2010]  }
0x2b3: {  	v9 =	vld [tilespmem:s3+$0x2020]  }
0x2b4: {  	v10 =	vld [tilespmem:s3+$0x2030]  }
0x2b5: {  	v11 =	vld [tilespmem:s3+$0x2040]  }
0x2b6: {  	v12 =	vld [tilespmem:s3+$0x2050]  }
0x2b7: {  	v13 =	vld [tilespmem:s3+$0x2060]  }
0x2b8: {  	s18 =	sadd.s32 s26, s9;
	v14 =	vld [tilespmem:s3+$0x2070]  }
0x2b9: {  	v15 =	vld [tilespmem:s18+$0x0]  }
0x2ba: {  	v16 =	vld [tilespmem:s8+$0x2010]  }
0x2bb: {  	v17 =	vld [tilespmem:s8+$0x2020]  }
0x2bc: {  	s28 =	sor.u32 $0xC000, s0;
	v6 =	vld [tilespmem:s8+$0x2030]  }
0x2bd: {  	s15 =	sor.u32 s26, s28;
	v5 =	vld [tilespmem:s8+$0x2040]  }
0x2be: {  	s17 =	sor.u32 $0x2070, s15;
	v4 =	vld [tilespmem:s8+$0x2050]  }
0x2bf: {  	s0 =	sor.u32 $0xE000, s0;
	[tilespmem:s17+$0x0] =	vst.add.f32.msk $0xffff, v3  }
0x2c0: {  	s19 =	sor.u32 s24, s28;
	s1 =	sor.u32 s24, s0;
	v3 =	vld [tilespmem:s8+$0x2060]  }
0x2c1: {  	s20 =	sor.u32 $0x2010, s19;
	[tilespmem:s1+$0x0] =	vst.add.f32.msk $0xffff, v7  }
0x2c2: {  	s21 =	sor.u32 $0x2020, s19;
	[tilespmem:s20+$0x0] =	vst.add.f32.msk $0xffff, v8  }
0x2c3: {  	s22 =	sor.u32 $0x2030, s19;
	[tilespmem:s21+$0x0] =	vst.add.f32.msk $0xffff, v9  }
0x2c4: {  	s23 =	sor.u32 $0x2040, s19;
	[tilespmem:s22+$0x0] =	vst.add.f32.msk $0xffff, v10  }
0x2c5: {  	s24 =	sor.u32 $0x2050, s19;
	[tilespmem:s23+$0x0] =	vst.add.f32.msk $0xffff, v11  }
0x2c6: {  	s25 =	sor.u32 $0x2060, s19;
	[tilespmem:s24+$0x0] =	vst.add.f32.msk $0xffff, v12  }
0x2c7: {  	s3 =	sor.u32 $0x2070, s19;
	[tilespmem:s25+$0x0] =	vst.add.f32.msk $0xffff, v13  }
0x2c8: {  	s0 =	sor.u32 s26, s0;
	[tilespmem:s3+$0x0] =	vst.add.f32.msk $0xffff, v14  }
0x2c9: {  	s26 =	sor.u32 $0x2010, s15;
	s28 =	sor.u32 $0x2020, s15;
	[tilespmem:s0+$0x0] =	vst.add.f32.msk $0xffff, v15  }
0x2ca: {  	s14 =	sor.u32 $0x2030, s15;
	s5 =	sor.u32 $0x2050, s15;
	s12 =	sor.u32 $0x2060, s15;
	[tilespmem:s26+$0x0] =	vst.add.f32.msk $0xffff, v16  }
0x2cb: {  	s8 =	simm.s32 $0x0;
	s3 =	sor.u32 $0x2040, s15;
	[tilespmem:s28+$0x0] =	vst.add.f32.msk $0xffff, v17;
	s25 =	simm.s32 $0x80  }
.LBB2_15:
0x2cc: {  	s0 =	sshrl.u32 s25, $0x2;
	s8 =	sadd.s32 $0x10, s8;
	[tilespmem:s14+$0x0] =	vst.add.f32.msk $0xffff, v6;
	s7 =	sadd.s32 $0x800, s7  }
0x2cd: {  	s1 =	sand.u32 $0x1800, s7;
	s9 =	sand.u32 $0x180, s0;
	p0 =	slt.u32 s8, $0xF0;
	[tilespmem:s3+$0x0] =	vst.add.f32.msk $0xffff, v5  }
0x2ce: {  	s0 =	sadd.s32 s9, s2;
	s3 =	sadd.s32 s9, s30;
	s14 =	sor.u32 $0x400, s1;
	[tilespmem:s5+$0x0] =	vst.add.f32.msk $0xffff, v4  }
0x2cf: {  	s5 =	sadd.s32 s1, s0;
	s15 =	sadd.s32 s1, s3;
	s16 =	sadd.s32 s14, s3;
	[tilespmem:s12+$0x0] =	vst.add.f32.msk $0xffff, v3  }
0x2d0: {  	s3 =	sor.u32 $0xE000, s9;
	s17 =	sadd.s32 s14, s0;
	v3 =	vld [tilespmem:s16+$0x2070]  }
0x2d1: {  	s18 =	sor.u32 s1, s3;
	s0 =	sor.u32 s14, s3;
	v7 =	vld [tilespmem:s5+$0x0]  }
0x2d2: {  	s3 =	sor.u32 $0xC000, s9;
	v8 =	vld [tilespmem:s15+$0x2010]  }
0x2d3: {  	s1 =	sor.u32 s1, s3;
	s9 =	sor.u32 s14, s3;
	v9 =	vld [tilespmem:s15+$0x2020]  }
0x2d4: {  	s19 =	sor.u32 $0x2010, s1;
	s20 =	sor.u32 $0x2020, s1;
	s3 =	sor.u32 $0x2070, s9;
	v10 =	vld [tilespmem:s15+$0x2030]  }
0x2d5: {  	s21 =	sor.u32 $0x2030, s1;
	s22 =	sor.u32 $0x2040, s1;
	s23 =	sor.u32 $0x2050, s1;
	[tilespmem:s3+$0x0] =	vst.add.f32.msk $0xffff, v3  }
0x2d6: {  	s24 =	sor.u32 $0x2060, s1;
	s1 =	sor.u32 $0x2070, s1;
	s26 =	sor.u32 $0x2010, s9;
	v11 =	vld [tilespmem:s15+$0x2040]  }
0x2d7: {  	s28 =	sor.u32 $0x2020, s9;
	s14 =	sor.u32 $0x2030, s9;
	s3 =	sor.u32 $0x2040, s9;
	v12 =	vld [tilespmem:s15+$0x2050]  }
0x2d8: {  	s5 =	sor.u32 $0x2050, s9;
	s12 =	sor.u32 $0x2060, s9;
	v13 =	vld [tilespmem:s15+$0x2060]  }
0x2d9: {  	v14 =	vld [tilespmem:s15+$0x2070]  }
0x2da: {  	v15 =	vld [tilespmem:s17+$0x0]  }
0x2db: {  	v16 =	vld [tilespmem:s16+$0x2010]  }
0x2dc: {  	v17 =	vld [tilespmem:s16+$0x2020]  }
0x2dd: {  	v6 =	vld [tilespmem:s16+$0x2030]  }
0x2de: {  	v5 =	vld [tilespmem:s16+$0x2040]  }
0x2df: {  	v4 =	vld [tilespmem:s16+$0x2050]  }
0x2e0: {  	v3 =	vld [tilespmem:s16+$0x2060]  }
0x2e1: {  	[tilespmem:s18+$0x0] =	vst.add.f32.msk $0xffff, v7  }
0x2e2: {  	[tilespmem:s19+$0x0] =	vst.add.f32.msk $0xffff, v8  }
0x2e3: {  	[tilespmem:s20+$0x0] =	vst.add.f32.msk $0xffff, v9  }
0x2e4: {  	[tilespmem:s21+$0x0] =	vst.add.f32.msk $0xffff, v10  }
0x2e5: {  	[tilespmem:s22+$0x0] =	vst.add.f32.msk $0xffff, v11  }
0x2e6: {  	[tilespmem:s23+$0x0] =	vst.add.f32.msk $0xffff, v12  }
.Ltmp6:
0x2e7: {  	[tilespmem:s24+$0x0] =	vst.add.f32.msk $0xffff, v13;
	(pc) =	sbr.rel @p0 .LBB2_15-.Ltmp6, $4  }
0x2e8: {  	[tilespmem:s1+$0x0] =	vst.add.f32.msk $0xffff, v14  }
0x2e9: {  	[tilespmem:s0+$0x0] =	vst.add.f32.msk $0xffff, v15  }
0x2ea: {  	[tilespmem:s26+$0x0] =	vst.add.f32.msk $0xffff, v16  }
0x2eb: {  	s25 =	sadd.s32 $0x80, s25;
	[tilespmem:s28+$0x0] =	vst.add.f32.msk $0xffff, v17  }
0x2ec: {  	[tilespmem:s14+$0x0] =	vst.add.f32.msk $0xffff, v6  }
0x2ed: {  	[tilespmem:s3+$0x0] =	vst.add.f32.msk $0xffff, v5  }
0x2ee: {  	[tilespmem:s5+$0x0] =	vst.add.f32.msk $0xffff, v4  }
0x2ef: {  	[tilespmem:s12+$0x0] =	vst.add.f32.msk $0xffff, v3  }
0x2f0: {  	s0 =	rddreg [dreg:$0x11]  }
0x2f1: {  	s7 =	simm.s32 $0x0;
	s1 =	simm.s32 $0xE000;
	s0 =	sadd.s32 s31, s0  }
0x2f2: {  	[hbm4b:s0+s7] =	stream.linear.scatter [tilespmem:s1], [sflag:$0x6], $0x200, $0x38;
	[tilespmem:$0x18100] =	vst v63  }
0x2f3: {  	s14 =	simm.s32 $0xE400;
	s16 =	simm.s32 $0xE800;
	s12 =	sadd.s32 $0x80, s0  }
0x2f4: {  	[hbm4b:s12+s7] =	stream.linear.scatter [tilespmem:s14], [sflag:$0x6], $0x200, $0x38;
	[tilespmem:$0x18100] =	vst v63  }
0x2f5: {  	s18 =	simm.s32 $0xEC00;
	s20 =	simm.s32 $0xF000;
	s15 =	sadd.s32 $0x100, s0  }
0x2f6: {  	[hbm4b:s15+s7] =	stream.linear.scatter [tilespmem:s16], [sflag:$0x6], $0x200, $0x38;
	[tilespmem:$0x18100] =	vst v63  }
0x2f7: {  	s22 =	simm.s32 $0xF400;
	s24 =	simm.s32 $0xF800;
	s17 =	sadd.s32 $0x180, s0  }
0x2f8: {  	[hbm4b:s17+s7] =	stream.linear.scatter [tilespmem:s18], [sflag:$0x6], $0x200, $0x38;
	[tilespmem:$0x18100] =	vst v63  }
0x2f9: {  	s25 =	simm.s32 $0xFC00;
	s26 =	sand.u32 $0x180, s7;
	s19 =	sadd.s32 $0x200, s0  }
0x2fa: {  	[hbm4b:s19+s7] =	stream.linear.scatter [tilespmem:s20], [sflag:$0x6], $0x200, $0x38;
	[tilespmem:$0x18100] =	vst v63  }
0x2fb: {  	s28 =	sand.u32 $0x1800, s7;
	s5 =	sor.u32 $0x200, s26;
	s21 =	sadd.s32 $0x280, s0  }
0x2fc: {  	[hbm4b:s21+s7] =	stream.linear.scatter [tilespmem:s22], [sflag:$0x6], $0x200, $0x38;
	[tilespmem:$0x18100] =	vst v63  }
0x2fd: {  	s8 =	sor.u32 $0x400, s28;
	s23 =	sadd.s32 $0x300, s0;
	s12 =	sadd.s32 s5, s30  }
0x2fe: {  	[hbm4b:s23+s7] =	stream.linear.scatter [tilespmem:s24], [sflag:$0x6], $0x200, $0x38;
	[tilespmem:$0x18100] =	vst v63  }
0x2ff: {  	s0 =	sadd.s32 $0x380, s0;
	s3 =	sadd.s32 s5, s2;
	s9 =	sadd.s32 s8, s12  }
0x300: {  	[hbm4b:s0+s7] =	stream.linear.scatter [tilespmem:s25], [sflag:$0x6], $0x200, $0x38;
	[tilespmem:$0x18100] =	vst v63  }
0x301: {  	s17 =	sadd.s32 s28, s3;
	v3 =	vld [tilespmem:s9+$0x2070]  }
0x302: {  	s5 =	sadd.s32 s28, s12;
	v7 =	vld [tilespmem:s17+$0x0]  }
0x303: {  	v8 =	vld [tilespmem:s5+$0x2010]  }
0x304: {  	v9 =	vld [tilespmem:s5+$0x2020]  }
0x305: {  	v10 =	vld [tilespmem:s5+$0x2030]  }
0x306: {  	v11 =	vld [tilespmem:s5+$0x2040]  }
0x307: {  	v12 =	vld [tilespmem:s5+$0x2050]  }
0x308: {  	v13 =	vld [tilespmem:s5+$0x2060]  }
0x309: {  	s3 =	sadd.s32 s8, s3;
	v14 =	vld [tilespmem:s5+$0x2070]  }
0x30a: {  	v15 =	vld [tilespmem:s3+$0x0]  }
0x30b: {  	v16 =	vld [tilespmem:s9+$0x2010]  }
0x30c: {  	v17 =	vld [tilespmem:s9+$0x2020]  }
0x30d: {  	s16 =	sor.u32 $0xC200, s26;
	v6 =	vld [tilespmem:s9+$0x2030]  }
0x30e: {  	s15 =	sor.u32 s8, s16;
	v5 =	vld [tilespmem:s9+$0x2040]  }
0x30f: {  	s18 =	sor.u32 $0x2070, s15;
	v4 =	vld [tilespmem:s9+$0x2050]  }
0x310: {  	s0 =	sor.u32 $0xE200, s26;
	[tilespmem:s18+$0x0] =	vst.add.f32.msk $0xffff, v3  }
0x311: {  	s19 =	sor.u32 s28, s16;
	s1 =	sor.u32 s28, s0;
	v3 =	vld [tilespmem:s9+$0x2060]  }
0x312: {  	s20 =	sor.u32 $0x2010, s19;
	[tilespmem:s1+$0x0] =	vst.add.f32.msk $0xffff, v7  }
0x313: {  	s21 =	sor.u32 $0x2020, s19;
	[tilespmem:s20+$0x0] =	vst.add.f32.msk $0xffff, v8  }
0x314: {  	s22 =	sor.u32 $0x2030, s19;
	[tilespmem:s21+$0x0] =	vst.add.f32.msk $0xffff, v9  }
0x315: {  	s23 =	sor.u32 $0x2040, s19;
	[tilespmem:s22+$0x0] =	vst.add.f32.msk $0xffff, v10  }
0x316: {  	s24 =	sor.u32 $0x2050, s19;
	[tilespmem:s23+$0x0] =	vst.add.f32.msk $0xffff, v11  }
0x317: {  	s25 =	sor.u32 $0x2060, s19;
	[tilespmem:s24+$0x0] =	vst.add.f32.msk $0xffff, v12  }
0x318: {  	s3 =	sor.u32 $0x2070, s19;
	[tilespmem:s25+$0x0] =	vst.add.f32.msk $0xffff, v13  }
0x319: {  	s0 =	sor.u32 s8, s0;
	[tilespmem:s3+$0x0] =	vst.add.f32.msk $0xffff, v14  }
0x31a: {  	s14 =	sor.u32 $0x2030, s15;
	s26 =	sor.u32 $0x2010, s15;
	[tilespmem:s0+$0x0] =	vst.add.f32.msk $0xffff, v15  }
0x31b: {  	s12 =	sor.u32 $0x2060, s15;
	s8 =	simm.s32 $0x0;
	s28 =	sor.u32 $0x2020, s15;
	[tilespmem:s26+$0x0] =	vst.add.f32.msk $0xffff, v16  }
0x31c: {  	s5 =	sor.u32 $0x2050, s15;
	s3 =	sor.u32 $0x2040, s15;
	[tilespmem:s28+$0x0] =	vst.add.f32.msk $0xffff, v17;
	s25 =	simm.s32 $0x20  }
.LBB2_17:
0x31d: {  	s1 =	sand.u32 $0x180, s25;
	s8 =	sadd.s32 $0x10, s8;
	[tilespmem:s14+$0x0] =	vst.add.f32.msk $0xffff, v6;
	s7 =	sadd.s32 $0x800, s7  }
0x31e: {  	s9 =	sand.u32 $0x1800, s7;
	s0 =	sor.u32 $0x200, s1;
	p0 =	slt.u32 s8, $0xF0;
	[tilespmem:s3+$0x0] =	vst.add.f32.msk $0xffff, v5  }
0x31f: {  	s3 =	sadd.s32 s0, s2;
	s0 =	sadd.s32 s0, s30;
	s14 =	sor.u32 $0x400, s9;
	[tilespmem:s5+$0x0] =	vst.add.f32.msk $0xffff, v4  }
0x320: {  	s5 =	sadd.s32 s9, s3;
	s15 =	sadd.s32 s9, s0;
	s16 =	sadd.s32 s14, s0;
	[tilespmem:s12+$0x0] =	vst.add.f32.msk $0xffff, v3  }
0x321: {  	s0 =	sor.u32 $0xE200, s1;
	s17 =	sadd.s32 s14, s3;
	v3 =	vld [tilespmem:s16+$0x2070]  }
0x322: {  	s18 =	sor.u32 s9, s0;
	s0 =	sor.u32 s14, s0;
	v7 =	vld [tilespmem:s5+$0x0]  }
0x323: {  	s1 =	sor.u32 $0xC200, s1;
	v8 =	vld [tilespmem:s15+$0x2010]  }
0x324: {  	s3 =	sor.u32 s9, s1;
	s1 =	sor.u32 s14, s1;
	v9 =	vld [tilespmem:s15+$0x2020]  }
0x325: {  	s9 =	sor.u32 $0x2010, s3;
	s19 =	sor.u32 $0x2020, s3;
	s5 =	sor.u32 $0x2070, s1;
	v10 =	vld [tilespmem:s15+$0x2030]  }
0x326: {  	s20 =	sor.u32 $0x2030, s3;
	s21 =	sor.u32 $0x2040, s3;
	s22 =	sor.u32 $0x2050, s3;
	[tilespmem:s5+$0x0] =	vst.add.f32.msk $0xffff, v3  }
0x327: {  	s23 =	sor.u32 $0x2060, s3;
	s24 =	sor.u32 $0x2070, s3;
	s26 =	sor.u32 $0x2010, s1;
	v11 =	vld [tilespmem:s15+$0x2040]  }
0x328: {  	s28 =	sor.u32 $0x2020, s1;
	s14 =	sor.u32 $0x2030, s1;
	s3 =	sor.u32 $0x2040, s1;
	v12 =	vld [tilespmem:s15+$0x2050]  }
0x329: {  	s12 =	sor.u32 $0x2060, s1;
	s5 =	sor.u32 $0x2050, s1;
	v13 =	vld [tilespmem:s15+$0x2060]  }
0x32a: {  	v14 =	vld [tilespmem:s15+$0x2070]  }
0x32b: {  	v15 =	vld [tilespmem:s17+$0x0]  }
0x32c: {  	v16 =	vld [tilespmem:s16+$0x2010]  }
0x32d: {  	v17 =	vld [tilespmem:s16+$0x2020]  }
0x32e: {  	v6 =	vld [tilespmem:s16+$0x2030]  }
0x32f: {  	v5 =	vld [tilespmem:s16+$0x2040]  }
0x330: {  	v4 =	vld [tilespmem:s16+$0x2050]  }
0x331: {  	v3 =	vld [tilespmem:s16+$0x2060]  }
0x332: {  	[tilespmem:s18+$0x0] =	vst.add.f32.msk $0xffff, v7  }
0x333: {  	[tilespmem:s9+$0x0] =	vst.add.f32.msk $0xffff, v8  }
0x334: {  	[tilespmem:s19+$0x0] =	vst.add.f32.msk $0xffff, v9  }
0x335: {  	[tilespmem:s20+$0x0] =	vst.add.f32.msk $0xffff, v10  }
0x336: {  	[tilespmem:s21+$0x0] =	vst.add.f32.msk $0xffff, v11  }
0x337: {  	[tilespmem:s22+$0x0] =	vst.add.f32.msk $0xffff, v12  }
.Ltmp7:
0x338: {  	[tilespmem:s23+$0x0] =	vst.add.f32.msk $0xffff, v13;
	(pc) =	sbr.rel @p0 .LBB2_17-.Ltmp7, $4  }
0x339: {  	[tilespmem:s24+$0x0] =	vst.add.f32.msk $0xffff, v14  }
0x33a: {  	[tilespmem:s0+$0x0] =	vst.add.f32.msk $0xffff, v15  }
0x33b: {  	[tilespmem:s26+$0x0] =	vst.add.f32.msk $0xffff, v16  }
0x33c: {  	s25 =	sadd.s32 $0x20, s25;
	[tilespmem:s28+$0x0] =	vst.add.f32.msk $0xffff, v17  }
0x33d: {  	[tilespmem:s14+$0x0] =	vst.add.f32.msk $0xffff, v6  }
0x33e: {  	[tilespmem:s3+$0x0] =	vst.add.f32.msk $0xffff, v5  }
0x33f: {  	[tilespmem:s5+$0x0] =	vst.add.f32.msk $0xffff, v4  }
0x340: {  	[tilespmem:s12+$0x0] =	vst.add.f32.msk $0xffff, v3  }
0x341: {  	s0 =	rddreg [dreg:$0x12]  }
0x342: {  	s1 =	simm.s32 $0xE200;
	s0 =	sadd.s32 s31, s0  }
0x343: {  	[hbm4b:s0+s4] =	stream.linear.scatter [tilespmem:s1], [sflag:$0x6], $0x200, $0x38;
	[tilespmem:$0x18100] =	vst v63  }
0x344: {  	s23 =	simm.s32 $0xE600;
	s22 =	sadd.s32 $0x80, s0  }
0x345: {  	[hbm4b:s22+s4] =	stream.linear.scatter [tilespmem:s23], [sflag:$0x6], $0x200, $0x38;
	[tilespmem:$0x18100] =	vst v63  }
0x346: {  	s25 =	simm.s32 $0xEA00;
	s24 =	sadd.s32 $0x100, s0  }
0x347: {  	[hbm4b:s24+s4] =	stream.linear.scatter [tilespmem:s25], [sflag:$0x6], $0x200, $0x38;
	[tilespmem:$0x18100] =	vst v63  }
0x348: {  	s28 =	simm.s32 $0xEE00;
	s26 =	sadd.s32 $0x180, s0  }
0x349: {  	[hbm4b:s26+s4] =	stream.linear.scatter [tilespmem:s28], [sflag:$0x6], $0x200, $0x38;
	[tilespmem:$0x18100] =	vst v63  }
0x34a: {  	s5 =	simm.s32 $0xF200;
	s3 =	sadd.s32 $0x200, s0  }
0x34b: {  	[hbm4b:s3+s4] =	stream.linear.scatter [tilespmem:s5], [sflag:$0x6], $0x200, $0x38;
	[tilespmem:$0x18100] =	vst v63  }
0x34c: {  	s8 =	simm.s32 $0xF600;
	s7 =	sadd.s32 $0x280, s0  }
0x34d: {  	[hbm4b:s7+s4] =	stream.linear.scatter [tilespmem:s8], [sflag:$0x6], $0x200, $0x38;
	[tilespmem:$0x18100] =	vst v63  }
0x34e: {  	s12 =	simm.s32 $0xFA00;
	s9 =	sadd.s32 $0x300, s0  }
0x34f: {  	[hbm4b:s9+s4] =	stream.linear.scatter [tilespmem:s12], [sflag:$0x6], $0x200, $0x38;
	[tilespmem:$0x18100] =	vst v63  }
0x350: {  	s14 =	simm.s32 $0xFE00;
	s15 =	simm.s32 $0x5;
	s0 =	sadd.s32 $0x380, s0  }
0x351: {  	[hbm4b:s0+s4] =	stream.linear.scatter [tilespmem:s14], [sflag:$0x6], $0x200, $0x38;
	[tilespmem:$0x18100] =	vst v63  }
0x352: {  	_ =	swait.ge [sflag:s15], $0x1000  }
0x353: {  	[sflag:s15] =	ssyncset.done $0x0  }
0x354: {  	[sflag:s15] =	ssyncadd.s32 $0xFFFFF000  }
0x355: {  	_ =	swait.ge [sflag:s15], $0x1000  }
0x356: {  	[sflag:s15] =	ssyncset.done $0x0  }
0x357: {  	[sflag:s15] =	ssyncadd.s32 $0xFFFFF000  }
0x358: {  	_ =	swait.ge [sflag:s15], $0x1000  }
0x359: {  	[sflag:s15] =	ssyncset.done $0x0  }
0x35a: {  	[sflag:s15] =	ssyncadd.s32 $0xFFFFF000  }
0x35b: {  	_ =	swait.ge [sflag:s15], $0x1000  }
0x35c: {  	[sflag:s15] =	ssyncset.done $0x0  }
0x35d: {  	p0 =	sgt.u32 s29, $0x2;
	[sflag:s15] =	ssyncadd.s32 $0xFFFFF000  }
0x35e: {  	v3 =	vld @!p0 [tilespmem:s6+$0x18010];
	_ =	sdelay $0x4  }
0x35f: {  	v4 =	vshll.u32 @!p0 v3, $0x3  }
0x360: {  	v5 =	vlaneseq.u32 @!p0;
	v3 =	vand.u32 @!p0 $0x7, v3;
	v4 =	vand.u32 @!p0 $0xFFFFFFC0, v4  }
0x361: {  	v6 =	vshrl.u32 @!p0 v5, $0x3;
	v3 =	vor.u32 @!p0 v3, v4;
	v4 =	vand.u32 @!p0 $0x7, v5  }
0x362: {  	v6 =	vmul.u32 @!p0 $0x8, v6;
	v4 =	vperm.xlane @!p0 v3, v4;
	_ =	sdelay $0x1  }
0x363: {  	v4 =	vadd.s32 @!p0 v6, v4;
	_ =	sdelay $0x3  }
0x364: {  	vm1 =	vmmov @!p0 $0xffff;
	s1 =	simm.s32 @!p0 $0x8000;
	s0 =	simm.s32 @!p0 $0x0;
	s3 =	rddreg [dreg:$0x1]  }
0x365: {  	v5 =	vor.u32 @!p0 $0x8, v5;
	[tilespmem:s1], [sflag:$0x1] =	stream.indirect_vreg.gather @!p0 [hbm4b:s3+s0], $0x80, v4, vm1, $0xb8;
	[tilespmem:$0x18100] =	vst v63  }
0x366: {  	v3 =	vperm.xlane @!p0 v3, v5;
	s1 =	simm.s32 @!p0 $0x8800  }
0x367: {  	[tilespmem:s1], [sflag:$0x1] =	stream.indirect_vreg.gather @!p0 [hbm4b:s10+s0], $0x80, v4, vm1, $0xb8;
	[tilespmem:$0x18100] =	vst v63  }
0x368: {  	v3 =	vadd.s32 @!p0 v6, v3;
	s1 =	simm.s32 @!p0 $0x9000  }
0x369: {  	[tilespmem:s1], [sflag:$0x1] =	stream.indirect_vreg.gather @!p0 [hbm4b:s11+s0], $0x80, v4, vm1, $0xb8;
	[tilespmem:$0x18100] =	vst v63  }
0x36a: {  	s1 =	simm.s32 @!p0 $0x9800  }
0x36b: {  	[tilespmem:s1], [sflag:$0x1] =	stream.indirect_vreg.gather @!p0 [hbm4b:s13+s0], $0x80, v4, vm1, $0xb8;
	[tilespmem:$0x18100] =	vst v63  }
0x36c: {  	s1 =	simm.s32 @!p0 $0xA000  }
0x36d: {  	[tilespmem:s1], [sflag:$0x1] =	stream.indirect_vreg.gather @!p0 [hbm4b:s3+s0], $0x80, v3, vm1, $0xb8;
	[tilespmem:$0x18100] =	vst v63  }
0x36e: {  	s1 =	simm.s32 @!p0 $0xA800  }
0x36f: {  	[tilespmem:s1], [sflag:$0x1] =	stream.indirect_vreg.gather @!p0 [hbm4b:s10+s0], $0x80, v3, vm1, $0xb8;
	[tilespmem:$0x18100] =	vst v63  }
0x370: {  	s1 =	simm.s32 @!p0 $0xB000  }
0x371: {  	[tilespmem:s1], [sflag:$0x1] =	stream.indirect_vreg.gather @!p0 [hbm4b:s11+s0], $0x80, v3, vm1, $0xb8;
	[tilespmem:$0x18100] =	vst v63  }
0x372: {  	s16 =	simm.s32 $0x3;
	s1 =	simm.s32 @!p0 $0xB800  }
0x373: {  	[tilespmem:s1], [sflag:$0x1] =	stream.indirect_vreg.gather @!p0 [hbm4b:s13+s0], $0x80, v3, vm1, $0xb8;
	[tilespmem:$0x18100] =	vst v63  }
0x374: {  	p1 =	sne.s32 s29, $0x1;
	_ =	swait.ge [sflag:s16], $0x4000  }
0x375: {  	s17 =	simm.s32 $0x0;
	s7 =	simm.s32 $0x0;
	[sflag:s16] =	ssyncset.done $0x0  }
0x376: {  	s0 =	simm.s32 @!p1 $0x0;
	s1 =	rddreg [dreg:$0x13];
	[sflag:s16] =	ssyncadd.s32 $0xFFFFC000  }
0x377: {  	[tilespmem:s0], [sflag:$0x9] =	stream.linear.gather @!p1 [hbm4b:s1+s0], $0x4000, $0x38;
	[tilespmem:$0x18100] =	vst v63  }
0x378: {  	s18 =	sand.u32 $0x1800, s7;
	s0 =	sand.u32 $0x180, s17  }
0x379: {  	s20 =	sor.u32 $0x400, s18;
	s19 =	sadd.s32 s0, s30  }
0x37a: {  	s8 =	sadd.s32 s20, s19  }
0x37b: {  	s3 =	sadd.s32 s18, s19;
	v3 =	vld [tilespmem:s8+$0x70]  }
0x37c: {  	v7 =	vld [tilespmem:s3+$0x0]  }
0x37d: {  	v8 =	vld [tilespmem:s3+$0x10]  }
0x37e: {  	v9 =	vld [tilespmem:s3+$0x20]  }
0x37f: {  	v10 =	vld [tilespmem:s3+$0x30]  }
0x380: {  	v11 =	vld [tilespmem:s3+$0x40]  }
0x381: {  	v12 =	vld [tilespmem:s3+$0x50]  }
0x382: {  	v13 =	vld [tilespmem:s3+$0x60]  }
0x383: {  	v14 =	vld [tilespmem:s3+$0x70]  }
0x384: {  	v15 =	vld [tilespmem:s8+$0x0]  }
0x385: {  	v16 =	vld [tilespmem:s8+$0x10]  }
0x386: {  	v17 =	vld [tilespmem:s8+$0x20]  }
0x387: {  	s0 =	sor.u32 $0x10000, s0;
	v6 =	vld [tilespmem:s8+$0x30]  }
0x388: {  	s9 =	sor.u32 s20, s0;
	v5 =	vld [tilespmem:s8+$0x40]  }
0x389: {  	s5 =	sor.u32 $0x70, s9;
	v4 =	vld [tilespmem:s8+$0x50]  }
0x38a: {  	[tilespmem:s5+$0x0] =	vst.add.f32.msk $0xffff, v3  }
0x38b: {  	s0 =	sor.u32 s18, s0;
	v3 =	vld [tilespmem:s8+$0x60]  }
0x38c: {  	s1 =	sor.u32 $0x10, s0;
	[tilespmem:s0+$0x0] =	vst.add.f32.msk $0xffff, v7  }
0x38d: {  	s21 =	sor.u32 $0x20, s0;
	[tilespmem:s1+$0x0] =	vst.add.f32.msk $0xffff, v8  }
0x38e: {  	s22 =	sor.u32 $0x30, s0;
	[tilespmem:s21+$0x0] =	vst.add.f32.msk $0xffff, v9  }
0x38f: {  	s23 =	sor.u32 $0x40, s0;
	[tilespmem:s22+$0x0] =	vst.add.f32.msk $0xffff, v10  }
0x390: {  	s24 =	sor.u32 $0x50, s0;
	[tilespmem:s23+$0x0] =	vst.add.f32.msk $0xffff, v11  }
0x391: {  	s25 =	sor.u32 $0x60, s0;
	[tilespmem:s24+$0x0] =	vst.add.f32.msk $0xffff, v12  }
0x392: {  	[tilespmem:s25+$0x0] =	vst.add.f32.msk $0xffff, v13  }
0x393: {  	s26 =	sor.u32 $0x10, s9;
	[tilespmem:s9+$0x0] =	vst.add.f32.msk $0xffff, v15  }
0x394: {  	s28 =	sor.u32 $0x20, s9;
	s3 =	sor.u32 $0x50, s9;
	[tilespmem:s26+$0x0] =	vst.add.f32.msk $0xffff, v16  }
0x395: {  	s12 =	sor.u32 $0x60, s9;
	s0 =	sor.u32 $0x70, s0;
	s8 =	simm.s32 $0x0;
	[tilespmem:s28+$0x0] =	vst.add.f32.msk $0xffff, v17  }
0x396: {  	s5 =	sor.u32 $0x30, s9;
	s25 =	simm.s32 $0x80;
	[tilespmem:s0+$0x0] =	vst.add.f32.msk $0xffff, v14;
	s0 =	sor.u32 $0x40, s9  }
.LBB2_19:
0x397: {  	s1 =	sshrl.u32 s25, $0x2;
	s8 =	sadd.s32 $0x10, s8;
	[tilespmem:s5+$0x0] =	vst.add.f32.msk $0xffff, v6;
	s7 =	sadd.s32 $0x800, s7  }
0x398: {  	s5 =	sand.u32 $0x1800, s7;
	s1 =	sand.u32 $0x180, s1;
	p1 =	slt.u32 s8, $0xF0;
	[tilespmem:s0+$0x0] =	vst.add.f32.msk $0xffff, v5  }
0x399: {  	s0 =	sadd.s32 s1, s30;
	s9 =	sor.u32 $0x400, s5;
	[tilespmem:s3+$0x0] =	vst.add.f32.msk $0xffff, v4  }
0x39a: {  	s14 =	sadd.s32 s5, s0;
	s15 =	sadd.s32 s9, s0;
	[tilespmem:s12+$0x0] =	vst.add.f32.msk $0xffff, v3  }
0x39b: {  	v3 =	vld [tilespmem:s15+$0x70]  }
0x39c: {  	v7 =	vld [tilespmem:s14+$0x0]  }
0x39d: {  	s0 =	sor.u32 $0x10000, s1;
	v8 =	vld [tilespmem:s14+$0x10]  }
0x39e: {  	s1 =	sor.u32 s5, s0;
	s9 =	sor.u32 s9, s0;
	v9 =	vld [tilespmem:s14+$0x20]  }
0x39f: {  	s16 =	sor.u32 $0x10, s1;
	s17 =	sor.u32 $0x20, s1;
	s0 =	sor.u32 $0x70, s9;
	v10 =	vld [tilespmem:s14+$0x30]  }
0x3a0: {  	s18 =	sor.u32 $0x30, s1;
	s19 =	sor.u32 $0x40, s1;
	s20 =	sor.u32 $0x50, s1;
	[tilespmem:s0+$0x0] =	vst.add.f32.msk $0xffff, v3  }
0x3a1: {  	s21 =	sor.u32 $0x60, s1;
	s22 =	sor.u32 $0x70, s1;
	s23 =	sor.u32 $0x10, s9;
	v11 =	vld [tilespmem:s14+$0x40]  }
0x3a2: {  	s24 =	sor.u32 $0x20, s9;
	s5 =	sor.u32 $0x30, s9;
	s0 =	sor.u32 $0x40, s9;
	v12 =	vld [tilespmem:s14+$0x50]  }
0x3a3: {  	s3 =	sor.u32 $0x50, s9;
	s12 =	sor.u32 $0x60, s9;
	v13 =	vld [tilespmem:s14+$0x60]  }
0x3a4: {  	v14 =	vld [tilespmem:s14+$0x70]  }
0x3a5: {  	v15 =	vld [tilespmem:s15+$0x0]  }
0x3a6: {  	v16 =	vld [tilespmem:s15+$0x10]  }
0x3a7: {  	v17 =	vld [tilespmem:s15+$0x20]  }
0x3a8: {  	v6 =	vld [tilespmem:s15+$0x30]  }
0x3a9: {  	v5 =	vld [tilespmem:s15+$0x40]  }
0x3aa: {  	v4 =	vld [tilespmem:s15+$0x50]  }
0x3ab: {  	v3 =	vld [tilespmem:s15+$0x60]  }
0x3ac: {  	[tilespmem:s1+$0x0] =	vst.add.f32.msk $0xffff, v7  }
0x3ad: {  	[tilespmem:s16+$0x0] =	vst.add.f32.msk $0xffff, v8  }
0x3ae: {  	[tilespmem:s17+$0x0] =	vst.add.f32.msk $0xffff, v9  }
0x3af: {  	[tilespmem:s18+$0x0] =	vst.add.f32.msk $0xffff, v10  }
0x3b0: {  	[tilespmem:s19+$0x0] =	vst.add.f32.msk $0xffff, v11  }
0x3b1: {  	[tilespmem:s20+$0x0] =	vst.add.f32.msk $0xffff, v12  }
.Ltmp8:
0x3b2: {  	[tilespmem:s21+$0x0] =	vst.add.f32.msk $0xffff, v13;
	(pc) =	sbr.rel @p1 .LBB2_19-.Ltmp8, $4  }
0x3b3: {  	[tilespmem:s22+$0x0] =	vst.add.f32.msk $0xffff, v14  }
0x3b4: {  	[tilespmem:s9+$0x0] =	vst.add.f32.msk $0xffff, v15  }
0x3b5: {  	[tilespmem:s23+$0x0] =	vst.add.f32.msk $0xffff, v16  }
0x3b6: {  	s25 =	sadd.s32 $0x80, s25;
	[tilespmem:s24+$0x0] =	vst.add.f32.msk $0xffff, v17  }
0x3b7: {  	[tilespmem:s5+$0x0] =	vst.add.f32.msk $0xffff, v6  }
0x3b8: {  	[tilespmem:s0+$0x0] =	vst.add.f32.msk $0xffff, v5  }
0x3b9: {  	[tilespmem:s3+$0x0] =	vst.add.f32.msk $0xffff, v4  }
0x3ba: {  	[tilespmem:s12+$0x0] =	vst.add.f32.msk $0xffff, v3  }
0x3bb: {  	s0 =	rddreg [dreg:$0x14]  }
0x3bc: {  	s7 =	simm.s32 $0x0;
	s1 =	simm.s32 $0x10000;
	s0 =	sadd.s32 s31, s0  }
0x3bd: {  	[hbm4b:s0+s7] =	stream.linear.scatter [tilespmem:s1], [sflag:$0x7], $0x200, $0x38;
	[tilespmem:$0x18100] =	vst v63  }
0x3be: {  	s25 =	simm.s32 $0x10400;
	s24 =	sadd.s32 $0x80, s0  }
0x3bf: {  	[hbm4b:s24+s7] =	stream.linear.scatter [tilespmem:s25], [sflag:$0x7], $0x200, $0x38;
	[tilespmem:$0x18100] =	vst v63  }
0x3c0: {  	s28 =	simm.s32 $0x10800;
	s26 =	sadd.s32 $0x100, s0  }
0x3c1: {  	[hbm4b:s26+s7] =	stream.linear.scatter [tilespmem:s28], [sflag:$0x7], $0x200, $0x38;
	[tilespmem:$0x18100] =	vst v63  }
0x3c2: {  	s5 =	simm.s32 $0x10C00;
	s3 =	sadd.s32 $0x180, s0  }
0x3c3: {  	[hbm4b:s3+s7] =	stream.linear.scatter [tilespmem:s5], [sflag:$0x7], $0x200, $0x38;
	[tilespmem:$0x18100] =	vst v63  }
0x3c4: {  	s9 =	simm.s32 $0x11000;
	s8 =	sadd.s32 $0x200, s0  }
0x3c5: {  	[hbm4b:s8+s7] =	stream.linear.scatter [tilespmem:s9], [sflag:$0x7], $0x200, $0x38;
	[tilespmem:$0x18100] =	vst v63  }
0x3c6: {  	s14 =	simm.s32 $0x11400;
	s12 =	sadd.s32 $0x280, s0  }
0x3c7: {  	[hbm4b:s12+s7] =	stream.linear.scatter [tilespmem:s14], [sflag:$0x7], $0x200, $0x38;
	[tilespmem:$0x18100] =	vst v63  }
0x3c8: {  	s16 =	simm.s32 $0x11800;
	s15 =	sadd.s32 $0x300, s0  }
0x3c9: {  	[hbm4b:s15+s7] =	stream.linear.scatter [tilespmem:s16], [sflag:$0x7], $0x200, $0x38;
	[tilespmem:$0x18100] =	vst v63  }
0x3ca: {  	s17 =	simm.s32 $0x11C00;
	s18 =	sand.u32 $0x600, s7;
	s0 =	sadd.s32 $0x380, s0  }
0x3cb: {  	[hbm4b:s0+s7] =	stream.linear.scatter [tilespmem:s17], [sflag:$0x7], $0x200, $0x38;
	[tilespmem:$0x18100] =	vst v63  }
0x3cc: {  	s0 =	sor.u32 $0x800, s18  }
0x3cd: {  	s19 =	sand.u32 $0x1800, s7;
	s0 =	sshrl.u32 s0, $0x2  }
0x3ce: {  	s21 =	sor.u32 $0x400, s19;
	s20 =	sadd.s32 s0, s30  }
0x3cf: {  	s8 =	sadd.s32 s21, s20  }
0x3d0: {  	s3 =	sadd.s32 s19, s20;
	v3 =	vld [tilespmem:s8+$0x70]  }
0x3d1: {  	v8 =	vld [tilespmem:s3+$0x0]  }
0x3d2: {  	v9 =	vld [tilespmem:s3+$0x10]  }
0x3d3: {  	v10 =	vld [tilespmem:s3+$0x20]  }
0x3d4: {  	v11 =	vld [tilespmem:s3+$0x30]  }
0x3d5: {  	v12 =	vld [tilespmem:s3+$0x40]  }
0x3d6: {  	v13 =	vld [tilespmem:s3+$0x50]  }
0x3d7: {  	v14 =	vld [tilespmem:s3+$0x60]  }
0x3d8: {  	v15 =	vld [tilespmem:s3+$0x70]  }
0x3d9: {  	v16 =	vld [tilespmem:s8+$0x0]  }
0x3da: {  	v17 =	vld [tilespmem:s8+$0x10]  }
0x3db: {  	v7 =	vld [tilespmem:s8+$0x20]  }
0x3dc: {  	s0 =	sor.u32 $0x10000, s0;
	v6 =	vld [tilespmem:s8+$0x30]  }
0x3dd: {  	s9 =	sor.u32 s21, s0;
	v5 =	vld [tilespmem:s8+$0x40]  }
0x3de: {  	s5 =	sor.u32 $0x70, s9;
	v4 =	vld [tilespmem:s8+$0x50]  }
0x3df: {  	[tilespmem:s5+$0x0] =	vst.add.f32.msk $0xffff, v3  }
0x3e0: {  	s0 =	sor.u32 s19, s0;
	v3 =	vld [tilespmem:s8+$0x60]  }
0x3e1: {  	s1 =	sor.u32 $0x10, s0;
	[tilespmem:s0+$0x0] =	vst.add.f32.msk $0xffff, v8  }
0x3e2: {  	s22 =	sor.u32 $0x20, s0;
	[tilespmem:s1+$0x0] =	vst.add.f32.msk $0xffff, v9  }
0x3e3: {  	s23 =	sor.u32 $0x30, s0;
	[tilespmem:s22+$0x0] =	vst.add.f32.msk $0xffff, v10  }
0x3e4: {  	s24 =	sor.u32 $0x40, s0;
	[tilespmem:s23+$0x0] =	vst.add.f32.msk $0xffff, v11  }
0x3e5: {  	s25 =	sor.u32 $0x50, s0;
	[tilespmem:s24+$0x0] =	vst.add.f32.msk $0xffff, v12  }
0x3e6: {  	s26 =	sor.u32 $0x60, s0;
	[tilespmem:s25+$0x0] =	vst.add.f32.msk $0xffff, v13  }
0x3e7: {  	[tilespmem:s26+$0x0] =	vst.add.f32.msk $0xffff, v14  }
0x3e8: {  	s28 =	sor.u32 $0x10, s9;
	s14 =	sor.u32 $0x20, s9;
	s3 =	sor.u32 $0x30, s9;
	[tilespmem:s9+$0x0] =	vst.add.f32.msk $0xffff, v16  }
0x3e9: {  	s12 =	sor.u32 $0x60, s9;
	s0 =	sor.u32 $0x70, s0;
	s8 =	simm.s32 $0x0;
	[tilespmem:s28+$0x0] =	vst.add.f32.msk $0xffff, v17  }
0x3ea: {  	s5 =	sor.u32 $0x50, s9;
	s25 =	simm.s32 $0x80;
	[tilespmem:s0+$0x0] =	vst.add.f32.msk $0xffff, v15;
	s0 =	sor.u32 $0x40, s9  }
.LBB2_21:
0x3eb: {  	s1 =	sand.u32 $0x600, s25;
	s8 =	sadd.s32 $0x10, s8;
	[tilespmem:s14+$0x0] =	vst.add.f32.msk $0xffff, v7  }
0x3ec: {  	s7 =	sadd.s32 $0x800, s7;
	s1 =	sor.u32 $0x800, s1;
	p1 =	slt.u32 s8, $0xF0;
	[tilespmem:s3+$0x0] =	vst.add.f32.msk $0xffff, v6  }
0x3ed: {  	s3 =	sand.u32 $0x1800, s7;
	s1 =	sshrl.u32 s1, $0x2;
	[tilespmem:s0+$0x0] =	vst.add.f32.msk $0xffff, v5  }
0x3ee: {  	s9 =	sor.u32 $0x400, s3;
	s0 =	sadd.s32 s1, s30;
	[tilespmem:s5+$0x0] =	vst.add.f32.msk $0xffff, v4  }
0x3ef: {  	s15 =	sadd.s32 s3, s0;
	s16 =	sadd.s32 s9, s0;
	[tilespmem:s12+$0x0] =	vst.add.f32.msk $0xffff, v3  }
0x3f0: {  	v3 =	vld [tilespmem:s16+$0x70]  }
0x3f1: {  	v8 =	vld [tilespmem:s15+$0x0]  }
0x3f2: {  	s0 =	sor.u32 $0x10000, s1;
	v9 =	vld [tilespmem:s15+$0x10]  }
0x3f3: {  	s1 =	sor.u32 s3, s0;
	s9 =	sor.u32 s9, s0;
	v10 =	vld [tilespmem:s15+$0x20]  }
0x3f4: {  	s17 =	sor.u32 $0x10, s1;
	s18 =	sor.u32 $0x20, s1;
	s0 =	sor.u32 $0x70, s9;
	v11 =	vld [tilespmem:s15+$0x30]  }
0x3f5: {  	s19 =	sor.u32 $0x30, s1;
	s20 =	sor.u32 $0x40, s1;
	s21 =	sor.u32 $0x50, s1;
	[tilespmem:s0+$0x0] =	vst.add.f32.msk $0xffff, v3  }
0x3f6: {  	s22 =	sor.u32 $0x60, s1;
	s23 =	sor.u32 $0x70, s1;
	s24 =	sor.u32 $0x10, s9;
	v12 =	vld [tilespmem:s15+$0x40]  }
0x3f7: {  	s14 =	sor.u32 $0x20, s9;
	s3 =	sor.u32 $0x30, s9;
	s0 =	sor.u32 $0x40, s9;
	v13 =	vld [tilespmem:s15+$0x50]  }
0x3f8: {  	s5 =	sor.u32 $0x50, s9;
	s12 =	sor.u32 $0x60, s9;
	v14 =	vld [tilespmem:s15+$0x60]  }
0x3f9: {  	v15 =	vld [tilespmem:s15+$0x70]  }
0x3fa: {  	v16 =	vld [tilespmem:s16+$0x0]  }
0x3fb: {  	v17 =	vld [tilespmem:s16+$0x10]  }
0x3fc: {  	v7 =	vld [tilespmem:s16+$0x20]  }
0x3fd: {  	v6 =	vld [tilespmem:s16+$0x30]  }
0x3fe: {  	v5 =	vld [tilespmem:s16+$0x40]  }
0x3ff: {  	v4 =	vld [tilespmem:s16+$0x50]  }
0x400: {  	v3 =	vld [tilespmem:s16+$0x60]  }
0x401: {  	[tilespmem:s1+$0x0] =	vst.add.f32.msk $0xffff, v8  }
0x402: {  	[tilespmem:s17+$0x0] =	vst.add.f32.msk $0xffff, v9  }
0x403: {  	[tilespmem:s18+$0x0] =	vst.add.f32.msk $0xffff, v10  }
0x404: {  	[tilespmem:s19+$0x0] =	vst.add.f32.msk $0xffff, v11  }
0x405: {  	[tilespmem:s20+$0x0] =	vst.add.f32.msk $0xffff, v12  }
.Ltmp9:
0x406: {  	[tilespmem:s21+$0x0] =	vst.add.f32.msk $0xffff, v13;
	(pc) =	sbr.rel @p1 .LBB2_21-.Ltmp9, $4  }
0x407: {  	[tilespmem:s22+$0x0] =	vst.add.f32.msk $0xffff, v14  }
0x408: {  	[tilespmem:s23+$0x0] =	vst.add.f32.msk $0xffff, v15  }
0x409: {  	[tilespmem:s9+$0x0] =	vst.add.f32.msk $0xffff, v16  }
0x40a: {  	s25 =	sadd.s32 $0x80, s25;
	[tilespmem:s24+$0x0] =	vst.add.f32.msk $0xffff, v17  }
0x40b: {  	[tilespmem:s14+$0x0] =	vst.add.f32.msk $0xffff, v7  }
0x40c: {  	[tilespmem:s3+$0x0] =	vst.add.f32.msk $0xffff, v6  }
0x40d: {  	[tilespmem:s0+$0x0] =	vst.add.f32.msk $0xffff, v5  }
0x40e: {  	[tilespmem:s5+$0x0] =	vst.add.f32.msk $0xffff, v4  }
0x40f: {  	[tilespmem:s12+$0x0] =	vst.add.f32.msk $0xffff, v3  }
0x410: {  	s0 =	rddreg [dreg:$0x15]  }
0x411: {  	s7 =	simm.s32 $0x0;
	s1 =	simm.s32 $0x10200;
	s0 =	sadd.s32 s31, s0  }
0x412: {  	[hbm4b:s0+s7] =	stream.linear.scatter [tilespmem:s1], [sflag:$0x7], $0x200, $0x38;
	[tilespmem:$0x18100] =	vst v63  }
0x413: {  	s8 =	simm.s32 $0x10600;
	s5 =	sadd.s32 $0x80, s0  }
0x414: {  	[hbm4b:s5+s7] =	stream.linear.scatter [tilespmem:s8], [sflag:$0x7], $0x200, $0x38;
	[tilespmem:$0x18100] =	vst v63  }
0x415: {  	s12 =	simm.s32 $0x10A00;
	s9 =	sadd.s32 $0x100, s0  }
0x416: {  	[hbm4b:s9+s7] =	stream.linear.scatter [tilespmem:s12], [sflag:$0x7], $0x200, $0x38;
	[tilespmem:$0x18100] =	vst v63  }
0x417: {  	s15 =	simm.s32 $0x10E00;
	s14 =	sadd.s32 $0x180, s0  }
0x418: {  	[hbm4b:s14+s7] =	stream.linear.scatter [tilespmem:s15], [sflag:$0x7], $0x200, $0x38;
	[tilespmem:$0x18100] =	vst v63  }
0x419: {  	s17 =	simm.s32 $0x11200;
	s16 =	sadd.s32 $0x200, s0  }
0x41a: {  	[hbm4b:s16+s7] =	stream.linear.scatter [tilespmem:s17], [sflag:$0x7], $0x200, $0x38;
	[tilespmem:$0x18100] =	vst v63  }
0x41b: {  	s19 =	simm.s32 $0x11600;
	s18 =	sadd.s32 $0x280, s0  }
0x41c: {  	[hbm4b:s18+s7] =	stream.linear.scatter [tilespmem:s19], [sflag:$0x7], $0x200, $0x38;
	[tilespmem:$0x18100] =	vst v63  }
0x41d: {  	s21 =	simm.s32 $0x11A00;
	s20 =	sadd.s32 $0x300, s0  }
0x41e: {  	[hbm4b:s20+s7] =	stream.linear.scatter [tilespmem:s21], [sflag:$0x7], $0x200, $0x38;
	[tilespmem:$0x18100] =	vst v63  }
0x41f: {  	s22 =	simm.s32 $0x11E00;
	s23 =	simm.s32 $0x0;
	s0 =	sadd.s32 $0x380, s0  }
0x420: {  	[hbm4b:s0+s7] =	stream.linear.scatter [tilespmem:s22], [sflag:$0x7], $0x200, $0x38;
	[tilespmem:$0x18100] =	vst v63  }
0x421: {  	s24 =	sand.u32 $0x1800, s7;
	s0 =	sand.u32 $0x180, s23  }
0x422: {  	s26 =	sor.u32 $0x400, s24;
	s25 =	sadd.s32 s0, s30  }
0x423: {  	s9 =	sadd.s32 s0, s2;
	s8 =	sadd.s32 s26, s25  }
0x424: {  	s16 =	sadd.s32 s24, s9;
	v3 =	vld [tilespmem:s8+$0x2070]  }
0x425: {  	s3 =	sadd.s32 s24, s25;
	v7 =	vld [tilespmem:s16+$0x0]  }
0x426: {  	v8 =	vld [tilespmem:s3+$0x2010]  }
0x427: {  	v9 =	vld [tilespmem:s3+$0x2020]  }
0x428: {  	v10 =	vld [tilespmem:s3+$0x2030]  }
0x429: {  	v11 =	vld [tilespmem:s3+$0x2040]  }
0x42a: {  	v12 =	vld [tilespmem:s3+$0x2050]  }
0x42b: {  	v13 =	vld [tilespmem:s3+$0x2060]  }
0x42c: {  	s18 =	sadd.s32 s26, s9;
	v14 =	vld [tilespmem:s3+$0x2070]  }
0x42d: {  	v15 =	vld [tilespmem:s18+$0x0]  }
0x42e: {  	v16 =	vld [tilespmem:s8+$0x2010]  }
0x42f: {  	v17 =	vld [tilespmem:s8+$0x2020]  }
0x430: {  	s28 =	sor.u32 $0x10000, s0;
	v6 =	vld [tilespmem:s8+$0x2030]  }
0x431: {  	s15 =	sor.u32 s26, s28;
	v5 =	vld [tilespmem:s8+$0x2040]  }
0x432: {  	s17 =	sor.u32 $0x2070, s15;
	v4 =	vld [tilespmem:s8+$0x2050]  }
0x433: {  	s0 =	sor.u32 $0x12000, s0;
	[tilespmem:s17+$0x0] =	vst.add.f32.msk $0xffff, v3  }
0x434: {  	s19 =	sor.u32 s24, s28;
	s1 =	sor.u32 s24, s0;
	v3 =	vld [tilespmem:s8+$0x2060]  }
0x435: {  	s20 =	sor.u32 $0x2010, s19;
	[tilespmem:s1+$0x0] =	vst.add.f32.msk $0xffff, v7  }
0x436: {  	s21 =	sor.u32 $0x2020, s19;
	[tilespmem:s20+$0x0] =	vst.add.f32.msk $0xffff, v8  }
0x437: {  	s22 =	sor.u32 $0x2030, s19;
	[tilespmem:s21+$0x0] =	vst.add.f32.msk $0xffff, v9  }
0x438: {  	s23 =	sor.u32 $0x2040, s19;
	[tilespmem:s22+$0x0] =	vst.add.f32.msk $0xffff, v10  }
0x439: {  	s24 =	sor.u32 $0x2050, s19;
	[tilespmem:s23+$0x0] =	vst.add.f32.msk $0xffff, v11  }
0x43a: {  	s25 =	sor.u32 $0x2060, s19;
	[tilespmem:s24+$0x0] =	vst.add.f32.msk $0xffff, v12  }
0x43b: {  	s3 =	sor.u32 $0x2070, s19;
	[tilespmem:s25+$0x0] =	vst.add.f32.msk $0xffff, v13  }
0x43c: {  	s0 =	sor.u32 s26, s0;
	[tilespmem:s3+$0x0] =	vst.add.f32.msk $0xffff, v14  }
0x43d: {  	s26 =	sor.u32 $0x2010, s15;
	s28 =	sor.u32 $0x2020, s15;
	[tilespmem:s0+$0x0] =	vst.add.f32.msk $0xffff, v15  }
0x43e: {  	s14 =	sor.u32 $0x2030, s15;
	s5 =	sor.u32 $0x2050, s15;
	s12 =	sor.u32 $0x2060, s15;
	[tilespmem:s26+$0x0] =	vst.add.f32.msk $0xffff, v16  }
0x43f: {  	s8 =	simm.s32 $0x0;
	s3 =	sor.u32 $0x2040, s15;
	[tilespmem:s28+$0x0] =	vst.add.f32.msk $0xffff, v17;
	s25 =	simm.s32 $0x80  }
.LBB2_23:
0x440: {  	s0 =	sshrl.u32 s25, $0x2;
	s8 =	sadd.s32 $0x10, s8;
	[tilespmem:s14+$0x0] =	vst.add.f32.msk $0xffff, v6;
	s7 =	sadd.s32 $0x800, s7  }
0x441: {  	s1 =	sand.u32 $0x1800, s7;
	s9 =	sand.u32 $0x180, s0;
	p1 =	slt.u32 s8, $0xF0;
	[tilespmem:s3+$0x0] =	vst.add.f32.msk $0xffff, v5  }
0x442: {  	s0 =	sadd.s32 s9, s2;
	s3 =	sadd.s32 s9, s30;
	s14 =	sor.u32 $0x400, s1;
	[tilespmem:s5+$0x0] =	vst.add.f32.msk $0xffff, v4  }
0x443: {  	s5 =	sadd.s32 s1, s0;
	s15 =	sadd.s32 s1, s3;
	s16 =	sadd.s32 s14, s3;
	[tilespmem:s12+$0x0] =	vst.add.f32.msk $0xffff, v3  }
0x444: {  	s3 =	sor.u32 $0x12000, s9;
	s17 =	sadd.s32 s14, s0;
	v3 =	vld [tilespmem:s16+$0x2070]  }
0x445: {  	s18 =	sor.u32 s1, s3;
	s0 =	sor.u32 s14, s3;
	v7 =	vld [tilespmem:s5+$0x0]  }
0x446: {  	s3 =	sor.u32 $0x10000, s9;
	v8 =	vld [tilespmem:s15+$0x2010]  }
0x447: {  	s1 =	sor.u32 s1, s3;
	s9 =	sor.u32 s14, s3;
	v9 =	vld [tilespmem:s15+$0x2020]  }
0x448: {  	s19 =	sor.u32 $0x2010, s1;
	s20 =	sor.u32 $0x2020, s1;
	s3 =	sor.u32 $0x2070, s9;
	v10 =	vld [tilespmem:s15+$0x2030]  }
0x449: {  	s21 =	sor.u32 $0x2030, s1;
	s22 =	sor.u32 $0x2040, s1;
	s23 =	sor.u32 $0x2050, s1;
	[tilespmem:s3+$0x0] =	vst.add.f32.msk $0xffff, v3  }
0x44a: {  	s24 =	sor.u32 $0x2060, s1;
	s1 =	sor.u32 $0x2070, s1;
	s26 =	sor.u32 $0x2010, s9;
	v11 =	vld [tilespmem:s15+$0x2040]  }
0x44b: {  	s28 =	sor.u32 $0x2020, s9;
	s14 =	sor.u32 $0x2030, s9;
	s3 =	sor.u32 $0x2040, s9;
	v12 =	vld [tilespmem:s15+$0x2050]  }
0x44c: {  	s5 =	sor.u32 $0x2050, s9;
	s12 =	sor.u32 $0x2060, s9;
	v13 =	vld [tilespmem:s15+$0x2060]  }
0x44d: {  	v14 =	vld [tilespmem:s15+$0x2070]  }
0x44e: {  	v15 =	vld [tilespmem:s17+$0x0]  }
0x44f: {  	v16 =	vld [tilespmem:s16+$0x2010]  }
0x450: {  	v17 =	vld [tilespmem:s16+$0x2020]  }
0x451: {  	v6 =	vld [tilespmem:s16+$0x2030]  }
0x452: {  	v5 =	vld [tilespmem:s16+$0x2040]  }
0x453: {  	v4 =	vld [tilespmem:s16+$0x2050]  }
0x454: {  	v3 =	vld [tilespmem:s16+$0x2060]  }
0x455: {  	[tilespmem:s18+$0x0] =	vst.add.f32.msk $0xffff, v7  }
0x456: {  	[tilespmem:s19+$0x0] =	vst.add.f32.msk $0xffff, v8  }
0x457: {  	[tilespmem:s20+$0x0] =	vst.add.f32.msk $0xffff, v9  }
0x458: {  	[tilespmem:s21+$0x0] =	vst.add.f32.msk $0xffff, v10  }
0x459: {  	[tilespmem:s22+$0x0] =	vst.add.f32.msk $0xffff, v11  }
0x45a: {  	[tilespmem:s23+$0x0] =	vst.add.f32.msk $0xffff, v12  }
.Ltmp10:
0x45b: {  	[tilespmem:s24+$0x0] =	vst.add.f32.msk $0xffff, v13;
	(pc) =	sbr.rel @p1 .LBB2_23-.Ltmp10, $4  }
0x45c: {  	[tilespmem:s1+$0x0] =	vst.add.f32.msk $0xffff, v14  }
0x45d: {  	[tilespmem:s0+$0x0] =	vst.add.f32.msk $0xffff, v15  }
0x45e: {  	[tilespmem:s26+$0x0] =	vst.add.f32.msk $0xffff, v16  }
0x45f: {  	s25 =	sadd.s32 $0x80, s25;
	[tilespmem:s28+$0x0] =	vst.add.f32.msk $0xffff, v17  }
0x460: {  	[tilespmem:s14+$0x0] =	vst.add.f32.msk $0xffff, v6  }
0x461: {  	[tilespmem:s3+$0x0] =	vst.add.f32.msk $0xffff, v5  }
0x462: {  	[tilespmem:s5+$0x0] =	vst.add.f32.msk $0xffff, v4  }
0x463: {  	[tilespmem:s12+$0x0] =	vst.add.f32.msk $0xffff, v3  }
0x464: {  	s0 =	rddreg [dreg:$0x17]  }
0x465: {  	s7 =	simm.s32 $0x0;
	s1 =	simm.s32 $0x12000;
	s0 =	sadd.s32 s31, s0  }
0x466: {  	[hbm4b:s0+s7] =	stream.linear.scatter [tilespmem:s1], [sflag:$0x7], $0x200, $0x38;
	[tilespmem:$0x18100] =	vst v63  }
0x467: {  	s14 =	simm.s32 $0x12400;
	s16 =	simm.s32 $0x12800;
	s12 =	sadd.s32 $0x80, s0  }
0x468: {  	[hbm4b:s12+s7] =	stream.linear.scatter [tilespmem:s14], [sflag:$0x7], $0x200, $0x38;
	[tilespmem:$0x18100] =	vst v63  }
0x469: {  	s18 =	simm.s32 $0x12C00;
	s20 =	simm.s32 $0x13000;
	s15 =	sadd.s32 $0x100, s0  }
0x46a: {  	[hbm4b:s15+s7] =	stream.linear.scatter [tilespmem:s16], [sflag:$0x7], $0x200, $0x38;
	[tilespmem:$0x18100] =	vst v63  }
0x46b: {  	s22 =	simm.s32 $0x13400;
	s24 =	simm.s32 $0x13800;
	s17 =	sadd.s32 $0x180, s0  }
0x46c: {  	[hbm4b:s17+s7] =	stream.linear.scatter [tilespmem:s18], [sflag:$0x7], $0x200, $0x38;
	[tilespmem:$0x18100] =	vst v63  }
0x46d: {  	s25 =	simm.s32 $0x13C00;
	s26 =	sand.u32 $0x180, s7;
	s19 =	sadd.s32 $0x200, s0  }
0x46e: {  	[hbm4b:s19+s7] =	stream.linear.scatter [tilespmem:s20], [sflag:$0x7], $0x200, $0x38;
	[tilespmem:$0x18100] =	vst v63  }
0x46f: {  	s28 =	sand.u32 $0x1800, s7;
	s5 =	sor.u32 $0x200, s26;
	s21 =	sadd.s32 $0x280, s0  }
0x470: {  	[hbm4b:s21+s7] =	stream.linear.scatter [tilespmem:s22], [sflag:$0x7], $0x200, $0x38;
	[tilespmem:$0x18100] =	vst v63  }
0x471: {  	s8 =	sor.u32 $0x400, s28;
	s23 =	sadd.s32 $0x300, s0;
	s12 =	sadd.s32 s5, s30  }
0x472: {  	[hbm4b:s23+s7] =	stream.linear.scatter [tilespmem:s24], [sflag:$0x7], $0x200, $0x38;
	[tilespmem:$0x18100] =	vst v63  }
0x473: {  	s0 =	sadd.s32 $0x380, s0;
	s3 =	sadd.s32 s5, s2;
	s9 =	sadd.s32 s8, s12  }
0x474: {  	[hbm4b:s0+s7] =	stream.linear.scatter [tilespmem:s25], [sflag:$0x7], $0x200, $0x38;
	[tilespmem:$0x18100] =	vst v63  }
0x475: {  	s17 =	sadd.s32 s28, s3;
	v3 =	vld [tilespmem:s9+$0x2070]  }
0x476: {  	s5 =	sadd.s32 s28, s12;
	v7 =	vld [tilespmem:s17+$0x0]  }
0x477: {  	v8 =	vld [tilespmem:s5+$0x2010]  }
0x478: {  	v9 =	vld [tilespmem:s5+$0x2020]  }
0x479: {  	v10 =	vld [tilespmem:s5+$0x2030]  }
0x47a: {  	v11 =	vld [tilespmem:s5+$0x2040]  }
0x47b: {  	v12 =	vld [tilespmem:s5+$0x2050]  }
0x47c: {  	v13 =	vld [tilespmem:s5+$0x2060]  }
0x47d: {  	s3 =	sadd.s32 s8, s3;
	v14 =	vld [tilespmem:s5+$0x2070]  }
0x47e: {  	v15 =	vld [tilespmem:s3+$0x0]  }
0x47f: {  	v16 =	vld [tilespmem:s9+$0x2010]  }
0x480: {  	v17 =	vld [tilespmem:s9+$0x2020]  }
0x481: {  	s16 =	sor.u32 $0x10200, s26;
	v6 =	vld [tilespmem:s9+$0x2030]  }
0x482: {  	s15 =	sor.u32 s8, s16;
	v5 =	vld [tilespmem:s9+$0x2040]  }
0x483: {  	s18 =	sor.u32 $0x2070, s15;
	v4 =	vld [tilespmem:s9+$0x2050]  }
0x484: {  	s0 =	sor.u32 $0x12200, s26;
	[tilespmem:s18+$0x0] =	vst.add.f32.msk $0xffff, v3  }
0x485: {  	s19 =	sor.u32 s28, s16;
	s1 =	sor.u32 s28, s0;
	v3 =	vld [tilespmem:s9+$0x2060]  }
0x486: {  	s20 =	sor.u32 $0x2010, s19;
	[tilespmem:s1+$0x0] =	vst.add.f32.msk $0xffff, v7  }
0x487: {  	s21 =	sor.u32 $0x2020, s19;
	[tilespmem:s20+$0x0] =	vst.add.f32.msk $0xffff, v8  }
0x488: {  	s22 =	sor.u32 $0x2030, s19;
	[tilespmem:s21+$0x0] =	vst.add.f32.msk $0xffff, v9  }
0x489: {  	s23 =	sor.u32 $0x2040, s19;
	[tilespmem:s22+$0x0] =	vst.add.f32.msk $0xffff, v10  }
0x48a: {  	s24 =	sor.u32 $0x2050, s19;
	[tilespmem:s23+$0x0] =	vst.add.f32.msk $0xffff, v11  }
0x48b: {  	s25 =	sor.u32 $0x2060, s19;
	[tilespmem:s24+$0x0] =	vst.add.f32.msk $0xffff, v12  }
0x48c: {  	s3 =	sor.u32 $0x2070, s19;
	[tilespmem:s25+$0x0] =	vst.add.f32.msk $0xffff, v13  }
0x48d: {  	s0 =	sor.u32 s8, s0;
	[tilespmem:s3+$0x0] =	vst.add.f32.msk $0xffff, v14  }
0x48e: {  	s14 =	sor.u32 $0x2030, s15;
	s26 =	sor.u32 $0x2010, s15;
	[tilespmem:s0+$0x0] =	vst.add.f32.msk $0xffff, v15  }
0x48f: {  	s12 =	sor.u32 $0x2060, s15;
	s8 =	simm.s32 $0x0;
	s28 =	sor.u32 $0x2020, s15;
	[tilespmem:s26+$0x0] =	vst.add.f32.msk $0xffff, v16  }
0x490: {  	s5 =	sor.u32 $0x2050, s15;
	s3 =	sor.u32 $0x2040, s15;
	[tilespmem:s28+$0x0] =	vst.add.f32.msk $0xffff, v17;
	s25 =	simm.s32 $0x20  }
.LBB2_25:
0x491: {  	s1 =	sand.u32 $0x180, s25;
	s8 =	sadd.s32 $0x10, s8;
	[tilespmem:s14+$0x0] =	vst.add.f32.msk $0xffff, v6;
	s7 =	sadd.s32 $0x800, s7  }
0x492: {  	s9 =	sand.u32 $0x1800, s7;
	s0 =	sor.u32 $0x200, s1;
	p1 =	slt.u32 s8, $0xF0;
	[tilespmem:s3+$0x0] =	vst.add.f32.msk $0xffff, v5  }
0x493: {  	s3 =	sadd.s32 s0, s2;
	s0 =	sadd.s32 s0, s30;
	s14 =	sor.u32 $0x400, s9;
	[tilespmem:s5+$0x0] =	vst.add.f32.msk $0xffff, v4  }
0x494: {  	s5 =	sadd.s32 s9, s3;
	s15 =	sadd.s32 s9, s0;
	s16 =	sadd.s32 s14, s0;
	[tilespmem:s12+$0x0] =	vst.add.f32.msk $0xffff, v3  }
0x495: {  	s0 =	sor.u32 $0x12200, s1;
	s17 =	sadd.s32 s14, s3;
	v3 =	vld [tilespmem:s16+$0x2070]  }
0x496: {  	s18 =	sor.u32 s9, s0;
	s0 =	sor.u32 s14, s0;
	v7 =	vld [tilespmem:s5+$0x0]  }
0x497: {  	s1 =	sor.u32 $0x10200, s1;
	v8 =	vld [tilespmem:s15+$0x2010]  }
0x498: {  	s3 =	sor.u32 s9, s1;
	s1 =	sor.u32 s14, s1;
	v9 =	vld [tilespmem:s15+$0x2020]  }
0x499: {  	s9 =	sor.u32 $0x2010, s3;
	s19 =	sor.u32 $0x2020, s3;
	s5 =	sor.u32 $0x2070, s1;
	v10 =	vld [tilespmem:s15+$0x2030]  }
0x49a: {  	s20 =	sor.u32 $0x2030, s3;
	s21 =	sor.u32 $0x2040, s3;
	s22 =	sor.u32 $0x2050, s3;
	[tilespmem:s5+$0x0] =	vst.add.f32.msk $0xffff, v3  }
0x49b: {  	s23 =	sor.u32 $0x2060, s3;
	s24 =	sor.u32 $0x2070, s3;
	s26 =	sor.u32 $0x2010, s1;
	v11 =	vld [tilespmem:s15+$0x2040]  }
0x49c: {  	s28 =	sor.u32 $0x2020, s1;
	s14 =	sor.u32 $0x2030, s1;
	s3 =	sor.u32 $0x2040, s1;
	v12 =	vld [tilespmem:s15+$0x2050]  }
0x49d: {  	s12 =	sor.u32 $0x2060, s1;
	s5 =	sor.u32 $0x2050, s1;
	v13 =	vld [tilespmem:s15+$0x2060]  }
0x49e: {  	v14 =	vld [tilespmem:s15+$0x2070]  }
0x49f: {  	v15 =	vld [tilespmem:s17+$0x0]  }
0x4a0: {  	v16 =	vld [tilespmem:s16+$0x2010]  }
0x4a1: {  	v17 =	vld [tilespmem:s16+$0x2020]  }
0x4a2: {  	v6 =	vld [tilespmem:s16+$0x2030]  }
0x4a3: {  	v5 =	vld [tilespmem:s16+$0x2040]  }
0x4a4: {  	v4 =	vld [tilespmem:s16+$0x2050]  }
0x4a5: {  	v3 =	vld [tilespmem:s16+$0x2060]  }
0x4a6: {  	[tilespmem:s18+$0x0] =	vst.add.f32.msk $0xffff, v7  }
0x4a7: {  	[tilespmem:s9+$0x0] =	vst.add.f32.msk $0xffff, v8  }
0x4a8: {  	[tilespmem:s19+$0x0] =	vst.add.f32.msk $0xffff, v9  }
0x4a9: {  	[tilespmem:s20+$0x0] =	vst.add.f32.msk $0xffff, v10  }
0x4aa: {  	[tilespmem:s21+$0x0] =	vst.add.f32.msk $0xffff, v11  }
0x4ab: {  	[tilespmem:s22+$0x0] =	vst.add.f32.msk $0xffff, v12  }
.Ltmp11:
0x4ac: {  	[tilespmem:s23+$0x0] =	vst.add.f32.msk $0xffff, v13;
	(pc) =	sbr.rel @p1 .LBB2_25-.Ltmp11, $4  }
0x4ad: {  	[tilespmem:s24+$0x0] =	vst.add.f32.msk $0xffff, v14  }
0x4ae: {  	[tilespmem:s0+$0x0] =	vst.add.f32.msk $0xffff, v15  }
0x4af: {  	[tilespmem:s26+$0x0] =	vst.add.f32.msk $0xffff, v16  }
0x4b0: {  	s25 =	sadd.s32 $0x20, s25;
	[tilespmem:s28+$0x0] =	vst.add.f32.msk $0xffff, v17  }
0x4b1: {  	[tilespmem:s14+$0x0] =	vst.add.f32.msk $0xffff, v6  }
0x4b2: {  	[tilespmem:s3+$0x0] =	vst.add.f32.msk $0xffff, v5  }
0x4b3: {  	[tilespmem:s5+$0x0] =	vst.add.f32.msk $0xffff, v4  }
0x4b4: {  	[tilespmem:s12+$0x0] =	vst.add.f32.msk $0xffff, v3  }
0x4b5: {  	s0 =	rddreg [dreg:$0x18]  }
0x4b6: {  	s1 =	simm.s32 $0x12200;
	s0 =	sadd.s32 s31, s0  }
0x4b7: {  	[hbm4b:s0+s4] =	stream.linear.scatter [tilespmem:s1], [sflag:$0x7], $0x200, $0x38;
	[tilespmem:$0x18100] =	vst v63  }
0x4b8: {  	s23 =	simm.s32 $0x12600;
	s22 =	sadd.s32 $0x80, s0  }
0x4b9: {  	[hbm4b:s22+s4] =	stream.linear.scatter [tilespmem:s23], [sflag:$0x7], $0x200, $0x38;
	[tilespmem:$0x18100] =	vst v63  }
0x4ba: {  	s25 =	simm.s32 $0x12A00;
	s24 =	sadd.s32 $0x100, s0  }
0x4bb: {  	[hbm4b:s24+s4] =	stream.linear.scatter [tilespmem:s25], [sflag:$0x7], $0x200, $0x38;
	[tilespmem:$0x18100] =	vst v63  }
0x4bc: {  	s28 =	simm.s32 $0x12E00;
	s26 =	sadd.s32 $0x180, s0  }
0x4bd: {  	[hbm4b:s26+s4] =	stream.linear.scatter [tilespmem:s28], [sflag:$0x7], $0x200, $0x38;
	[tilespmem:$0x18100] =	vst v63  }
0x4be: {  	s7 =	simm.s32 $0x13200;
	s5 =	sadd.s32 $0x200, s0  }
0x4bf: {  	[hbm4b:s5+s4] =	stream.linear.scatter [tilespmem:s7], [sflag:$0x7], $0x200, $0x38;
	[tilespmem:$0x18100] =	vst v63  }
0x4c0: {  	s9 =	simm.s32 $0x13600;
	s8 =	sadd.s32 $0x280, s0  }
0x4c1: {  	[hbm4b:s8+s4] =	stream.linear.scatter [tilespmem:s9], [sflag:$0x7], $0x200, $0x38;
	[tilespmem:$0x18100] =	vst v63  }
0x4c2: {  	s14 =	simm.s32 $0x13A00;
	s12 =	sadd.s32 $0x300, s0  }
0x4c3: {  	[hbm4b:s12+s4] =	stream.linear.scatter [tilespmem:s14], [sflag:$0x7], $0x200, $0x38;
	[tilespmem:$0x18100] =	vst v63  }
0x4c4: {  	s15 =	simm.s32 $0x13E00;
	s16 =	simm.s32 $0x6;
	s0 =	sadd.s32 $0x380, s0  }
0x4c5: {  	[hbm4b:s0+s4] =	stream.linear.scatter [tilespmem:s15], [sflag:$0x7], $0x200, $0x38;
	[tilespmem:$0x18100] =	vst v63  }
0x4c6: {  	_ =	swait.ge [sflag:s16], $0x1000  }
0x4c7: {  	[sflag:s16] =	ssyncset.done $0x0  }
0x4c8: {  	[sflag:s16] =	ssyncadd.s32 $0xFFFFF000  }
0x4c9: {  	_ =	swait.ge [sflag:s16], $0x1000  }
0x4ca: {  	[sflag:s16] =	ssyncset.done $0x0  }
0x4cb: {  	[sflag:s16] =	ssyncadd.s32 $0xFFFFF000  }
0x4cc: {  	_ =	swait.ge [sflag:s16], $0x1000  }
0x4cd: {  	[sflag:s16] =	ssyncset.done $0x0  }
0x4ce: {  	[sflag:s16] =	ssyncadd.s32 $0xFFFFF000  }
0x4cf: {  	_ =	swait.ge [sflag:s16], $0x1000  }
0x4d0: {  	[sflag:s16] =	ssyncset.done $0x0  }
0x4d1: {  	[sflag:s16] =	ssyncadd.s32 $0xFFFFF000  }
0x4d2: {  	v3 =	vld @!p0 [tilespmem:s6+$0x18050];
	_ =	sdelay $0x4  }
0x4d3: {  	v4 =	vshll.u32 @!p0 v3, $0x3  }
0x4d4: {  	v5 =	vlaneseq.u32 @!p0;
	v3 =	vand.u32 @!p0 $0x7, v3;
	v4 =	vand.u32 @!p0 $0xFFFFFFC0, v4  }
0x4d5: {  	v6 =	vshrl.u32 @!p0 v5, $0x3;
	v3 =	vor.u32 @!p0 v3, v4;
	v4 =	vand.u32 @!p0 $0x7, v5  }
0x4d6: {  	v6 =	vmul.u32 @!p0 $0x8, v6;
	v4 =	vperm.xlane @!p0 v3, v4;
	_ =	sdelay $0x1  }
0x4d7: {  	v4 =	vadd.s32 @!p0 v6, v4;
	_ =	sdelay $0x3  }
0x4d8: {  	s1 =	simm.s32 @!p0 $0xC000;
	s0 =	simm.s32 @!p0 $0x0;
	s3 =	rddreg [dreg:$0x1]  }
0x4d9: {  	v5 =	vor.u32 @!p0 $0x8, v5;
	[tilespmem:s1], [sflag:$0x2] =	stream.indirect_vreg.gather @!p0 [hbm4b:s3+s0], $0x80, v4, vm1, $0xb8;
	[tilespmem:$0x18100] =	vst v63  }
0x4da: {  	v3 =	vperm.xlane @!p0 v3, v5;
	s1 =	simm.s32 @!p0 $0xC800  }
0x4db: {  	[tilespmem:s1], [sflag:$0x2] =	stream.indirect_vreg.gather @!p0 [hbm4b:s10+s0], $0x80, v4, vm1, $0xb8;
	[tilespmem:$0x18100] =	vst v63  }
0x4dc: {  	v3 =	vadd.s32 @!p0 v6, v3;
	s1 =	simm.s32 @!p0 $0xD000  }
0x4dd: {  	[tilespmem:s1], [sflag:$0x2] =	stream.indirect_vreg.gather @!p0 [hbm4b:s11+s0], $0x80, v4, vm1, $0xb8;
	[tilespmem:$0x18100] =	vst v63  }
0x4de: {  	s1 =	simm.s32 @!p0 $0xD800  }
0x4df: {  	[tilespmem:s1], [sflag:$0x2] =	stream.indirect_vreg.gather @!p0 [hbm4b:s13+s0], $0x80, v4, vm1, $0xb8;
	[tilespmem:$0x18100] =	vst v63  }
0x4e0: {  	s1 =	simm.s32 @!p0 $0xE000  }
0x4e1: {  	[tilespmem:s1], [sflag:$0x2] =	stream.indirect_vreg.gather @!p0 [hbm4b:s3+s0], $0x80, v3, vm1, $0xb8;
	[tilespmem:$0x18100] =	vst v63  }
0x4e2: {  	s1 =	simm.s32 @!p0 $0xE800  }
0x4e3: {  	[tilespmem:s1], [sflag:$0x2] =	stream.indirect_vreg.gather @!p0 [hbm4b:s10+s0], $0x80, v3, vm1, $0xb8;
	[tilespmem:$0x18100] =	vst v63  }
0x4e4: {  	s17 =	simm.s32 $0x0;
	s1 =	simm.s32 @!p0 $0xF000  }
0x4e5: {  	[tilespmem:s1], [sflag:$0x2] =	stream.indirect_vreg.gather @!p0 [hbm4b:s11+s0], $0x80, v3, vm1, $0xb8;
	[tilespmem:$0x18100] =	vst v63  }
0x4e6: {  	s7 =	simm.s32 $0x4;
	s6 =	simm.s32 $0x0;
	s1 =	simm.s32 @!p0 $0xF800  }
0x4e7: {  	[tilespmem:s1], [sflag:$0x2] =	stream.indirect_vreg.gather @!p0 [hbm4b:s13+s0], $0x80, v3, vm1, $0xb8;
	[tilespmem:$0x18100] =	vst v63  }
0x4e8: {  	s18 =	sand.u32 $0x1800, s6;
	s0 =	sand.u32 $0x180, s17;
	_ =	swait.ge [sflag:s7], $0x4000  }
0x4e9: {  	s20 =	sor.u32 $0x400, s18;
	s19 =	sadd.s32 s0, s30;
	[sflag:s7] =	ssyncset.done $0x0  }
0x4ea: {  	s21 =	sadd.s32 s20, s19;
	[sflag:s7] =	ssyncadd.s32 $0xFFFFC000  }
0x4eb: {  	s3 =	sadd.s32 s18, s19;
	v3 =	vld [tilespmem:s21+$0x70]  }
0x4ec: {  	v7 =	vld [tilespmem:s3+$0x0]  }
0x4ed: {  	v8 =	vld [tilespmem:s3+$0x10]  }
0x4ee: {  	v9 =	vld [tilespmem:s3+$0x20]  }
0x4ef: {  	v10 =	vld [tilespmem:s3+$0x30]  }
0x4f0: {  	v11 =	vld [tilespmem:s3+$0x40]  }
0x4f1: {  	v12 =	vld [tilespmem:s3+$0x50]  }
0x4f2: {  	v13 =	vld [tilespmem:s3+$0x60]  }
0x4f3: {  	v14 =	vld [tilespmem:s3+$0x70]  }
0x4f4: {  	v15 =	vld [tilespmem:s21+$0x0]  }
0x4f5: {  	v16 =	vld [tilespmem:s21+$0x10]  }
0x4f6: {  	v17 =	vld [tilespmem:s21+$0x20]  }
0x4f7: {  	s0 =	sor.u32 $0x14000, s0;
	v6 =	vld [tilespmem:s21+$0x30]  }
0x4f8: {  	s8 =	sor.u32 s20, s0;
	v5 =	vld [tilespmem:s21+$0x40]  }
0x4f9: {  	s5 =	sor.u32 $0x70, s8;
	v4 =	vld [tilespmem:s21+$0x50]  }
0x4fa: {  	[tilespmem:s5+$0x0] =	vst.add.f32.msk $0xffff, v3  }
0x4fb: {  	s0 =	sor.u32 s18, s0;
	v3 =	vld [tilespmem:s21+$0x60]  }
0x4fc: {  	s1 =	sor.u32 $0x10, s0;
	[tilespmem:s0+$0x0] =	vst.add.f32.msk $0xffff, v7  }
0x4fd: {  	s22 =	sor.u32 $0x20, s0;
	[tilespmem:s1+$0x0] =	vst.add.f32.msk $0xffff, v8  }
0x4fe: {  	s23 =	sor.u32 $0x30, s0;
	[tilespmem:s22+$0x0] =	vst.add.f32.msk $0xffff, v9  }
0x4ff: {  	s24 =	sor.u32 $0x40, s0;
	[tilespmem:s23+$0x0] =	vst.add.f32.msk $0xffff, v10  }
0x500: {  	s25 =	sor.u32 $0x50, s0;
	[tilespmem:s24+$0x0] =	vst.add.f32.msk $0xffff, v11  }
0x501: {  	s26 =	sor.u32 $0x60, s0;
	[tilespmem:s25+$0x0] =	vst.add.f32.msk $0xffff, v12  }
0x502: {  	[tilespmem:s26+$0x0] =	vst.add.f32.msk $0xffff, v13  }
0x503: {  	s28 =	sor.u32 $0x10, s8;
	[tilespmem:s8+$0x0] =	vst.add.f32.msk $0xffff, v15  }
0x504: {  	s7 =	simm.s32 $0x0;
	s9 =	sor.u32 $0x20, s8;
	[tilespmem:s28+$0x0] =	vst.add.f32.msk $0xffff, v16  }
0x505: {  	s12 =	sor.u32 $0x60, s8;
	s3 =	sor.u32 $0x50, s8;
	s0 =	sor.u32 $0x70, s0;
	[tilespmem:s9+$0x0] =	vst.add.f32.msk $0xffff, v17  }
0x506: {  	s5 =	sor.u32 $0x30, s8;
	[tilespmem:s0+$0x0] =	vst.add.f32.msk $0xffff, v14;
	s0 =	sor.u32 $0x40, s8;
	s8 =	simm.s32 $0x80  }
.LBB2_27:
0x507: {  	s1 =	sshrl.u32 s8, $0x2;
	s7 =	sadd.s32 $0x10, s7;
	[tilespmem:s5+$0x0] =	vst.add.f32.msk $0xffff, v6;
	s6 =	sadd.s32 $0x800, s6  }
0x508: {  	s5 =	sand.u32 $0x1800, s6;
	s1 =	sand.u32 $0x180, s1;
	p0 =	slt.u32 s7, $0xF0;
	[tilespmem:s0+$0x0] =	vst.add.f32.msk $0xffff, v5  }
0x509: {  	s0 =	sadd.s32 s1, s30;
	s9 =	sor.u32 $0x400, s5;
	[tilespmem:s3+$0x0] =	vst.add.f32.msk $0xffff, v4  }
0x50a: {  	s14 =	sadd.s32 s5, s0;
	s15 =	sadd.s32 s9, s0;
	[tilespmem:s12+$0x0] =	vst.add.f32.msk $0xffff, v3  }
0x50b: {  	v3 =	vld [tilespmem:s15+$0x70]  }
0x50c: {  	v7 =	vld [tilespmem:s14+$0x0]  }
0x50d: {  	s0 =	sor.u32 $0x14000, s1;
	v8 =	vld [tilespmem:s14+$0x10]  }
0x50e: {  	s1 =	sor.u32 s5, s0;
	s9 =	sor.u32 s9, s0;
	v9 =	vld [tilespmem:s14+$0x20]  }
0x50f: {  	s16 =	sor.u32 $0x10, s1;
	s17 =	sor.u32 $0x20, s1;
	s0 =	sor.u32 $0x70, s9;
	v10 =	vld [tilespmem:s14+$0x30]  }
0x510: {  	s18 =	sor.u32 $0x30, s1;
	s19 =	sor.u32 $0x40, s1;
	s20 =	sor.u32 $0x50, s1;
	[tilespmem:s0+$0x0] =	vst.add.f32.msk $0xffff, v3  }
0x511: {  	s21 =	sor.u32 $0x60, s1;
	s22 =	sor.u32 $0x70, s1;
	s23 =	sor.u32 $0x10, s9;
	v11 =	vld [tilespmem:s14+$0x40]  }
0x512: {  	s24 =	sor.u32 $0x20, s9;
	s5 =	sor.u32 $0x30, s9;
	s0 =	sor.u32 $0x40, s9;
	v12 =	vld [tilespmem:s14+$0x50]  }
0x513: {  	s3 =	sor.u32 $0x50, s9;
	s12 =	sor.u32 $0x60, s9;
	v13 =	vld [tilespmem:s14+$0x60]  }
0x514: {  	v14 =	vld [tilespmem:s14+$0x70]  }
0x515: {  	v15 =	vld [tilespmem:s15+$0x0]  }
0x516: {  	v16 =	vld [tilespmem:s15+$0x10]  }
0x517: {  	v17 =	vld [tilespmem:s15+$0x20]  }
0x518: {  	v6 =	vld [tilespmem:s15+$0x30]  }
0x519: {  	v5 =	vld [tilespmem:s15+$0x40]  }
0x51a: {  	v4 =	vld [tilespmem:s15+$0x50]  }
0x51b: {  	v3 =	vld [tilespmem:s15+$0x60]  }
0x51c: {  	[tilespmem:s1+$0x0] =	vst.add.f32.msk $0xffff, v7  }
0x51d: {  	[tilespmem:s16+$0x0] =	vst.add.f32.msk $0xffff, v8  }
0x51e: {  	[tilespmem:s17+$0x0] =	vst.add.f32.msk $0xffff, v9  }
0x51f: {  	[tilespmem:s18+$0x0] =	vst.add.f32.msk $0xffff, v10  }
0x520: {  	[tilespmem:s19+$0x0] =	vst.add.f32.msk $0xffff, v11  }
0x521: {  	[tilespmem:s20+$0x0] =	vst.add.f32.msk $0xffff, v12  }
.Ltmp12:
0x522: {  	[tilespmem:s21+$0x0] =	vst.add.f32.msk $0xffff, v13;
	(pc) =	sbr.rel @p0 .LBB2_27-.Ltmp12, $4  }
0x523: {  	[tilespmem:s22+$0x0] =	vst.add.f32.msk $0xffff, v14  }
0x524: {  	[tilespmem:s9+$0x0] =	vst.add.f32.msk $0xffff, v15  }
0x525: {  	[tilespmem:s23+$0x0] =	vst.add.f32.msk $0xffff, v16  }
0x526: {  	s8 =	sadd.s32 $0x80, s8;
	[tilespmem:s24+$0x0] =	vst.add.f32.msk $0xffff, v17  }
0x527: {  	[tilespmem:s5+$0x0] =	vst.add.f32.msk $0xffff, v6  }
0x528: {  	[tilespmem:s0+$0x0] =	vst.add.f32.msk $0xffff, v5  }
0x529: {  	[tilespmem:s3+$0x0] =	vst.add.f32.msk $0xffff, v4  }
0x52a: {  	[tilespmem:s12+$0x0] =	vst.add.f32.msk $0xffff, v3  }
0x52b: {  	s0 =	rddreg [dreg:$0x19]  }
0x52c: {  	s6 =	simm.s32 $0x0;
	s1 =	simm.s32 $0x14000;
	s0 =	sadd.s32 s31, s0  }
0x52d: {  	[hbm4b:s0+s6] =	stream.linear.scatter [tilespmem:s1], [sflag:$0x8], $0x200, $0x38;
	[tilespmem:$0x18100] =	vst v63  }
0x52e: {  	s25 =	simm.s32 $0x14400;
	s24 =	sadd.s32 $0x80, s0  }
0x52f: {  	[hbm4b:s24+s6] =	stream.linear.scatter [tilespmem:s25], [sflag:$0x8], $0x200, $0x38;
	[tilespmem:$0x18100] =	vst v63  }
0x530: {  	s28 =	simm.s32 $0x14800;
	s26 =	sadd.s32 $0x100, s0  }
0x531: {  	[hbm4b:s26+s6] =	stream.linear.scatter [tilespmem:s28], [sflag:$0x8], $0x200, $0x38;
	[tilespmem:$0x18100] =	vst v63  }
0x532: {  	s7 =	simm.s32 $0x14C00;
	s5 =	sadd.s32 $0x180, s0  }
0x533: {  	[hbm4b:s5+s6] =	stream.linear.scatter [tilespmem:s7], [sflag:$0x8], $0x200, $0x38;
	[tilespmem:$0x18100] =	vst v63  }
0x534: {  	s9 =	simm.s32 $0x15000;
	s8 =	sadd.s32 $0x200, s0  }
0x535: {  	[hbm4b:s8+s6] =	stream.linear.scatter [tilespmem:s9], [sflag:$0x8], $0x200, $0x38;
	[tilespmem:$0x18100] =	vst v63  }
0x536: {  	s14 =	simm.s32 $0x15400;
	s12 =	sadd.s32 $0x280, s0  }
0x537: {  	[hbm4b:s12+s6] =	stream.linear.scatter [tilespmem:s14], [sflag:$0x8], $0x200, $0x38;
	[tilespmem:$0x18100] =	vst v63  }
0x538: {  	s16 =	simm.s32 $0x15800;
	s15 =	sadd.s32 $0x300, s0  }
0x539: {  	[hbm4b:s15+s6] =	stream.linear.scatter [tilespmem:s16], [sflag:$0x8], $0x200, $0x38;
	[tilespmem:$0x18100] =	vst v63  }
0x53a: {  	s17 =	simm.s32 $0x15C00;
	s18 =	sand.u32 $0x600, s6;
	s0 =	sadd.s32 $0x380, s0  }
0x53b: {  	[hbm4b:s0+s6] =	stream.linear.scatter [tilespmem:s17], [sflag:$0x8], $0x200, $0x38;
	[tilespmem:$0x18100] =	vst v63  }
0x53c: {  	s0 =	sor.u32 $0x800, s18  }
0x53d: {  	s19 =	sand.u32 $0x1800, s6;
	s0 =	sshrl.u32 s0, $0x2  }
0x53e: {  	s21 =	sor.u32 $0x400, s19;
	s20 =	sadd.s32 s0, s30  }
0x53f: {  	s7 =	sadd.s32 s21, s20  }
0x540: {  	s3 =	sadd.s32 s19, s20;
	v3 =	vld [tilespmem:s7+$0x70]  }
0x541: {  	v8 =	vld [tilespmem:s3+$0x0]  }
0x542: {  	v9 =	vld [tilespmem:s3+$0x10]  }
0x543: {  	v10 =	vld [tilespmem:s3+$0x20]  }
0x544: {  	v11 =	vld [tilespmem:s3+$0x30]  }
0x545: {  	v12 =	vld [tilespmem:s3+$0x40]  }
0x546: {  	v13 =	vld [tilespmem:s3+$0x50]  }
0x547: {  	v14 =	vld [tilespmem:s3+$0x60]  }
0x548: {  	v15 =	vld [tilespmem:s3+$0x70]  }
0x549: {  	v16 =	vld [tilespmem:s7+$0x0]  }
0x54a: {  	v17 =	vld [tilespmem:s7+$0x10]  }
0x54b: {  	v7 =	vld [tilespmem:s7+$0x20]  }
0x54c: {  	s0 =	sor.u32 $0x14000, s0;
	v6 =	vld [tilespmem:s7+$0x30]  }
0x54d: {  	s8 =	sor.u32 s21, s0;
	v5 =	vld [tilespmem:s7+$0x40]  }
0x54e: {  	s5 =	sor.u32 $0x70, s8;
	v4 =	vld [tilespmem:s7+$0x50]  }
0x54f: {  	[tilespmem:s5+$0x0] =	vst.add.f32.msk $0xffff, v3  }
0x550: {  	s0 =	sor.u32 s19, s0;
	v3 =	vld [tilespmem:s7+$0x60]  }
0x551: {  	s1 =	sor.u32 $0x10, s0;
	[tilespmem:s0+$0x0] =	vst.add.f32.msk $0xffff, v8  }
0x552: {  	s22 =	sor.u32 $0x20, s0;
	[tilespmem:s1+$0x0] =	vst.add.f32.msk $0xffff, v9  }
0x553: {  	s23 =	sor.u32 $0x30, s0;
	[tilespmem:s22+$0x0] =	vst.add.f32.msk $0xffff, v10  }
0x554: {  	s24 =	sor.u32 $0x40, s0;
	[tilespmem:s23+$0x0] =	vst.add.f32.msk $0xffff, v11  }
0x555: {  	s25 =	sor.u32 $0x50, s0;
	[tilespmem:s24+$0x0] =	vst.add.f32.msk $0xffff, v12  }
0x556: {  	s26 =	sor.u32 $0x60, s0;
	[tilespmem:s25+$0x0] =	vst.add.f32.msk $0xffff, v13  }
0x557: {  	[tilespmem:s26+$0x0] =	vst.add.f32.msk $0xffff, v14  }
0x558: {  	s28 =	sor.u32 $0x10, s8;
	s14 =	sor.u32 $0x20, s8;
	s3 =	sor.u32 $0x30, s8;
	[tilespmem:s8+$0x0] =	vst.add.f32.msk $0xffff, v16  }
0x559: {  	s12 =	sor.u32 $0x60, s8;
	s0 =	sor.u32 $0x70, s0;
	s7 =	simm.s32 $0x0;
	[tilespmem:s28+$0x0] =	vst.add.f32.msk $0xffff, v17  }
0x55a: {  	s5 =	sor.u32 $0x50, s8;
	[tilespmem:s0+$0x0] =	vst.add.f32.msk $0xffff, v15;
	s0 =	sor.u32 $0x40, s8;
	s8 =	simm.s32 $0x80  }
.LBB2_29:
0x55b: {  	s1 =	sand.u32 $0x600, s8;
	s7 =	sadd.s32 $0x10, s7;
	[tilespmem:s14+$0x0] =	vst.add.f32.msk $0xffff, v7  }
0x55c: {  	s6 =	sadd.s32 $0x800, s6;
	s1 =	sor.u32 $0x800, s1;
	p0 =	slt.u32 s7, $0xF0;
	[tilespmem:s3+$0x0] =	vst.add.f32.msk $0xffff, v6  }
0x55d: {  	s3 =	sand.u32 $0x1800, s6;
	s1 =	sshrl.u32 s1, $0x2;
	[tilespmem:s0+$0x0] =	vst.add.f32.msk $0xffff, v5  }
0x55e: {  	s9 =	sor.u32 $0x400, s3;
	s0 =	sadd.s32 s1, s30;
	[tilespmem:s5+$0x0] =	vst.add.f32.msk $0xffff, v4  }
0x55f: {  	s15 =	sadd.s32 s3, s0;
	s16 =	sadd.s32 s9, s0;
	[tilespmem:s12+$0x0] =	vst.add.f32.msk $0xffff, v3  }
0x560: {  	v3 =	vld [tilespmem:s16+$0x70]  }
0x561: {  	v8 =	vld [tilespmem:s15+$0x0]  }
0x562: {  	s0 =	sor.u32 $0x14000, s1;
	v9 =	vld [tilespmem:s15+$0x10]  }
0x563: {  	s1 =	sor.u32 s3, s0;
	s9 =	sor.u32 s9, s0;
	v10 =	vld [tilespmem:s15+$0x20]  }
0x564: {  	s17 =	sor.u32 $0x10, s1;
	s18 =	sor.u32 $0x20, s1;
	s0 =	sor.u32 $0x70, s9;
	v11 =	vld [tilespmem:s15+$0x30]  }
0x565: {  	s19 =	sor.u32 $0x30, s1;
	s20 =	sor.u32 $0x40, s1;
	s21 =	sor.u32 $0x50, s1;
	[tilespmem:s0+$0x0] =	vst.add.f32.msk $0xffff, v3  }
0x566: {  	s22 =	sor.u32 $0x60, s1;
	s23 =	sor.u32 $0x70, s1;
	s24 =	sor.u32 $0x10, s9;
	v12 =	vld [tilespmem:s15+$0x40]  }
0x567: {  	s14 =	sor.u32 $0x20, s9;
	s3 =	sor.u32 $0x30, s9;
	s0 =	sor.u32 $0x40, s9;
	v13 =	vld [tilespmem:s15+$0x50]  }
0x568: {  	s5 =	sor.u32 $0x50, s9;
	s12 =	sor.u32 $0x60, s9;
	v14 =	vld [tilespmem:s15+$0x60]  }
0x569: {  	v15 =	vld [tilespmem:s15+$0x70]  }
0x56a: {  	v16 =	vld [tilespmem:s16+$0x0]  }
0x56b: {  	v17 =	vld [tilespmem:s16+$0x10]  }
0x56c: {  	v7 =	vld [tilespmem:s16+$0x20]  }
0x56d: {  	v6 =	vld [tilespmem:s16+$0x30]  }
0x56e: {  	v5 =	vld [tilespmem:s16+$0x40]  }
0x56f: {  	v4 =	vld [tilespmem:s16+$0x50]  }
0x570: {  	v3 =	vld [tilespmem:s16+$0x60]  }
0x571: {  	[tilespmem:s1+$0x0] =	vst.add.f32.msk $0xffff, v8  }
0x572: {  	[tilespmem:s17+$0x0] =	vst.add.f32.msk $0xffff, v9  }
0x573: {  	[tilespmem:s18+$0x0] =	vst.add.f32.msk $0xffff, v10  }
0x574: {  	[tilespmem:s19+$0x0] =	vst.add.f32.msk $0xffff, v11  }
0x575: {  	[tilespmem:s20+$0x0] =	vst.add.f32.msk $0xffff, v12  }
.Ltmp13:
0x576: {  	[tilespmem:s21+$0x0] =	vst.add.f32.msk $0xffff, v13;
	(pc) =	sbr.rel @p0 .LBB2_29-.Ltmp13, $4  }
0x577: {  	[tilespmem:s22+$0x0] =	vst.add.f32.msk $0xffff, v14  }
0x578: {  	[tilespmem:s23+$0x0] =	vst.add.f32.msk $0xffff, v15  }
0x579: {  	[tilespmem:s9+$0x0] =	vst.add.f32.msk $0xffff, v16  }
0x57a: {  	s8 =	sadd.s32 $0x80, s8;
	[tilespmem:s24+$0x0] =	vst.add.f32.msk $0xffff, v17  }
0x57b: {  	[tilespmem:s14+$0x0] =	vst.add.f32.msk $0xffff, v7  }
0x57c: {  	[tilespmem:s3+$0x0] =	vst.add.f32.msk $0xffff, v6  }
0x57d: {  	[tilespmem:s0+$0x0] =	vst.add.f32.msk $0xffff, v5  }
0x57e: {  	[tilespmem:s5+$0x0] =	vst.add.f32.msk $0xffff, v4  }
0x57f: {  	[tilespmem:s12+$0x0] =	vst.add.f32.msk $0xffff, v3  }
0x580: {  	s0 =	rddreg [dreg:$0x1a]  }
0x581: {  	s6 =	simm.s32 $0x0;
	s1 =	simm.s32 $0x14200;
	s0 =	sadd.s32 s31, s0  }
0x582: {  	[hbm4b:s0+s6] =	stream.linear.scatter [tilespmem:s1], [sflag:$0x8], $0x200, $0x38;
	[tilespmem:$0x18100] =	vst v63  }
0x583: {  	s14 =	simm.s32 $0x14600;
	s12 =	sadd.s32 $0x80, s0  }
0x584: {  	[hbm4b:s12+s6] =	stream.linear.scatter [tilespmem:s14], [sflag:$0x8], $0x200, $0x38;
	[tilespmem:$0x18100] =	vst v63  }
0x585: {  	s16 =	simm.s32 $0x14A00;
	s15 =	sadd.s32 $0x100, s0  }
0x586: {  	[hbm4b:s15+s6] =	stream.linear.scatter [tilespmem:s16], [sflag:$0x8], $0x200, $0x38;
	[tilespmem:$0x18100] =	vst v63  }
0x587: {  	s18 =	simm.s32 $0x14E00;
	s17 =	sadd.s32 $0x180, s0  }
0x588: {  	[hbm4b:s17+s6] =	stream.linear.scatter [tilespmem:s18], [sflag:$0x8], $0x200, $0x38;
	[tilespmem:$0x18100] =	vst v63  }
0x589: {  	s20 =	simm.s32 $0x15200;
	s19 =	sadd.s32 $0x200, s0  }
0x58a: {  	[hbm4b:s19+s6] =	stream.linear.scatter [tilespmem:s20], [sflag:$0x8], $0x200, $0x38;
	[tilespmem:$0x18100] =	vst v63  }
0x58b: {  	s22 =	simm.s32 $0x15600;
	s21 =	sadd.s32 $0x280, s0  }
0x58c: {  	[hbm4b:s21+s6] =	stream.linear.scatter [tilespmem:s22], [sflag:$0x8], $0x200, $0x38;
	[tilespmem:$0x18100] =	vst v63  }
0x58d: {  	s24 =	simm.s32 $0x15A00;
	s23 =	sadd.s32 $0x300, s0  }
0x58e: {  	[hbm4b:s23+s6] =	stream.linear.scatter [tilespmem:s24], [sflag:$0x8], $0x200, $0x38;
	[tilespmem:$0x18100] =	vst v63  }
0x58f: {  	s25 =	simm.s32 $0x15E00;
	s26 =	simm.s32 $0x0;
	s0 =	sadd.s32 $0x380, s0  }
0x590: {  	[hbm4b:s0+s6] =	stream.linear.scatter [tilespmem:s25], [sflag:$0x8], $0x200, $0x38;
	[tilespmem:$0x18100] =	vst v63  }
0x591: {  	s28 =	sand.u32 $0x1800, s6;
	s0 =	sand.u32 $0x180, s26  }
0x592: {  	s14 =	sor.u32 $0x400, s28;
	s5 =	sadd.s32 s0, s30  }
0x593: {  	s8 =	sadd.s32 s0, s2;
	s7 =	sadd.s32 s14, s5  }
0x594: {  	s16 =	sadd.s32 s28, s8;
	v3 =	vld [tilespmem:s7+$0x2070]  }
0x595: {  	s3 =	sadd.s32 s28, s5;
	v7 =	vld [tilespmem:s16+$0x0]  }
0x596: {  	v8 =	vld [tilespmem:s3+$0x2010]  }
0x597: {  	v9 =	vld [tilespmem:s3+$0x2020]  }
0x598: {  	v10 =	vld [tilespmem:s3+$0x2030]  }
0x599: {  	v11 =	vld [tilespmem:s3+$0x2040]  }
0x59a: {  	v12 =	vld [tilespmem:s3+$0x2050]  }
0x59b: {  	v13 =	vld [tilespmem:s3+$0x2060]  }
0x59c: {  	s18 =	sadd.s32 s14, s8;
	v14 =	vld [tilespmem:s3+$0x2070]  }
0x59d: {  	v15 =	vld [tilespmem:s18+$0x0]  }
0x59e: {  	v16 =	vld [tilespmem:s7+$0x2010]  }
0x59f: {  	v17 =	vld [tilespmem:s7+$0x2020]  }
0x5a0: {  	s9 =	sor.u32 $0x14000, s0;
	v6 =	vld [tilespmem:s7+$0x2030]  }
0x5a1: {  	s15 =	sor.u32 s14, s9;
	v5 =	vld [tilespmem:s7+$0x2040]  }
0x5a2: {  	s17 =	sor.u32 $0x2070, s15;
	v4 =	vld [tilespmem:s7+$0x2050]  }
0x5a3: {  	s0 =	sor.u32 $0x16000, s0;
	[tilespmem:s17+$0x0] =	vst.add.f32.msk $0xffff, v3  }
0x5a4: {  	s19 =	sor.u32 s28, s9;
	s1 =	sor.u32 s28, s0;
	v3 =	vld [tilespmem:s7+$0x2060]  }
0x5a5: {  	s20 =	sor.u32 $0x2010, s19;
	[tilespmem:s1+$0x0] =	vst.add.f32.msk $0xffff, v7  }
0x5a6: {  	s21 =	sor.u32 $0x2020, s19;
	[tilespmem:s20+$0x0] =	vst.add.f32.msk $0xffff, v8  }
0x5a7: {  	s22 =	sor.u32 $0x2030, s19;
	[tilespmem:s21+$0x0] =	vst.add.f32.msk $0xffff, v9  }
0x5a8: {  	s23 =	sor.u32 $0x2040, s19;
	[tilespmem:s22+$0x0] =	vst.add.f32.msk $0xffff, v10  }
0x5a9: {  	s24 =	sor.u32 $0x2050, s19;
	[tilespmem:s23+$0x0] =	vst.add.f32.msk $0xffff, v11  }
0x5aa: {  	s25 =	sor.u32 $0x2060, s19;
	[tilespmem:s24+$0x0] =	vst.add.f32.msk $0xffff, v12  }
0x5ab: {  	s3 =	sor.u32 $0x2070, s19;
	[tilespmem:s25+$0x0] =	vst.add.f32.msk $0xffff, v13  }
0x5ac: {  	s0 =	sor.u32 s14, s0;
	[tilespmem:s3+$0x0] =	vst.add.f32.msk $0xffff, v14  }
0x5ad: {  	s8 =	simm.s32 $0x80;
	s26 =	sor.u32 $0x2010, s15;
	[tilespmem:s0+$0x0] =	vst.add.f32.msk $0xffff, v15  }
0x5ae: {  	s28 =	sor.u32 $0x2020, s15;
	s14 =	sor.u32 $0x2030, s15;
	s5 =	sor.u32 $0x2050, s15;
	[tilespmem:s26+$0x0] =	vst.add.f32.msk $0xffff, v16  }
0x5af: {  	s12 =	sor.u32 $0x2060, s15;
	s7 =	simm.s32 $0x0;
	s3 =	sor.u32 $0x2040, s15;
	[tilespmem:s28+$0x0] =	vst.add.f32.msk $0xffff, v17  }
.LBB2_31:
0x5b0: {  	s0 =	sshrl.u32 s8, $0x2;
	s7 =	sadd.s32 $0x10, s7;
	[tilespmem:s14+$0x0] =	vst.add.f32.msk $0xffff, v6;
	s6 =	sadd.s32 $0x800, s6  }
0x5b1: {  	s1 =	sand.u32 $0x1800, s6;
	s9 =	sand.u32 $0x180, s0;
	p0 =	slt.u32 s7, $0xF0;
	[tilespmem:s3+$0x0] =	vst.add.f32.msk $0xffff, v5  }
0x5b2: {  	s0 =	sadd.s32 s9, s2;
	s3 =	sadd.s32 s9, s30;
	s14 =	sor.u32 $0x400, s1;
	[tilespmem:s5+$0x0] =	vst.add.f32.msk $0xffff, v4  }
0x5b3: {  	s5 =	sadd.s32 s1, s0;
	s15 =	sadd.s32 s1, s3;
	s16 =	sadd.s32 s14, s3;
	[tilespmem:s12+$0x0] =	vst.add.f32.msk $0xffff, v3  }
0x5b4: {  	s3 =	sor.u32 $0x16000, s9;
	s17 =	sadd.s32 s14, s0;
	v3 =	vld [tilespmem:s16+$0x2070]  }
0x5b5: {  	s18 =	sor.u32 s1, s3;
	s0 =	sor.u32 s14, s3;
	v7 =	vld [tilespmem:s5+$0x0]  }
0x5b6: {  	s3 =	sor.u32 $0x14000, s9;
	v8 =	vld [tilespmem:s15+$0x2010]  }
0x5b7: {  	s1 =	sor.u32 s1, s3;
	s9 =	sor.u32 s14, s3;
	v9 =	vld [tilespmem:s15+$0x2020]  }
0x5b8: {  	s19 =	sor.u32 $0x2010, s1;
	s20 =	sor.u32 $0x2020, s1;
	s3 =	sor.u32 $0x2070, s9;
	v10 =	vld [tilespmem:s15+$0x2030]  }
0x5b9: {  	s21 =	sor.u32 $0x2030, s1;
	s22 =	sor.u32 $0x2040, s1;
	s23 =	sor.u32 $0x2050, s1;
	[tilespmem:s3+$0x0] =	vst.add.f32.msk $0xffff, v3  }
0x5ba: {  	s24 =	sor.u32 $0x2060, s1;
	s1 =	sor.u32 $0x2070, s1;
	s25 =	sor.u32 $0x2010, s9;
	v11 =	vld [tilespmem:s15+$0x2040]  }
0x5bb: {  	s26 =	sor.u32 $0x2020, s9;
	s14 =	sor.u32 $0x2030, s9;
	s3 =	sor.u32 $0x2040, s9;
	v12 =	vld [tilespmem:s15+$0x2050]  }
0x5bc: {  	s5 =	sor.u32 $0x2050, s9;
	s12 =	sor.u32 $0x2060, s9;
	v13 =	vld [tilespmem:s15+$0x2060]  }
0x5bd: {  	v14 =	vld [tilespmem:s15+$0x2070]  }
0x5be: {  	v15 =	vld [tilespmem:s17+$0x0]  }
0x5bf: {  	v16 =	vld [tilespmem:s16+$0x2010]  }
0x5c0: {  	v17 =	vld [tilespmem:s16+$0x2020]  }
0x5c1: {  	v6 =	vld [tilespmem:s16+$0x2030]  }
0x5c2: {  	v5 =	vld [tilespmem:s16+$0x2040]  }
0x5c3: {  	v4 =	vld [tilespmem:s16+$0x2050]  }
0x5c4: {  	v3 =	vld [tilespmem:s16+$0x2060]  }
0x5c5: {  	[tilespmem:s18+$0x0] =	vst.add.f32.msk $0xffff, v7  }
0x5c6: {  	[tilespmem:s19+$0x0] =	vst.add.f32.msk $0xffff, v8  }
0x5c7: {  	[tilespmem:s20+$0x0] =	vst.add.f32.msk $0xffff, v9  }
0x5c8: {  	[tilespmem:s21+$0x0] =	vst.add.f32.msk $0xffff, v10  }
0x5c9: {  	[tilespmem:s22+$0x0] =	vst.add.f32.msk $0xffff, v11  }
0x5ca: {  	[tilespmem:s23+$0x0] =	vst.add.f32.msk $0xffff, v12  }
.Ltmp14:
0x5cb: {  	[tilespmem:s24+$0x0] =	vst.add.f32.msk $0xffff, v13;
	(pc) =	sbr.rel @p0 .LBB2_31-.Ltmp14, $4  }
0x5cc: {  	[tilespmem:s1+$0x0] =	vst.add.f32.msk $0xffff, v14  }
0x5cd: {  	[tilespmem:s0+$0x0] =	vst.add.f32.msk $0xffff, v15  }
0x5ce: {  	[tilespmem:s25+$0x0] =	vst.add.f32.msk $0xffff, v16  }
0x5cf: {  	s8 =	sadd.s32 $0x80, s8;
	[tilespmem:s26+$0x0] =	vst.add.f32.msk $0xffff, v17  }
0x5d0: {  	[tilespmem:s14+$0x0] =	vst.add.f32.msk $0xffff, v6  }
0x5d1: {  	[tilespmem:s3+$0x0] =	vst.add.f32.msk $0xffff, v5  }
0x5d2: {  	[tilespmem:s5+$0x0] =	vst.add.f32.msk $0xffff, v4  }
0x5d3: {  	[tilespmem:s12+$0x0] =	vst.add.f32.msk $0xffff, v3  }
0x5d4: {  	s0 =	rddreg [dreg:$0x1b]  }
0x5d5: {  	s6 =	simm.s32 $0x0;
	s1 =	simm.s32 $0x16000;
	s0 =	sadd.s32 s31, s0  }
0x5d6: {  	[hbm4b:s0+s6] =	stream.linear.scatter [tilespmem:s1], [sflag:$0x8], $0x200, $0x38;
	[tilespmem:$0x18100] =	vst v63  }
0x5d7: {  	s16 =	simm.s32 $0x16400;
	s18 =	simm.s32 $0x16800;
	s15 =	sadd.s32 $0x80, s0  }
0x5d8: {  	[hbm4b:s15+s6] =	stream.linear.scatter [tilespmem:s16], [sflag:$0x8], $0x200, $0x38;
	[tilespmem:$0x18100] =	vst v63  }
0x5d9: {  	s20 =	simm.s32 $0x16C00;
	s22 =	simm.s32 $0x17000;
	s17 =	sadd.s32 $0x100, s0  }
0x5da: {  	[hbm4b:s17+s6] =	stream.linear.scatter [tilespmem:s18], [sflag:$0x8], $0x200, $0x38;
	[tilespmem:$0x18100] =	vst v63  }
0x5db: {  	s24 =	simm.s32 $0x17400;
	s26 =	simm.s32 $0x17800;
	s19 =	sadd.s32 $0x180, s0  }
0x5dc: {  	[hbm4b:s19+s6] =	stream.linear.scatter [tilespmem:s20], [sflag:$0x8], $0x200, $0x38;
	[tilespmem:$0x18100] =	vst v63  }
0x5dd: {  	s28 =	simm.s32 $0x17C00;
	s21 =	sadd.s32 $0x200, s0;
	s1 =	sand.u32 $0x180, s6  }
0x5de: {  	[hbm4b:s21+s6] =	stream.linear.scatter [tilespmem:s22], [sflag:$0x8], $0x200, $0x38;
	[tilespmem:$0x18100] =	vst v63  }
0x5df: {  	s14 =	sand.u32 $0x1800, s6;
	s23 =	sadd.s32 $0x280, s0;
	s15 =	sor.u32 $0x200, s1  }
0x5e0: {  	[hbm4b:s23+s6] =	stream.linear.scatter [tilespmem:s24], [sflag:$0x8], $0x200, $0x38;
	[tilespmem:$0x18100] =	vst v63  }
0x5e1: {  	s7 =	sor.u32 $0x400, s14;
	s25 =	sadd.s32 $0x300, s0;
	s16 =	sadd.s32 s15, s30  }
0x5e2: {  	[hbm4b:s25+s6] =	stream.linear.scatter [tilespmem:s26], [sflag:$0x8], $0x200, $0x38;
	[tilespmem:$0x18100] =	vst v63  }
0x5e3: {  	s0 =	sadd.s32 $0x380, s0;
	s3 =	sadd.s32 s15, s2;
	s8 =	sadd.s32 s7, s16  }
0x5e4: {  	[hbm4b:s0+s6] =	stream.linear.scatter [tilespmem:s28], [sflag:$0x8], $0x200, $0x38;
	[tilespmem:$0x18100] =	vst v63  }
0x5e5: {  	s17 =	sadd.s32 s14, s3;
	v3 =	vld [tilespmem:s8+$0x2070]  }
0x5e6: {  	s5 =	sadd.s32 s14, s16;
	v7 =	vld [tilespmem:s17+$0x0]  }
0x5e7: {  	v8 =	vld [tilespmem:s5+$0x2010]  }
0x5e8: {  	v9 =	vld [tilespmem:s5+$0x2020]  }
0x5e9: {  	v10 =	vld [tilespmem:s5+$0x2030]  }
0x5ea: {  	v11 =	vld [tilespmem:s5+$0x2040]  }
0x5eb: {  	v12 =	vld [tilespmem:s5+$0x2050]  }
0x5ec: {  	v13 =	vld [tilespmem:s5+$0x2060]  }
0x5ed: {  	s3 =	sadd.s32 s7, s3;
	v14 =	vld [tilespmem:s5+$0x2070]  }
0x5ee: {  	v15 =	vld [tilespmem:s3+$0x0]  }
0x5ef: {  	v16 =	vld [tilespmem:s8+$0x2010]  }
0x5f0: {  	v17 =	vld [tilespmem:s8+$0x2020]  }
0x5f1: {  	s9 =	sor.u32 $0x14200, s1;
	v6 =	vld [tilespmem:s8+$0x2030]  }
0x5f2: {  	s15 =	sor.u32 s7, s9;
	v5 =	vld [tilespmem:s8+$0x2040]  }
0x5f3: {  	s18 =	sor.u32 $0x2070, s15;
	v4 =	vld [tilespmem:s8+$0x2050]  }
0x5f4: {  	s0 =	sor.u32 $0x16200, s1;
	[tilespmem:s18+$0x0] =	vst.add.f32.msk $0xffff, v3  }
0x5f5: {  	s19 =	sor.u32 s14, s9;
	s1 =	sor.u32 s14, s0;
	v3 =	vld [tilespmem:s8+$0x2060]  }
0x5f6: {  	s20 =	sor.u32 $0x2010, s19;
	[tilespmem:s1+$0x0] =	vst.add.f32.msk $0xffff, v7  }
0x5f7: {  	s21 =	sor.u32 $0x2020, s19;
	[tilespmem:s20+$0x0] =	vst.add.f32.msk $0xffff, v8  }
0x5f8: {  	s22 =	sor.u32 $0x2030, s19;
	[tilespmem:s21+$0x0] =	vst.add.f32.msk $0xffff, v9  }
0x5f9: {  	s23 =	sor.u32 $0x2040, s19;
	[tilespmem:s22+$0x0] =	vst.add.f32.msk $0xffff, v10  }
0x5fa: {  	s24 =	sor.u32 $0x2050, s19;
	[tilespmem:s23+$0x0] =	vst.add.f32.msk $0xffff, v11  }
0x5fb: {  	s25 =	sor.u32 $0x2060, s19;
	[tilespmem:s24+$0x0] =	vst.add.f32.msk $0xffff, v12  }
0x5fc: {  	s3 =	sor.u32 $0x2070, s19;
	[tilespmem:s25+$0x0] =	vst.add.f32.msk $0xffff, v13  }
0x5fd: {  	s0 =	sor.u32 s7, s0;
	[tilespmem:s3+$0x0] =	vst.add.f32.msk $0xffff, v14  }
0x5fe: {  	s12 =	sor.u32 $0x2060, s15;
	s26 =	sor.u32 $0x2010, s15;
	[tilespmem:s0+$0x0] =	vst.add.f32.msk $0xffff, v15  }
0x5ff: {  	s28 =	sor.u32 $0x2020, s15;
	s7 =	simm.s32 $0x0;
	s14 =	sor.u32 $0x2030, s15;
	[tilespmem:s26+$0x0] =	vst.add.f32.msk $0xffff, v16  }
0x600: {  	s5 =	sor.u32 $0x2050, s15;
	s3 =	sor.u32 $0x2040, s15;
	[tilespmem:s28+$0x0] =	vst.add.f32.msk $0xffff, v17;
	s8 =	simm.s32 $0x20  }
.LBB2_33:
0x601: {  	s1 =	sand.u32 $0x180, s8;
	s7 =	sadd.s32 $0x10, s7;
	[tilespmem:s14+$0x0] =	vst.add.f32.msk $0xffff, v6;
	s6 =	sadd.s32 $0x800, s6  }
0x602: {  	s9 =	sand.u32 $0x1800, s6;
	s0 =	sor.u32 $0x200, s1;
	p0 =	slt.u32 s7, $0xF0;
	[tilespmem:s3+$0x0] =	vst.add.f32.msk $0xffff, v5  }
0x603: {  	s3 =	sadd.s32 s0, s2;
	s0 =	sadd.s32 s0, s30;
	s14 =	sor.u32 $0x400, s9;
	[tilespmem:s5+$0x0] =	vst.add.f32.msk $0xffff, v4  }
0x604: {  	s5 =	sadd.s32 s9, s3;
	s15 =	sadd.s32 s9, s0;
	s16 =	sadd.s32 s14, s0;
	[tilespmem:s12+$0x0] =	vst.add.f32.msk $0xffff, v3  }
0x605: {  	s0 =	sor.u32 $0x16200, s1;
	s17 =	sadd.s32 s14, s3;
	v3 =	vld [tilespmem:s16+$0x2070]  }
0x606: {  	s18 =	sor.u32 s9, s0;
	s0 =	sor.u32 s14, s0;
	v7 =	vld [tilespmem:s5+$0x0]  }
0x607: {  	s1 =	sor.u32 $0x14200, s1;
	v8 =	vld [tilespmem:s15+$0x2010]  }
0x608: {  	s3 =	sor.u32 s9, s1;
	s1 =	sor.u32 s14, s1;
	v9 =	vld [tilespmem:s15+$0x2020]  }
0x609: {  	s9 =	sor.u32 $0x2010, s3;
	s19 =	sor.u32 $0x2020, s3;
	s5 =	sor.u32 $0x2070, s1;
	v10 =	vld [tilespmem:s15+$0x2030]  }
0x60a: {  	s20 =	sor.u32 $0x2030, s3;
	s21 =	sor.u32 $0x2040, s3;
	s22 =	sor.u32 $0x2050, s3;
	[tilespmem:s5+$0x0] =	vst.add.f32.msk $0xffff, v3  }
0x60b: {  	s23 =	sor.u32 $0x2060, s3;
	s24 =	sor.u32 $0x2070, s3;
	s25 =	sor.u32 $0x2010, s1;
	v11 =	vld [tilespmem:s15+$0x2040]  }
0x60c: {  	s26 =	sor.u32 $0x2020, s1;
	s14 =	sor.u32 $0x2030, s1;
	s3 =	sor.u32 $0x2040, s1;
	v12 =	vld [tilespmem:s15+$0x2050]  }
0x60d: {  	s12 =	sor.u32 $0x2060, s1;
	s5 =	sor.u32 $0x2050, s1;
	v13 =	vld [tilespmem:s15+$0x2060]  }
0x60e: {  	v14 =	vld [tilespmem:s15+$0x2070]  }
0x60f: {  	v15 =	vld [tilespmem:s17+$0x0]  }
0x610: {  	v16 =	vld [tilespmem:s16+$0x2010]  }
0x611: {  	v17 =	vld [tilespmem:s16+$0x2020]  }
0x612: {  	v6 =	vld [tilespmem:s16+$0x2030]  }
0x613: {  	v5 =	vld [tilespmem:s16+$0x2040]  }
0x614: {  	v4 =	vld [tilespmem:s16+$0x2050]  }
0x615: {  	v3 =	vld [tilespmem:s16+$0x2060]  }
0x616: {  	[tilespmem:s18+$0x0] =	vst.add.f32.msk $0xffff, v7  }
0x617: {  	[tilespmem:s9+$0x0] =	vst.add.f32.msk $0xffff, v8  }
0x618: {  	[tilespmem:s19+$0x0] =	vst.add.f32.msk $0xffff, v9  }
0x619: {  	[tilespmem:s20+$0x0] =	vst.add.f32.msk $0xffff, v10  }
0x61a: {  	[tilespmem:s21+$0x0] =	vst.add.f32.msk $0xffff, v11  }
0x61b: {  	[tilespmem:s22+$0x0] =	vst.add.f32.msk $0xffff, v12  }
.Ltmp15:
0x61c: {  	[tilespmem:s23+$0x0] =	vst.add.f32.msk $0xffff, v13;
	(pc) =	sbr.rel @p0 .LBB2_33-.Ltmp15, $4  }
0x61d: {  	[tilespmem:s24+$0x0] =	vst.add.f32.msk $0xffff, v14  }
0x61e: {  	[tilespmem:s0+$0x0] =	vst.add.f32.msk $0xffff, v15  }
0x61f: {  	[tilespmem:s25+$0x0] =	vst.add.f32.msk $0xffff, v16  }
0x620: {  	s8 =	sadd.s32 $0x20, s8;
	[tilespmem:s26+$0x0] =	vst.add.f32.msk $0xffff, v17  }
0x621: {  	[tilespmem:s14+$0x0] =	vst.add.f32.msk $0xffff, v6  }
0x622: {  	[tilespmem:s3+$0x0] =	vst.add.f32.msk $0xffff, v5  }
0x623: {  	[tilespmem:s5+$0x0] =	vst.add.f32.msk $0xffff, v4  }
0x624: {  	[tilespmem:s12+$0x0] =	vst.add.f32.msk $0xffff, v3  }
0x625: {  	s0 =	rddreg [dreg:$0x1c]  }
0x626: {  	s1 =	simm.s32 $0x16200;
	s0 =	sadd.s32 s31, s0  }
0x627: {  	[hbm4b:s0+s4] =	stream.linear.scatter [tilespmem:s1], [sflag:$0x8], $0x200, $0x38;
	[tilespmem:$0x18100] =	vst v63  }
0x628: {  	s2 =	simm.s32 $0x16600;
	s18 =	sadd.s32 $0x80, s0  }
0x629: {  	[hbm4b:s18+s4] =	stream.linear.scatter [tilespmem:s2], [sflag:$0x8], $0x200, $0x38;
	[tilespmem:$0x18100] =	vst v63  }
0x62a: {  	s20 =	simm.s32 $0x16A00;
	s19 =	sadd.s32 $0x100, s0  }
0x62b: {  	[hbm4b:s19+s4] =	stream.linear.scatter [tilespmem:s20], [sflag:$0x8], $0x200, $0x38;
	[tilespmem:$0x18100] =	vst v63  }
0x62c: {  	s22 =	simm.s32 $0x16E00;
	s21 =	sadd.s32 $0x180, s0  }
0x62d: {  	[hbm4b:s21+s4] =	stream.linear.scatter [tilespmem:s22], [sflag:$0x8], $0x200, $0x38;
	[tilespmem:$0x18100] =	vst v63  }
0x62e: {  	s24 =	simm.s32 $0x17200;
	s29 =	sadd.s32 $0x1, s29;
	s23 =	sadd.s32 $0x200, s0  }
0x62f: {  	[hbm4b:s23+s4] =	stream.linear.scatter [tilespmem:s24], [sflag:$0x8], $0x200, $0x38;
	[tilespmem:$0x18100] =	vst v63  }
0x630: {  	s26 =	simm.s32 $0x17600;
	p0 =	sne.s32 s29, $0x4;
	s25 =	sadd.s32 $0x280, s0  }
0x631: {  	[hbm4b:s25+s4] =	stream.linear.scatter [tilespmem:s26], [sflag:$0x8], $0x200, $0x38;
	[tilespmem:$0x18100] =	vst v63  }
.Ltmp16:
0x632: {  	_ = 	snop;
	(pc) =	sbr.rel @p0 .LBB2_2-.Ltmp16, $4  }
0x633: {  	s30 =	simm.s32 $0x17A00;
	s28 =	sadd.s32 $0x300, s0  }
0x634: {  	[hbm4b:s28+s4] =	stream.linear.scatter [tilespmem:s30], [sflag:$0x8], $0x200, $0x38;
	[tilespmem:$0x18100] =	vst v63  }
0x635: {  	s31 =	simm.s32 $0x17E00;
	s0 =	sadd.s32 $0x380, s0  }
0x636: {  	[hbm4b:s0+s4] =	stream.linear.scatter [tilespmem:s31], [sflag:$0x8], $0x200, $0x38;
	[tilespmem:$0x18100] =	vst v63  }
0x637: {  	s0 =	simm.s32 $0x7  }
0x638: {  	_ =	swait.ge [sflag:s0], $0x1000  }
0x639: {  	[sflag:s0] =	ssyncset.done $0x0  }
0x63a: {  	[sflag:s0] =	ssyncadd.s32 $0xFFFFF000  }
0x63b: {  	_ =	swait.ge [sflag:s0], $0x1000  }
0x63c: {  	[sflag:s0] =	ssyncset.done $0x0  }
0x63d: {  	[sflag:s0] =	ssyncadd.s32 $0xFFFFF000  }
0x63e: {  	_ =	swait.ge [sflag:s0], $0x1000  }
0x63f: {  	[sflag:s0] =	ssyncset.done $0x0  }
0x640: {  	[sflag:s0] =	ssyncadd.s32 $0xFFFFF000  }
0x641: {  	_ =	swait.ge [sflag:s0], $0x1000  }
0x642: {  	[sflag:s0] =	ssyncset.done $0x0  }
0x643: {  	s1 =	simm.s32 $0x8;
	[sflag:s0] =	ssyncadd.s32 $0xFFFFF000  }
0x644: {  	_ =	swait.ge [sflag:s1], $0x1000  }
0x645: {  	[sflag:s1] =	ssyncset.done $0x0  }
0x646: {  	[sflag:s1] =	ssyncadd.s32 $0xFFFFF000  }
0x647: {  	_ =	swait.ge [sflag:s1], $0x1000  }
0x648: {  	[sflag:s1] =	ssyncset.done $0x0  }
0x649: {  	[sflag:s1] =	ssyncadd.s32 $0xFFFFF000  }
0x64a: {  	_ =	swait.ge [sflag:s1], $0x1000  }
0x64b: {  	[sflag:s1] =	ssyncset.done $0x0  }
0x64c: {  	[sflag:s1] =	ssyncadd.s32 $0xFFFFF000  }
0x64d: {  	_ =	swait.ge [sflag:s1], $0x1000  }
0x64e: {  	s2 =	rddreg [dreg:$0x1d]  }
0x64f: {  	s31 =	rddreg [dreg:$0x16];
	s2 =	sadd.s32 $0x1, s2  }
0x650: {  	p0 =	sne.s32 s2, s31  }
.Ltmp17:
0x651: {  	_ = 	snop;
	(pc) =	sbr.rel @p0 .LBB2_1-.Ltmp17, $3  }
0x652: {  	_ =	sdelay $0x1  }
0x653: {  	[sflag:s1] =	ssyncset.done $0x0  }
0x654: {  	[sflag:s1] =	ssyncadd.s32 $0xFFFFF000  }
0x655: {  	_ =	sfence.sel $0x180000  }
0x656: {  	[bflag:$0x0] =	sbarrier.arrive $0xFFFF  }
0x657: {  	_ =	strace $0x90000047  }
0x658: {  	s0 =	stileid.u32;
	[bflag:$0x2] =	sbarrier.arrive $0xFFFF  }
0x659: {  	p0 =	sne.s32 s0, $0x0;
	s0 =	rddreg [dreg:$0x4]  }
0x65a: {  	s0 =	sadd.s32 @!p0 $0x100000, s0  }
0x65b: {  	[sflag:s0] =	ssyncadd.tile.s32 @!p0 $0x1;
	_ =	shalt  }
.Lfunc_end2:
_tile_overlayer_lowered:
.L_overlay_start_2:
0x65c: {  	(tag) =	ssettag $0x2  }
0x65d: {  	s0 =	rddreg [dreg:$0x0];
	s2 =	stileid.u32  }
0x65e: {  	s1 =	rddreg [dreg:$0x1];
	p0 =	sne.s32 s2, $0x0  }
0x65f: {  	s3 =	rddreg [dreg:$0x2];
	[bflag:$0x3] =	sbarrier.arrive $0xFFFF;
	s2 =	simm.s32 @!p0 $0x1C0B  }
0x660: {  	[timem:s3], [sflag:s2] =	dma.local @!p0 [hbm:s0], s1  }
0x661: {  	s0 =	simm.s32 @!p0 $0xB  }
0x662: {  	_ =	swait.ge @!p0 [sflag:s0], s1  }
0x663: {  	s1 =	ssub.s32 @!p0 $0x0, s1;
	[sflag:s0] =	ssyncset.done @!p0 $0x0  }
0x664: {  	[sflag:s0] =	ssyncadd.s32 @!p0 s1  }
0x665: {  	[bflag:$0x3] =	sbarrier.arrive $0xFFFF  }
0x666: {  	_ =	shalt  }

</sc_bundles>
